<compile_context>
chip_gen: v7x
topology: tpu7x:2x2x1
jax: 0.10.2.dev20260603
libtpu: 0.0.44.dev20260713+nightly
codegen_flags: <defaults>
</compile_context>

<pallas_src>
import numpy as np

import jax
import jax.numpy as jnp
from jax import lax
from jax.experimental import pallas as pl
from jax.experimental.pallas import tpu as pltpu
from jax.experimental.pallas import tpu_sc as plsc

B = 16384
F = 6
H = 16
L = 16
NS = 16
ROWS_PER_W = B // NS
CHUNKS = ROWS_PER_W // L
UNROLL = 8
MED_RANK = B // 2
WPACK = F * H + H + H + L

LN2 = np.float32(0.6931471805599453)

_MESH = plsc.VectorSubcoreMesh(
    core_axis_name="c", subcore_axis_name="s", num_cores=1)
_PARAMS = pltpu.CompilerParams(needs_layout_passes=False)


def _body(stats, wb, out, st_v, wb_v, row_v, cnt_v, shared, shared_w, sem):
    sid = lax.axis_index("s")
    base = sid * ROWS_PER_W
    copies = [
        pltpu.async_copy(stats.at[pl.ds(j * B + base, ROWS_PER_W)],
                         st_v.at[pl.ds(j * ROWS_PER_W, ROWS_PER_W)], sem)
        for j in range(F)
    ]
    @pl.when(sid == 0)
    def _():
        pltpu.sync_copy(wb, shared_w)
    plsc.subcore_barrier()
    pltpu.sync_copy(shared_w, wb_v)

    w1rows = [wb_v[pl.ds(j * H, H)] for j in range(F)]
    b1vec = wb_v[pl.ds(F * H, H)]
    w2vec = wb_v[pl.ds(F * H + H, H)]
    w1s = [[w1rows[j][i] for i in range(H)] for j in range(F)]
    b1s = [b1vec[i] for i in range(H)]
    w2s = [w2vec[i] for i in range(H)]
    b2s = wb_v[pl.ds(F * H + 2 * H, L)][0]

    for c in copies:
        c.wait()

    def one_vreg(row0):
        f = [st_v[pl.ds(j * ROWS_PER_W + row0, L)] for j in range(F)]
        logit = jnp.full((L,), b2s, dtype=jnp.float32)
        for i in range(H):
            h = b1s[i] + w1s[0][i] * f[0]
            for j in range(1, F):
                h = h + w1s[j][i] * f[j]
            h = jnp.maximum(h, 0.0)
            logit = logit + w2s[i] * h
        return logit

    def chunk(c, carry):
        acc2, acc3 = carry
        logits = [one_vreg(c * (UNROLL * L) + u * L) for u in range(UNROLL)]
        for lg in logits:
            acc2 = acc2 + jnp.where(lg < -LN2, 1.0, 0.0)
            acc3 = acc3 + jnp.where(lg < LN2, 1.0, 0.0)
        return acc2, acc3

    zero = jnp.zeros((L,), jnp.float32)
    acc2, acc3 = lax.fori_loop(0, CHUNKS // UNROLL, chunk, (zero, zero))
    c2 = jnp.sum(acc2)
    c3 = jnp.sum(acc3)
    lane = jnp.arange(L, dtype=jnp.int32)
    row_v[...] = jnp.where(lane == 0, c2, jnp.where(lane == 1, c3, 0.0))
    pltpu.sync_copy(row_v, shared.at[pl.ds(sid * L, L)])
    plsc.subcore_barrier()

    @pl.when(sid == 0)
    def _():
        pltpu.sync_copy(shared, cnt_v)
        acc = cnt_v[pl.ds(0, L)]
        for w in range(1, NS):
            acc = acc + cnt_v[pl.ds(w * L, L)]
        tot2 = jnp.sum(jnp.where(lane == 0, acc, 0.0))
        tot3 = jnp.sum(jnp.where(lane == 1, acc, 0.0))
        k = (1.0 + jnp.where(tot2 < float(MED_RANK), 1.0, 0.0)
                 + jnp.where(tot3 < float(MED_RANK), 1.0, 0.0))
        row_v[...] = jnp.full((L,), k, dtype=jnp.float32)
        pltpu.sync_copy(row_v, out)


_selector = pl.kernel(
    _body,
    out_type=jax.ShapeDtypeStruct((L,), jnp.float32),
    mesh=_MESH,
    scratch_types=[
        pltpu.VMEM((F * ROWS_PER_W,), jnp.float32),
        pltpu.VMEM((WPACK,), jnp.float32),
        pltpu.VMEM((L,), jnp.float32),
        pltpu.VMEM((NS * L,), jnp.float32),
        pltpu.VMEM_SHARED((NS * L,), jnp.float32),
        pltpu.VMEM_SHARED((WPACK,), jnp.float32),
        pltpu.SemaphoreType.DMA,
    ],
    compiler_params=_PARAMS,
)


def kernel(x, sparsity, variance, magnitude, norm, skewness, concentration,
           W1, b1, W2, b2):
    del x
    stats = jnp.concatenate([sparsity, variance, magnitude, norm,
                             skewness, concentration])
    wb = jnp.concatenate([W1.reshape(F * H), b1, W2.reshape(H),
                          jnp.broadcast_to(b2, (L,))])
    out16 = _selector(stats, wb)
    return out16[0]

# --- scband reference (transcript-rebuilt; emitter-appended) ---
"""Pipeline reference for scband-dynamic-top-kselector-44659069944357 (READ-ONLY COPY).

The authoritative reference and input builder live on the scoring server;
editing this copy changes nothing except your own understanding.
"""

import jax, jax.numpy as jnp
import numpy as np

MIN_K = 1
MAX_K = 4

def setup_inputs(seed: int = 0) -> dict:
    key = jax.random.key(seed)
    ks = jax.random.split(key, 12)
    B = 16384
    D = 2048
    x = jax.random.normal(ks[0], (B, D), dtype=jnp.float32)
    sparsity = jax.random.uniform(ks[1], (B,), dtype=jnp.float32)
    variance = jax.random.uniform(ks[2], (B,), dtype=jnp.float32)
    magnitude = jax.random.uniform(ks[3], (B,), dtype=jnp.float32)
    norm = jax.random.uniform(ks[4], (B,), dtype=jnp.float32)
    skewness = jax.random.normal(ks[5], (B,), dtype=jnp.float32)
    concentration = jax.random.uniform(ks[6], (B,), dtype=jnp.float32)
    # k_predictor parameters: Linear(6,16) -> ReLU -> Linear(16,1) -> Sigmoid
    lim1 = 1.0 / np.sqrt(6.0)
    W1 = jax.random.uniform(ks[7], (6, 16), dtype=jnp.float32, minval=-lim1, maxval=lim1)
    b1 = jax.random.uniform(ks[8], (16,), dtype=jnp.float32, minval=-lim1, maxval=lim1)
    lim2 = 1.0 / np.sqrt(16.0)
    W2 = jax.random.uniform(ks[9], (16, 1), dtype=jnp.float32, minval=-lim2, maxval=lim2)
    b2 = jax.random.uniform(ks[10], (1,), dtype=jnp.float32, minval=-lim2, maxval=lim2)
    return {"x": x, "sparsity": sparsity, "variance": variance, "magnitude": magnitude,
            "norm": norm, "skewness": skewness, "concentration": concentration,
            "W1": W1, "b1": b1, "W2": W2, "b2": b2}

def reference(x, sparsity, variance, magnitude, norm, skewness, concentration, W1, b1, W2, b2):
    # stack feature_analysis stats along last dim -> [B, 6]
    analysis_features = jnp.stack([sparsity, variance, magnitude, norm, skewness, concentration], axis=-1)
    h = jnp.maximum(analysis_features @ W1 + b1, 0.0)
    k_ratio = jax.nn.sigmoid(h @ W2 + b2)[..., 0]  # squeeze(-1)
    k_values = MIN_K + (MAX_K - MIN_K) * k_ratio
    # torch.median on even-length returns the lower of the two middle values
    n = k_values.shape[0]
    k_med = jnp.sort(k_values)[(n - 1) // 2]
    # int(...) truncates toward zero; k_values > 0 so floor is faithful
    k = jnp.clip(jnp.floor(k_med), MIN_K, MAX_K)
    return k

if __name__ == "__main__":
    import jax
    _d = setup_inputs()
    print(jax.jit(kernel)(*tuple(_d.values())))

</pallas_src>

<mosaic_0001>
#map = affine_map<(d0, d1) -> (0)>
module attributes {stable_mosaic.version = 14 : i64} {
  func.func @_body(%arg0: i32, %arg1: i32, %arg2: memref<98304xf32, #tpu.memory_space<hbm>>, %arg3: memref<144xf32, #tpu.memory_space<hbm>>, %arg4: memref<16xf32, #tpu.memory_space<hbm>>, %arg5: memref<6144xf32, #tpu.memory_space<vmem>>, %arg6: memref<144xf32, #tpu.memory_space<vmem>>, %arg7: memref<16xf32, #tpu.memory_space<vmem>>, %arg8: memref<256xf32, #tpu.memory_space<vmem>>, %arg9: memref<256xf32, #tpu.memory_space<vmem_shared>>, %arg10: memref<144xf32, #tpu.memory_space<vmem_shared>>, %arg11: memref<!tpu.dma_semaphore, #tpu.memory_space<semaphore_mem>>) attributes {dimension_semantics = [#tpu.dimension_semantics<core_parallel>, #tpu.dimension_semantics<subcore_parallel>], iteration_bounds = array<i64: 1, 16>, scalar_prefetch = 0 : i64, scratch_operands = 7 : i64, tpu.core_type = #tpu.core_type<sc_vector_subcore>, window_params = [{transform_indices = #map}, {transform_indices = #map}, {transform_indices = #map}]} {
    %mul3A = arith.constant 1024 : i32
    %mul3A_0 = arith.muli %arg1, %mul3A : i32
    %add3A = arith.constant 0 : i32
    %add3A_1 = arith.addi %add3A, %mul3A_0 : i32
    %dma_start3A = arith.constant 0 : i32
    %dma_start3A_2 = tpu.memref_slice %arg5[%dma_start3A] : memref<6144xf32, #tpu.memory_space<vmem>> -> memref<1024xf32, #tpu.memory_space<vmem>>
    %dma_start3A_3 = tpu.memref_slice %arg2[%add3A_1] : memref<98304xf32, #tpu.memory_space<hbm>> -> memref<1024xf32, #tpu.memory_space<hbm>>
    %dma_start3A_4 = arith.constant 0 : i32
    %dma_start3A_5 = tpu.memref_slice %arg5[%dma_start3A_4] : memref<6144xf32, #tpu.memory_space<vmem>> -> memref<1024xf32, #tpu.memory_space<vmem>>
    %dma_start3A_6 = tpu.memref_slice %arg2[%add3A_1] : memref<98304xf32, #tpu.memory_space<hbm>> -> memref<1024xf32, #tpu.memory_space<hbm>>
    tpu.enqueue_dma source(%dma_start3A_6 : memref<1024xf32, #tpu.memory_space<hbm>>) target(%dma_start3A_5 : memref<1024xf32, #tpu.memory_space<vmem>>) target_semaphore(%arg11 : memref<!tpu.dma_semaphore, #tpu.memory_space<semaphore_mem>>)
    %add3A_7 = arith.constant 16384 : i32
    %add3A_8 = arith.addi %add3A_7, %mul3A_0 : i32
    %dma_start3A_9 = arith.constant 1024 : i32
    %dma_start3A_10 = tpu.memref_slice %arg5[%dma_start3A_9] : memref<6144xf32, #tpu.memory_space<vmem>> -> memref<1024xf32, #tpu.memory_space<vmem>>
    %dma_start3A_11 = tpu.memref_slice %arg2[%add3A_8] : memref<98304xf32, #tpu.memory_space<hbm>> -> memref<1024xf32, #tpu.memory_space<hbm>>
    %dma_start3A_12 = arith.constant 1024 : i32
    %dma_start3A_13 = tpu.memref_slice %arg5[%dma_start3A_12] : memref<6144xf32, #tpu.memory_space<vmem>> -> memref<1024xf32, #tpu.memory_space<vmem>>
    %dma_start3A_14 = tpu.memref_slice %arg2[%add3A_8] : memref<98304xf32, #tpu.memory_space<hbm>> -> memref<1024xf32, #tpu.memory_space<hbm>>
    tpu.enqueue_dma source(%dma_start3A_14 : memref<1024xf32, #tpu.memory_space<hbm>>) target(%dma_start3A_13 : memref<1024xf32, #tpu.memory_space<vmem>>) target_semaphore(%arg11 : memref<!tpu.dma_semaphore, #tpu.memory_space<semaphore_mem>>)
    %add3A_15 = arith.constant 32768 : i32
    %add3A_16 = arith.addi %add3A_15, %mul3A_0 : i32
    %dma_start3A_17 = arith.constant 2048 : i32
    %dma_start3A_18 = tpu.memref_slice %arg5[%dma_start3A_17] : memref<6144xf32, #tpu.memory_space<vmem>> -> memref<1024xf32, #tpu.memory_space<vmem>>
    %dma_start3A_19 = tpu.memref_slice %arg2[%add3A_16] : memref<98304xf32, #tpu.memory_space<hbm>> -> memref<1024xf32, #tpu.memory_space<hbm>>
    %dma_start3A_20 = arith.constant 2048 : i32
    %dma_start3A_21 = tpu.memref_slice %arg5[%dma_start3A_20] : memref<6144xf32, #tpu.memory_space<vmem>> -> memref<1024xf32, #tpu.memory_space<vmem>>
    %dma_start3A_22 = tpu.memref_slice %arg2[%add3A_16] : memref<98304xf32, #tpu.memory_space<hbm>> -> memref<1024xf32, #tpu.memory_space<hbm>>
    tpu.enqueue_dma source(%dma_start3A_22 : memref<1024xf32, #tpu.memory_space<hbm>>) target(%dma_start3A_21 : memref<1024xf32, #tpu.memory_space<vmem>>) target_semaphore(%arg11 : memref<!tpu.dma_semaphore, #tpu.memory_space<semaphore_mem>>)
    %add3A_23 = arith.constant 49152 : i32
    %add3A_24 = arith.addi %add3A_23, %mul3A_0 : i32
    %dma_start3A_25 = arith.constant 3072 : i32
    %dma_start3A_26 = tpu.memref_slice %arg5[%dma_start3A_25] : memref<6144xf32, #tpu.memory_space<vmem>> -> memref<1024xf32, #tpu.memory_space<vmem>>
    %dma_start3A_27 = tpu.memref_slice %arg2[%add3A_24] : memref<98304xf32, #tpu.memory_space<hbm>> -> memref<1024xf32, #tpu.memory_space<hbm>>
    %dma_start3A_28 = arith.constant 3072 : i32
    %dma_start3A_29 = tpu.memref_slice %arg5[%dma_start3A_28] : memref<6144xf32, #tpu.memory_space<vmem>> -> memref<1024xf32, #tpu.memory_space<vmem>>
    %dma_start3A_30 = tpu.memref_slice %arg2[%add3A_24] : memref<98304xf32, #tpu.memory_space<hbm>> -> memref<1024xf32, #tpu.memory_space<hbm>>
    tpu.enqueue_dma source(%dma_start3A_30 : memref<1024xf32, #tpu.memory_space<hbm>>) target(%dma_start3A_29 : memref<1024xf32, #tpu.memory_space<vmem>>) target_semaphore(%arg11 : memref<!tpu.dma_semaphore, #tpu.memory_space<semaphore_mem>>)
    %add3A_31 = arith.constant 65536 : i32
    %add3A_32 = arith.addi %add3A_31, %mul3A_0 : i32
    %dma_start3A_33 = arith.constant 4096 : i32
    %dma_start3A_34 = tpu.memref_slice %arg5[%dma_start3A_33] : memref<6144xf32, #tpu.memory_space<vmem>> -> memref<1024xf32, #tpu.memory_space<vmem>>
    %dma_start3A_35 = tpu.memref_slice %arg2[%add3A_32] : memref<98304xf32, #tpu.memory_space<hbm>> -> memref<1024xf32, #tpu.memory_space<hbm>>
    %dma_start3A_36 = arith.constant 4096 : i32
    %dma_start3A_37 = tpu.memref_slice %arg5[%dma_start3A_36] : memref<6144xf32, #tpu.memory_space<vmem>> -> memref<1024xf32, #tpu.memory_space<vmem>>
    %dma_start3A_38 = tpu.memref_slice %arg2[%add3A_32] : memref<98304xf32, #tpu.memory_space<hbm>> -> memref<1024xf32, #tpu.memory_space<hbm>>
    tpu.enqueue_dma source(%dma_start3A_38 : memref<1024xf32, #tpu.memory_space<hbm>>) target(%dma_start3A_37 : memref<1024xf32, #tpu.memory_space<vmem>>) target_semaphore(%arg11 : memref<!tpu.dma_semaphore, #tpu.memory_space<semaphore_mem>>)
    %add3A_39 = arith.constant 81920 : i32
    %add3A_40 = arith.addi %add3A_39, %mul3A_0 : i32
    %dma_start3A_41 = arith.constant 5120 : i32
    %dma_start3A_42 = tpu.memref_slice %arg5[%dma_start3A_41] : memref<6144xf32, #tpu.memory_space<vmem>> -> memref<1024xf32, #tpu.memory_space<vmem>>
    %dma_start3A_43 = tpu.memref_slice %arg2[%add3A_40] : memref<98304xf32, #tpu.memory_space<hbm>> -> memref<1024xf32, #tpu.memory_space<hbm>>
    %dma_start3A_44 = arith.constant 5120 : i32
    %dma_start3A_45 = tpu.memref_slice %arg5[%dma_start3A_44] : memref<6144xf32, #tpu.memory_space<vmem>> -> memref<1024xf32, #tpu.memory_space<vmem>>
    %dma_start3A_46 = tpu.memref_slice %arg2[%add3A_40] : memref<98304xf32, #tpu.memory_space<hbm>> -> memref<1024xf32, #tpu.memory_space<hbm>>
    tpu.enqueue_dma source(%dma_start3A_46 : memref<1024xf32, #tpu.memory_space<hbm>>) target(%dma_start3A_45 : memref<1024xf32, #tpu.memory_space<vmem>>) target_semaphore(%arg11 : memref<!tpu.dma_semaphore, #tpu.memory_space<semaphore_mem>>)
    %eq3A = arith.constant 0 : i32
    %eq3A_47 = arith.cmpi eq, %arg1, %eq3A : i32
    %convert_element_type3A = arith.extui %eq3A_47 : i1 to i32
    %cond3A = arith.constant 0 : i32
    %cond3A_48 = arith.cmpi ne, %convert_element_type3A, %cond3A : i32
    scf.if %cond3A_48 {
      "tpu.region"() ({
        %run_scoped3A = tpu.sem_alloc : memref<!tpu.dma_semaphore, #tpu.memory_space<semaphore_mem>>
        tpu.enqueue_dma source(%arg3 : memref<144xf32, #tpu.memory_space<hbm>>) target(%arg10 : memref<144xf32, #tpu.memory_space<vmem_shared>>) target_semaphore(%run_scoped3A : memref<!tpu.dma_semaphore, #tpu.memory_space<semaphore_mem>>)
        tpu.wait_dma2 semaphore(%run_scoped3A : memref<!tpu.dma_semaphore, #tpu.memory_space<semaphore_mem>>) src(%arg3 : memref<144xf32, #tpu.memory_space<hbm>>) dst(%arg10 : memref<144xf32, #tpu.memory_space<vmem_shared>>)
        tpu.yield
      }) : () -> ()
    } else {
    }
    %barrier3A = arith.constant 0 : index
    tpu.barrier barrier_id(%barrier3A)
    "tpu.region"() ({
      %run_scoped3A = tpu.sem_alloc : memref<!tpu.dma_semaphore, #tpu.memory_space<semaphore_mem>>
      tpu.enqueue_dma source(%arg10 : memref<144xf32, #tpu.memory_space<vmem_shared>>) target(%arg6 : memref<144xf32, #tpu.memory_space<vmem>>) target_semaphore(%run_scoped3A : memref<!tpu.dma_semaphore, #tpu.memory_space<semaphore_mem>>)
      tpu.wait_dma2 semaphore(%run_scoped3A : memref<!tpu.dma_semaphore, #tpu.memory_space<semaphore_mem>>) src(%arg10 : memref<144xf32, #tpu.memory_space<vmem_shared>>) dst(%arg6 : memref<144xf32, #tpu.memory_space<vmem>>)
      tpu.yield
    }) : () -> ()
    %get3A = arith.constant 0 : index
    %get3A_49 = tpu.vector_load %arg6[%get3A] {strides = array<i32>} : memref<144xf32, #tpu.memory_space<vmem>>, vector<16xf32>,
    %get3A_50 = arith.constant 16 : index
    %get3A_51 = tpu.vector_load %arg6[%get3A_50] {strides = array<i32>} : memref<144xf32, #tpu.memory_space<vmem>>, vector<16xf32>,
    %get3A_52 = arith.constant 32 : index
    %get3A_53 = tpu.vector_load %arg6[%get3A_52] {strides = array<i32>} : memref<144xf32, #tpu.memory_space<vmem>>, vector<16xf32>,
    %get3A_54 = arith.constant 48 : index
    %get3A_55 = tpu.vector_load %arg6[%get3A_54] {strides = array<i32>} : memref<144xf32, #tpu.memory_space<vmem>>, vector<16xf32>,
    %get3A_56 = arith.constant 64 : index
    %get3A_57 = tpu.vector_load %arg6[%get3A_56] {strides = array<i32>} : memref<144xf32, #tpu.memory_space<vmem>>, vector<16xf32>,
    %get3A_58 = arith.constant 80 : index
    %get3A_59 = tpu.vector_load %arg6[%get3A_58] {strides = array<i32>} : memref<144xf32, #tpu.memory_space<vmem>>, vector<16xf32>,
    %get3A_60 = arith.constant 96 : index
    %get3A_61 = tpu.vector_load %arg6[%get3A_60] {strides = array<i32>} : memref<144xf32, #tpu.memory_space<vmem>>, vector<16xf32>,
    %get3A_62 = arith.constant 112 : index
    %get3A_63 = tpu.vector_load %arg6[%get3A_62] {strides = array<i32>} : memref<144xf32, #tpu.memory_space<vmem>>, vector<16xf32>,
    %slice3A = vector.extract_strided_slice %get3A_49 {offsets = [0], sizes = [1], strides = [1]} : vector<16xf32> to vector<1xf32>
    %squeeze3A = vector.extract %slice3A[0] : f32 from vector<1xf32>
    %slice3A_64 = vector.extract_strided_slice %get3A_49 {offsets = [1], sizes = [1], strides = [1]} : vector<16xf32> to vector<1xf32>
    %squeeze3A_65 = vector.extract %slice3A_64[0] : f32 from vector<1xf32>
    %slice3A_66 = vector.extract_strided_slice %get3A_49 {offsets = [2], sizes = [1], strides = [1]} : vector<16xf32> to vector<1xf32>
    %squeeze3A_67 = vector.extract %slice3A_66[0] : f32 from vector<1xf32>
    %slice3A_68 = vector.extract_strided_slice %get3A_49 {offsets = [3], sizes = [1], strides = [1]} : vector<16xf32> to vector<1xf32>
    %squeeze3A_69 = vector.extract %slice3A_68[0] : f32 from vector<1xf32>
    %slice3A_70 = vector.extract_strided_slice %get3A_49 {offsets = [4], sizes = [1], strides = [1]} : vector<16xf32> to vector<1xf32>
    %squeeze3A_71 = vector.extract %slice3A_70[0] : f32 from vector<1xf32>
    %slice3A_72 = vector.extract_strided_slice %get3A_49 {offsets = [5], sizes = [1], strides = [1]} : vector<16xf32> to vector<1xf32>
    %squeeze3A_73 = vector.extract %slice3A_72[0] : f32 from vector<1xf32>
    %slice3A_74 = vector.extract_strided_slice %get3A_49 {offsets = [6], sizes = [1], strides = [1]} : vector<16xf32> to vector<1xf32>
    %squeeze3A_75 = vector.extract %slice3A_74[0] : f32 from vector<1xf32>
    %slice3A_76 = vector.extract_strided_slice %get3A_49 {offsets = [7], sizes = [1], strides = [1]} : vector<16xf32> to vector<1xf32>
    %squeeze3A_77 = vector.extract %slice3A_76[0] : f32 from vector<1xf32>
    %slice3A_78 = vector.extract_strided_slice %get3A_49 {offsets = [8], sizes = [1], strides = [1]} : vector<16xf32> to vector<1xf32>
    %squeeze3A_79 = vector.extract %slice3A_78[0] : f32 from vector<1xf32>
    %slice3A_80 = vector.extract_strided_slice %get3A_49 {offsets = [9], sizes = [1], strides = [1]} : vector<16xf32> to vector<1xf32>
    %squeeze3A_81 = vector.extract %slice3A_80[0] : f32 from vector<1xf32>
    %slice3A_82 = vector.extract_strided_slice %get3A_49 {offsets = [10], sizes = [1], strides = [1]} : vector<16xf32> to vector<1xf32>
    %squeeze3A_83 = vector.extract %slice3A_82[0] : f32 from vector<1xf32>
    %slice3A_84 = vector.extract_strided_slice %get3A_49 {offsets = [11], sizes = [1], strides = [1]} : vector<16xf32> to vector<1xf32>
    %squeeze3A_85 = vector.extract %slice3A_84[0] : f32 from vector<1xf32>
    %slice3A_86 = vector.extract_strided_slice %get3A_49 {offsets = [12], sizes = [1], strides = [1]} : vector<16xf32> to vector<1xf32>
    %squeeze3A_87 = vector.extract %slice3A_86[0] : f32 from vector<1xf32>
    %slice3A_88 = vector.extract_strided_slice %get3A_49 {offsets = [13], sizes = [1], strides = [1]} : vector<16xf32> to vector<1xf32>
    %squeeze3A_89 = vector.extract %slice3A_88[0] : f32 from vector<1xf32>
    %slice3A_90 = vector.extract_strided_slice %get3A_49 {offsets = [14], sizes = [1], strides = [1]} : vector<16xf32> to vector<1xf32>
    %squeeze3A_91 = vector.extract %slice3A_90[0] : f32 from vector<1xf32>
    %slice3A_92 = vector.extract_strided_slice %get3A_49 {offsets = [15], sizes = [1], strides = [1]} : vector<16xf32> to vector<1xf32>
    %squeeze3A_93 = vector.extract %slice3A_92[0] : f32 from vector<1xf32>
    %slice3A_94 = vector.extract_strided_slice %get3A_51 {offsets = [0], sizes = [1], strides = [1]} : vector<16xf32> to vector<1xf32>
    %squeeze3A_95 = vector.extract %slice3A_94[0] : f32 from vector<1xf32>
    %slice3A_96 = vector.extract_strided_slice %get3A_51 {offsets = [1], sizes = [1], strides = [1]} : vector<16xf32> to vector<1xf32>
    %squeeze3A_97 = vector.extract %slice3A_96[0] : f32 from vector<1xf32>
    %slice3A_98 = vector.extract_strided_slice %get3A_51 {offsets = [2], sizes = [1], strides = [1]} : vector<16xf32> to vector<1xf32>
    %squeeze3A_99 = vector.extract %slice3A_98[0] : f32 from vector<1xf32>
    %slice3A_100 = vector.extract_strided_slice %get3A_51 {offsets = [3], sizes = [1], strides = [1]} : vector<16xf32> to vector<1xf32>
    %squeeze3A_101 = vector.extract %slice3A_100[0] : f32 from vector<1xf32>
    %slice3A_102 = vector.extract_strided_slice %get3A_51 {offsets = [4], sizes = [1], strides = [1]} : vector<16xf32> to vector<1xf32>
    %squeeze3A_103 = vector.extract %slice3A_102[0] : f32 from vector<1xf32>
    %slice3A_104 = vector.extract_strided_slice %get3A_51 {offsets = [5], sizes = [1], strides = [1]} : vector<16xf32> to vector<1xf32>
    %squeeze3A_105 = vector.extract %slice3A_104[0] : f32 from vector<1xf32>
    %slice3A_106 = vector.extract_strided_slice %get3A_51 {offsets = [6], sizes = [1], strides = [1]} : vector<16xf32> to vector<1xf32>
    %squeeze3A_107 = vector.extract %slice3A_106[0] : f32 from vector<1xf32>
    %slice3A_108 = vector.extract_strided_slice %get3A_51 {offsets = [7], sizes = [1], strides = [1]} : vector<16xf32> to vector<1xf32>
    %squeeze3A_109 = vector.extract %slice3A_108[0] : f32 from vector<1xf32>
    %slice3A_110 = vector.extract_strided_slice %get3A_51 {offsets = [8], sizes = [1], strides = [1]} : vector<16xf32> to vector<1xf32>
    %squeeze3A_111 = vector.extract %slice3A_110[0] : f32 from vector<1xf32>
    %slice3A_112 = vector.extract_strided_slice %get3A_51 {offsets = [9], sizes = [1], strides = [1]} : vector<16xf32> to vector<1xf32>
    %squeeze3A_113 = vector.extract %slice3A_112[0] : f32 from vector<1xf32>
    %slice3A_114 = vector.extract_strided_slice %get3A_51 {offsets = [10], sizes = [1], strides = [1]} : vector<16xf32> to vector<1xf32>
    %squeeze3A_115 = vector.extract %slice3A_114[0] : f32 from vector<1xf32>
    %slice3A_116 = vector.extract_strided_slice %get3A_51 {offsets = [11], sizes = [1], strides = [1]} : vector<16xf32> to vector<1xf32>
    %squeeze3A_117 = vector.extract %slice3A_116[0] : f32 from vector<1xf32>
    %slice3A_118 = vector.extract_strided_slice %get3A_51 {offsets = [12], sizes = [1], strides = [1]} : vector<16xf32> to vector<1xf32>
    %squeeze3A_119 = vector.extract %slice3A_118[0] : f32 from vector<1xf32>
    %slice3A_120 = vector.extract_strided_slice %get3A_51 {offsets = [13], sizes = [1], strides = [1]} : vector<16xf32> to vector<1xf32>
    %squeeze3A_121 = vector.extract %slice3A_120[0] : f32 from vector<1xf32>
    %slice3A_122 = vector.extract_strided_slice %get3A_51 {offsets = [14], sizes = [1], strides = [1]} : vector<16xf32> to vector<1xf32>
    %squeeze3A_123 = vector.extract %slice3A_122[0] : f32 from vector<1xf32>
    %slice3A_124 = vector.extract_strided_slice %get3A_51 {offsets = [15], sizes = [1], strides = [1]} : vector<16xf32> to vector<1xf32>
    %squeeze3A_125 = vector.extract %slice3A_124[0] : f32 from vector<1xf32>
    %slice3A_126 = vector.extract_strided_slice %get3A_53 {offsets = [0], sizes = [1], strides = [1]} : vector<16xf32> to vector<1xf32>
    %squeeze3A_127 = vector.extract %slice3A_126[0] : f32 from vector<1xf32>
    %slice3A_128 = vector.extract_strided_slice %get3A_53 {offsets = [1], sizes = [1], strides = [1]} : vector<16xf32> to vector<1xf32>
    %squeeze3A_129 = vector.extract %slice3A_128[0] : f32 from vector<1xf32>
    %slice3A_130 = vector.extract_strided_slice %get3A_53 {offsets = [2], sizes = [1], strides = [1]} : vector<16xf32> to vector<1xf32>
    %squeeze3A_131 = vector.extract %slice3A_130[0] : f32 from vector<1xf32>
    %slice3A_132 = vector.extract_strided_slice %get3A_53 {offsets = [3], sizes = [1], strides = [1]} : vector<16xf32> to vector<1xf32>
    %squeeze3A_133 = vector.extract %slice3A_132[0] : f32 from vector<1xf32>
    %slice3A_134 = vector.extract_strided_slice %get3A_53 {offsets = [4], sizes = [1], strides = [1]} : vector<16xf32> to vector<1xf32>
    %squeeze3A_135 = vector.extract %slice3A_134[0] : f32 from vector<1xf32>
    %slice3A_136 = vector.extract_strided_slice %get3A_53 {offsets = [5], sizes = [1], strides = [1]} : vector<16xf32> to vector<1xf32>
    %squeeze3A_137 = vector.extract %slice3A_136[0] : f32 from vector<1xf32>
    %slice3A_138 = vector.extract_strided_slice %get3A_53 {offsets = [6], sizes = [1], strides = [1]} : vector<16xf32> to vector<1xf32>
    %squeeze3A_139 = vector.extract %slice3A_138[0] : f32 from vector<1xf32>
    %slice3A_140 = vector.extract_strided_slice %get3A_53 {offsets = [7], sizes = [1], strides = [1]} : vector<16xf32> to vector<1xf32>
    %squeeze3A_141 = vector.extract %slice3A_140[0] : f32 from vector<1xf32>
    %slice3A_142 = vector.extract_strided_slice %get3A_53 {offsets = [8], sizes = [1], strides = [1]} : vector<16xf32> to vector<1xf32>
    %squeeze3A_143 = vector.extract %slice3A_142[0] : f32 from vector<1xf32>
    %slice3A_144 = vector.extract_strided_slice %get3A_53 {offsets = [9], sizes = [1], strides = [1]} : vector<16xf32> to vector<1xf32>
    %squeeze3A_145 = vector.extract %slice3A_144[0] : f32 from vector<1xf32>
    %slice3A_146 = vector.extract_strided_slice %get3A_53 {offsets = [10], sizes = [1], strides = [1]} : vector<16xf32> to vector<1xf32>
    %squeeze3A_147 = vector.extract %slice3A_146[0] : f32 from vector<1xf32>
    %slice3A_148 = vector.extract_strided_slice %get3A_53 {offsets = [11], sizes = [1], strides = [1]} : vector<16xf32> to vector<1xf32>
    %squeeze3A_149 = vector.extract %slice3A_148[0] : f32 from vector<1xf32>
    %slice3A_150 = vector.extract_strided_slice %get3A_53 {offsets = [12], sizes = [1], strides = [1]} : vector<16xf32> to vector<1xf32>
    %squeeze3A_151 = vector.extract %slice3A_150[0] : f32 from vector<1xf32>
    %slice3A_152 = vector.extract_strided_slice %get3A_53 {offsets = [13], sizes = [1], strides = [1]} : vector<16xf32> to vector<1xf32>
    %squeeze3A_153 = vector.extract %slice3A_152[0] : f32 from vector<1xf32>
    %slice3A_154 = vector.extract_strided_slice %get3A_53 {offsets = [14], sizes = [1], strides = [1]} : vector<16xf32> to vector<1xf32>
    %squeeze3A_155 = vector.extract %slice3A_154[0] : f32 from vector<1xf32>
    %slice3A_156 = vector.extract_strided_slice %get3A_53 {offsets = [15], sizes = [1], strides = [1]} : vector<16xf32> to vector<1xf32>
    %squeeze3A_157 = vector.extract %slice3A_156[0] : f32 from vector<1xf32>
    %slice3A_158 = vector.extract_strided_slice %get3A_55 {offsets = [0], sizes = [1], strides = [1]} : vector<16xf32> to vector<1xf32>
    %squeeze3A_159 = vector.extract %slice3A_158[0] : f32 from vector<1xf32>
    %slice3A_160 = vector.extract_strided_slice %get3A_55 {offsets = [1], sizes = [1], strides = [1]} : vector<16xf32> to vector<1xf32>
    %squeeze3A_161 = vector.extract %slice3A_160[0] : f32 from vector<1xf32>
    %slice3A_162 = vector.extract_strided_slice %get3A_55 {offsets = [2], sizes = [1], strides = [1]} : vector<16xf32> to vector<1xf32>
    %squeeze3A_163 = vector.extract %slice3A_162[0] : f32 from vector<1xf32>
    %slice3A_164 = vector.extract_strided_slice %get3A_55 {offsets = [3], sizes = [1], strides = [1]} : vector<16xf32> to vector<1xf32>
    %squeeze3A_165 = vector.extract %slice3A_164[0] : f32 from vector<1xf32>
    %slice3A_166 = vector.extract_strided_slice %get3A_55 {offsets = [4], sizes = [1], strides = [1]} : vector<16xf32> to vector<1xf32>
    %squeeze3A_167 = vector.extract %slice3A_166[0] : f32 from vector<1xf32>
    %slice3A_168 = vector.extract_strided_slice %get3A_55 {offsets = [5], sizes = [1], strides = [1]} : vector<16xf32> to vector<1xf32>
    %squeeze3A_169 = vector.extract %slice3A_168[0] : f32 from vector<1xf32>
    %slice3A_170 = vector.extract_strided_slice %get3A_55 {offsets = [6], sizes = [1], strides = [1]} : vector<16xf32> to vector<1xf32>
    %squeeze3A_171 = vector.extract %slice3A_170[0] : f32 from vector<1xf32>
    %slice3A_172 = vector.extract_strided_slice %get3A_55 {offsets = [7], sizes = [1], strides = [1]} : vector<16xf32> to vector<1xf32>
    %squeeze3A_173 = vector.extract %slice3A_172[0] : f32 from vector<1xf32>
    %slice3A_174 = vector.extract_strided_slice %get3A_55 {offsets = [8], sizes = [1], strides = [1]} : vector<16xf32> to vector<1xf32>
    %squeeze3A_175 = vector.extract %slice3A_174[0] : f32 from vector<1xf32>
    %slice3A_176 = vector.extract_strided_slice %get3A_55 {offsets = [9], sizes = [1], strides = [1]} : vector<16xf32> to vector<1xf32>
    %squeeze3A_177 = vector.extract %slice3A_176[0] : f32 from vector<1xf32>
    %slice3A_178 = vector.extract_strided_slice %get3A_55 {offsets = [10], sizes = [1], strides = [1]} : vector<16xf32> to vector<1xf32>
    %squeeze3A_179 = vector.extract %slice3A_178[0] : f32 from vector<1xf32>
    %slice3A_180 = vector.extract_strided_slice %get3A_55 {offsets = [11], sizes = [1], strides = [1]} : vector<16xf32> to vector<1xf32>
    %squeeze3A_181 = vector.extract %slice3A_180[0] : f32 from vector<1xf32>
    %slice3A_182 = vector.extract_strided_slice %get3A_55 {offsets = [12], sizes = [1], strides = [1]} : vector<16xf32> to vector<1xf32>
    %squeeze3A_183 = vector.extract %slice3A_182[0] : f32 from vector<1xf32>
    %slice3A_184 = vector.extract_strided_slice %get3A_55 {offsets = [13], sizes = [1], strides = [1]} : vector<16xf32> to vector<1xf32>
    %squeeze3A_185 = vector.extract %slice3A_184[0] : f32 from vector<1xf32>
    %slice3A_186 = vector.extract_strided_slice %get3A_55 {offsets = [14], sizes = [1], strides = [1]} : vector<16xf32> to vector<1xf32>
    %squeeze3A_187 = vector.extract %slice3A_186[0] : f32 from vector<1xf32>
    %slice3A_188 = vector.extract_strided_slice %get3A_55 {offsets = [15], sizes = [1], strides = [1]} : vector<16xf32> to vector<1xf32>
    %squeeze3A_189 = vector.extract %slice3A_188[0] : f32 from vector<1xf32>
    %slice3A_190 = vector.extract_strided_slice %get3A_57 {offsets = [0], sizes = [1], strides = [1]} : vector<16xf32> to vector<1xf32>
    %squeeze3A_191 = vector.extract %slice3A_190[0] : f32 from vector<1xf32>
    %slice3A_192 = vector.extract_strided_slice %get3A_57 {offsets = [1], sizes = [1], strides = [1]} : vector<16xf32> to vector<1xf32>
    %squeeze3A_193 = vector.extract %slice3A_192[0] : f32 from vector<1xf32>
    %slice3A_194 = vector.extract_strided_slice %get3A_57 {offsets = [2], sizes = [1], strides = [1]} : vector<16xf32> to vector<1xf32>
    %squeeze3A_195 = vector.extract %slice3A_194[0] : f32 from vector<1xf32>
    %slice3A_196 = vector.extract_strided_slice %get3A_57 {offsets = [3], sizes = [1], strides = [1]} : vector<16xf32> to vector<1xf32>
    %squeeze3A_197 = vector.extract %slice3A_196[0] : f32 from vector<1xf32>
    %slice3A_198 = vector.extract_strided_slice %get3A_57 {offsets = [4], sizes = [1], strides = [1]} : vector<16xf32> to vector<1xf32>
    %squeeze3A_199 = vector.extract %slice3A_198[0] : f32 from vector<1xf32>
    %slice3A_200 = vector.extract_strided_slice %get3A_57 {offsets = [5], sizes = [1], strides = [1]} : vector<16xf32> to vector<1xf32>
    %squeeze3A_201 = vector.extract %slice3A_200[0] : f32 from vector<1xf32>
    %slice3A_202 = vector.extract_strided_slice %get3A_57 {offsets = [6], sizes = [1], strides = [1]} : vector<16xf32> to vector<1xf32>
    %squeeze3A_203 = vector.extract %slice3A_202[0] : f32 from vector<1xf32>
    %slice3A_204 = vector.extract_strided_slice %get3A_57 {offsets = [7], sizes = [1], strides = [1]} : vector<16xf32> to vector<1xf32>
    %squeeze3A_205 = vector.extract %slice3A_204[0] : f32 from vector<1xf32>
    %slice3A_206 = vector.extract_strided_slice %get3A_57 {offsets = [8], sizes = [1], strides = [1]} : vector<16xf32> to vector<1xf32>
    %squeeze3A_207 = vector.extract %slice3A_206[0] : f32 from vector<1xf32>
    %slice3A_208 = vector.extract_strided_slice %get3A_57 {offsets = [9], sizes = [1], strides = [1]} : vector<16xf32> to vector<1xf32>
    %squeeze3A_209 = vector.extract %slice3A_208[0] : f32 from vector<1xf32>
    %slice3A_210 = vector.extract_strided_slice %get3A_57 {offsets = [10], sizes = [1], strides = [1]} : vector<16xf32> to vector<1xf32>
    %squeeze3A_211 = vector.extract %slice3A_210[0] : f32 from vector<1xf32>
    %slice3A_212 = vector.extract_strided_slice %get3A_57 {offsets = [11], sizes = [1], strides = [1]} : vector<16xf32> to vector<1xf32>
    %squeeze3A_213 = vector.extract %slice3A_212[0] : f32 from vector<1xf32>
    %slice3A_214 = vector.extract_strided_slice %get3A_57 {offsets = [12], sizes = [1], strides = [1]} : vector<16xf32> to vector<1xf32>
    %squeeze3A_215 = vector.extract %slice3A_214[0] : f32 from vector<1xf32>
    %slice3A_216 = vector.extract_strided_slice %get3A_57 {offsets = [13], sizes = [1], strides = [1]} : vector<16xf32> to vector<1xf32>
    %squeeze3A_217 = vector.extract %slice3A_216[0] : f32 from vector<1xf32>
    %slice3A_218 = vector.extract_strided_slice %get3A_57 {offsets = [14], sizes = [1], strides = [1]} : vector<16xf32> to vector<1xf32>
    %squeeze3A_219 = vector.extract %slice3A_218[0] : f32 from vector<1xf32>
    %slice3A_220 = vector.extract_strided_slice %get3A_57 {offsets = [15], sizes = [1], strides = [1]} : vector<16xf32> to vector<1xf32>
    %squeeze3A_221 = vector.extract %slice3A_220[0] : f32 from vector<1xf32>
    %slice3A_222 = vector.extract_strided_slice %get3A_59 {offsets = [0], sizes = [1], strides = [1]} : vector<16xf32> to vector<1xf32>
    %squeeze3A_223 = vector.extract %slice3A_222[0] : f32 from vector<1xf32>
    %slice3A_224 = vector.extract_strided_slice %get3A_59 {offsets = [1], sizes = [1], strides = [1]} : vector<16xf32> to vector<1xf32>
    %squeeze3A_225 = vector.extract %slice3A_224[0] : f32 from vector<1xf32>
    %slice3A_226 = vector.extract_strided_slice %get3A_59 {offsets = [2], sizes = [1], strides = [1]} : vector<16xf32> to vector<1xf32>
    %squeeze3A_227 = vector.extract %slice3A_226[0] : f32 from vector<1xf32>
    %slice3A_228 = vector.extract_strided_slice %get3A_59 {offsets = [3], sizes = [1], strides = [1]} : vector<16xf32> to vector<1xf32>
    %squeeze3A_229 = vector.extract %slice3A_228[0] : f32 from vector<1xf32>
    %slice3A_230 = vector.extract_strided_slice %get3A_59 {offsets = [4], sizes = [1], strides = [1]} : vector<16xf32> to vector<1xf32>
    %squeeze3A_231 = vector.extract %slice3A_230[0] : f32 from vector<1xf32>
    %slice3A_232 = vector.extract_strided_slice %get3A_59 {offsets = [5], sizes = [1], strides = [1]} : vector<16xf32> to vector<1xf32>
    %squeeze3A_233 = vector.extract %slice3A_232[0] : f32 from vector<1xf32>
    %slice3A_234 = vector.extract_strided_slice %get3A_59 {offsets = [6], sizes = [1], strides = [1]} : vector<16xf32> to vector<1xf32>
    %squeeze3A_235 = vector.extract %slice3A_234[0] : f32 from vector<1xf32>
    %slice3A_236 = vector.extract_strided_slice %get3A_59 {offsets = [7], sizes = [1], strides = [1]} : vector<16xf32> to vector<1xf32>
    %squeeze3A_237 = vector.extract %slice3A_236[0] : f32 from vector<1xf32>
    %slice3A_238 = vector.extract_strided_slice %get3A_59 {offsets = [8], sizes = [1], strides = [1]} : vector<16xf32> to vector<1xf32>
    %squeeze3A_239 = vector.extract %slice3A_238[0] : f32 from vector<1xf32>
    %slice3A_240 = vector.extract_strided_slice %get3A_59 {offsets = [9], sizes = [1], strides = [1]} : vector<16xf32> to vector<1xf32>
    %squeeze3A_241 = vector.extract %slice3A_240[0] : f32 from vector<1xf32>
    %slice3A_242 = vector.extract_strided_slice %get3A_59 {offsets = [10], sizes = [1], strides = [1]} : vector<16xf32> to vector<1xf32>
    %squeeze3A_243 = vector.extract %slice3A_242[0] : f32 from vector<1xf32>
    %slice3A_244 = vector.extract_strided_slice %get3A_59 {offsets = [11], sizes = [1], strides = [1]} : vector<16xf32> to vector<1xf32>
    %squeeze3A_245 = vector.extract %slice3A_244[0] : f32 from vector<1xf32>
    %slice3A_246 = vector.extract_strided_slice %get3A_59 {offsets = [12], sizes = [1], strides = [1]} : vector<16xf32> to vector<1xf32>
    %squeeze3A_247 = vector.extract %slice3A_246[0] : f32 from vector<1xf32>
    %slice3A_248 = vector.extract_strided_slice %get3A_59 {offsets = [13], sizes = [1], strides = [1]} : vector<16xf32> to vector<1xf32>
    %squeeze3A_249 = vector.extract %slice3A_248[0] : f32 from vector<1xf32>
    %slice3A_250 = vector.extract_strided_slice %get3A_59 {offsets = [14], sizes = [1], strides = [1]} : vector<16xf32> to vector<1xf32>
    %squeeze3A_251 = vector.extract %slice3A_250[0] : f32 from vector<1xf32>
    %slice3A_252 = vector.extract_strided_slice %get3A_59 {offsets = [15], sizes = [1], strides = [1]} : vector<16xf32> to vector<1xf32>
    %squeeze3A_253 = vector.extract %slice3A_252[0] : f32 from vector<1xf32>
    %slice3A_254 = vector.extract_strided_slice %get3A_61 {offsets = [0], sizes = [1], strides = [1]} : vector<16xf32> to vector<1xf32>
    %squeeze3A_255 = vector.extract %slice3A_254[0] : f32 from vector<1xf32>
    %slice3A_256 = vector.extract_strided_slice %get3A_61 {offsets = [1], sizes = [1], strides = [1]} : vector<16xf32> to vector<1xf32>
    %squeeze3A_257 = vector.extract %slice3A_256[0] : f32 from vector<1xf32>
    %slice3A_258 = vector.extract_strided_slice %get3A_61 {offsets = [2], sizes = [1], strides = [1]} : vector<16xf32> to vector<1xf32>
    %squeeze3A_259 = vector.extract %slice3A_258[0] : f32 from vector<1xf32>
    %slice3A_260 = vector.extract_strided_slice %get3A_61 {offsets = [3], sizes = [1], strides = [1]} : vector<16xf32> to vector<1xf32>
    %squeeze3A_261 = vector.extract %slice3A_260[0] : f32 from vector<1xf32>
    %slice3A_262 = vector.extract_strided_slice %get3A_61 {offsets = [4], sizes = [1], strides = [1]} : vector<16xf32> to vector<1xf32>
    %squeeze3A_263 = vector.extract %slice3A_262[0] : f32 from vector<1xf32>
    %slice3A_264 = vector.extract_strided_slice %get3A_61 {offsets = [5], sizes = [1], strides = [1]} : vector<16xf32> to vector<1xf32>
    %squeeze3A_265 = vector.extract %slice3A_264[0] : f32 from vector<1xf32>
    %slice3A_266 = vector.extract_strided_slice %get3A_61 {offsets = [6], sizes = [1], strides = [1]} : vector<16xf32> to vector<1xf32>
    %squeeze3A_267 = vector.extract %slice3A_266[0] : f32 from vector<1xf32>
    %slice3A_268 = vector.extract_strided_slice %get3A_61 {offsets = [7], sizes = [1], strides = [1]} : vector<16xf32> to vector<1xf32>
    %squeeze3A_269 = vector.extract %slice3A_268[0] : f32 from vector<1xf32>
    %slice3A_270 = vector.extract_strided_slice %get3A_61 {offsets = [8], sizes = [1], strides = [1]} : vector<16xf32> to vector<1xf32>
    %squeeze3A_271 = vector.extract %slice3A_270[0] : f32 from vector<1xf32>
    %slice3A_272 = vector.extract_strided_slice %get3A_61 {offsets = [9], sizes = [1], strides = [1]} : vector<16xf32> to vector<1xf32>
    %squeeze3A_273 = vector.extract %slice3A_272[0] : f32 from vector<1xf32>
    %slice3A_274 = vector.extract_strided_slice %get3A_61 {offsets = [10], sizes = [1], strides = [1]} : vector<16xf32> to vector<1xf32>
    %squeeze3A_275 = vector.extract %slice3A_274[0] : f32 from vector<1xf32>
    %slice3A_276 = vector.extract_strided_slice %get3A_61 {offsets = [11], sizes = [1], strides = [1]} : vector<16xf32> to vector<1xf32>
    %squeeze3A_277 = vector.extract %slice3A_276[0] : f32 from vector<1xf32>
    %slice3A_278 = vector.extract_strided_slice %get3A_61 {offsets = [12], sizes = [1], strides = [1]} : vector<16xf32> to vector<1xf32>
    %squeeze3A_279 = vector.extract %slice3A_278[0] : f32 from vector<1xf32>
    %slice3A_280 = vector.extract_strided_slice %get3A_61 {offsets = [13], sizes = [1], strides = [1]} : vector<16xf32> to vector<1xf32>
    %squeeze3A_281 = vector.extract %slice3A_280[0] : f32 from vector<1xf32>
    %slice3A_282 = vector.extract_strided_slice %get3A_61 {offsets = [14], sizes = [1], strides = [1]} : vector<16xf32> to vector<1xf32>
    %squeeze3A_283 = vector.extract %slice3A_282[0] : f32 from vector<1xf32>
    %slice3A_284 = vector.extract_strided_slice %get3A_61 {offsets = [15], sizes = [1], strides = [1]} : vector<16xf32> to vector<1xf32>
    %squeeze3A_285 = vector.extract %slice3A_284[0] : f32 from vector<1xf32>
    %slice3A_286 = vector.extract_strided_slice %get3A_63 {offsets = [0], sizes = [1], strides = [1]} : vector<16xf32> to vector<1xf32>
    %squeeze3A_287 = vector.extract %slice3A_286[0] : f32 from vector<1xf32>
    %slice3A_288 = vector.extract_strided_slice %get3A_63 {offsets = [1], sizes = [1], strides = [1]} : vector<16xf32> to vector<1xf32>
    %squeeze3A_289 = vector.extract %slice3A_288[0] : f32 from vector<1xf32>
    %slice3A_290 = vector.extract_strided_slice %get3A_63 {offsets = [2], sizes = [1], strides = [1]} : vector<16xf32> to vector<1xf32>
    %squeeze3A_291 = vector.extract %slice3A_290[0] : f32 from vector<1xf32>
    %slice3A_292 = vector.extract_strided_slice %get3A_63 {offsets = [3], sizes = [1], strides = [1]} : vector<16xf32> to vector<1xf32>
    %squeeze3A_293 = vector.extract %slice3A_292[0] : f32 from vector<1xf32>
    %slice3A_294 = vector.extract_strided_slice %get3A_63 {offsets = [4], sizes = [1], strides = [1]} : vector<16xf32> to vector<1xf32>
    %squeeze3A_295 = vector.extract %slice3A_294[0] : f32 from vector<1xf32>
    %slice3A_296 = vector.extract_strided_slice %get3A_63 {offsets = [5], sizes = [1], strides = [1]} : vector<16xf32> to vector<1xf32>
    %squeeze3A_297 = vector.extract %slice3A_296[0] : f32 from vector<1xf32>
    %slice3A_298 = vector.extract_strided_slice %get3A_63 {offsets = [6], sizes = [1], strides = [1]} : vector<16xf32> to vector<1xf32>
    %squeeze3A_299 = vector.extract %slice3A_298[0] : f32 from vector<1xf32>
    %slice3A_300 = vector.extract_strided_slice %get3A_63 {offsets = [7], sizes = [1], strides = [1]} : vector<16xf32> to vector<1xf32>
    %squeeze3A_301 = vector.extract %slice3A_300[0] : f32 from vector<1xf32>
    %slice3A_302 = vector.extract_strided_slice %get3A_63 {offsets = [8], sizes = [1], strides = [1]} : vector<16xf32> to vector<1xf32>
    %squeeze3A_303 = vector.extract %slice3A_302[0] : f32 from vector<1xf32>
    %slice3A_304 = vector.extract_strided_slice %get3A_63 {offsets = [9], sizes = [1], strides = [1]} : vector<16xf32> to vector<1xf32>
    %squeeze3A_305 = vector.extract %slice3A_304[0] : f32 from vector<1xf32>
    %slice3A_306 = vector.extract_strided_slice %get3A_63 {offsets = [10], sizes = [1], strides = [1]} : vector<16xf32> to vector<1xf32>
    %squeeze3A_307 = vector.extract %slice3A_306[0] : f32 from vector<1xf32>
    %slice3A_308 = vector.extract_strided_slice %get3A_63 {offsets = [11], sizes = [1], strides = [1]} : vector<16xf32> to vector<1xf32>
    %squeeze3A_309 = vector.extract %slice3A_308[0] : f32 from vector<1xf32>
    %slice3A_310 = vector.extract_strided_slice %get3A_63 {offsets = [12], sizes = [1], strides = [1]} : vector<16xf32> to vector<1xf32>
    %squeeze3A_311 = vector.extract %slice3A_310[0] : f32 from vector<1xf32>
    %slice3A_312 = vector.extract_strided_slice %get3A_63 {offsets = [13], sizes = [1], strides = [1]} : vector<16xf32> to vector<1xf32>
    %squeeze3A_313 = vector.extract %slice3A_312[0] : f32 from vector<1xf32>
    %slice3A_314 = vector.extract_strided_slice %get3A_63 {offsets = [14], sizes = [1], strides = [1]} : vector<16xf32> to vector<1xf32>
    %squeeze3A_315 = vector.extract %slice3A_314[0] : f32 from vector<1xf32>
    %slice3A_316 = vector.extract_strided_slice %get3A_63 {offsets = [15], sizes = [1], strides = [1]} : vector<16xf32> to vector<1xf32>
    %squeeze3A_317 = vector.extract %slice3A_316[0] : f32 from vector<1xf32>
    %get3A_318 = arith.constant 128 : index
    %get3A_319 = tpu.vector_load %arg6[%get3A_318] {strides = array<i32>} : memref<144xf32, #tpu.memory_space<vmem>>, vector<16xf32>,
    %slice3A_320 = vector.extract_strided_slice %get3A_319 {offsets = [0], sizes = [1], strides = [1]} : vector<16xf32> to vector<1xf32>
    %squeeze3A_321 = vector.extract %slice3A_320[0] : f32 from vector<1xf32>
    %dma_wait3A = arith.constant 0 : i32
    %dma_wait3A_322 = tpu.memref_slice %arg5[%dma_wait3A] : memref<6144xf32, #tpu.memory_space<vmem>> -> memref<1024xf32, #tpu.memory_space<vmem>>
    %dma_wait3A_323 = tpu.memref_slice %arg2[%add3A_1] : memref<98304xf32, #tpu.memory_space<hbm>> -> memref<1024xf32, #tpu.memory_space<hbm>>
    %dma_wait3A_324 = arith.constant 0 : i32
    %dma_wait3A_325 = tpu.memref_slice %arg5[%dma_wait3A_324] : memref<6144xf32, #tpu.memory_space<vmem>> -> memref<1024xf32, #tpu.memory_space<vmem>>
    %dma_wait3A_326 = tpu.memref_slice %arg2[%add3A_1] : memref<98304xf32, #tpu.memory_space<hbm>> -> memref<1024xf32, #tpu.memory_space<hbm>>
    tpu.wait_dma2 semaphore(%arg11 : memref<!tpu.dma_semaphore, #tpu.memory_space<semaphore_mem>>) src(%dma_wait3A_326 : memref<1024xf32, #tpu.memory_space<hbm>>) dst(%dma_wait3A_325 : memref<1024xf32, #tpu.memory_space<vmem>>)
    %dma_wait3A_327 = arith.constant 1024 : i32
    %dma_wait3A_328 = tpu.memref_slice %arg5[%dma_wait3A_327] : memref<6144xf32, #tpu.memory_space<vmem>> -> memref<1024xf32, #tpu.memory_space<vmem>>
    %dma_wait3A_329 = tpu.memref_slice %arg2[%add3A_8] : memref<98304xf32, #tpu.memory_space<hbm>> -> memref<1024xf32, #tpu.memory_space<hbm>>
    %dma_wait3A_330 = arith.constant 1024 : i32
    %dma_wait3A_331 = tpu.memref_slice %arg5[%dma_wait3A_330] : memref<6144xf32, #tpu.memory_space<vmem>> -> memref<1024xf32, #tpu.memory_space<vmem>>
    %dma_wait3A_332 = tpu.memref_slice %arg2[%add3A_8] : memref<98304xf32, #tpu.memory_space<hbm>> -> memref<1024xf32, #tpu.memory_space<hbm>>
    tpu.wait_dma2 semaphore(%arg11 : memref<!tpu.dma_semaphore, #tpu.memory_space<semaphore_mem>>) src(%dma_wait3A_332 : memref<1024xf32, #tpu.memory_space<hbm>>) dst(%dma_wait3A_331 : memref<1024xf32, #tpu.memory_space<vmem>>)
    %dma_wait3A_333 = arith.constant 2048 : i32
    %dma_wait3A_334 = tpu.memref_slice %arg5[%dma_wait3A_333] : memref<6144xf32, #tpu.memory_space<vmem>> -> memref<1024xf32, #tpu.memory_space<vmem>>
    %dma_wait3A_335 = tpu.memref_slice %arg2[%add3A_16] : memref<98304xf32, #tpu.memory_space<hbm>> -> memref<1024xf32, #tpu.memory_space<hbm>>
    %dma_wait3A_336 = arith.constant 2048 : i32
    %dma_wait3A_337 = tpu.memref_slice %arg5[%dma_wait3A_336] : memref<6144xf32, #tpu.memory_space<vmem>> -> memref<1024xf32, #tpu.memory_space<vmem>>
    %dma_wait3A_338 = tpu.memref_slice %arg2[%add3A_16] : memref<98304xf32, #tpu.memory_space<hbm>> -> memref<1024xf32, #tpu.memory_space<hbm>>
    tpu.wait_dma2 semaphore(%arg11 : memref<!tpu.dma_semaphore, #tpu.memory_space<semaphore_mem>>) src(%dma_wait3A_338 : memref<1024xf32, #tpu.memory_space<hbm>>) dst(%dma_wait3A_337 : memref<1024xf32, #tpu.memory_space<vmem>>)
    %dma_wait3A_339 = arith.constant 3072 : i32
    %dma_wait3A_340 = tpu.memref_slice %arg5[%dma_wait3A_339] : memref<6144xf32, #tpu.memory_space<vmem>> -> memref<1024xf32, #tpu.memory_space<vmem>>
    %dma_wait3A_341 = tpu.memref_slice %arg2[%add3A_24] : memref<98304xf32, #tpu.memory_space<hbm>> -> memref<1024xf32, #tpu.memory_space<hbm>>
    %dma_wait3A_342 = arith.constant 3072 : i32
    %dma_wait3A_343 = tpu.memref_slice %arg5[%dma_wait3A_342] : memref<6144xf32, #tpu.memory_space<vmem>> -> memref<1024xf32, #tpu.memory_space<vmem>>
    %dma_wait3A_344 = tpu.memref_slice %arg2[%add3A_24] : memref<98304xf32, #tpu.memory_space<hbm>> -> memref<1024xf32, #tpu.memory_space<hbm>>
    tpu.wait_dma2 semaphore(%arg11 : memref<!tpu.dma_semaphore, #tpu.memory_space<semaphore_mem>>) src(%dma_wait3A_344 : memref<1024xf32, #tpu.memory_space<hbm>>) dst(%dma_wait3A_343 : memref<1024xf32, #tpu.memory_space<vmem>>)
    %dma_wait3A_345 = arith.constant 4096 : i32
    %dma_wait3A_346 = tpu.memref_slice %arg5[%dma_wait3A_345] : memref<6144xf32, #tpu.memory_space<vmem>> -> memref<1024xf32, #tpu.memory_space<vmem>>
    %dma_wait3A_347 = tpu.memref_slice %arg2[%add3A_32] : memref<98304xf32, #tpu.memory_space<hbm>> -> memref<1024xf32, #tpu.memory_space<hbm>>
    %dma_wait3A_348 = arith.constant 4096 : i32
    %dma_wait3A_349 = tpu.memref_slice %arg5[%dma_wait3A_348] : memref<6144xf32, #tpu.memory_space<vmem>> -> memref<1024xf32, #tpu.memory_space<vmem>>
    %dma_wait3A_350 = tpu.memref_slice %arg2[%add3A_32] : memref<98304xf32, #tpu.memory_space<hbm>> -> memref<1024xf32, #tpu.memory_space<hbm>>
    tpu.wait_dma2 semaphore(%arg11 : memref<!tpu.dma_semaphore, #tpu.memory_space<semaphore_mem>>) src(%dma_wait3A_350 : memref<1024xf32, #tpu.memory_space<hbm>>) dst(%dma_wait3A_349 : memref<1024xf32, #tpu.memory_space<vmem>>)
    %dma_wait3A_351 = arith.constant 5120 : i32
    %dma_wait3A_352 = tpu.memref_slice %arg5[%dma_wait3A_351] : memref<6144xf32, #tpu.memory_space<vmem>> -> memref<1024xf32, #tpu.memory_space<vmem>>
    %dma_wait3A_353 = tpu.memref_slice %arg2[%add3A_40] : memref<98304xf32, #tpu.memory_space<hbm>> -> memref<1024xf32, #tpu.memory_space<hbm>>
    %dma_wait3A_354 = arith.constant 5120 : i32
    %dma_wait3A_355 = tpu.memref_slice %arg5[%dma_wait3A_354] : memref<6144xf32, #tpu.memory_space<vmem>> -> memref<1024xf32, #tpu.memory_space<vmem>>
    %dma_wait3A_356 = tpu.memref_slice %arg2[%add3A_40] : memref<98304xf32, #tpu.memory_space<hbm>> -> memref<1024xf32, #tpu.memory_space<hbm>>
    tpu.wait_dma2 semaphore(%arg11 : memref<!tpu.dma_semaphore, #tpu.memory_space<semaphore_mem>>) src(%dma_wait3A_356 : memref<1024xf32, #tpu.memory_space<hbm>>) dst(%dma_wait3A_355 : memref<1024xf32, #tpu.memory_space<vmem>>)
    %broadcast_in_dim3A = arith.constant 0.000000e+00 : f32
    %broadcast_in_dim3A_357 = vector.broadcast %broadcast_in_dim3A : f32 to vector<16xf32>
    %scan3A = arith.constant 0 : i32
    %scan3A_358 = arith.constant 8 : i32
    %scan3A_359 = arith.addi %scan3A, %scan3A_358 : i32
    %scan3A_360 = arith.constant 1 : i32
    %scan3A_361:2 = scf.for %scan3A_389 = %scan3A to %scan3A_359 step %scan3A_360 iter_args(%scan3A_390 = %broadcast_in_dim3A_357, %scan3A_391 = %broadcast_in_dim3A_357) -> (vector<16xf32>, vector<16xf32>)  : i32 {
      %mul3A_392 = arith.constant 128 : i32
      %mul3A_393 = arith.muli %scan3A_389, %mul3A_392 : i32
      %add3A_394 = arith.constant 0 : i32
      %add3A_395 = arith.addi %mul3A_393, %add3A_394 : i32
      %add3A_396 = arith.constant 0 : i32
      %add3A_397 = arith.addi %add3A_396, %add3A_395 : i32
      %get3A_398 = arith.index_cast %add3A_397 : i32 to index
      %get3A_399 = tpu.vector_load %arg5[%get3A_398] {strides = array<i32>} : memref<6144xf32, #tpu.memory_space<vmem>>, vector<16xf32>,
      %add3A_400 = arith.constant 1024 : i32
      %add3A_401 = arith.addi %add3A_400, %add3A_395 : i32
      %get3A_402 = arith.index_cast %add3A_401 : i32 to index
      %get3A_403 = tpu.vector_load %arg5[%get3A_402] {strides = array<i32>} : memref<6144xf32, #tpu.memory_space<vmem>>, vector<16xf32>,
      %add3A_404 = arith.constant 2048 : i32
      %add3A_405 = arith.addi %add3A_404, %add3A_395 : i32
      %get3A_406 = arith.index_cast %add3A_405 : i32 to index
      %get3A_407 = tpu.vector_load %arg5[%get3A_406] {strides = array<i32>} : memref<6144xf32, #tpu.memory_space<vmem>>, vector<16xf32>,
      %add3A_408 = arith.constant 3072 : i32
      %add3A_409 = arith.addi %add3A_408, %add3A_395 : i32
      %get3A_410 = arith.index_cast %add3A_409 : i32 to index
      %get3A_411 = tpu.vector_load %arg5[%get3A_410] {strides = array<i32>} : memref<6144xf32, #tpu.memory_space<vmem>>, vector<16xf32>,
      %add3A_412 = arith.constant 4096 : i32
      %add3A_413 = arith.addi %add3A_412, %add3A_395 : i32
      %get3A_414 = arith.index_cast %add3A_413 : i32 to index
      %get3A_415 = tpu.vector_load %arg5[%get3A_414] {strides = array<i32>} : memref<6144xf32, #tpu.memory_space<vmem>>, vector<16xf32>,
      %add3A_416 = arith.constant 5120 : i32
      %add3A_417 = arith.addi %add3A_416, %add3A_395 : i32
      %get3A_418 = arith.index_cast %add3A_417 : i32 to index
      %get3A_419 = tpu.vector_load %arg5[%get3A_418] {strides = array<i32>} : memref<6144xf32, #tpu.memory_space<vmem>>, vector<16xf32>,
      %broadcast_in_dim3A_420 = vector.broadcast %squeeze3A_321 : f32 to vector<16xf32>
      %mul3A_421 = vector.broadcast %squeeze3A : f32 to vector<16xf32>
      %mul3A_422 = arith.mulf %mul3A_421, %get3A_399 : vector<16xf32>
      %add3A_423 = vector.broadcast %squeeze3A_255 : f32 to vector<16xf32>
      %add3A_424 = arith.addf %add3A_423, %mul3A_422 : vector<16xf32>
      %mul3A_425 = vector.broadcast %squeeze3A_95 : f32 to vector<16xf32>
      %mul3A_426 = arith.mulf %mul3A_425, %get3A_403 : vector<16xf32>
      %add3A_427 = arith.addf %add3A_424, %mul3A_426 : vector<16xf32>
      %mul3A_428 = vector.broadcast %squeeze3A_127 : f32 to vector<16xf32>
      %mul3A_429 = arith.mulf %mul3A_428, %get3A_407 : vector<16xf32>
      %add3A_430 = arith.addf %add3A_427, %mul3A_429 : vector<16xf32>
      %mul3A_431 = vector.broadcast %squeeze3A_159 : f32 to vector<16xf32>
      %mul3A_432 = arith.mulf %mul3A_431, %get3A_411 : vector<16xf32>
      %add3A_433 = arith.addf %add3A_430, %mul3A_432 : vector<16xf32>
      %mul3A_434 = vector.broadcast %squeeze3A_191 : f32 to vector<16xf32>
      %mul3A_435 = arith.mulf %mul3A_434, %get3A_415 : vector<16xf32>
      %add3A_436 = arith.addf %add3A_433, %mul3A_435 : vector<16xf32>
      %mul3A_437 = vector.broadcast %squeeze3A_223 : f32 to vector<16xf32>
      %mul3A_438 = arith.mulf %mul3A_437, %get3A_419 : vector<16xf32>
      %add3A_439 = arith.addf %add3A_436, %mul3A_438 : vector<16xf32>
      %max3A = arith.constant 0.000000e+00 : f32
      %max3A_440 = vector.broadcast %max3A : f32 to vector<16xf32>
      %max3A_441 = arith.maximumf %add3A_439, %max3A_440 : vector<16xf32>
      %mul3A_442 = vector.broadcast %squeeze3A_287 : f32 to vector<16xf32>
      %mul3A_443 = arith.mulf %mul3A_442, %max3A_441 : vector<16xf32>
      %add3A_444 = arith.addf %broadcast_in_dim3A_420, %mul3A_443 : vector<16xf32>
      %mul3A_445 = vector.broadcast %squeeze3A_65 : f32 to vector<16xf32>
      %mul3A_446 = arith.mulf %mul3A_445, %get3A_399 : vector<16xf32>
      %add3A_447 = vector.broadcast %squeeze3A_257 : f32 to vector<16xf32>
      %add3A_448 = arith.addf %add3A_447, %mul3A_446 : vector<16xf32>
      %mul3A_449 = vector.broadcast %squeeze3A_97 : f32 to vector<16xf32>
      %mul3A_450 = arith.mulf %mul3A_449, %get3A_403 : vector<16xf32>
      %add3A_451 = arith.addf %add3A_448, %mul3A_450 : vector<16xf32>
      %mul3A_452 = vector.broadcast %squeeze3A_129 : f32 to vector<16xf32>
      %mul3A_453 = arith.mulf %mul3A_452, %get3A_407 : vector<16xf32>
      %add3A_454 = arith.addf %add3A_451, %mul3A_453 : vector<16xf32>
      %mul3A_455 = vector.broadcast %squeeze3A_161 : f32 to vector<16xf32>
      %mul3A_456 = arith.mulf %mul3A_455, %get3A_411 : vector<16xf32>
      %add3A_457 = arith.addf %add3A_454, %mul3A_456 : vector<16xf32>
      %mul3A_458 = vector.broadcast %squeeze3A_193 : f32 to vector<16xf32>
      %mul3A_459 = arith.mulf %mul3A_458, %get3A_415 : vector<16xf32>
      %add3A_460 = arith.addf %add3A_457, %mul3A_459 : vector<16xf32>
      %mul3A_461 = vector.broadcast %squeeze3A_225 : f32 to vector<16xf32>
      %mul3A_462 = arith.mulf %mul3A_461, %get3A_419 : vector<16xf32>
      %add3A_463 = arith.addf %add3A_460, %mul3A_462 : vector<16xf32>
      %max3A_464 = arith.constant 0.000000e+00 : f32
      %max3A_465 = vector.broadcast %max3A_464 : f32 to vector<16xf32>
      %max3A_466 = arith.maximumf %add3A_463, %max3A_465 : vector<16xf32>
      %mul3A_467 = vector.broadcast %squeeze3A_289 : f32 to vector<16xf32>
      %mul3A_468 = arith.mulf %mul3A_467, %max3A_466 : vector<16xf32>
      %add3A_469 = arith.addf %add3A_444, %mul3A_468 : vector<16xf32>
      %mul3A_470 = vector.broadcast %squeeze3A_67 : f32 to vector<16xf32>
      %mul3A_471 = arith.mulf %mul3A_470, %get3A_399 : vector<16xf32>
      %add3A_472 = vector.broadcast %squeeze3A_259 : f32 to vector<16xf32>
      %add3A_473 = arith.addf %add3A_472, %mul3A_471 : vector<16xf32>
      %mul3A_474 = vector.broadcast %squeeze3A_99 : f32 to vector<16xf32>
      %mul3A_475 = arith.mulf %mul3A_474, %get3A_403 : vector<16xf32>
      %add3A_476 = arith.addf %add3A_473, %mul3A_475 : vector<16xf32>
      %mul3A_477 = vector.broadcast %squeeze3A_131 : f32 to vector<16xf32>
      %mul3A_478 = arith.mulf %mul3A_477, %get3A_407 : vector<16xf32>
      %add3A_479 = arith.addf %add3A_476, %mul3A_478 : vector<16xf32>
      %mul3A_480 = vector.broadcast %squeeze3A_163 : f32 to vector<16xf32>
      %mul3A_481 = arith.mulf %mul3A_480, %get3A_411 : vector<16xf32>
      %add3A_482 = arith.addf %add3A_479, %mul3A_481 : vector<16xf32>
      %mul3A_483 = vector.broadcast %squeeze3A_195 : f32 to vector<16xf32>
      %mul3A_484 = arith.mulf %mul3A_483, %get3A_415 : vector<16xf32>
      %add3A_485 = arith.addf %add3A_482, %mul3A_484 : vector<16xf32>
      %mul3A_486 = vector.broadcast %squeeze3A_227 : f32 to vector<16xf32>
      %mul3A_487 = arith.mulf %mul3A_486, %get3A_419 : vector<16xf32>
      %add3A_488 = arith.addf %add3A_485, %mul3A_487 : vector<16xf32>
      %max3A_489 = arith.constant 0.000000e+00 : f32
      %max3A_490 = vector.broadcast %max3A_489 : f32 to vector<16xf32>
      %max3A_491 = arith.maximumf %add3A_488, %max3A_490 : vector<16xf32>
      %mul3A_492 = vector.broadcast %squeeze3A_291 : f32 to vector<16xf32>
      %mul3A_493 = arith.mulf %mul3A_492, %max3A_491 : vector<16xf32>
      %add3A_494 = arith.addf %add3A_469, %mul3A_493 : vector<16xf32>
      %mul3A_495 = vector.broadcast %squeeze3A_69 : f32 to vector<16xf32>
      %mul3A_496 = arith.mulf %mul3A_495, %get3A_399 : vector<16xf32>
      %add3A_497 = vector.broadcast %squeeze3A_261 : f32 to vector<16xf32>
      %add3A_498 = arith.addf %add3A_497, %mul3A_496 : vector<16xf32>
      %mul3A_499 = vector.broadcast %squeeze3A_101 : f32 to vector<16xf32>
      %mul3A_500 = arith.mulf %mul3A_499, %get3A_403 : vector<16xf32>
      %add3A_501 = arith.addf %add3A_498, %mul3A_500 : vector<16xf32>
      %mul3A_502 = vector.broadcast %squeeze3A_133 : f32 to vector<16xf32>
      %mul3A_503 = arith.mulf %mul3A_502, %get3A_407 : vector<16xf32>
      %add3A_504 = arith.addf %add3A_501, %mul3A_503 : vector<16xf32>
      %mul3A_505 = vector.broadcast %squeeze3A_165 : f32 to vector<16xf32>
      %mul3A_506 = arith.mulf %mul3A_505, %get3A_411 : vector<16xf32>
      %add3A_507 = arith.addf %add3A_504, %mul3A_506 : vector<16xf32>
      %mul3A_508 = vector.broadcast %squeeze3A_197 : f32 to vector<16xf32>
      %mul3A_509 = arith.mulf %mul3A_508, %get3A_415 : vector<16xf32>
      %add3A_510 = arith.addf %add3A_507, %mul3A_509 : vector<16xf32>
      %mul3A_511 = vector.broadcast %squeeze3A_229 : f32 to vector<16xf32>
      %mul3A_512 = arith.mulf %mul3A_511, %get3A_419 : vector<16xf32>
      %add3A_513 = arith.addf %add3A_510, %mul3A_512 : vector<16xf32>
      %max3A_514 = arith.constant 0.000000e+00 : f32
      %max3A_515 = vector.broadcast %max3A_514 : f32 to vector<16xf32>
      %max3A_516 = arith.maximumf %add3A_513, %max3A_515 : vector<16xf32>
      %mul3A_517 = vector.broadcast %squeeze3A_293 : f32 to vector<16xf32>
      %mul3A_518 = arith.mulf %mul3A_517, %max3A_516 : vector<16xf32>
      %add3A_519 = arith.addf %add3A_494, %mul3A_518 : vector<16xf32>
      %mul3A_520 = vector.broadcast %squeeze3A_71 : f32 to vector<16xf32>
      %mul3A_521 = arith.mulf %mul3A_520, %get3A_399 : vector<16xf32>
      %add3A_522 = vector.broadcast %squeeze3A_263 : f32 to vector<16xf32>
      %add3A_523 = arith.addf %add3A_522, %mul3A_521 : vector<16xf32>
      %mul3A_524 = vector.broadcast %squeeze3A_103 : f32 to vector<16xf32>
      %mul3A_525 = arith.mulf %mul3A_524, %get3A_403 : vector<16xf32>
      %add3A_526 = arith.addf %add3A_523, %mul3A_525 : vector<16xf32>
      %mul3A_527 = vector.broadcast %squeeze3A_135 : f32 to vector<16xf32>
      %mul3A_528 = arith.mulf %mul3A_527, %get3A_407 : vector<16xf32>
      %add3A_529 = arith.addf %add3A_526, %mul3A_528 : vector<16xf32>
      %mul3A_530 = vector.broadcast %squeeze3A_167 : f32 to vector<16xf32>
      %mul3A_531 = arith.mulf %mul3A_530, %get3A_411 : vector<16xf32>
      %add3A_532 = arith.addf %add3A_529, %mul3A_531 : vector<16xf32>
      %mul3A_533 = vector.broadcast %squeeze3A_199 : f32 to vector<16xf32>
      %mul3A_534 = arith.mulf %mul3A_533, %get3A_415 : vector<16xf32>
      %add3A_535 = arith.addf %add3A_532, %mul3A_534 : vector<16xf32>
      %mul3A_536 = vector.broadcast %squeeze3A_231 : f32 to vector<16xf32>
      %mul3A_537 = arith.mulf %mul3A_536, %get3A_419 : vector<16xf32>
      %add3A_538 = arith.addf %add3A_535, %mul3A_537 : vector<16xf32>
      %max3A_539 = arith.constant 0.000000e+00 : f32
      %max3A_540 = vector.broadcast %max3A_539 : f32 to vector<16xf32>
      %max3A_541 = arith.maximumf %add3A_538, %max3A_540 : vector<16xf32>
      %mul3A_542 = vector.broadcast %squeeze3A_295 : f32 to vector<16xf32>
      %mul3A_543 = arith.mulf %mul3A_542, %max3A_541 : vector<16xf32>
      %add3A_544 = arith.addf %add3A_519, %mul3A_543 : vector<16xf32>
      %mul3A_545 = vector.broadcast %squeeze3A_73 : f32 to vector<16xf32>
      %mul3A_546 = arith.mulf %mul3A_545, %get3A_399 : vector<16xf32>
      %add3A_547 = vector.broadcast %squeeze3A_265 : f32 to vector<16xf32>
      %add3A_548 = arith.addf %add3A_547, %mul3A_546 : vector<16xf32>
      %mul3A_549 = vector.broadcast %squeeze3A_105 : f32 to vector<16xf32>
      %mul3A_550 = arith.mulf %mul3A_549, %get3A_403 : vector<16xf32>
      %add3A_551 = arith.addf %add3A_548, %mul3A_550 : vector<16xf32>
      %mul3A_552 = vector.broadcast %squeeze3A_137 : f32 to vector<16xf32>
      %mul3A_553 = arith.mulf %mul3A_552, %get3A_407 : vector<16xf32>
      %add3A_554 = arith.addf %add3A_551, %mul3A_553 : vector<16xf32>
      %mul3A_555 = vector.broadcast %squeeze3A_169 : f32 to vector<16xf32>
      %mul3A_556 = arith.mulf %mul3A_555, %get3A_411 : vector<16xf32>
      %add3A_557 = arith.addf %add3A_554, %mul3A_556 : vector<16xf32>
      %mul3A_558 = vector.broadcast %squeeze3A_201 : f32 to vector<16xf32>
      %mul3A_559 = arith.mulf %mul3A_558, %get3A_415 : vector<16xf32>
      %add3A_560 = arith.addf %add3A_557, %mul3A_559 : vector<16xf32>
      %mul3A_561 = vector.broadcast %squeeze3A_233 : f32 to vector<16xf32>
      %mul3A_562 = arith.mulf %mul3A_561, %get3A_419 : vector<16xf32>
      %add3A_563 = arith.addf %add3A_560, %mul3A_562 : vector<16xf32>
      %max3A_564 = arith.constant 0.000000e+00 : f32
      %max3A_565 = vector.broadcast %max3A_564 : f32 to vector<16xf32>
      %max3A_566 = arith.maximumf %add3A_563, %max3A_565 : vector<16xf32>
      %mul3A_567 = vector.broadcast %squeeze3A_297 : f32 to vector<16xf32>
      %mul3A_568 = arith.mulf %mul3A_567, %max3A_566 : vector<16xf32>
      %add3A_569 = arith.addf %add3A_544, %mul3A_568 : vector<16xf32>
      %mul3A_570 = vector.broadcast %squeeze3A_75 : f32 to vector<16xf32>
      %mul3A_571 = arith.mulf %mul3A_570, %get3A_399 : vector<16xf32>
      %add3A_572 = vector.broadcast %squeeze3A_267 : f32 to vector<16xf32>
      %add3A_573 = arith.addf %add3A_572, %mul3A_571 : vector<16xf32>
      %mul3A_574 = vector.broadcast %squeeze3A_107 : f32 to vector<16xf32>
      %mul3A_575 = arith.mulf %mul3A_574, %get3A_403 : vector<16xf32>
      %add3A_576 = arith.addf %add3A_573, %mul3A_575 : vector<16xf32>
      %mul3A_577 = vector.broadcast %squeeze3A_139 : f32 to vector<16xf32>
      %mul3A_578 = arith.mulf %mul3A_577, %get3A_407 : vector<16xf32>
      %add3A_579 = arith.addf %add3A_576, %mul3A_578 : vector<16xf32>
      %mul3A_580 = vector.broadcast %squeeze3A_171 : f32 to vector<16xf32>
      %mul3A_581 = arith.mulf %mul3A_580, %get3A_411 : vector<16xf32>
      %add3A_582 = arith.addf %add3A_579, %mul3A_581 : vector<16xf32>
      %mul3A_583 = vector.broadcast %squeeze3A_203 : f32 to vector<16xf32>
      %mul3A_584 = arith.mulf %mul3A_583, %get3A_415 : vector<16xf32>
      %add3A_585 = arith.addf %add3A_582, %mul3A_584 : vector<16xf32>
      %mul3A_586 = vector.broadcast %squeeze3A_235 : f32 to vector<16xf32>
      %mul3A_587 = arith.mulf %mul3A_586, %get3A_419 : vector<16xf32>
      %add3A_588 = arith.addf %add3A_585, %mul3A_587 : vector<16xf32>
      %max3A_589 = arith.constant 0.000000e+00 : f32
      %max3A_590 = vector.broadcast %max3A_589 : f32 to vector<16xf32>
      %max3A_591 = arith.maximumf %add3A_588, %max3A_590 : vector<16xf32>
      %mul3A_592 = vector.broadcast %squeeze3A_299 : f32 to vector<16xf32>
      %mul3A_593 = arith.mulf %mul3A_592, %max3A_591 : vector<16xf32>
      %add3A_594 = arith.addf %add3A_569, %mul3A_593 : vector<16xf32>
      %mul3A_595 = vector.broadcast %squeeze3A_77 : f32 to vector<16xf32>
      %mul3A_596 = arith.mulf %mul3A_595, %get3A_399 : vector<16xf32>
      %add3A_597 = vector.broadcast %squeeze3A_269 : f32 to vector<16xf32>
      %add3A_598 = arith.addf %add3A_597, %mul3A_596 : vector<16xf32>
      %mul3A_599 = vector.broadcast %squeeze3A_109 : f32 to vector<16xf32>
      %mul3A_600 = arith.mulf %mul3A_599, %get3A_403 : vector<16xf32>
      %add3A_601 = arith.addf %add3A_598, %mul3A_600 : vector<16xf32>
      %mul3A_602 = vector.broadcast %squeeze3A_141 : f32 to vector<16xf32>
      %mul3A_603 = arith.mulf %mul3A_602, %get3A_407 : vector<16xf32>
      %add3A_604 = arith.addf %add3A_601, %mul3A_603 : vector<16xf32>
      %mul3A_605 = vector.broadcast %squeeze3A_173 : f32 to vector<16xf32>
      %mul3A_606 = arith.mulf %mul3A_605, %get3A_411 : vector<16xf32>
      %add3A_607 = arith.addf %add3A_604, %mul3A_606 : vector<16xf32>
      %mul3A_608 = vector.broadcast %squeeze3A_205 : f32 to vector<16xf32>
      %mul3A_609 = arith.mulf %mul3A_608, %get3A_415 : vector<16xf32>
      %add3A_610 = arith.addf %add3A_607, %mul3A_609 : vector<16xf32>
      %mul3A_611 = vector.broadcast %squeeze3A_237 : f32 to vector<16xf32>
      %mul3A_612 = arith.mulf %mul3A_611, %get3A_419 : vector<16xf32>
      %add3A_613 = arith.addf %add3A_610, %mul3A_612 : vector<16xf32>
      %max3A_614 = arith.constant 0.000000e+00 : f32
      %max3A_615 = vector.broadcast %max3A_614 : f32 to vector<16xf32>
      %max3A_616 = arith.maximumf %add3A_613, %max3A_615 : vector<16xf32>
      %mul3A_617 = vector.broadcast %squeeze3A_301 : f32 to vector<16xf32>
      %mul3A_618 = arith.mulf %mul3A_617, %max3A_616 : vector<16xf32>
      %add3A_619 = arith.addf %add3A_594, %mul3A_618 : vector<16xf32>
      %mul3A_620 = vector.broadcast %squeeze3A_79 : f32 to vector<16xf32>
      %mul3A_621 = arith.mulf %mul3A_620, %get3A_399 : vector<16xf32>
      %add3A_622 = vector.broadcast %squeeze3A_271 : f32 to vector<16xf32>
      %add3A_623 = arith.addf %add3A_622, %mul3A_621 : vector<16xf32>
      %mul3A_624 = vector.broadcast %squeeze3A_111 : f32 to vector<16xf32>
      %mul3A_625 = arith.mulf %mul3A_624, %get3A_403 : vector<16xf32>
      %add3A_626 = arith.addf %add3A_623, %mul3A_625 : vector<16xf32>
      %mul3A_627 = vector.broadcast %squeeze3A_143 : f32 to vector<16xf32>
      %mul3A_628 = arith.mulf %mul3A_627, %get3A_407 : vector<16xf32>
      %add3A_629 = arith.addf %add3A_626, %mul3A_628 : vector<16xf32>
      %mul3A_630 = vector.broadcast %squeeze3A_175 : f32 to vector<16xf32>
      %mul3A_631 = arith.mulf %mul3A_630, %get3A_411 : vector<16xf32>
      %add3A_632 = arith.addf %add3A_629, %mul3A_631 : vector<16xf32>
      %mul3A_633 = vector.broadcast %squeeze3A_207 : f32 to vector<16xf32>
      %mul3A_634 = arith.mulf %mul3A_633, %get3A_415 : vector<16xf32>
      %add3A_635 = arith.addf %add3A_632, %mul3A_634 : vector<16xf32>
      %mul3A_636 = vector.broadcast %squeeze3A_239 : f32 to vector<16xf32>
      %mul3A_637 = arith.mulf %mul3A_636, %get3A_419 : vector<16xf32>
      %add3A_638 = arith.addf %add3A_635, %mul3A_637 : vector<16xf32>
      %max3A_639 = arith.constant 0.000000e+00 : f32
      %max3A_640 = vector.broadcast %max3A_639 : f32 to vector<16xf32>
      %max3A_641 = arith.maximumf %add3A_638, %max3A_640 : vector<16xf32>
      %mul3A_642 = vector.broadcast %squeeze3A_303 : f32 to vector<16xf32>
      %mul3A_643 = arith.mulf %mul3A_642, %max3A_641 : vector<16xf32>
      %add3A_644 = arith.addf %add3A_619, %mul3A_643 : vector<16xf32>
      %mul3A_645 = vector.broadcast %squeeze3A_81 : f32 to vector<16xf32>
      %mul3A_646 = arith.mulf %mul3A_645, %get3A_399 : vector<16xf32>
      %add3A_647 = vector.broadcast %squeeze3A_273 : f32 to vector<16xf32>
      %add3A_648 = arith.addf %add3A_647, %mul3A_646 : vector<16xf32>
      %mul3A_649 = vector.broadcast %squeeze3A_113 : f32 to vector<16xf32>
      %mul3A_650 = arith.mulf %mul3A_649, %get3A_403 : vector<16xf32>
      %add3A_651 = arith.addf %add3A_648, %mul3A_650 : vector<16xf32>
      %mul3A_652 = vector.broadcast %squeeze3A_145 : f32 to vector<16xf32>
      %mul3A_653 = arith.mulf %mul3A_652, %get3A_407 : vector<16xf32>
      %add3A_654 = arith.addf %add3A_651, %mul3A_653 : vector<16xf32>
      %mul3A_655 = vector.broadcast %squeeze3A_177 : f32 to vector<16xf32>
      %mul3A_656 = arith.mulf %mul3A_655, %get3A_411 : vector<16xf32>
      %add3A_657 = arith.addf %add3A_654, %mul3A_656 : vector<16xf32>
      %mul3A_658 = vector.broadcast %squeeze3A_209 : f32 to vector<16xf32>
      %mul3A_659 = arith.mulf %mul3A_658, %get3A_415 : vector<16xf32>
      %add3A_660 = arith.addf %add3A_657, %mul3A_659 : vector<16xf32>
      %mul3A_661 = vector.broadcast %squeeze3A_241 : f32 to vector<16xf32>
      %mul3A_662 = arith.mulf %mul3A_661, %get3A_419 : vector<16xf32>
      %add3A_663 = arith.addf %add3A_660, %mul3A_662 : vector<16xf32>
      %max3A_664 = arith.constant 0.000000e+00 : f32
      %max3A_665 = vector.broadcast %max3A_664 : f32 to vector<16xf32>
      %max3A_666 = arith.maximumf %add3A_663, %max3A_665 : vector<16xf32>
      %mul3A_667 = vector.broadcast %squeeze3A_305 : f32 to vector<16xf32>
      %mul3A_668 = arith.mulf %mul3A_667, %max3A_666 : vector<16xf32>
      %add3A_669 = arith.addf %add3A_644, %mul3A_668 : vector<16xf32>
      %mul3A_670 = vector.broadcast %squeeze3A_83 : f32 to vector<16xf32>
      %mul3A_671 = arith.mulf %mul3A_670, %get3A_399 : vector<16xf32>
      %add3A_672 = vector.broadcast %squeeze3A_275 : f32 to vector<16xf32>
      %add3A_673 = arith.addf %add3A_672, %mul3A_671 : vector<16xf32>
      %mul3A_674 = vector.broadcast %squeeze3A_115 : f32 to vector<16xf32>
      %mul3A_675 = arith.mulf %mul3A_674, %get3A_403 : vector<16xf32>
      %add3A_676 = arith.addf %add3A_673, %mul3A_675 : vector<16xf32>
      %mul3A_677 = vector.broadcast %squeeze3A_147 : f32 to vector<16xf32>
      %mul3A_678 = arith.mulf %mul3A_677, %get3A_407 : vector<16xf32>
      %add3A_679 = arith.addf %add3A_676, %mul3A_678 : vector<16xf32>
      %mul3A_680 = vector.broadcast %squeeze3A_179 : f32 to vector<16xf32>
      %mul3A_681 = arith.mulf %mul3A_680, %get3A_411 : vector<16xf32>
      %add3A_682 = arith.addf %add3A_679, %mul3A_681 : vector<16xf32>
      %mul3A_683 = vector.broadcast %squeeze3A_211 : f32 to vector<16xf32>
      %mul3A_684 = arith.mulf %mul3A_683, %get3A_415 : vector<16xf32>
      %add3A_685 = arith.addf %add3A_682, %mul3A_684 : vector<16xf32>
      %mul3A_686 = vector.broadcast %squeeze3A_243 : f32 to vector<16xf32>
      %mul3A_687 = arith.mulf %mul3A_686, %get3A_419 : vector<16xf32>
      %add3A_688 = arith.addf %add3A_685, %mul3A_687 : vector<16xf32>
      %max3A_689 = arith.constant 0.000000e+00 : f32
      %max3A_690 = vector.broadcast %max3A_689 : f32 to vector<16xf32>
      %max3A_691 = arith.maximumf %add3A_688, %max3A_690 : vector<16xf32>
      %mul3A_692 = vector.broadcast %squeeze3A_307 : f32 to vector<16xf32>
      %mul3A_693 = arith.mulf %mul3A_692, %max3A_691 : vector<16xf32>
      %add3A_694 = arith.addf %add3A_669, %mul3A_693 : vector<16xf32>
      %mul3A_695 = vector.broadcast %squeeze3A_85 : f32 to vector<16xf32>
      %mul3A_696 = arith.mulf %mul3A_695, %get3A_399 : vector<16xf32>
      %add3A_697 = vector.broadcast %squeeze3A_277 : f32 to vector<16xf32>
      %add3A_698 = arith.addf %add3A_697, %mul3A_696 : vector<16xf32>
      %mul3A_699 = vector.broadcast %squeeze3A_117 : f32 to vector<16xf32>
      %mul3A_700 = arith.mulf %mul3A_699, %get3A_403 : vector<16xf32>
      %add3A_701 = arith.addf %add3A_698, %mul3A_700 : vector<16xf32>
      %mul3A_702 = vector.broadcast %squeeze3A_149 : f32 to vector<16xf32>
      %mul3A_703 = arith.mulf %mul3A_702, %get3A_407 : vector<16xf32>
      %add3A_704 = arith.addf %add3A_701, %mul3A_703 : vector<16xf32>
      %mul3A_705 = vector.broadcast %squeeze3A_181 : f32 to vector<16xf32>
      %mul3A_706 = arith.mulf %mul3A_705, %get3A_411 : vector<16xf32>
      %add3A_707 = arith.addf %add3A_704, %mul3A_706 : vector<16xf32>
      %mul3A_708 = vector.broadcast %squeeze3A_213 : f32 to vector<16xf32>
      %mul3A_709 = arith.mulf %mul3A_708, %get3A_415 : vector<16xf32>
      %add3A_710 = arith.addf %add3A_707, %mul3A_709 : vector<16xf32>
      %mul3A_711 = vector.broadcast %squeeze3A_245 : f32 to vector<16xf32>
      %mul3A_712 = arith.mulf %mul3A_711, %get3A_419 : vector<16xf32>
      %add3A_713 = arith.addf %add3A_710, %mul3A_712 : vector<16xf32>
      %max3A_714 = arith.constant 0.000000e+00 : f32
      %max3A_715 = vector.broadcast %max3A_714 : f32 to vector<16xf32>
      %max3A_716 = arith.maximumf %add3A_713, %max3A_715 : vector<16xf32>
      %mul3A_717 = vector.broadcast %squeeze3A_309 : f32 to vector<16xf32>
      %mul3A_718 = arith.mulf %mul3A_717, %max3A_716 : vector<16xf32>
      %add3A_719 = arith.addf %add3A_694, %mul3A_718 : vector<16xf32>
      %mul3A_720 = vector.broadcast %squeeze3A_87 : f32 to vector<16xf32>
      %mul3A_721 = arith.mulf %mul3A_720, %get3A_399 : vector<16xf32>
      %add3A_722 = vector.broadcast %squeeze3A_279 : f32 to vector<16xf32>
      %add3A_723 = arith.addf %add3A_722, %mul3A_721 : vector<16xf32>
      %mul3A_724 = vector.broadcast %squeeze3A_119 : f32 to vector<16xf32>
      %mul3A_725 = arith.mulf %mul3A_724, %get3A_403 : vector<16xf32>
      %add3A_726 = arith.addf %add3A_723, %mul3A_725 : vector<16xf32>
      %mul3A_727 = vector.broadcast %squeeze3A_151 : f32 to vector<16xf32>
      %mul3A_728 = arith.mulf %mul3A_727, %get3A_407 : vector<16xf32>
      %add3A_729 = arith.addf %add3A_726, %mul3A_728 : vector<16xf32>
      %mul3A_730 = vector.broadcast %squeeze3A_183 : f32 to vector<16xf32>
      %mul3A_731 = arith.mulf %mul3A_730, %get3A_411 : vector<16xf32>
      %add3A_732 = arith.addf %add3A_729, %mul3A_731 : vector<16xf32>
      %mul3A_733 = vector.broadcast %squeeze3A_215 : f32 to vector<16xf32>
      %mul3A_734 = arith.mulf %mul3A_733, %get3A_415 : vector<16xf32>
      %add3A_735 = arith.addf %add3A_732, %mul3A_734 : vector<16xf32>
      %mul3A_736 = vector.broadcast %squeeze3A_247 : f32 to vector<16xf32>
      %mul3A_737 = arith.mulf %mul3A_736, %get3A_419 : vector<16xf32>
      %add3A_738 = arith.addf %add3A_735, %mul3A_737 : vector<16xf32>
      %max3A_739 = arith.constant 0.000000e+00 : f32
      %max3A_740 = vector.broadcast %max3A_739 : f32 to vector<16xf32>
      %max3A_741 = arith.maximumf %add3A_738, %max3A_740 : vector<16xf32>
      %mul3A_742 = vector.broadcast %squeeze3A_311 : f32 to vector<16xf32>
      %mul3A_743 = arith.mulf %mul3A_742, %max3A_741 : vector<16xf32>
      %add3A_744 = arith.addf %add3A_719, %mul3A_743 : vector<16xf32>
      %mul3A_745 = vector.broadcast %squeeze3A_89 : f32 to vector<16xf32>
      %mul3A_746 = arith.mulf %mul3A_745, %get3A_399 : vector<16xf32>
      %add3A_747 = vector.broadcast %squeeze3A_281 : f32 to vector<16xf32>
      %add3A_748 = arith.addf %add3A_747, %mul3A_746 : vector<16xf32>
      %mul3A_749 = vector.broadcast %squeeze3A_121 : f32 to vector<16xf32>
      %mul3A_750 = arith.mulf %mul3A_749, %get3A_403 : vector<16xf32>
      %add3A_751 = arith.addf %add3A_748, %mul3A_750 : vector<16xf32>
      %mul3A_752 = vector.broadcast %squeeze3A_153 : f32 to vector<16xf32>
      %mul3A_753 = arith.mulf %mul3A_752, %get3A_407 : vector<16xf32>
      %add3A_754 = arith.addf %add3A_751, %mul3A_753 : vector<16xf32>
      %mul3A_755 = vector.broadcast %squeeze3A_185 : f32 to vector<16xf32>
      %mul3A_756 = arith.mulf %mul3A_755, %get3A_411 : vector<16xf32>
      %add3A_757 = arith.addf %add3A_754, %mul3A_756 : vector<16xf32>
      %mul3A_758 = vector.broadcast %squeeze3A_217 : f32 to vector<16xf32>
      %mul3A_759 = arith.mulf %mul3A_758, %get3A_415 : vector<16xf32>
      %add3A_760 = arith.addf %add3A_757, %mul3A_759 : vector<16xf32>
      %mul3A_761 = vector.broadcast %squeeze3A_249 : f32 to vector<16xf32>
      %mul3A_762 = arith.mulf %mul3A_761, %get3A_419 : vector<16xf32>
      %add3A_763 = arith.addf %add3A_760, %mul3A_762 : vector<16xf32>
      %max3A_764 = arith.constant 0.000000e+00 : f32
      %max3A_765 = vector.broadcast %max3A_764 : f32 to vector<16xf32>
      %max3A_766 = arith.maximumf %add3A_763, %max3A_765 : vector<16xf32>
      %mul3A_767 = vector.broadcast %squeeze3A_313 : f32 to vector<16xf32>
      %mul3A_768 = arith.mulf %mul3A_767, %max3A_766 : vector<16xf32>
      %add3A_769 = arith.addf %add3A_744, %mul3A_768 : vector<16xf32>
      %mul3A_770 = vector.broadcast %squeeze3A_91 : f32 to vector<16xf32>
      %mul3A_771 = arith.mulf %mul3A_770, %get3A_399 : vector<16xf32>
      %add3A_772 = vector.broadcast %squeeze3A_283 : f32 to vector<16xf32>
      %add3A_773 = arith.addf %add3A_772, %mul3A_771 : vector<16xf32>
      %mul3A_774 = vector.broadcast %squeeze3A_123 : f32 to vector<16xf32>
      %mul3A_775 = arith.mulf %mul3A_774, %get3A_403 : vector<16xf32>
      %add3A_776 = arith.addf %add3A_773, %mul3A_775 : vector<16xf32>
      %mul3A_777 = vector.broadcast %squeeze3A_155 : f32 to vector<16xf32>
      %mul3A_778 = arith.mulf %mul3A_777, %get3A_407 : vector<16xf32>
      %add3A_779 = arith.addf %add3A_776, %mul3A_778 : vector<16xf32>
      %mul3A_780 = vector.broadcast %squeeze3A_187 : f32 to vector<16xf32>
      %mul3A_781 = arith.mulf %mul3A_780, %get3A_411 : vector<16xf32>
      %add3A_782 = arith.addf %add3A_779, %mul3A_781 : vector<16xf32>
      %mul3A_783 = vector.broadcast %squeeze3A_219 : f32 to vector<16xf32>
      %mul3A_784 = arith.mulf %mul3A_783, %get3A_415 : vector<16xf32>
      %add3A_785 = arith.addf %add3A_782, %mul3A_784 : vector<16xf32>
      %mul3A_786 = vector.broadcast %squeeze3A_251 : f32 to vector<16xf32>
      %mul3A_787 = arith.mulf %mul3A_786, %get3A_419 : vector<16xf32>
      %add3A_788 = arith.addf %add3A_785, %mul3A_787 : vector<16xf32>
      %max3A_789 = arith.constant 0.000000e+00 : f32
      %max3A_790 = vector.broadcast %max3A_789 : f32 to vector<16xf32>
      %max3A_791 = arith.maximumf %add3A_788, %max3A_790 : vector<16xf32>
      %mul3A_792 = vector.broadcast %squeeze3A_315 : f32 to vector<16xf32>
      %mul3A_793 = arith.mulf %mul3A_792, %max3A_791 : vector<16xf32>
      %add3A_794 = arith.addf %add3A_769, %mul3A_793 : vector<16xf32>
      %mul3A_795 = vector.broadcast %squeeze3A_93 : f32 to vector<16xf32>
      %mul3A_796 = arith.mulf %mul3A_795, %get3A_399 : vector<16xf32>
      %add3A_797 = vector.broadcast %squeeze3A_285 : f32 to vector<16xf32>
      %add3A_798 = arith.addf %add3A_797, %mul3A_796 : vector<16xf32>
      %mul3A_799 = vector.broadcast %squeeze3A_125 : f32 to vector<16xf32>
      %mul3A_800 = arith.mulf %mul3A_799, %get3A_403 : vector<16xf32>
      %add3A_801 = arith.addf %add3A_798, %mul3A_800 : vector<16xf32>
      %mul3A_802 = vector.broadcast %squeeze3A_157 : f32 to vector<16xf32>
      %mul3A_803 = arith.mulf %mul3A_802, %get3A_407 : vector<16xf32>
      %add3A_804 = arith.addf %add3A_801, %mul3A_803 : vector<16xf32>
      %mul3A_805 = vector.broadcast %squeeze3A_189 : f32 to vector<16xf32>
      %mul3A_806 = arith.mulf %mul3A_805, %get3A_411 : vector<16xf32>
      %add3A_807 = arith.addf %add3A_804, %mul3A_806 : vector<16xf32>
      %mul3A_808 = vector.broadcast %squeeze3A_221 : f32 to vector<16xf32>
      %mul3A_809 = arith.mulf %mul3A_808, %get3A_415 : vector<16xf32>
      %add3A_810 = arith.addf %add3A_807, %mul3A_809 : vector<16xf32>
      %mul3A_811 = vector.broadcast %squeeze3A_253 : f32 to vector<16xf32>
      %mul3A_812 = arith.mulf %mul3A_811, %get3A_419 : vector<16xf32>
      %add3A_813 = arith.addf %add3A_810, %mul3A_812 : vector<16xf32>
      %max3A_814 = arith.constant 0.000000e+00 : f32
      %max3A_815 = vector.broadcast %max3A_814 : f32 to vector<16xf32>
      %max3A_816 = arith.maximumf %add3A_813, %max3A_815 : vector<16xf32>
      %mul3A_817 = vector.broadcast %squeeze3A_317 : f32 to vector<16xf32>
      %mul3A_818 = arith.mulf %mul3A_817, %max3A_816 : vector<16xf32>
      %add3A_819 = arith.addf %add3A_794, %mul3A_818 : vector<16xf32>
      %mul3A_820 = arith.constant 128 : i32
      %mul3A_821 = arith.muli %scan3A_389, %mul3A_820 : i32
      %add3A_822 = arith.constant 16 : i32
      %add3A_823 = arith.addi %mul3A_821, %add3A_822 : i32
      %add3A_824 = arith.constant 0 : i32
      %add3A_825 = arith.addi %add3A_824, %add3A_823 : i32
      %get3A_826 = arith.index_cast %add3A_825 : i32 to index
      %get3A_827 = tpu.vector_load %arg5[%get3A_826] {strides = array<i32>} : memref<6144xf32, #tpu.memory_space<vmem>>, vector<16xf32>,
      %add3A_828 = arith.constant 1024 : i32
      %add3A_829 = arith.addi %add3A_828, %add3A_823 : i32
      %get3A_830 = arith.index_cast %add3A_829 : i32 to index
      %get3A_831 = tpu.vector_load %arg5[%get3A_830] {strides = array<i32>} : memref<6144xf32, #tpu.memory_space<vmem>>, vector<16xf32>,
      %add3A_832 = arith.constant 2048 : i32
      %add3A_833 = arith.addi %add3A_832, %add3A_823 : i32
      %get3A_834 = arith.index_cast %add3A_833 : i32 to index
      %get3A_835 = tpu.vector_load %arg5[%get3A_834] {strides = array<i32>} : memref<6144xf32, #tpu.memory_space<vmem>>, vector<16xf32>,
      %add3A_836 = arith.constant 3072 : i32
      %add3A_837 = arith.addi %add3A_836, %add3A_823 : i32
      %get3A_838 = arith.index_cast %add3A_837 : i32 to index
      %get3A_839 = tpu.vector_load %arg5[%get3A_838] {strides = array<i32>} : memref<6144xf32, #tpu.memory_space<vmem>>, vector<16xf32>,
      %add3A_840 = arith.constant 4096 : i32
      %add3A_841 = arith.addi %add3A_840, %add3A_823 : i32
      %get3A_842 = arith.index_cast %add3A_841 : i32 to index
      %get3A_843 = tpu.vector_load %arg5[%get3A_842] {strides = array<i32>} : memref<6144xf32, #tpu.memory_space<vmem>>, vector<16xf32>,
      %add3A_844 = arith.constant 5120 : i32
      %add3A_845 = arith.addi %add3A_844, %add3A_823 : i32
      %get3A_846 = arith.index_cast %add3A_845 : i32 to index
      %get3A_847 = tpu.vector_load %arg5[%get3A_846] {strides = array<i32>} : memref<6144xf32, #tpu.memory_space<vmem>>, vector<16xf32>,
      %broadcast_in_dim3A_848 = vector.broadcast %squeeze3A_321 : f32 to vector<16xf32>
      %mul3A_849 = vector.broadcast %squeeze3A : f32 to vector<16xf32>
      %mul3A_850 = arith.mulf %mul3A_849, %get3A_827 : vector<16xf32>
      %add3A_851 = vector.broadcast %squeeze3A_255 : f32 to vector<16xf32>
      %add3A_852 = arith.addf %add3A_851, %mul3A_850 : vector<16xf32>
      %mul3A_853 = vector.broadcast %squeeze3A_95 : f32 to vector<16xf32>
      %mul3A_854 = arith.mulf %mul3A_853, %get3A_831 : vector<16xf32>
      %add3A_855 = arith.addf %add3A_852, %mul3A_854 : vector<16xf32>
      %mul3A_856 = vector.broadcast %squeeze3A_127 : f32 to vector<16xf32>
      %mul3A_857 = arith.mulf %mul3A_856, %get3A_835 : vector<16xf32>
      %add3A_858 = arith.addf %add3A_855, %mul3A_857 : vector<16xf32>
      %mul3A_859 = vector.broadcast %squeeze3A_159 : f32 to vector<16xf32>
      %mul3A_860 = arith.mulf %mul3A_859, %get3A_839 : vector<16xf32>
      %add3A_861 = arith.addf %add3A_858, %mul3A_860 : vector<16xf32>
      %mul3A_862 = vector.broadcast %squeeze3A_191 : f32 to vector<16xf32>
      %mul3A_863 = arith.mulf %mul3A_862, %get3A_843 : vector<16xf32>
      %add3A_864 = arith.addf %add3A_861, %mul3A_863 : vector<16xf32>
      %mul3A_865 = vector.broadcast %squeeze3A_223 : f32 to vector<16xf32>
      %mul3A_866 = arith.mulf %mul3A_865, %get3A_847 : vector<16xf32>
      %add3A_867 = arith.addf %add3A_864, %mul3A_866 : vector<16xf32>
      %max3A_868 = arith.constant 0.000000e+00 : f32
      %max3A_869 = vector.broadcast %max3A_868 : f32 to vector<16xf32>
      %max3A_870 = arith.maximumf %add3A_867, %max3A_869 : vector<16xf32>
      %mul3A_871 = vector.broadcast %squeeze3A_287 : f32 to vector<16xf32>
      %mul3A_872 = arith.mulf %mul3A_871, %max3A_870 : vector<16xf32>
      %add3A_873 = arith.addf %broadcast_in_dim3A_848, %mul3A_872 : vector<16xf32>
      %mul3A_874 = vector.broadcast %squeeze3A_65 : f32 to vector<16xf32>
      %mul3A_875 = arith.mulf %mul3A_874, %get3A_827 : vector<16xf32>
      %add3A_876 = vector.broadcast %squeeze3A_257 : f32 to vector<16xf32>
      %add3A_877 = arith.addf %add3A_876, %mul3A_875 : vector<16xf32>
      %mul3A_878 = vector.broadcast %squeeze3A_97 : f32 to vector<16xf32>
      %mul3A_879 = arith.mulf %mul3A_878, %get3A_831 : vector<16xf32>
      %add3A_880 = arith.addf %add3A_877, %mul3A_879 : vector<16xf32>
      %mul3A_881 = vector.broadcast %squeeze3A_129 : f32 to vector<16xf32>
      %mul3A_882 = arith.mulf %mul3A_881, %get3A_835 : vector<16xf32>
      %add3A_883 = arith.addf %add3A_880, %mul3A_882 : vector<16xf32>
      %mul3A_884 = vector.broadcast %squeeze3A_161 : f32 to vector<16xf32>
      %mul3A_885 = arith.mulf %mul3A_884, %get3A_839 : vector<16xf32>
      %add3A_886 = arith.addf %add3A_883, %mul3A_885 : vector<16xf32>
      %mul3A_887 = vector.broadcast %squeeze3A_193 : f32 to vector<16xf32>
      %mul3A_888 = arith.mulf %mul3A_887, %get3A_843 : vector<16xf32>
      %add3A_889 = arith.addf %add3A_886, %mul3A_888 : vector<16xf32>
      %mul3A_890 = vector.broadcast %squeeze3A_225 : f32 to vector<16xf32>
      %mul3A_891 = arith.mulf %mul3A_890, %get3A_847 : vector<16xf32>
      %add3A_892 = arith.addf %add3A_889, %mul3A_891 : vector<16xf32>
      %max3A_893 = arith.constant 0.000000e+00 : f32
      %max3A_894 = vector.broadcast %max3A_893 : f32 to vector<16xf32>
      %max3A_895 = arith.maximumf %add3A_892, %max3A_894 : vector<16xf32>
      %mul3A_896 = vector.broadcast %squeeze3A_289 : f32 to vector<16xf32>
      %mul3A_897 = arith.mulf %mul3A_896, %max3A_895 : vector<16xf32>
      %add3A_898 = arith.addf %add3A_873, %mul3A_897 : vector<16xf32>
      %mul3A_899 = vector.broadcast %squeeze3A_67 : f32 to vector<16xf32>
      %mul3A_900 = arith.mulf %mul3A_899, %get3A_827 : vector<16xf32>
      %add3A_901 = vector.broadcast %squeeze3A_259 : f32 to vector<16xf32>
      %add3A_902 = arith.addf %add3A_901, %mul3A_900 : vector<16xf32>
      %mul3A_903 = vector.broadcast %squeeze3A_99 : f32 to vector<16xf32>
      %mul3A_904 = arith.mulf %mul3A_903, %get3A_831 : vector<16xf32>
      %add3A_905 = arith.addf %add3A_902, %mul3A_904 : vector<16xf32>
      %mul3A_906 = vector.broadcast %squeeze3A_131 : f32 to vector<16xf32>
      %mul3A_907 = arith.mulf %mul3A_906, %get3A_835 : vector<16xf32>
      %add3A_908 = arith.addf %add3A_905, %mul3A_907 : vector<16xf32>
      %mul3A_909 = vector.broadcast %squeeze3A_163 : f32 to vector<16xf32>
      %mul3A_910 = arith.mulf %mul3A_909, %get3A_839 : vector<16xf32>
      %add3A_911 = arith.addf %add3A_908, %mul3A_910 : vector<16xf32>
      %mul3A_912 = vector.broadcast %squeeze3A_195 : f32 to vector<16xf32>
      %mul3A_913 = arith.mulf %mul3A_912, %get3A_843 : vector<16xf32>
      %add3A_914 = arith.addf %add3A_911, %mul3A_913 : vector<16xf32>
      %mul3A_915 = vector.broadcast %squeeze3A_227 : f32 to vector<16xf32>
      %mul3A_916 = arith.mulf %mul3A_915, %get3A_847 : vector<16xf32>
      %add3A_917 = arith.addf %add3A_914, %mul3A_916 : vector<16xf32>
      %max3A_918 = arith.constant 0.000000e+00 : f32
      %max3A_919 = vector.broadcast %max3A_918 : f32 to vector<16xf32>
      %max3A_920 = arith.maximumf %add3A_917, %max3A_919 : vector<16xf32>
      %mul3A_921 = vector.broadcast %squeeze3A_291 : f32 to vector<16xf32>
      %mul3A_922 = arith.mulf %mul3A_921, %max3A_920 : vector<16xf32>
      %add3A_923 = arith.addf %add3A_898, %mul3A_922 : vector<16xf32>
      %mul3A_924 = vector.broadcast %squeeze3A_69 : f32 to vector<16xf32>
      %mul3A_925 = arith.mulf %mul3A_924, %get3A_827 : vector<16xf32>
      %add3A_926 = vector.broadcast %squeeze3A_261 : f32 to vector<16xf32>
      %add3A_927 = arith.addf %add3A_926, %mul3A_925 : vector<16xf32>
      %mul3A_928 = vector.broadcast %squeeze3A_101 : f32 to vector<16xf32>
      %mul3A_929 = arith.mulf %mul3A_928, %get3A_831 : vector<16xf32>
      %add3A_930 = arith.addf %add3A_927, %mul3A_929 : vector<16xf32>
      %mul3A_931 = vector.broadcast %squeeze3A_133 : f32 to vector<16xf32>
      %mul3A_932 = arith.mulf %mul3A_931, %get3A_835 : vector<16xf32>
      %add3A_933 = arith.addf %add3A_930, %mul3A_932 : vector<16xf32>
      %mul3A_934 = vector.broadcast %squeeze3A_165 : f32 to vector<16xf32>
      %mul3A_935 = arith.mulf %mul3A_934, %get3A_839 : vector<16xf32>
      %add3A_936 = arith.addf %add3A_933, %mul3A_935 : vector<16xf32>
      %mul3A_937 = vector.broadcast %squeeze3A_197 : f32 to vector<16xf32>
      %mul3A_938 = arith.mulf %mul3A_937, %get3A_843 : vector<16xf32>
      %add3A_939 = arith.addf %add3A_936, %mul3A_938 : vector<16xf32>
      %mul3A_940 = vector.broadcast %squeeze3A_229 : f32 to vector<16xf32>
      %mul3A_941 = arith.mulf %mul3A_940, %get3A_847 : vector<16xf32>
      %add3A_942 = arith.addf %add3A_939, %mul3A_941 : vector<16xf32>
      %max3A_943 = arith.constant 0.000000e+00 : f32
      %max3A_944 = vector.broadcast %max3A_943 : f32 to vector<16xf32>
      %max3A_945 = arith.maximumf %add3A_942, %max3A_944 : vector<16xf32>
      %mul3A_946 = vector.broadcast %squeeze3A_293 : f32 to vector<16xf32>
      %mul3A_947 = arith.mulf %mul3A_946, %max3A_945 : vector<16xf32>
      %add3A_948 = arith.addf %add3A_923, %mul3A_947 : vector<16xf32>
      %mul3A_949 = vector.broadcast %squeeze3A_71 : f32 to vector<16xf32>
      %mul3A_950 = arith.mulf %mul3A_949, %get3A_827 : vector<16xf32>
      %add3A_951 = vector.broadcast %squeeze3A_263 : f32 to vector<16xf32>
      %add3A_952 = arith.addf %add3A_951, %mul3A_950 : vector<16xf32>
      %mul3A_953 = vector.broadcast %squeeze3A_103 : f32 to vector<16xf32>
      %mul3A_954 = arith.mulf %mul3A_953, %get3A_831 : vector<16xf32>
      %add3A_955 = arith.addf %add3A_952, %mul3A_954 : vector<16xf32>
      %mul3A_956 = vector.broadcast %squeeze3A_135 : f32 to vector<16xf32>
      %mul3A_957 = arith.mulf %mul3A_956, %get3A_835 : vector<16xf32>
      %add3A_958 = arith.addf %add3A_955, %mul3A_957 : vector<16xf32>
      %mul3A_959 = vector.broadcast %squeeze3A_167 : f32 to vector<16xf32>
      %mul3A_960 = arith.mulf %mul3A_959, %get3A_839 : vector<16xf32>
      %add3A_961 = arith.addf %add3A_958, %mul3A_960 : vector<16xf32>
      %mul3A_962 = vector.broadcast %squeeze3A_199 : f32 to vector<16xf32>
      %mul3A_963 = arith.mulf %mul3A_962, %get3A_843 : vector<16xf32>
      %add3A_964 = arith.addf %add3A_961, %mul3A_963 : vector<16xf32>
      %mul3A_965 = vector.broadcast %squeeze3A_231 : f32 to vector<16xf32>
      %mul3A_966 = arith.mulf %mul3A_965, %get3A_847 : vector<16xf32>
      %add3A_967 = arith.addf %add3A_964, %mul3A_966 : vector<16xf32>
      %max3A_968 = arith.constant 0.000000e+00 : f32
      %max3A_969 = vector.broadcast %max3A_968 : f32 to vector<16xf32>
      %max3A_970 = arith.maximumf %add3A_967, %max3A_969 : vector<16xf32>
      %mul3A_971 = vector.broadcast %squeeze3A_295 : f32 to vector<16xf32>
      %mul3A_972 = arith.mulf %mul3A_971, %max3A_970 : vector<16xf32>
      %add3A_973 = arith.addf %add3A_948, %mul3A_972 : vector<16xf32>
      %mul3A_974 = vector.broadcast %squeeze3A_73 : f32 to vector<16xf32>
      %mul3A_975 = arith.mulf %mul3A_974, %get3A_827 : vector<16xf32>
      %add3A_976 = vector.broadcast %squeeze3A_265 : f32 to vector<16xf32>
      %add3A_977 = arith.addf %add3A_976, %mul3A_975 : vector<16xf32>
      %mul3A_978 = vector.broadcast %squeeze3A_105 : f32 to vector<16xf32>
      %mul3A_979 = arith.mulf %mul3A_978, %get3A_831 : vector<16xf32>
      %add3A_980 = arith.addf %add3A_977, %mul3A_979 : vector<16xf32>
      %mul3A_981 = vector.broadcast %squeeze3A_137 : f32 to vector<16xf32>
      %mul3A_982 = arith.mulf %mul3A_981, %get3A_835 : vector<16xf32>
      %add3A_983 = arith.addf %add3A_980, %mul3A_982 : vector<16xf32>
      %mul3A_984 = vector.broadcast %squeeze3A_169 : f32 to vector<16xf32>
      %mul3A_985 = arith.mulf %mul3A_984, %get3A_839 : vector<16xf32>
      %add3A_986 = arith.addf %add3A_983, %mul3A_985 : vector<16xf32>
      %mul3A_987 = vector.broadcast %squeeze3A_201 : f32 to vector<16xf32>
      %mul3A_988 = arith.mulf %mul3A_987, %get3A_843 : vector<16xf32>
      %add3A_989 = arith.addf %add3A_986, %mul3A_988 : vector<16xf32>
      %mul3A_990 = vector.broadcast %squeeze3A_233 : f32 to vector<16xf32>
      %mul3A_991 = arith.mulf %mul3A_990, %get3A_847 : vector<16xf32>
      %add3A_992 = arith.addf %add3A_989, %mul3A_991 : vector<16xf32>
      %max3A_993 = arith.constant 0.000000e+00 : f32
      %max3A_994 = vector.broadcast %max3A_993 : f32 to vector<16xf32>
      %max3A_995 = arith.maximumf %add3A_992, %max3A_994 : vector<16xf32>
      %mul3A_996 = vector.broadcast %squeeze3A_297 : f32 to vector<16xf32>
      %mul3A_997 = arith.mulf %mul3A_996, %max3A_995 : vector<16xf32>
      %add3A_998 = arith.addf %add3A_973, %mul3A_997 : vector<16xf32>
      %mul3A_999 = vector.broadcast %squeeze3A_75 : f32 to vector<16xf32>
      %mul3A_1000 = arith.mulf %mul3A_999, %get3A_827 : vector<16xf32>
      %add3A_1001 = vector.broadcast %squeeze3A_267 : f32 to vector<16xf32>
      %add3A_1002 = arith.addf %add3A_1001, %mul3A_1000 : vector<16xf32>
      %mul3A_1003 = vector.broadcast %squeeze3A_107 : f32 to vector<16xf32>
      %mul3A_1004 = arith.mulf %mul3A_1003, %get3A_831 : vector<16xf32>
      %add3A_1005 = arith.addf %add3A_1002, %mul3A_1004 : vector<16xf32>
      %mul3A_1006 = vector.broadcast %squeeze3A_139 : f32 to vector<16xf32>
      %mul3A_1007 = arith.mulf %mul3A_1006, %get3A_835 : vector<16xf32>
      %add3A_1008 = arith.addf %add3A_1005, %mul3A_1007 : vector<16xf32>
      %mul3A_1009 = vector.broadcast %squeeze3A_171 : f32 to vector<16xf32>
      %mul3A_1010 = arith.mulf %mul3A_1009, %get3A_839 : vector<16xf32>
      %add3A_1011 = arith.addf %add3A_1008, %mul3A_1010 : vector<16xf32>
      %mul3A_1012 = vector.broadcast %squeeze3A_203 : f32 to vector<16xf32>
      %mul3A_1013 = arith.mulf %mul3A_1012, %get3A_843 : vector<16xf32>
      %add3A_1014 = arith.addf %add3A_1011, %mul3A_1013 : vector<16xf32>
      %mul3A_1015 = vector.broadcast %squeeze3A_235 : f32 to vector<16xf32>
      %mul3A_1016 = arith.mulf %mul3A_1015, %get3A_847 : vector<16xf32>
      %add3A_1017 = arith.addf %add3A_1014, %mul3A_1016 : vector<16xf32>
      %max3A_1018 = arith.constant 0.000000e+00 : f32
      %max3A_1019 = vector.broadcast %max3A_1018 : f32 to vector<16xf32>
      %max3A_1020 = arith.maximumf %add3A_1017, %max3A_1019 : vector<16xf32>
      %mul3A_1021 = vector.broadcast %squeeze3A_299 : f32 to vector<16xf32>
      %mul3A_1022 = arith.mulf %mul3A_1021, %max3A_1020 : vector<16xf32>
      %add3A_1023 = arith.addf %add3A_998, %mul3A_1022 : vector<16xf32>
      %mul3A_1024 = vector.broadcast %squeeze3A_77 : f32 to vector<16xf32>
      %mul3A_1025 = arith.mulf %mul3A_1024, %get3A_827 : vector<16xf32>
      %add3A_1026 = vector.broadcast %squeeze3A_269 : f32 to vector<16xf32>
      %add3A_1027 = arith.addf %add3A_1026, %mul3A_1025 : vector<16xf32>
      %mul3A_1028 = vector.broadcast %squeeze3A_109 : f32 to vector<16xf32>
      %mul3A_1029 = arith.mulf %mul3A_1028, %get3A_831 : vector<16xf32>
      %add3A_1030 = arith.addf %add3A_1027, %mul3A_1029 : vector<16xf32>
      %mul3A_1031 = vector.broadcast %squeeze3A_141 : f32 to vector<16xf32>
      %mul3A_1032 = arith.mulf %mul3A_1031, %get3A_835 : vector<16xf32>
      %add3A_1033 = arith.addf %add3A_1030, %mul3A_1032 : vector<16xf32>
      %mul3A_1034 = vector.broadcast %squeeze3A_173 : f32 to vector<16xf32>
      %mul3A_1035 = arith.mulf %mul3A_1034, %get3A_839 : vector<16xf32>
      %add3A_1036 = arith.addf %add3A_1033, %mul3A_1035 : vector<16xf32>
      %mul3A_1037 = vector.broadcast %squeeze3A_205 : f32 to vector<16xf32>
      %mul3A_1038 = arith.mulf %mul3A_1037, %get3A_843 : vector<16xf32>
      %add3A_1039 = arith.addf %add3A_1036, %mul3A_1038 : vector<16xf32>
      %mul3A_1040 = vector.broadcast %squeeze3A_237 : f32 to vector<16xf32>
      %mul3A_1041 = arith.mulf %mul3A_1040, %get3A_847 : vector<16xf32>
      %add3A_1042 = arith.addf %add3A_1039, %mul3A_1041 : vector<16xf32>
      %max3A_1043 = arith.constant 0.000000e+00 : f32
      %max3A_1044 = vector.broadcast %max3A_1043 : f32 to vector<16xf32>
      %max3A_1045 = arith.maximumf %add3A_1042, %max3A_1044 : vector<16xf32>
      %mul3A_1046 = vector.broadcast %squeeze3A_301 : f32 to vector<16xf32>
      %mul3A_1047 = arith.mulf %mul3A_1046, %max3A_1045 : vector<16xf32>
      %add3A_1048 = arith.addf %add3A_1023, %mul3A_1047 : vector<16xf32>
      %mul3A_1049 = vector.broadcast %squeeze3A_79 : f32 to vector<16xf32>
      %mul3A_1050 = arith.mulf %mul3A_1049, %get3A_827 : vector<16xf32>
      %add3A_1051 = vector.broadcast %squeeze3A_271 : f32 to vector<16xf32>
      %add3A_1052 = arith.addf %add3A_1051, %mul3A_1050 : vector<16xf32>
      %mul3A_1053 = vector.broadcast %squeeze3A_111 : f32 to vector<16xf32>
      %mul3A_1054 = arith.mulf %mul3A_1053, %get3A_831 : vector<16xf32>
      %add3A_1055 = arith.addf %add3A_1052, %mul3A_1054 : vector<16xf32>
      %mul3A_1056 = vector.broadcast %squeeze3A_143 : f32 to vector<16xf32>
      %mul3A_1057 = arith.mulf %mul3A_1056, %get3A_835 : vector<16xf32>
      %add3A_1058 = arith.addf %add3A_1055, %mul3A_1057 : vector<16xf32>
      %mul3A_1059 = vector.broadcast %squeeze3A_175 : f32 to vector<16xf32>
      %mul3A_1060 = arith.mulf %mul3A_1059, %get3A_839 : vector<16xf32>
      %add3A_1061 = arith.addf %add3A_1058, %mul3A_1060 : vector<16xf32>
      %mul3A_1062 = vector.broadcast %squeeze3A_207 : f32 to vector<16xf32>
      %mul3A_1063 = arith.mulf %mul3A_1062, %get3A_843 : vector<16xf32>
      %add3A_1064 = arith.addf %add3A_1061, %mul3A_1063 : vector<16xf32>
      %mul3A_1065 = vector.broadcast %squeeze3A_239 : f32 to vector<16xf32>
      %mul3A_1066 = arith.mulf %mul3A_1065, %get3A_847 : vector<16xf32>
      %add3A_1067 = arith.addf %add3A_1064, %mul3A_1066 : vector<16xf32>
      %max3A_1068 = arith.constant 0.000000e+00 : f32
      %max3A_1069 = vector.broadcast %max3A_1068 : f32 to vector<16xf32>
      %max3A_1070 = arith.maximumf %add3A_1067, %max3A_1069 : vector<16xf32>
      %mul3A_1071 = vector.broadcast %squeeze3A_303 : f32 to vector<16xf32>
      %mul3A_1072 = arith.mulf %mul3A_1071, %max3A_1070 : vector<16xf32>
      %add3A_1073 = arith.addf %add3A_1048, %mul3A_1072 : vector<16xf32>
      %mul3A_1074 = vector.broadcast %squeeze3A_81 : f32 to vector<16xf32>
      %mul3A_1075 = arith.mulf %mul3A_1074, %get3A_827 : vector<16xf32>
      %add3A_1076 = vector.broadcast %squeeze3A_273 : f32 to vector<16xf32>
      %add3A_1077 = arith.addf %add3A_1076, %mul3A_1075 : vector<16xf32>
      %mul3A_1078 = vector.broadcast %squeeze3A_113 : f32 to vector<16xf32>
      %mul3A_1079 = arith.mulf %mul3A_1078, %get3A_831 : vector<16xf32>
      %add3A_1080 = arith.addf %add3A_1077, %mul3A_1079 : vector<16xf32>
      %mul3A_1081 = vector.broadcast %squeeze3A_145 : f32 to vector<16xf32>
      %mul3A_1082 = arith.mulf %mul3A_1081, %get3A_835 : vector<16xf32>
      %add3A_1083 = arith.addf %add3A_1080, %mul3A_1082 : vector<16xf32>
      %mul3A_1084 = vector.broadcast %squeeze3A_177 : f32 to vector<16xf32>
      %mul3A_1085 = arith.mulf %mul3A_1084, %get3A_839 : vector<16xf32>
      %add3A_1086 = arith.addf %add3A_1083, %mul3A_1085 : vector<16xf32>
      %mul3A_1087 = vector.broadcast %squeeze3A_209 : f32 to vector<16xf32>
      %mul3A_1088 = arith.mulf %mul3A_1087, %get3A_843 : vector<16xf32>
      %add3A_1089 = arith.addf %add3A_1086, %mul3A_1088 : vector<16xf32>
      %mul3A_1090 = vector.broadcast %squeeze3A_241 : f32 to vector<16xf32>
      %mul3A_1091 = arith.mulf %mul3A_1090, %get3A_847 : vector<16xf32>
      %add3A_1092 = arith.addf %add3A_1089, %mul3A_1091 : vector<16xf32>
      %max3A_1093 = arith.constant 0.000000e+00 : f32
      %max3A_1094 = vector.broadcast %max3A_1093 : f32 to vector<16xf32>
      %max3A_1095 = arith.maximumf %add3A_1092, %max3A_1094 : vector<16xf32>
      %mul3A_1096 = vector.broadcast %squeeze3A_305 : f32 to vector<16xf32>
      %mul3A_1097 = arith.mulf %mul3A_1096, %max3A_1095 : vector<16xf32>
      %add3A_1098 = arith.addf %add3A_1073, %mul3A_1097 : vector<16xf32>
      %mul3A_1099 = vector.broadcast %squeeze3A_83 : f32 to vector<16xf32>
      %mul3A_1100 = arith.mulf %mul3A_1099, %get3A_827 : vector<16xf32>
      %add3A_1101 = vector.broadcast %squeeze3A_275 : f32 to vector<16xf32>
      %add3A_1102 = arith.addf %add3A_1101, %mul3A_1100 : vector<16xf32>
      %mul3A_1103 = vector.broadcast %squeeze3A_115 : f32 to vector<16xf32>
      %mul3A_1104 = arith.mulf %mul3A_1103, %get3A_831 : vector<16xf32>
      %add3A_1105 = arith.addf %add3A_1102, %mul3A_1104 : vector<16xf32>
      %mul3A_1106 = vector.broadcast %squeeze3A_147 : f32 to vector<16xf32>
      %mul3A_1107 = arith.mulf %mul3A_1106, %get3A_835 : vector<16xf32>
      %add3A_1108 = arith.addf %add3A_1105, %mul3A_1107 : vector<16xf32>
      %mul3A_1109 = vector.broadcast %squeeze3A_179 : f32 to vector<16xf32>
      %mul3A_1110 = arith.mulf %mul3A_1109, %get3A_839 : vector<16xf32>
      %add3A_1111 = arith.addf %add3A_1108, %mul3A_1110 : vector<16xf32>
      %mul3A_1112 = vector.broadcast %squeeze3A_211 : f32 to vector<16xf32>
      %mul3A_1113 = arith.mulf %mul3A_1112, %get3A_843 : vector<16xf32>
      %add3A_1114 = arith.addf %add3A_1111, %mul3A_1113 : vector<16xf32>
      %mul3A_1115 = vector.broadcast %squeeze3A_243 : f32 to vector<16xf32>
      %mul3A_1116 = arith.mulf %mul3A_1115, %get3A_847 : vector<16xf32>
      %add3A_1117 = arith.addf %add3A_1114, %mul3A_1116 : vector<16xf32>
      %max3A_1118 = arith.constant 0.000000e+00 : f32
      %max3A_1119 = vector.broadcast %max3A_1118 : f32 to vector<16xf32>
      %max3A_1120 = arith.maximumf %add3A_1117, %max3A_1119 : vector<16xf32>
      %mul3A_1121 = vector.broadcast %squeeze3A_307 : f32 to vector<16xf32>
      %mul3A_1122 = arith.mulf %mul3A_1121, %max3A_1120 : vector<16xf32>
      %add3A_1123 = arith.addf %add3A_1098, %mul3A_1122 : vector<16xf32>
      %mul3A_1124 = vector.broadcast %squeeze3A_85 : f32 to vector<16xf32>
      %mul3A_1125 = arith.mulf %mul3A_1124, %get3A_827 : vector<16xf32>
      %add3A_1126 = vector.broadcast %squeeze3A_277 : f32 to vector<16xf32>
      %add3A_1127 = arith.addf %add3A_1126, %mul3A_1125 : vector<16xf32>
      %mul3A_1128 = vector.broadcast %squeeze3A_117 : f32 to vector<16xf32>
      %mul3A_1129 = arith.mulf %mul3A_1128, %get3A_831 : vector<16xf32>
      %add3A_1130 = arith.addf %add3A_1127, %mul3A_1129 : vector<16xf32>
      %mul3A_1131 = vector.broadcast %squeeze3A_149 : f32 to vector<16xf32>
      %mul3A_1132 = arith.mulf %mul3A_1131, %get3A_835 : vector<16xf32>
      %add3A_1133 = arith.addf %add3A_1130, %mul3A_1132 : vector<16xf32>
      %mul3A_1134 = vector.broadcast %squeeze3A_181 : f32 to vector<16xf32>
      %mul3A_1135 = arith.mulf %mul3A_1134, %get3A_839 : vector<16xf32>
      %add3A_1136 = arith.addf %add3A_1133, %mul3A_1135 : vector<16xf32>
      %mul3A_1137 = vector.broadcast %squeeze3A_213 : f32 to vector<16xf32>
      %mul3A_1138 = arith.mulf %mul3A_1137, %get3A_843 : vector<16xf32>
      %add3A_1139 = arith.addf %add3A_1136, %mul3A_1138 : vector<16xf32>
      %mul3A_1140 = vector.broadcast %squeeze3A_245 : f32 to vector<16xf32>
      %mul3A_1141 = arith.mulf %mul3A_1140, %get3A_847 : vector<16xf32>
      %add3A_1142 = arith.addf %add3A_1139, %mul3A_1141 : vector<16xf32>
      %max3A_1143 = arith.constant 0.000000e+00 : f32
      %max3A_1144 = vector.broadcast %max3A_1143 : f32 to vector<16xf32>
      %max3A_1145 = arith.maximumf %add3A_1142, %max3A_1144 : vector<16xf32>
      %mul3A_1146 = vector.broadcast %squeeze3A_309 : f32 to vector<16xf32>
      %mul3A_1147 = arith.mulf %mul3A_1146, %max3A_1145 : vector<16xf32>
      %add3A_1148 = arith.addf %add3A_1123, %mul3A_1147 : vector<16xf32>
      %mul3A_1149 = vector.broadcast %squeeze3A_87 : f32 to vector<16xf32>
      %mul3A_1150 = arith.mulf %mul3A_1149, %get3A_827 : vector<16xf32>
      %add3A_1151 = vector.broadcast %squeeze3A_279 : f32 to vector<16xf32>
      %add3A_1152 = arith.addf %add3A_1151, %mul3A_1150 : vector<16xf32>
      %mul3A_1153 = vector.broadcast %squeeze3A_119 : f32 to vector<16xf32>
      %mul3A_1154 = arith.mulf %mul3A_1153, %get3A_831 : vector<16xf32>
      %add3A_1155 = arith.addf %add3A_1152, %mul3A_1154 : vector<16xf32>
      %mul3A_1156 = vector.broadcast %squeeze3A_151 : f32 to vector<16xf32>
      %mul3A_1157 = arith.mulf %mul3A_1156, %get3A_835 : vector<16xf32>
      %add3A_1158 = arith.addf %add3A_1155, %mul3A_1157 : vector<16xf32>
      %mul3A_1159 = vector.broadcast %squeeze3A_183 : f32 to vector<16xf32>
      %mul3A_1160 = arith.mulf %mul3A_1159, %get3A_839 : vector<16xf32>
      %add3A_1161 = arith.addf %add3A_1158, %mul3A_1160 : vector<16xf32>
      %mul3A_1162 = vector.broadcast %squeeze3A_215 : f32 to vector<16xf32>
      %mul3A_1163 = arith.mulf %mul3A_1162, %get3A_843 : vector<16xf32>
      %add3A_1164 = arith.addf %add3A_1161, %mul3A_1163 : vector<16xf32>
      %mul3A_1165 = vector.broadcast %squeeze3A_247 : f32 to vector<16xf32>
      %mul3A_1166 = arith.mulf %mul3A_1165, %get3A_847 : vector<16xf32>
      %add3A_1167 = arith.addf %add3A_1164, %mul3A_1166 : vector<16xf32>
      %max3A_1168 = arith.constant 0.000000e+00 : f32
      %max3A_1169 = vector.broadcast %max3A_1168 : f32 to vector<16xf32>
      %max3A_1170 = arith.maximumf %add3A_1167, %max3A_1169 : vector<16xf32>
      %mul3A_1171 = vector.broadcast %squeeze3A_311 : f32 to vector<16xf32>
      %mul3A_1172 = arith.mulf %mul3A_1171, %max3A_1170 : vector<16xf32>
      %add3A_1173 = arith.addf %add3A_1148, %mul3A_1172 : vector<16xf32>
      %mul3A_1174 = vector.broadcast %squeeze3A_89 : f32 to vector<16xf32>
      %mul3A_1175 = arith.mulf %mul3A_1174, %get3A_827 : vector<16xf32>
      %add3A_1176 = vector.broadcast %squeeze3A_281 : f32 to vector<16xf32>
      %add3A_1177 = arith.addf %add3A_1176, %mul3A_1175 : vector<16xf32>
      %mul3A_1178 = vector.broadcast %squeeze3A_121 : f32 to vector<16xf32>
      %mul3A_1179 = arith.mulf %mul3A_1178, %get3A_831 : vector<16xf32>
      %add3A_1180 = arith.addf %add3A_1177, %mul3A_1179 : vector<16xf32>
      %mul3A_1181 = vector.broadcast %squeeze3A_153 : f32 to vector<16xf32>
      %mul3A_1182 = arith.mulf %mul3A_1181, %get3A_835 : vector<16xf32>
      %add3A_1183 = arith.addf %add3A_1180, %mul3A_1182 : vector<16xf32>
      %mul3A_1184 = vector.broadcast %squeeze3A_185 : f32 to vector<16xf32>
      %mul3A_1185 = arith.mulf %mul3A_1184, %get3A_839 : vector<16xf32>
      %add3A_1186 = arith.addf %add3A_1183, %mul3A_1185 : vector<16xf32>
      %mul3A_1187 = vector.broadcast %squeeze3A_217 : f32 to vector<16xf32>
      %mul3A_1188 = arith.mulf %mul3A_1187, %get3A_843 : vector<16xf32>
      %add3A_1189 = arith.addf %add3A_1186, %mul3A_1188 : vector<16xf32>
      %mul3A_1190 = vector.broadcast %squeeze3A_249 : f32 to vector<16xf32>
      %mul3A_1191 = arith.mulf %mul3A_1190, %get3A_847 : vector<16xf32>
      %add3A_1192 = arith.addf %add3A_1189, %mul3A_1191 : vector<16xf32>
      %max3A_1193 = arith.constant 0.000000e+00 : f32
      %max3A_1194 = vector.broadcast %max3A_1193 : f32 to vector<16xf32>
      %max3A_1195 = arith.maximumf %add3A_1192, %max3A_1194 : vector<16xf32>
      %mul3A_1196 = vector.broadcast %squeeze3A_313 : f32 to vector<16xf32>
      %mul3A_1197 = arith.mulf %mul3A_1196, %max3A_1195 : vector<16xf32>
      %add3A_1198 = arith.addf %add3A_1173, %mul3A_1197 : vector<16xf32>
      %mul3A_1199 = vector.broadcast %squeeze3A_91 : f32 to vector<16xf32>
      %mul3A_1200 = arith.mulf %mul3A_1199, %get3A_827 : vector<16xf32>
      %add3A_1201 = vector.broadcast %squeeze3A_283 : f32 to vector<16xf32>
      %add3A_1202 = arith.addf %add3A_1201, %mul3A_1200 : vector<16xf32>
      %mul3A_1203 = vector.broadcast %squeeze3A_123 : f32 to vector<16xf32>
      %mul3A_1204 = arith.mulf %mul3A_1203, %get3A_831 : vector<16xf32>
      %add3A_1205 = arith.addf %add3A_1202, %mul3A_1204 : vector<16xf32>
      %mul3A_1206 = vector.broadcast %squeeze3A_155 : f32 to vector<16xf32>
      %mul3A_1207 = arith.mulf %mul3A_1206, %get3A_835 : vector<16xf32>
      %add3A_1208 = arith.addf %add3A_1205, %mul3A_1207 : vector<16xf32>
      %mul3A_1209 = vector.broadcast %squeeze3A_187 : f32 to vector<16xf32>
      %mul3A_1210 = arith.mulf %mul3A_1209, %get3A_839 : vector<16xf32>
      %add3A_1211 = arith.addf %add3A_1208, %mul3A_1210 : vector<16xf32>
      %mul3A_1212 = vector.broadcast %squeeze3A_219 : f32 to vector<16xf32>
      %mul3A_1213 = arith.mulf %mul3A_1212, %get3A_843 : vector<16xf32>
      %add3A_1214 = arith.addf %add3A_1211, %mul3A_1213 : vector<16xf32>
      %mul3A_1215 = vector.broadcast %squeeze3A_251 : f32 to vector<16xf32>
      %mul3A_1216 = arith.mulf %mul3A_1215, %get3A_847 : vector<16xf32>
      %add3A_1217 = arith.addf %add3A_1214, %mul3A_1216 : vector<16xf32>
      %max3A_1218 = arith.constant 0.000000e+00 : f32
      %max3A_1219 = vector.broadcast %max3A_1218 : f32 to vector<16xf32>
      %max3A_1220 = arith.maximumf %add3A_1217, %max3A_1219 : vector<16xf32>
      %mul3A_1221 = vector.broadcast %squeeze3A_315 : f32 to vector<16xf32>
      %mul3A_1222 = arith.mulf %mul3A_1221, %max3A_1220 : vector<16xf32>
      %add3A_1223 = arith.addf %add3A_1198, %mul3A_1222 : vector<16xf32>
      %mul3A_1224 = vector.broadcast %squeeze3A_93 : f32 to vector<16xf32>
      %mul3A_1225 = arith.mulf %mul3A_1224, %get3A_827 : vector<16xf32>
      %add3A_1226 = vector.broadcast %squeeze3A_285 : f32 to vector<16xf32>
      %add3A_1227 = arith.addf %add3A_1226, %mul3A_1225 : vector<16xf32>
      %mul3A_1228 = vector.broadcast %squeeze3A_125 : f32 to vector<16xf32>
      %mul3A_1229 = arith.mulf %mul3A_1228, %get3A_831 : vector<16xf32>
      %add3A_1230 = arith.addf %add3A_1227, %mul3A_1229 : vector<16xf32>
      %mul3A_1231 = vector.broadcast %squeeze3A_157 : f32 to vector<16xf32>
      %mul3A_1232 = arith.mulf %mul3A_1231, %get3A_835 : vector<16xf32>
      %add3A_1233 = arith.addf %add3A_1230, %mul3A_1232 : vector<16xf32>
      %mul3A_1234 = vector.broadcast %squeeze3A_189 : f32 to vector<16xf32>
      %mul3A_1235 = arith.mulf %mul3A_1234, %get3A_839 : vector<16xf32>
      %add3A_1236 = arith.addf %add3A_1233, %mul3A_1235 : vector<16xf32>
      %mul3A_1237 = vector.broadcast %squeeze3A_221 : f32 to vector<16xf32>
      %mul3A_1238 = arith.mulf %mul3A_1237, %get3A_843 : vector<16xf32>
      %add3A_1239 = arith.addf %add3A_1236, %mul3A_1238 : vector<16xf32>
      %mul3A_1240 = vector.broadcast %squeeze3A_253 : f32 to vector<16xf32>
      %mul3A_1241 = arith.mulf %mul3A_1240, %get3A_847 : vector<16xf32>
      %add3A_1242 = arith.addf %add3A_1239, %mul3A_1241 : vector<16xf32>
      %max3A_1243 = arith.constant 0.000000e+00 : f32
      %max3A_1244 = vector.broadcast %max3A_1243 : f32 to vector<16xf32>
      %max3A_1245 = arith.maximumf %add3A_1242, %max3A_1244 : vector<16xf32>
      %mul3A_1246 = vector.broadcast %squeeze3A_317 : f32 to vector<16xf32>
      %mul3A_1247 = arith.mulf %mul3A_1246, %max3A_1245 : vector<16xf32>
      %add3A_1248 = arith.addf %add3A_1223, %mul3A_1247 : vector<16xf32>
      %mul3A_1249 = arith.constant 128 : i32
      %mul3A_1250 = arith.muli %scan3A_389, %mul3A_1249 : i32
      %add3A_1251 = arith.constant 32 : i32
      %add3A_1252 = arith.addi %mul3A_1250, %add3A_1251 : i32
      %add3A_1253 = arith.constant 0 : i32
      %add3A_1254 = arith.addi %add3A_1253, %add3A_1252 : i32
      %get3A_1255 = arith.index_cast %add3A_1254 : i32 to index
      %get3A_1256 = tpu.vector_load %arg5[%get3A_1255] {strides = array<i32>} : memref<6144xf32, #tpu.memory_space<vmem>>, vector<16xf32>,
      %add3A_1257 = arith.constant 1024 : i32
      %add3A_1258 = arith.addi %add3A_1257, %add3A_1252 : i32
      %get3A_1259 = arith.index_cast %add3A_1258 : i32 to index
      %get3A_1260 = tpu.vector_load %arg5[%get3A_1259] {strides = array<i32>} : memref<6144xf32, #tpu.memory_space<vmem>>, vector<16xf32>,
      %add3A_1261 = arith.constant 2048 : i32
      %add3A_1262 = arith.addi %add3A_1261, %add3A_1252 : i32
      %get3A_1263 = arith.index_cast %add3A_1262 : i32 to index
      %get3A_1264 = tpu.vector_load %arg5[%get3A_1263] {strides = array<i32>} : memref<6144xf32, #tpu.memory_space<vmem>>, vector<16xf32>,
      %add3A_1265 = arith.constant 3072 : i32
      %add3A_1266 = arith.addi %add3A_1265, %add3A_1252 : i32
      %get3A_1267 = arith.index_cast %add3A_1266 : i32 to index
      %get3A_1268 = tpu.vector_load %arg5[%get3A_1267] {strides = array<i32>} : memref<6144xf32, #tpu.memory_space<vmem>>, vector<16xf32>,
      %add3A_1269 = arith.constant 4096 : i32
      %add3A_1270 = arith.addi %add3A_1269, %add3A_1252 : i32
      %get3A_1271 = arith.index_cast %add3A_1270 : i32 to index
      %get3A_1272 = tpu.vector_load %arg5[%get3A_1271] {strides = array<i32>} : memref<6144xf32, #tpu.memory_space<vmem>>, vector<16xf32>,
      %add3A_1273 = arith.constant 5120 : i32
      %add3A_1274 = arith.addi %add3A_1273, %add3A_1252 : i32
      %get3A_1275 = arith.index_cast %add3A_1274 : i32 to index
      %get3A_1276 = tpu.vector_load %arg5[%get3A_1275] {strides = array<i32>} : memref<6144xf32, #tpu.memory_space<vmem>>, vector<16xf32>,
      %broadcast_in_dim3A_1277 = vector.broadcast %squeeze3A_321 : f32 to vector<16xf32>
      %mul3A_1278 = vector.broadcast %squeeze3A : f32 to vector<16xf32>
      %mul3A_1279 = arith.mulf %mul3A_1278, %get3A_1256 : vector<16xf32>
      %add3A_1280 = vector.broadcast %squeeze3A_255 : f32 to vector<16xf32>
      %add3A_1281 = arith.addf %add3A_1280, %mul3A_1279 : vector<16xf32>
      %mul3A_1282 = vector.broadcast %squeeze3A_95 : f32 to vector<16xf32>
      %mul3A_1283 = arith.mulf %mul3A_1282, %get3A_1260 : vector<16xf32>
      %add3A_1284 = arith.addf %add3A_1281, %mul3A_1283 : vector<16xf32>
      %mul3A_1285 = vector.broadcast %squeeze3A_127 : f32 to vector<16xf32>
      %mul3A_1286 = arith.mulf %mul3A_1285, %get3A_1264 : vector<16xf32>
      %add3A_1287 = arith.addf %add3A_1284, %mul3A_1286 : vector<16xf32>
      %mul3A_1288 = vector.broadcast %squeeze3A_159 : f32 to vector<16xf32>
      %mul3A_1289 = arith.mulf %mul3A_1288, %get3A_1268 : vector<16xf32>
      %add3A_1290 = arith.addf %add3A_1287, %mul3A_1289 : vector<16xf32>
      %mul3A_1291 = vector.broadcast %squeeze3A_191 : f32 to vector<16xf32>
      %mul3A_1292 = arith.mulf %mul3A_1291, %get3A_1272 : vector<16xf32>
      %add3A_1293 = arith.addf %add3A_1290, %mul3A_1292 : vector<16xf32>
      %mul3A_1294 = vector.broadcast %squeeze3A_223 : f32 to vector<16xf32>
      %mul3A_1295 = arith.mulf %mul3A_1294, %get3A_1276 : vector<16xf32>
      %add3A_1296 = arith.addf %add3A_1293, %mul3A_1295 : vector<16xf32>
      %max3A_1297 = arith.constant 0.000000e+00 : f32
      %max3A_1298 = vector.broadcast %max3A_1297 : f32 to vector<16xf32>
      %max3A_1299 = arith.maximumf %add3A_1296, %max3A_1298 : vector<16xf32>
      %mul3A_1300 = vector.broadcast %squeeze3A_287 : f32 to vector<16xf32>
      %mul3A_1301 = arith.mulf %mul3A_1300, %max3A_1299 : vector<16xf32>
      %add3A_1302 = arith.addf %broadcast_in_dim3A_1277, %mul3A_1301 : vector<16xf32>
      %mul3A_1303 = vector.broadcast %squeeze3A_65 : f32 to vector<16xf32>
      %mul3A_1304 = arith.mulf %mul3A_1303, %get3A_1256 : vector<16xf32>
      %add3A_1305 = vector.broadcast %squeeze3A_257 : f32 to vector<16xf32>
      %add3A_1306 = arith.addf %add3A_1305, %mul3A_1304 : vector<16xf32>
      %mul3A_1307 = vector.broadcast %squeeze3A_97 : f32 to vector<16xf32>
      %mul3A_1308 = arith.mulf %mul3A_1307, %get3A_1260 : vector<16xf32>
      %add3A_1309 = arith.addf %add3A_1306, %mul3A_1308 : vector<16xf32>
      %mul3A_1310 = vector.broadcast %squeeze3A_129 : f32 to vector<16xf32>
      %mul3A_1311 = arith.mulf %mul3A_1310, %get3A_1264 : vector<16xf32>
      %add3A_1312 = arith.addf %add3A_1309, %mul3A_1311 : vector<16xf32>
      %mul3A_1313 = vector.broadcast %squeeze3A_161 : f32 to vector<16xf32>
      %mul3A_1314 = arith.mulf %mul3A_1313, %get3A_1268 : vector<16xf32>
      %add3A_1315 = arith.addf %add3A_1312, %mul3A_1314 : vector<16xf32>
      %mul3A_1316 = vector.broadcast %squeeze3A_193 : f32 to vector<16xf32>
      %mul3A_1317 = arith.mulf %mul3A_1316, %get3A_1272 : vector<16xf32>
      %add3A_1318 = arith.addf %add3A_1315, %mul3A_1317 : vector<16xf32>
      %mul3A_1319 = vector.broadcast %squeeze3A_225 : f32 to vector<16xf32>
      %mul3A_1320 = arith.mulf %mul3A_1319, %get3A_1276 : vector<16xf32>
      %add3A_1321 = arith.addf %add3A_1318, %mul3A_1320 : vector<16xf32>
      %max3A_1322 = arith.constant 0.000000e+00 : f32
      %max3A_1323 = vector.broadcast %max3A_1322 : f32 to vector<16xf32>
      %max3A_1324 = arith.maximumf %add3A_1321, %max3A_1323 : vector<16xf32>
      %mul3A_1325 = vector.broadcast %squeeze3A_289 : f32 to vector<16xf32>
      %mul3A_1326 = arith.mulf %mul3A_1325, %max3A_1324 : vector<16xf32>
      %add3A_1327 = arith.addf %add3A_1302, %mul3A_1326 : vector<16xf32>
      %mul3A_1328 = vector.broadcast %squeeze3A_67 : f32 to vector<16xf32>
      %mul3A_1329 = arith.mulf %mul3A_1328, %get3A_1256 : vector<16xf32>
      %add3A_1330 = vector.broadcast %squeeze3A_259 : f32 to vector<16xf32>
      %add3A_1331 = arith.addf %add3A_1330, %mul3A_1329 : vector<16xf32>
      %mul3A_1332 = vector.broadcast %squeeze3A_99 : f32 to vector<16xf32>
      %mul3A_1333 = arith.mulf %mul3A_1332, %get3A_1260 : vector<16xf32>
      %add3A_1334 = arith.addf %add3A_1331, %mul3A_1333 : vector<16xf32>
      %mul3A_1335 = vector.broadcast %squeeze3A_131 : f32 to vector<16xf32>
      %mul3A_1336 = arith.mulf %mul3A_1335, %get3A_1264 : vector<16xf32>
      %add3A_1337 = arith.addf %add3A_1334, %mul3A_1336 : vector<16xf32>
      %mul3A_1338 = vector.broadcast %squeeze3A_163 : f32 to vector<16xf32>
      %mul3A_1339 = arith.mulf %mul3A_1338, %get3A_1268 : vector<16xf32>
      %add3A_1340 = arith.addf %add3A_1337, %mul3A_1339 : vector<16xf32>
      %mul3A_1341 = vector.broadcast %squeeze3A_195 : f32 to vector<16xf32>
      %mul3A_1342 = arith.mulf %mul3A_1341, %get3A_1272 : vector<16xf32>
      %add3A_1343 = arith.addf %add3A_1340, %mul3A_1342 : vector<16xf32>
      %mul3A_1344 = vector.broadcast %squeeze3A_227 : f32 to vector<16xf32>
      %mul3A_1345 = arith.mulf %mul3A_1344, %get3A_1276 : vector<16xf32>
      %add3A_1346 = arith.addf %add3A_1343, %mul3A_1345 : vector<16xf32>
      %max3A_1347 = arith.constant 0.000000e+00 : f32
      %max3A_1348 = vector.broadcast %max3A_1347 : f32 to vector<16xf32>
      %max3A_1349 = arith.maximumf %add3A_1346, %max3A_1348 : vector<16xf32>
      %mul3A_1350 = vector.broadcast %squeeze3A_291 : f32 to vector<16xf32>
      %mul3A_1351 = arith.mulf %mul3A_1350, %max3A_1349 : vector<16xf32>
      %add3A_1352 = arith.addf %add3A_1327, %mul3A_1351 : vector<16xf32>
      %mul3A_1353 = vector.broadcast %squeeze3A_69 : f32 to vector<16xf32>
      %mul3A_1354 = arith.mulf %mul3A_1353, %get3A_1256 : vector<16xf32>
      %add3A_1355 = vector.broadcast %squeeze3A_261 : f32 to vector<16xf32>
      %add3A_1356 = arith.addf %add3A_1355, %mul3A_1354 : vector<16xf32>
      %mul3A_1357 = vector.broadcast %squeeze3A_101 : f32 to vector<16xf32>
      %mul3A_1358 = arith.mulf %mul3A_1357, %get3A_1260 : vector<16xf32>
      %add3A_1359 = arith.addf %add3A_1356, %mul3A_1358 : vector<16xf32>
      %mul3A_1360 = vector.broadcast %squeeze3A_133 : f32 to vector<16xf32>
      %mul3A_1361 = arith.mulf %mul3A_1360, %get3A_1264 : vector<16xf32>
      %add3A_1362 = arith.addf %add3A_1359, %mul3A_1361 : vector<16xf32>
      %mul3A_1363 = vector.broadcast %squeeze3A_165 : f32 to vector<16xf32>
      %mul3A_1364 = arith.mulf %mul3A_1363, %get3A_1268 : vector<16xf32>
      %add3A_1365 = arith.addf %add3A_1362, %mul3A_1364 : vector<16xf32>
      %mul3A_1366 = vector.broadcast %squeeze3A_197 : f32 to vector<16xf32>
      %mul3A_1367 = arith.mulf %mul3A_1366, %get3A_1272 : vector<16xf32>
      %add3A_1368 = arith.addf %add3A_1365, %mul3A_1367 : vector<16xf32>
      %mul3A_1369 = vector.broadcast %squeeze3A_229 : f32 to vector<16xf32>
      %mul3A_1370 = arith.mulf %mul3A_1369, %get3A_1276 : vector<16xf32>
      %add3A_1371 = arith.addf %add3A_1368, %mul3A_1370 : vector<16xf32>
      %max3A_1372 = arith.constant 0.000000e+00 : f32
      %max3A_1373 = vector.broadcast %max3A_1372 : f32 to vector<16xf32>
      %max3A_1374 = arith.maximumf %add3A_1371, %max3A_1373 : vector<16xf32>
      %mul3A_1375 = vector.broadcast %squeeze3A_293 : f32 to vector<16xf32>
      %mul3A_1376 = arith.mulf %mul3A_1375, %max3A_1374 : vector<16xf32>
      %add3A_1377 = arith.addf %add3A_1352, %mul3A_1376 : vector<16xf32>
      %mul3A_1378 = vector.broadcast %squeeze3A_71 : f32 to vector<16xf32>
      %mul3A_1379 = arith.mulf %mul3A_1378, %get3A_1256 : vector<16xf32>
      %add3A_1380 = vector.broadcast %squeeze3A_263 : f32 to vector<16xf32>
      %add3A_1381 = arith.addf %add3A_1380, %mul3A_1379 : vector<16xf32>
      %mul3A_1382 = vector.broadcast %squeeze3A_103 : f32 to vector<16xf32>
      %mul3A_1383 = arith.mulf %mul3A_1382, %get3A_1260 : vector<16xf32>
      %add3A_1384 = arith.addf %add3A_1381, %mul3A_1383 : vector<16xf32>
      %mul3A_1385 = vector.broadcast %squeeze3A_135 : f32 to vector<16xf32>
      %mul3A_1386 = arith.mulf %mul3A_1385, %get3A_1264 : vector<16xf32>
      %add3A_1387 = arith.addf %add3A_1384, %mul3A_1386 : vector<16xf32>
      %mul3A_1388 = vector.broadcast %squeeze3A_167 : f32 to vector<16xf32>
      %mul3A_1389 = arith.mulf %mul3A_1388, %get3A_1268 : vector<16xf32>
      %add3A_1390 = arith.addf %add3A_1387, %mul3A_1389 : vector<16xf32>
      %mul3A_1391 = vector.broadcast %squeeze3A_199 : f32 to vector<16xf32>
      %mul3A_1392 = arith.mulf %mul3A_1391, %get3A_1272 : vector<16xf32>
      %add3A_1393 = arith.addf %add3A_1390, %mul3A_1392 : vector<16xf32>
      %mul3A_1394 = vector.broadcast %squeeze3A_231 : f32 to vector<16xf32>
      %mul3A_1395 = arith.mulf %mul3A_1394, %get3A_1276 : vector<16xf32>
      %add3A_1396 = arith.addf %add3A_1393, %mul3A_1395 : vector<16xf32>
      %max3A_1397 = arith.constant 0.000000e+00 : f32
      %max3A_1398 = vector.broadcast %max3A_1397 : f32 to vector<16xf32>
      %max3A_1399 = arith.maximumf %add3A_1396, %max3A_1398 : vector<16xf32>
      %mul3A_1400 = vector.broadcast %squeeze3A_295 : f32 to vector<16xf32>
      %mul3A_1401 = arith.mulf %mul3A_1400, %max3A_1399 : vector<16xf32>
      %add3A_1402 = arith.addf %add3A_1377, %mul3A_1401 : vector<16xf32>
      %mul3A_1403 = vector.broadcast %squeeze3A_73 : f32 to vector<16xf32>
      %mul3A_1404 = arith.mulf %mul3A_1403, %get3A_1256 : vector<16xf32>
      %add3A_1405 = vector.broadcast %squeeze3A_265 : f32 to vector<16xf32>
      %add3A_1406 = arith.addf %add3A_1405, %mul3A_1404 : vector<16xf32>
      %mul3A_1407 = vector.broadcast %squeeze3A_105 : f32 to vector<16xf32>
      %mul3A_1408 = arith.mulf %mul3A_1407, %get3A_1260 : vector<16xf32>
      %add3A_1409 = arith.addf %add3A_1406, %mul3A_1408 : vector<16xf32>
      %mul3A_1410 = vector.broadcast %squeeze3A_137 : f32 to vector<16xf32>
      %mul3A_1411 = arith.mulf %mul3A_1410, %get3A_1264 : vector<16xf32>
      %add3A_1412 = arith.addf %add3A_1409, %mul3A_1411 : vector<16xf32>
      %mul3A_1413 = vector.broadcast %squeeze3A_169 : f32 to vector<16xf32>
      %mul3A_1414 = arith.mulf %mul3A_1413, %get3A_1268 : vector<16xf32>
      %add3A_1415 = arith.addf %add3A_1412, %mul3A_1414 : vector<16xf32>
      %mul3A_1416 = vector.broadcast %squeeze3A_201 : f32 to vector<16xf32>
      %mul3A_1417 = arith.mulf %mul3A_1416, %get3A_1272 : vector<16xf32>
      %add3A_1418 = arith.addf %add3A_1415, %mul3A_1417 : vector<16xf32>
      %mul3A_1419 = vector.broadcast %squeeze3A_233 : f32 to vector<16xf32>
      %mul3A_1420 = arith.mulf %mul3A_1419, %get3A_1276 : vector<16xf32>
      %add3A_1421 = arith.addf %add3A_1418, %mul3A_1420 : vector<16xf32>
      %max3A_1422 = arith.constant 0.000000e+00 : f32
      %max3A_1423 = vector.broadcast %max3A_1422 : f32 to vector<16xf32>
      %max3A_1424 = arith.maximumf %add3A_1421, %max3A_1423 : vector<16xf32>
      %mul3A_1425 = vector.broadcast %squeeze3A_297 : f32 to vector<16xf32>
      %mul3A_1426 = arith.mulf %mul3A_1425, %max3A_1424 : vector<16xf32>
      %add3A_1427 = arith.addf %add3A_1402, %mul3A_1426 : vector<16xf32>
      %mul3A_1428 = vector.broadcast %squeeze3A_75 : f32 to vector<16xf32>
      %mul3A_1429 = arith.mulf %mul3A_1428, %get3A_1256 : vector<16xf32>
      %add3A_1430 = vector.broadcast %squeeze3A_267 : f32 to vector<16xf32>
      %add3A_1431 = arith.addf %add3A_1430, %mul3A_1429 : vector<16xf32>
      %mul3A_1432 = vector.broadcast %squeeze3A_107 : f32 to vector<16xf32>
      %mul3A_1433 = arith.mulf %mul3A_1432, %get3A_1260 : vector<16xf32>
      %add3A_1434 = arith.addf %add3A_1431, %mul3A_1433 : vector<16xf32>
      %mul3A_1435 = vector.broadcast %squeeze3A_139 : f32 to vector<16xf32>
      %mul3A_1436 = arith.mulf %mul3A_1435, %get3A_1264 : vector<16xf32>
      %add3A_1437 = arith.addf %add3A_1434, %mul3A_1436 : vector<16xf32>
      %mul3A_1438 = vector.broadcast %squeeze3A_171 : f32 to vector<16xf32>
      %mul3A_1439 = arith.mulf %mul3A_1438, %get3A_1268 : vector<16xf32>
      %add3A_1440 = arith.addf %add3A_1437, %mul3A_1439 : vector<16xf32>
      %mul3A_1441 = vector.broadcast %squeeze3A_203 : f32 to vector<16xf32>
      %mul3A_1442 = arith.mulf %mul3A_1441, %get3A_1272 : vector<16xf32>
      %add3A_1443 = arith.addf %add3A_1440, %mul3A_1442 : vector<16xf32>
      %mul3A_1444 = vector.broadcast %squeeze3A_235 : f32 to vector<16xf32>
      %mul3A_1445 = arith.mulf %mul3A_1444, %get3A_1276 : vector<16xf32>
      %add3A_1446 = arith.addf %add3A_1443, %mul3A_1445 : vector<16xf32>
      %max3A_1447 = arith.constant 0.000000e+00 : f32
      %max3A_1448 = vector.broadcast %max3A_1447 : f32 to vector<16xf32>
      %max3A_1449 = arith.maximumf %add3A_1446, %max3A_1448 : vector<16xf32>
      %mul3A_1450 = vector.broadcast %squeeze3A_299 : f32 to vector<16xf32>
      %mul3A_1451 = arith.mulf %mul3A_1450, %max3A_1449 : vector<16xf32>
      %add3A_1452 = arith.addf %add3A_1427, %mul3A_1451 : vector<16xf32>
      %mul3A_1453 = vector.broadcast %squeeze3A_77 : f32 to vector<16xf32>
      %mul3A_1454 = arith.mulf %mul3A_1453, %get3A_1256 : vector<16xf32>
      %add3A_1455 = vector.broadcast %squeeze3A_269 : f32 to vector<16xf32>
      %add3A_1456 = arith.addf %add3A_1455, %mul3A_1454 : vector<16xf32>
      %mul3A_1457 = vector.broadcast %squeeze3A_109 : f32 to vector<16xf32>
      %mul3A_1458 = arith.mulf %mul3A_1457, %get3A_1260 : vector<16xf32>
      %add3A_1459 = arith.addf %add3A_1456, %mul3A_1458 : vector<16xf32>
      %mul3A_1460 = vector.broadcast %squeeze3A_141 : f32 to vector<16xf32>
      %mul3A_1461 = arith.mulf %mul3A_1460, %get3A_1264 : vector<16xf32>
      %add3A_1462 = arith.addf %add3A_1459, %mul3A_1461 : vector<16xf32>
      %mul3A_1463 = vector.broadcast %squeeze3A_173 : f32 to vector<16xf32>
      %mul3A_1464 = arith.mulf %mul3A_1463, %get3A_1268 : vector<16xf32>
      %add3A_1465 = arith.addf %add3A_1462, %mul3A_1464 : vector<16xf32>
      %mul3A_1466 = vector.broadcast %squeeze3A_205 : f32 to vector<16xf32>
      %mul3A_1467 = arith.mulf %mul3A_1466, %get3A_1272 : vector<16xf32>
      %add3A_1468 = arith.addf %add3A_1465, %mul3A_1467 : vector<16xf32>
      %mul3A_1469 = vector.broadcast %squeeze3A_237 : f32 to vector<16xf32>
      %mul3A_1470 = arith.mulf %mul3A_1469, %get3A_1276 : vector<16xf32>
      %add3A_1471 = arith.addf %add3A_1468, %mul3A_1470 : vector<16xf32>
      %max3A_1472 = arith.constant 0.000000e+00 : f32
      %max3A_1473 = vector.broadcast %max3A_1472 : f32 to vector<16xf32>
      %max3A_1474 = arith.maximumf %add3A_1471, %max3A_1473 : vector<16xf32>
      %mul3A_1475 = vector.broadcast %squeeze3A_301 : f32 to vector<16xf32>
      %mul3A_1476 = arith.mulf %mul3A_1475, %max3A_1474 : vector<16xf32>
      %add3A_1477 = arith.addf %add3A_1452, %mul3A_1476 : vector<16xf32>
      %mul3A_1478 = vector.broadcast %squeeze3A_79 : f32 to vector<16xf32>
      %mul3A_1479 = arith.mulf %mul3A_1478, %get3A_1256 : vector<16xf32>
      %add3A_1480 = vector.broadcast %squeeze3A_271 : f32 to vector<16xf32>
      %add3A_1481 = arith.addf %add3A_1480, %mul3A_1479 : vector<16xf32>
      %mul3A_1482 = vector.broadcast %squeeze3A_111 : f32 to vector<16xf32>
      %mul3A_1483 = arith.mulf %mul3A_1482, %get3A_1260 : vector<16xf32>
      %add3A_1484 = arith.addf %add3A_1481, %mul3A_1483 : vector<16xf32>
      %mul3A_1485 = vector.broadcast %squeeze3A_143 : f32 to vector<16xf32>
      %mul3A_1486 = arith.mulf %mul3A_1485, %get3A_1264 : vector<16xf32>
      %add3A_1487 = arith.addf %add3A_1484, %mul3A_1486 : vector<16xf32>
      %mul3A_1488 = vector.broadcast %squeeze3A_175 : f32 to vector<16xf32>
      %mul3A_1489 = arith.mulf %mul3A_1488, %get3A_1268 : vector<16xf32>
      %add3A_1490 = arith.addf %add3A_1487, %mul3A_1489 : vector<16xf32>
      %mul3A_1491 = vector.broadcast %squeeze3A_207 : f32 to vector<16xf32>
      %mul3A_1492 = arith.mulf %mul3A_1491, %get3A_1272 : vector<16xf32>
      %add3A_1493 = arith.addf %add3A_1490, %mul3A_1492 : vector<16xf32>
      %mul3A_1494 = vector.broadcast %squeeze3A_239 : f32 to vector<16xf32>
      %mul3A_1495 = arith.mulf %mul3A_1494, %get3A_1276 : vector<16xf32>
      %add3A_1496 = arith.addf %add3A_1493, %mul3A_1495 : vector<16xf32>
      %max3A_1497 = arith.constant 0.000000e+00 : f32
      %max3A_1498 = vector.broadcast %max3A_1497 : f32 to vector<16xf32>
      %max3A_1499 = arith.maximumf %add3A_1496, %max3A_1498 : vector<16xf32>
      %mul3A_1500 = vector.broadcast %squeeze3A_303 : f32 to vector<16xf32>
      %mul3A_1501 = arith.mulf %mul3A_1500, %max3A_1499 : vector<16xf32>
      %add3A_1502 = arith.addf %add3A_1477, %mul3A_1501 : vector<16xf32>
      %mul3A_1503 = vector.broadcast %squeeze3A_81 : f32 to vector<16xf32>
      %mul3A_1504 = arith.mulf %mul3A_1503, %get3A_1256 : vector<16xf32>
      %add3A_1505 = vector.broadcast %squeeze3A_273 : f32 to vector<16xf32>
      %add3A_1506 = arith.addf %add3A_1505, %mul3A_1504 : vector<16xf32>
      %mul3A_1507 = vector.broadcast %squeeze3A_113 : f32 to vector<16xf32>
      %mul3A_1508 = arith.mulf %mul3A_1507, %get3A_1260 : vector<16xf32>
      %add3A_1509 = arith.addf %add3A_1506, %mul3A_1508 : vector<16xf32>
      %mul3A_1510 = vector.broadcast %squeeze3A_145 : f32 to vector<16xf32>
      %mul3A_1511 = arith.mulf %mul3A_1510, %get3A_1264 : vector<16xf32>
      %add3A_1512 = arith.addf %add3A_1509, %mul3A_1511 : vector<16xf32>
      %mul3A_1513 = vector.broadcast %squeeze3A_177 : f32 to vector<16xf32>
      %mul3A_1514 = arith.mulf %mul3A_1513, %get3A_1268 : vector<16xf32>
      %add3A_1515 = arith.addf %add3A_1512, %mul3A_1514 : vector<16xf32>
      %mul3A_1516 = vector.broadcast %squeeze3A_209 : f32 to vector<16xf32>
      %mul3A_1517 = arith.mulf %mul3A_1516, %get3A_1272 : vector<16xf32>
      %add3A_1518 = arith.addf %add3A_1515, %mul3A_1517 : vector<16xf32>
      %mul3A_1519 = vector.broadcast %squeeze3A_241 : f32 to vector<16xf32>
      %mul3A_1520 = arith.mulf %mul3A_1519, %get3A_1276 : vector<16xf32>
      %add3A_1521 = arith.addf %add3A_1518, %mul3A_1520 : vector<16xf32>
      %max3A_1522 = arith.constant 0.000000e+00 : f32
      %max3A_1523 = vector.broadcast %max3A_1522 : f32 to vector<16xf32>
      %max3A_1524 = arith.maximumf %add3A_1521, %max3A_1523 : vector<16xf32>
      %mul3A_1525 = vector.broadcast %squeeze3A_305 : f32 to vector<16xf32>
      %mul3A_1526 = arith.mulf %mul3A_1525, %max3A_1524 : vector<16xf32>
      %add3A_1527 = arith.addf %add3A_1502, %mul3A_1526 : vector<16xf32>
      %mul3A_1528 = vector.broadcast %squeeze3A_83 : f32 to vector<16xf32>
      %mul3A_1529 = arith.mulf %mul3A_1528, %get3A_1256 : vector<16xf32>
      %add3A_1530 = vector.broadcast %squeeze3A_275 : f32 to vector<16xf32>
      %add3A_1531 = arith.addf %add3A_1530, %mul3A_1529 : vector<16xf32>
      %mul3A_1532 = vector.broadcast %squeeze3A_115 : f32 to vector<16xf32>
      %mul3A_1533 = arith.mulf %mul3A_1532, %get3A_1260 : vector<16xf32>
      %add3A_1534 = arith.addf %add3A_1531, %mul3A_1533 : vector<16xf32>
      %mul3A_1535 = vector.broadcast %squeeze3A_147 : f32 to vector<16xf32>
      %mul3A_1536 = arith.mulf %mul3A_1535, %get3A_1264 : vector<16xf32>
      %add3A_1537 = arith.addf %add3A_1534, %mul3A_1536 : vector<16xf32>
      %mul3A_1538 = vector.broadcast %squeeze3A_179 : f32 to vector<16xf32>
      %mul3A_1539 = arith.mulf %mul3A_1538, %get3A_1268 : vector<16xf32>
      %add3A_1540 = arith.addf %add3A_1537, %mul3A_1539 : vector<16xf32>
      %mul3A_1541 = vector.broadcast %squeeze3A_211 : f32 to vector<16xf32>
      %mul3A_1542 = arith.mulf %mul3A_1541, %get3A_1272 : vector<16xf32>
      %add3A_1543 = arith.addf %add3A_1540, %mul3A_1542 : vector<16xf32>
      %mul3A_1544 = vector.broadcast %squeeze3A_243 : f32 to vector<16xf32>
      %mul3A_1545 = arith.mulf %mul3A_1544, %get3A_1276 : vector<16xf32>
      %add3A_1546 = arith.addf %add3A_1543, %mul3A_1545 : vector<16xf32>
      %max3A_1547 = arith.constant 0.000000e+00 : f32
      %max3A_1548 = vector.broadcast %max3A_1547 : f32 to vector<16xf32>
      %max3A_1549 = arith.maximumf %add3A_1546, %max3A_1548 : vector<16xf32>
      %mul3A_1550 = vector.broadcast %squeeze3A_307 : f32 to vector<16xf32>
      %mul3A_1551 = arith.mulf %mul3A_1550, %max3A_1549 : vector<16xf32>
      %add3A_1552 = arith.addf %add3A_1527, %mul3A_1551 : vector<16xf32>
      %mul3A_1553 = vector.broadcast %squeeze3A_85 : f32 to vector<16xf32>
      %mul3A_1554 = arith.mulf %mul3A_1553, %get3A_1256 : vector<16xf32>
      %add3A_1555 = vector.broadcast %squeeze3A_277 : f32 to vector<16xf32>
      %add3A_1556 = arith.addf %add3A_1555, %mul3A_1554 : vector<16xf32>
      %mul3A_1557 = vector.broadcast %squeeze3A_117 : f32 to vector<16xf32>
      %mul3A_1558 = arith.mulf %mul3A_1557, %get3A_1260 : vector<16xf32>
      %add3A_1559 = arith.addf %add3A_1556, %mul3A_1558 : vector<16xf32>
      %mul3A_1560 = vector.broadcast %squeeze3A_149 : f32 to vector<16xf32>
      %mul3A_1561 = arith.mulf %mul3A_1560, %get3A_1264 : vector<16xf32>
      %add3A_1562 = arith.addf %add3A_1559, %mul3A_1561 : vector<16xf32>
      %mul3A_1563 = vector.broadcast %squeeze3A_181 : f32 to vector<16xf32>
      %mul3A_1564 = arith.mulf %mul3A_1563, %get3A_1268 : vector<16xf32>
      %add3A_1565 = arith.addf %add3A_1562, %mul3A_1564 : vector<16xf32>
      %mul3A_1566 = vector.broadcast %squeeze3A_213 : f32 to vector<16xf32>
      %mul3A_1567 = arith.mulf %mul3A_1566, %get3A_1272 : vector<16xf32>
      %add3A_1568 = arith.addf %add3A_1565, %mul3A_1567 : vector<16xf32>
      %mul3A_1569 = vector.broadcast %squeeze3A_245 : f32 to vector<16xf32>
      %mul3A_1570 = arith.mulf %mul3A_1569, %get3A_1276 : vector<16xf32>
      %add3A_1571 = arith.addf %add3A_1568, %mul3A_1570 : vector<16xf32>
      %max3A_1572 = arith.constant 0.000000e+00 : f32
      %max3A_1573 = vector.broadcast %max3A_1572 : f32 to vector<16xf32>
      %max3A_1574 = arith.maximumf %add3A_1571, %max3A_1573 : vector<16xf32>
      %mul3A_1575 = vector.broadcast %squeeze3A_309 : f32 to vector<16xf32>
      %mul3A_1576 = arith.mulf %mul3A_1575, %max3A_1574 : vector<16xf32>
      %add3A_1577 = arith.addf %add3A_1552, %mul3A_1576 : vector<16xf32>
      %mul3A_1578 = vector.broadcast %squeeze3A_87 : f32 to vector<16xf32>
      %mul3A_1579 = arith.mulf %mul3A_1578, %get3A_1256 : vector<16xf32>
      %add3A_1580 = vector.broadcast %squeeze3A_279 : f32 to vector<16xf32>
      %add3A_1581 = arith.addf %add3A_1580, %mul3A_1579 : vector<16xf32>
      %mul3A_1582 = vector.broadcast %squeeze3A_119 : f32 to vector<16xf32>
      %mul3A_1583 = arith.mulf %mul3A_1582, %get3A_1260 : vector<16xf32>
      %add3A_1584 = arith.addf %add3A_1581, %mul3A_1583 : vector<16xf32>
      %mul3A_1585 = vector.broadcast %squeeze3A_151 : f32 to vector<16xf32>
      %mul3A_1586 = arith.mulf %mul3A_1585, %get3A_1264 : vector<16xf32>
      %add3A_1587 = arith.addf %add3A_1584, %mul3A_1586 : vector<16xf32>
      %mul3A_1588 = vector.broadcast %squeeze3A_183 : f32 to vector<16xf32>
      %mul3A_1589 = arith.mulf %mul3A_1588, %get3A_1268 : vector<16xf32>
      %add3A_1590 = arith.addf %add3A_1587, %mul3A_1589 : vector<16xf32>
      %mul3A_1591 = vector.broadcast %squeeze3A_215 : f32 to vector<16xf32>
      %mul3A_1592 = arith.mulf %mul3A_1591, %get3A_1272 : vector<16xf32>
      %add3A_1593 = arith.addf %add3A_1590, %mul3A_1592 : vector<16xf32>
      %mul3A_1594 = vector.broadcast %squeeze3A_247 : f32 to vector<16xf32>
      %mul3A_1595 = arith.mulf %mul3A_1594, %get3A_1276 : vector<16xf32>
      %add3A_1596 = arith.addf %add3A_1593, %mul3A_1595 : vector<16xf32>
      %max3A_1597 = arith.constant 0.000000e+00 : f32
      %max3A_1598 = vector.broadcast %max3A_1597 : f32 to vector<16xf32>
      %max3A_1599 = arith.maximumf %add3A_1596, %max3A_1598 : vector<16xf32>
      %mul3A_1600 = vector.broadcast %squeeze3A_311 : f32 to vector<16xf32>
      %mul3A_1601 = arith.mulf %mul3A_1600, %max3A_1599 : vector<16xf32>
      %add3A_1602 = arith.addf %add3A_1577, %mul3A_1601 : vector<16xf32>
      %mul3A_1603 = vector.broadcast %squeeze3A_89 : f32 to vector<16xf32>
      %mul3A_1604 = arith.mulf %mul3A_1603, %get3A_1256 : vector<16xf32>
      %add3A_1605 = vector.broadcast %squeeze3A_281 : f32 to vector<16xf32>
      %add3A_1606 = arith.addf %add3A_1605, %mul3A_1604 : vector<16xf32>
      %mul3A_1607 = vector.broadcast %squeeze3A_121 : f32 to vector<16xf32>
      %mul3A_1608 = arith.mulf %mul3A_1607, %get3A_1260 : vector<16xf32>
      %add3A_1609 = arith.addf %add3A_1606, %mul3A_1608 : vector<16xf32>
      %mul3A_1610 = vector.broadcast %squeeze3A_153 : f32 to vector<16xf32>
      %mul3A_1611 = arith.mulf %mul3A_1610, %get3A_1264 : vector<16xf32>
      %add3A_1612 = arith.addf %add3A_1609, %mul3A_1611 : vector<16xf32>
      %mul3A_1613 = vector.broadcast %squeeze3A_185 : f32 to vector<16xf32>
      %mul3A_1614 = arith.mulf %mul3A_1613, %get3A_1268 : vector<16xf32>
      %add3A_1615 = arith.addf %add3A_1612, %mul3A_1614 : vector<16xf32>
      %mul3A_1616 = vector.broadcast %squeeze3A_217 : f32 to vector<16xf32>
      %mul3A_1617 = arith.mulf %mul3A_1616, %get3A_1272 : vector<16xf32>
      %add3A_1618 = arith.addf %add3A_1615, %mul3A_1617 : vector<16xf32>
      %mul3A_1619 = vector.broadcast %squeeze3A_249 : f32 to vector<16xf32>
      %mul3A_1620 = arith.mulf %mul3A_1619, %get3A_1276 : vector<16xf32>
      %add3A_1621 = arith.addf %add3A_1618, %mul3A_1620 : vector<16xf32>
      %max3A_1622 = arith.constant 0.000000e+00 : f32
      %max3A_1623 = vector.broadcast %max3A_1622 : f32 to vector<16xf32>
      %max3A_1624 = arith.maximumf %add3A_1621, %max3A_1623 : vector<16xf32>
      %mul3A_1625 = vector.broadcast %squeeze3A_313 : f32 to vector<16xf32>
      %mul3A_1626 = arith.mulf %mul3A_1625, %max3A_1624 : vector<16xf32>
      %add3A_1627 = arith.addf %add3A_1602, %mul3A_1626 : vector<16xf32>
      %mul3A_1628 = vector.broadcast %squeeze3A_91 : f32 to vector<16xf32>
      %mul3A_1629 = arith.mulf %mul3A_1628, %get3A_1256 : vector<16xf32>
      %add3A_1630 = vector.broadcast %squeeze3A_283 : f32 to vector<16xf32>
      %add3A_1631 = arith.addf %add3A_1630, %mul3A_1629 : vector<16xf32>
      %mul3A_1632 = vector.broadcast %squeeze3A_123 : f32 to vector<16xf32>
      %mul3A_1633 = arith.mulf %mul3A_1632, %get3A_1260 : vector<16xf32>
      %add3A_1634 = arith.addf %add3A_1631, %mul3A_1633 : vector<16xf32>
      %mul3A_1635 = vector.broadcast %squeeze3A_155 : f32 to vector<16xf32>
      %mul3A_1636 = arith.mulf %mul3A_1635, %get3A_1264 : vector<16xf32>
      %add3A_1637 = arith.addf %add3A_1634, %mul3A_1636 : vector<16xf32>
      %mul3A_1638 = vector.broadcast %squeeze3A_187 : f32 to vector<16xf32>
      %mul3A_1639 = arith.mulf %mul3A_1638, %get3A_1268 : vector<16xf32>
      %add3A_1640 = arith.addf %add3A_1637, %mul3A_1639 : vector<16xf32>
      %mul3A_1641 = vector.broadcast %squeeze3A_219 : f32 to vector<16xf32>
      %mul3A_1642 = arith.mulf %mul3A_1641, %get3A_1272 : vector<16xf32>
      %add3A_1643 = arith.addf %add3A_1640, %mul3A_1642 : vector<16xf32>
      %mul3A_1644 = vector.broadcast %squeeze3A_251 : f32 to vector<16xf32>
      %mul3A_1645 = arith.mulf %mul3A_1644, %get3A_1276 : vector<16xf32>
      %add3A_1646 = arith.addf %add3A_1643, %mul3A_1645 : vector<16xf32>
      %max3A_1647 = arith.constant 0.000000e+00 : f32
      %max3A_1648 = vector.broadcast %max3A_1647 : f32 to vector<16xf32>
      %max3A_1649 = arith.maximumf %add3A_1646, %max3A_1648 : vector<16xf32>
      %mul3A_1650 = vector.broadcast %squeeze3A_315 : f32 to vector<16xf32>
      %mul3A_1651 = arith.mulf %mul3A_1650, %max3A_1649 : vector<16xf32>
      %add3A_1652 = arith.addf %add3A_1627, %mul3A_1651 : vector<16xf32>
      %mul3A_1653 = vector.broadcast %squeeze3A_93 : f32 to vector<16xf32>
      %mul3A_1654 = arith.mulf %mul3A_1653, %get3A_1256 : vector<16xf32>
      %add3A_1655 = vector.broadcast %squeeze3A_285 : f32 to vector<16xf32>
      %add3A_1656 = arith.addf %add3A_1655, %mul3A_1654 : vector<16xf32>
      %mul3A_1657 = vector.broadcast %squeeze3A_125 : f32 to vector<16xf32>
      %mul3A_1658 = arith.mulf %mul3A_1657, %get3A_1260 : vector<16xf32>
      %add3A_1659 = arith.addf %add3A_1656, %mul3A_1658 : vector<16xf32>
      %mul3A_1660 = vector.broadcast %squeeze3A_157 : f32 to vector<16xf32>
      %mul3A_1661 = arith.mulf %mul3A_1660, %get3A_1264 : vector<16xf32>
      %add3A_1662 = arith.addf %add3A_1659, %mul3A_1661 : vector<16xf32>
      %mul3A_1663 = vector.broadcast %squeeze3A_189 : f32 to vector<16xf32>
      %mul3A_1664 = arith.mulf %mul3A_1663, %get3A_1268 : vector<16xf32>
      %add3A_1665 = arith.addf %add3A_1662, %mul3A_1664 : vector<16xf32>
      %mul3A_1666 = vector.broadcast %squeeze3A_221 : f32 to vector<16xf32>
      %mul3A_1667 = arith.mulf %mul3A_1666, %get3A_1272 : vector<16xf32>
      %add3A_1668 = arith.addf %add3A_1665, %mul3A_1667 : vector<16xf32>
      %mul3A_1669 = vector.broadcast %squeeze3A_253 : f32 to vector<16xf32>
      %mul3A_1670 = arith.mulf %mul3A_1669, %get3A_1276 : vector<16xf32>
      %add3A_1671 = arith.addf %add3A_1668, %mul3A_1670 : vector<16xf32>
      %max3A_1672 = arith.constant 0.000000e+00 : f32
      %max3A_1673 = vector.broadcast %max3A_1672 : f32 to vector<16xf32>
      %max3A_1674 = arith.maximumf %add3A_1671, %max3A_1673 : vector<16xf32>
      %mul3A_1675 = vector.broadcast %squeeze3A_317 : f32 to vector<16xf32>
      %mul3A_1676 = arith.mulf %mul3A_1675, %max3A_1674 : vector<16xf32>
      %add3A_1677 = arith.addf %add3A_1652, %mul3A_1676 : vector<16xf32>
      %mul3A_1678 = arith.constant 128 : i32
      %mul3A_1679 = arith.muli %scan3A_389, %mul3A_1678 : i32
      %add3A_1680 = arith.constant 48 : i32
      %add3A_1681 = arith.addi %mul3A_1679, %add3A_1680 : i32
      %add3A_1682 = arith.constant 0 : i32
      %add3A_1683 = arith.addi %add3A_1682, %add3A_1681 : i32
      %get3A_1684 = arith.index_cast %add3A_1683 : i32 to index
      %get3A_1685 = tpu.vector_load %arg5[%get3A_1684] {strides = array<i32>} : memref<6144xf32, #tpu.memory_space<vmem>>, vector<16xf32>,
      %add3A_1686 = arith.constant 1024 : i32
      %add3A_1687 = arith.addi %add3A_1686, %add3A_1681 : i32
      %get3A_1688 = arith.index_cast %add3A_1687 : i32 to index
      %get3A_1689 = tpu.vector_load %arg5[%get3A_1688] {strides = array<i32>} : memref<6144xf32, #tpu.memory_space<vmem>>, vector<16xf32>,
      %add3A_1690 = arith.constant 2048 : i32
      %add3A_1691 = arith.addi %add3A_1690, %add3A_1681 : i32
      %get3A_1692 = arith.index_cast %add3A_1691 : i32 to index
      %get3A_1693 = tpu.vector_load %arg5[%get3A_1692] {strides = array<i32>} : memref<6144xf32, #tpu.memory_space<vmem>>, vector<16xf32>,
      %add3A_1694 = arith.constant 3072 : i32
      %add3A_1695 = arith.addi %add3A_1694, %add3A_1681 : i32
      %get3A_1696 = arith.index_cast %add3A_1695 : i32 to index
      %get3A_1697 = tpu.vector_load %arg5[%get3A_1696] {strides = array<i32>} : memref<6144xf32, #tpu.memory_space<vmem>>, vector<16xf32>,
      %add3A_1698 = arith.constant 4096 : i32
      %add3A_1699 = arith.addi %add3A_1698, %add3A_1681 : i32
      %get3A_1700 = arith.index_cast %add3A_1699 : i32 to index
      %get3A_1701 = tpu.vector_load %arg5[%get3A_1700] {strides = array<i32>} : memref<6144xf32, #tpu.memory_space<vmem>>, vector<16xf32>,
      %add3A_1702 = arith.constant 5120 : i32
      %add3A_1703 = arith.addi %add3A_1702, %add3A_1681 : i32
      %get3A_1704 = arith.index_cast %add3A_1703 : i32 to index
      %get3A_1705 = tpu.vector_load %arg5[%get3A_1704] {strides = array<i32>} : memref<6144xf32, #tpu.memory_space<vmem>>, vector<16xf32>,
      %broadcast_in_dim3A_1706 = vector.broadcast %squeeze3A_321 : f32 to vector<16xf32>
      %mul3A_1707 = vector.broadcast %squeeze3A : f32 to vector<16xf32>
      %mul3A_1708 = arith.mulf %mul3A_1707, %get3A_1685 : vector<16xf32>
      %add3A_1709 = vector.broadcast %squeeze3A_255 : f32 to vector<16xf32>
      %add3A_1710 = arith.addf %add3A_1709, %mul3A_1708 : vector<16xf32>
      %mul3A_1711 = vector.broadcast %squeeze3A_95 : f32 to vector<16xf32>
      %mul3A_1712 = arith.mulf %mul3A_1711, %get3A_1689 : vector<16xf32>
      %add3A_1713 = arith.addf %add3A_1710, %mul3A_1712 : vector<16xf32>
      %mul3A_1714 = vector.broadcast %squeeze3A_127 : f32 to vector<16xf32>
      %mul3A_1715 = arith.mulf %mul3A_1714, %get3A_1693 : vector<16xf32>
      %add3A_1716 = arith.addf %add3A_1713, %mul3A_1715 : vector<16xf32>
      %mul3A_1717 = vector.broadcast %squeeze3A_159 : f32 to vector<16xf32>
      %mul3A_1718 = arith.mulf %mul3A_1717, %get3A_1697 : vector<16xf32>
      %add3A_1719 = arith.addf %add3A_1716, %mul3A_1718 : vector<16xf32>
      %mul3A_1720 = vector.broadcast %squeeze3A_191 : f32 to vector<16xf32>
      %mul3A_1721 = arith.mulf %mul3A_1720, %get3A_1701 : vector<16xf32>
      %add3A_1722 = arith.addf %add3A_1719, %mul3A_1721 : vector<16xf32>
      %mul3A_1723 = vector.broadcast %squeeze3A_223 : f32 to vector<16xf32>
      %mul3A_1724 = arith.mulf %mul3A_1723, %get3A_1705 : vector<16xf32>
      %add3A_1725 = arith.addf %add3A_1722, %mul3A_1724 : vector<16xf32>
      %max3A_1726 = arith.constant 0.000000e+00 : f32
      %max3A_1727 = vector.broadcast %max3A_1726 : f32 to vector<16xf32>
      %max3A_1728 = arith.maximumf %add3A_1725, %max3A_1727 : vector<16xf32>
      %mul3A_1729 = vector.broadcast %squeeze3A_287 : f32 to vector<16xf32>
      %mul3A_1730 = arith.mulf %mul3A_1729, %max3A_1728 : vector<16xf32>
      %add3A_1731 = arith.addf %broadcast_in_dim3A_1706, %mul3A_1730 : vector<16xf32>
      %mul3A_1732 = vector.broadcast %squeeze3A_65 : f32 to vector<16xf32>
      %mul3A_1733 = arith.mulf %mul3A_1732, %get3A_1685 : vector<16xf32>
      %add3A_1734 = vector.broadcast %squeeze3A_257 : f32 to vector<16xf32>
      %add3A_1735 = arith.addf %add3A_1734, %mul3A_1733 : vector<16xf32>
      %mul3A_1736 = vector.broadcast %squeeze3A_97 : f32 to vector<16xf32>
      %mul3A_1737 = arith.mulf %mul3A_1736, %get3A_1689 : vector<16xf32>
      %add3A_1738 = arith.addf %add3A_1735, %mul3A_1737 : vector<16xf32>
      %mul3A_1739 = vector.broadcast %squeeze3A_129 : f32 to vector<16xf32>
      %mul3A_1740 = arith.mulf %mul3A_1739, %get3A_1693 : vector<16xf32>
      %add3A_1741 = arith.addf %add3A_1738, %mul3A_1740 : vector<16xf32>
      %mul3A_1742 = vector.broadcast %squeeze3A_161 : f32 to vector<16xf32>
      %mul3A_1743 = arith.mulf %mul3A_1742, %get3A_1697 : vector<16xf32>
      %add3A_1744 = arith.addf %add3A_1741, %mul3A_1743 : vector<16xf32>
      %mul3A_1745 = vector.broadcast %squeeze3A_193 : f32 to vector<16xf32>
      %mul3A_1746 = arith.mulf %mul3A_1745, %get3A_1701 : vector<16xf32>
      %add3A_1747 = arith.addf %add3A_1744, %mul3A_1746 : vector<16xf32>
      %mul3A_1748 = vector.broadcast %squeeze3A_225 : f32 to vector<16xf32>
      %mul3A_1749 = arith.mulf %mul3A_1748, %get3A_1705 : vector<16xf32>
      %add3A_1750 = arith.addf %add3A_1747, %mul3A_1749 : vector<16xf32>
      %max3A_1751 = arith.constant 0.000000e+00 : f32
      %max3A_1752 = vector.broadcast %max3A_1751 : f32 to vector<16xf32>
      %max3A_1753 = arith.maximumf %add3A_1750, %max3A_1752 : vector<16xf32>
      %mul3A_1754 = vector.broadcast %squeeze3A_289 : f32 to vector<16xf32>
      %mul3A_1755 = arith.mulf %mul3A_1754, %max3A_1753 : vector<16xf32>
      %add3A_1756 = arith.addf %add3A_1731, %mul3A_1755 : vector<16xf32>
      %mul3A_1757 = vector.broadcast %squeeze3A_67 : f32 to vector<16xf32>
      %mul3A_1758 = arith.mulf %mul3A_1757, %get3A_1685 : vector<16xf32>
      %add3A_1759 = vector.broadcast %squeeze3A_259 : f32 to vector<16xf32>
      %add3A_1760 = arith.addf %add3A_1759, %mul3A_1758 : vector<16xf32>
      %mul3A_1761 = vector.broadcast %squeeze3A_99 : f32 to vector<16xf32>
      %mul3A_1762 = arith.mulf %mul3A_1761, %get3A_1689 : vector<16xf32>
      %add3A_1763 = arith.addf %add3A_1760, %mul3A_1762 : vector<16xf32>
      %mul3A_1764 = vector.broadcast %squeeze3A_131 : f32 to vector<16xf32>
      %mul3A_1765 = arith.mulf %mul3A_1764, %get3A_1693 : vector<16xf32>
      %add3A_1766 = arith.addf %add3A_1763, %mul3A_1765 : vector<16xf32>
      %mul3A_1767 = vector.broadcast %squeeze3A_163 : f32 to vector<16xf32>
      %mul3A_1768 = arith.mulf %mul3A_1767, %get3A_1697 : vector<16xf32>
      %add3A_1769 = arith.addf %add3A_1766, %mul3A_1768 : vector<16xf32>
      %mul3A_1770 = vector.broadcast %squeeze3A_195 : f32 to vector<16xf32>
      %mul3A_1771 = arith.mulf %mul3A_1770, %get3A_1701 : vector<16xf32>
      %add3A_1772 = arith.addf %add3A_1769, %mul3A_1771 : vector<16xf32>
      %mul3A_1773 = vector.broadcast %squeeze3A_227 : f32 to vector<16xf32>
      %mul3A_1774 = arith.mulf %mul3A_1773, %get3A_1705 : vector<16xf32>
      %add3A_1775 = arith.addf %add3A_1772, %mul3A_1774 : vector<16xf32>
      %max3A_1776 = arith.constant 0.000000e+00 : f32
      %max3A_1777 = vector.broadcast %max3A_1776 : f32 to vector<16xf32>
      %max3A_1778 = arith.maximumf %add3A_1775, %max3A_1777 : vector<16xf32>
      %mul3A_1779 = vector.broadcast %squeeze3A_291 : f32 to vector<16xf32>
      %mul3A_1780 = arith.mulf %mul3A_1779, %max3A_1778 : vector<16xf32>
      %add3A_1781 = arith.addf %add3A_1756, %mul3A_1780 : vector<16xf32>
      %mul3A_1782 = vector.broadcast %squeeze3A_69 : f32 to vector<16xf32>
      %mul3A_1783 = arith.mulf %mul3A_1782, %get3A_1685 : vector<16xf32>
      %add3A_1784 = vector.broadcast %squeeze3A_261 : f32 to vector<16xf32>
      %add3A_1785 = arith.addf %add3A_1784, %mul3A_1783 : vector<16xf32>
      %mul3A_1786 = vector.broadcast %squeeze3A_101 : f32 to vector<16xf32>
      %mul3A_1787 = arith.mulf %mul3A_1786, %get3A_1689 : vector<16xf32>
      %add3A_1788 = arith.addf %add3A_1785, %mul3A_1787 : vector<16xf32>
      %mul3A_1789 = vector.broadcast %squeeze3A_133 : f32 to vector<16xf32>
      %mul3A_1790 = arith.mulf %mul3A_1789, %get3A_1693 : vector<16xf32>
      %add3A_1791 = arith.addf %add3A_1788, %mul3A_1790 : vector<16xf32>
      %mul3A_1792 = vector.broadcast %squeeze3A_165 : f32 to vector<16xf32>
      %mul3A_1793 = arith.mulf %mul3A_1792, %get3A_1697 : vector<16xf32>
      %add3A_1794 = arith.addf %add3A_1791, %mul3A_1793 : vector<16xf32>
      %mul3A_1795 = vector.broadcast %squeeze3A_197 : f32 to vector<16xf32>
      %mul3A_1796 = arith.mulf %mul3A_1795, %get3A_1701 : vector<16xf32>
      %add3A_1797 = arith.addf %add3A_1794, %mul3A_1796 : vector<16xf32>
      %mul3A_1798 = vector.broadcast %squeeze3A_229 : f32 to vector<16xf32>
      %mul3A_1799 = arith.mulf %mul3A_1798, %get3A_1705 : vector<16xf32>
      %add3A_1800 = arith.addf %add3A_1797, %mul3A_1799 : vector<16xf32>
      %max3A_1801 = arith.constant 0.000000e+00 : f32
      %max3A_1802 = vector.broadcast %max3A_1801 : f32 to vector<16xf32>
      %max3A_1803 = arith.maximumf %add3A_1800, %max3A_1802 : vector<16xf32>
      %mul3A_1804 = vector.broadcast %squeeze3A_293 : f32 to vector<16xf32>
      %mul3A_1805 = arith.mulf %mul3A_1804, %max3A_1803 : vector<16xf32>
      %add3A_1806 = arith.addf %add3A_1781, %mul3A_1805 : vector<16xf32>
      %mul3A_1807 = vector.broadcast %squeeze3A_71 : f32 to vector<16xf32>
      %mul3A_1808 = arith.mulf %mul3A_1807, %get3A_1685 : vector<16xf32>
      %add3A_1809 = vector.broadcast %squeeze3A_263 : f32 to vector<16xf32>
      %add3A_1810 = arith.addf %add3A_1809, %mul3A_1808 : vector<16xf32>
      %mul3A_1811 = vector.broadcast %squeeze3A_103 : f32 to vector<16xf32>
      %mul3A_1812 = arith.mulf %mul3A_1811, %get3A_1689 : vector<16xf32>
      %add3A_1813 = arith.addf %add3A_1810, %mul3A_1812 : vector<16xf32>
      %mul3A_1814 = vector.broadcast %squeeze3A_135 : f32 to vector<16xf32>
      %mul3A_1815 = arith.mulf %mul3A_1814, %get3A_1693 : vector<16xf32>
      %add3A_1816 = arith.addf %add3A_1813, %mul3A_1815 : vector<16xf32>
      %mul3A_1817 = vector.broadcast %squeeze3A_167 : f32 to vector<16xf32>
      %mul3A_1818 = arith.mulf %mul3A_1817, %get3A_1697 : vector<16xf32>
      %add3A_1819 = arith.addf %add3A_1816, %mul3A_1818 : vector<16xf32>
      %mul3A_1820 = vector.broadcast %squeeze3A_199 : f32 to vector<16xf32>
      %mul3A_1821 = arith.mulf %mul3A_1820, %get3A_1701 : vector<16xf32>
      %add3A_1822 = arith.addf %add3A_1819, %mul3A_1821 : vector<16xf32>
      %mul3A_1823 = vector.broadcast %squeeze3A_231 : f32 to vector<16xf32>
      %mul3A_1824 = arith.mulf %mul3A_1823, %get3A_1705 : vector<16xf32>
      %add3A_1825 = arith.addf %add3A_1822, %mul3A_1824 : vector<16xf32>
      %max3A_1826 = arith.constant 0.000000e+00 : f32
      %max3A_1827 = vector.broadcast %max3A_1826 : f32 to vector<16xf32>
      %max3A_1828 = arith.maximumf %add3A_1825, %max3A_1827 : vector<16xf32>
      %mul3A_1829 = vector.broadcast %squeeze3A_295 : f32 to vector<16xf32>
      %mul3A_1830 = arith.mulf %mul3A_1829, %max3A_1828 : vector<16xf32>
      %add3A_1831 = arith.addf %add3A_1806, %mul3A_1830 : vector<16xf32>
      %mul3A_1832 = vector.broadcast %squeeze3A_73 : f32 to vector<16xf32>
      %mul3A_1833 = arith.mulf %mul3A_1832, %get3A_1685 : vector<16xf32>
      %add3A_1834 = vector.broadcast %squeeze3A_265 : f32 to vector<16xf32>
      %add3A_1835 = arith.addf %add3A_1834, %mul3A_1833 : vector<16xf32>
      %mul3A_1836 = vector.broadcast %squeeze3A_105 : f32 to vector<16xf32>
      %mul3A_1837 = arith.mulf %mul3A_1836, %get3A_1689 : vector<16xf32>
      %add3A_1838 = arith.addf %add3A_1835, %mul3A_1837 : vector<16xf32>
      %mul3A_1839 = vector.broadcast %squeeze3A_137 : f32 to vector<16xf32>
      %mul3A_1840 = arith.mulf %mul3A_1839, %get3A_1693 : vector<16xf32>
      %add3A_1841 = arith.addf %add3A_1838, %mul3A_1840 : vector<16xf32>
      %mul3A_1842 = vector.broadcast %squeeze3A_169 : f32 to vector<16xf32>
      %mul3A_1843 = arith.mulf %mul3A_1842, %get3A_1697 : vector<16xf32>
      %add3A_1844 = arith.addf %add3A_1841, %mul3A_1843 : vector<16xf32>
      %mul3A_1845 = vector.broadcast %squeeze3A_201 : f32 to vector<16xf32>
      %mul3A_1846 = arith.mulf %mul3A_1845, %get3A_1701 : vector<16xf32>
      %add3A_1847 = arith.addf %add3A_1844, %mul3A_1846 : vector<16xf32>
      %mul3A_1848 = vector.broadcast %squeeze3A_233 : f32 to vector<16xf32>
      %mul3A_1849 = arith.mulf %mul3A_1848, %get3A_1705 : vector<16xf32>
      %add3A_1850 = arith.addf %add3A_1847, %mul3A_1849 : vector<16xf32>
      %max3A_1851 = arith.constant 0.000000e+00 : f32
      %max3A_1852 = vector.broadcast %max3A_1851 : f32 to vector<16xf32>
      %max3A_1853 = arith.maximumf %add3A_1850, %max3A_1852 : vector<16xf32>
      %mul3A_1854 = vector.broadcast %squeeze3A_297 : f32 to vector<16xf32>
      %mul3A_1855 = arith.mulf %mul3A_1854, %max3A_1853 : vector<16xf32>
      %add3A_1856 = arith.addf %add3A_1831, %mul3A_1855 : vector<16xf32>
      %mul3A_1857 = vector.broadcast %squeeze3A_75 : f32 to vector<16xf32>
      %mul3A_1858 = arith.mulf %mul3A_1857, %get3A_1685 : vector<16xf32>
      %add3A_1859 = vector.broadcast %squeeze3A_267 : f32 to vector<16xf32>
      %add3A_1860 = arith.addf %add3A_1859, %mul3A_1858 : vector<16xf32>
      %mul3A_1861 = vector.broadcast %squeeze3A_107 : f32 to vector<16xf32>
      %mul3A_1862 = arith.mulf %mul3A_1861, %get3A_1689 : vector<16xf32>
      %add3A_1863 = arith.addf %add3A_1860, %mul3A_1862 : vector<16xf32>
      %mul3A_1864 = vector.broadcast %squeeze3A_139 : f32 to vector<16xf32>
      %mul3A_1865 = arith.mulf %mul3A_1864, %get3A_1693 : vector<16xf32>
      %add3A_1866 = arith.addf %add3A_1863, %mul3A_1865 : vector<16xf32>
      %mul3A_1867 = vector.broadcast %squeeze3A_171 : f32 to vector<16xf32>
      %mul3A_1868 = arith.mulf %mul3A_1867, %get3A_1697 : vector<16xf32>
      %add3A_1869 = arith.addf %add3A_1866, %mul3A_1868 : vector<16xf32>
      %mul3A_1870 = vector.broadcast %squeeze3A_203 : f32 to vector<16xf32>
      %mul3A_1871 = arith.mulf %mul3A_1870, %get3A_1701 : vector<16xf32>
      %add3A_1872 = arith.addf %add3A_1869, %mul3A_1871 : vector<16xf32>
      %mul3A_1873 = vector.broadcast %squeeze3A_235 : f32 to vector<16xf32>
      %mul3A_1874 = arith.mulf %mul3A_1873, %get3A_1705 : vector<16xf32>
      %add3A_1875 = arith.addf %add3A_1872, %mul3A_1874 : vector<16xf32>
      %max3A_1876 = arith.constant 0.000000e+00 : f32
      %max3A_1877 = vector.broadcast %max3A_1876 : f32 to vector<16xf32>
      %max3A_1878 = arith.maximumf %add3A_1875, %max3A_1877 : vector<16xf32>
      %mul3A_1879 = vector.broadcast %squeeze3A_299 : f32 to vector<16xf32>
      %mul3A_1880 = arith.mulf %mul3A_1879, %max3A_1878 : vector<16xf32>
      %add3A_1881 = arith.addf %add3A_1856, %mul3A_1880 : vector<16xf32>
      %mul3A_1882 = vector.broadcast %squeeze3A_77 : f32 to vector<16xf32>
      %mul3A_1883 = arith.mulf %mul3A_1882, %get3A_1685 : vector<16xf32>
      %add3A_1884 = vector.broadcast %squeeze3A_269 : f32 to vector<16xf32>
      %add3A_1885 = arith.addf %add3A_1884, %mul3A_1883 : vector<16xf32>
      %mul3A_1886 = vector.broadcast %squeeze3A_109 : f32 to vector<16xf32>
      %mul3A_1887 = arith.mulf %mul3A_1886, %get3A_1689 : vector<16xf32>
      %add3A_1888 = arith.addf %add3A_1885, %mul3A_1887 : vector<16xf32>
      %mul3A_1889 = vector.broadcast %squeeze3A_141 : f32 to vector<16xf32>
      %mul3A_1890 = arith.mulf %mul3A_1889, %get3A_1693 : vector<16xf32>
      %add3A_1891 = arith.addf %add3A_1888, %mul3A_1890 : vector<16xf32>
      %mul3A_1892 = vector.broadcast %squeeze3A_173 : f32 to vector<16xf32>
      %mul3A_1893 = arith.mulf %mul3A_1892, %get3A_1697 : vector<16xf32>
      %add3A_1894 = arith.addf %add3A_1891, %mul3A_1893 : vector<16xf32>
      %mul3A_1895 = vector.broadcast %squeeze3A_205 : f32 to vector<16xf32>
      %mul3A_1896 = arith.mulf %mul3A_1895, %get3A_1701 : vector<16xf32>
      %add3A_1897 = arith.addf %add3A_1894, %mul3A_1896 : vector<16xf32>
      %mul3A_1898 = vector.broadcast %squeeze3A_237 : f32 to vector<16xf32>
      %mul3A_1899 = arith.mulf %mul3A_1898, %get3A_1705 : vector<16xf32>
      %add3A_1900 = arith.addf %add3A_1897, %mul3A_1899 : vector<16xf32>
      %max3A_1901 = arith.constant 0.000000e+00 : f32
      %max3A_1902 = vector.broadcast %max3A_1901 : f32 to vector<16xf32>
      %max3A_1903 = arith.maximumf %add3A_1900, %max3A_1902 : vector<16xf32>
      %mul3A_1904 = vector.broadcast %squeeze3A_301 : f32 to vector<16xf32>
      %mul3A_1905 = arith.mulf %mul3A_1904, %max3A_1903 : vector<16xf32>
      %add3A_1906 = arith.addf %add3A_1881, %mul3A_1905 : vector<16xf32>
      %mul3A_1907 = vector.broadcast %squeeze3A_79 : f32 to vector<16xf32>
      %mul3A_1908 = arith.mulf %mul3A_1907, %get3A_1685 : vector<16xf32>
      %add3A_1909 = vector.broadcast %squeeze3A_271 : f32 to vector<16xf32>
      %add3A_1910 = arith.addf %add3A_1909, %mul3A_1908 : vector<16xf32>
      %mul3A_1911 = vector.broadcast %squeeze3A_111 : f32 to vector<16xf32>
      %mul3A_1912 = arith.mulf %mul3A_1911, %get3A_1689 : vector<16xf32>
      %add3A_1913 = arith.addf %add3A_1910, %mul3A_1912 : vector<16xf32>
      %mul3A_1914 = vector.broadcast %squeeze3A_143 : f32 to vector<16xf32>
      %mul3A_1915 = arith.mulf %mul3A_1914, %get3A_1693 : vector<16xf32>
      %add3A_1916 = arith.addf %add3A_1913, %mul3A_1915 : vector<16xf32>
      %mul3A_1917 = vector.broadcast %squeeze3A_175 : f32 to vector<16xf32>
      %mul3A_1918 = arith.mulf %mul3A_1917, %get3A_1697 : vector<16xf32>
      %add3A_1919 = arith.addf %add3A_1916, %mul3A_1918 : vector<16xf32>
      %mul3A_1920 = vector.broadcast %squeeze3A_207 : f32 to vector<16xf32>
      %mul3A_1921 = arith.mulf %mul3A_1920, %get3A_1701 : vector<16xf32>
      %add3A_1922 = arith.addf %add3A_1919, %mul3A_1921 : vector<16xf32>
      %mul3A_1923 = vector.broadcast %squeeze3A_239 : f32 to vector<16xf32>
      %mul3A_1924 = arith.mulf %mul3A_1923, %get3A_1705 : vector<16xf32>
      %add3A_1925 = arith.addf %add3A_1922, %mul3A_1924 : vector<16xf32>
      %max3A_1926 = arith.constant 0.000000e+00 : f32
      %max3A_1927 = vector.broadcast %max3A_1926 : f32 to vector<16xf32>
      %max3A_1928 = arith.maximumf %add3A_1925, %max3A_1927 : vector<16xf32>
      %mul3A_1929 = vector.broadcast %squeeze3A_303 : f32 to vector<16xf32>
      %mul3A_1930 = arith.mulf %mul3A_1929, %max3A_1928 : vector<16xf32>
      %add3A_1931 = arith.addf %add3A_1906, %mul3A_1930 : vector<16xf32>
      %mul3A_1932 = vector.broadcast %squeeze3A_81 : f32 to vector<16xf32>
      %mul3A_1933 = arith.mulf %mul3A_1932, %get3A_1685 : vector<16xf32>
      %add3A_1934 = vector.broadcast %squeeze3A_273 : f32 to vector<16xf32>
      %add3A_1935 = arith.addf %add3A_1934, %mul3A_1933 : vector<16xf32>
      %mul3A_1936 = vector.broadcast %squeeze3A_113 : f32 to vector<16xf32>
      %mul3A_1937 = arith.mulf %mul3A_1936, %get3A_1689 : vector<16xf32>
      %add3A_1938 = arith.addf %add3A_1935, %mul3A_1937 : vector<16xf32>
      %mul3A_1939 = vector.broadcast %squeeze3A_145 : f32 to vector<16xf32>
      %mul3A_1940 = arith.mulf %mul3A_1939, %get3A_1693 : vector<16xf32>
      %add3A_1941 = arith.addf %add3A_1938, %mul3A_1940 : vector<16xf32>
      %mul3A_1942 = vector.broadcast %squeeze3A_177 : f32 to vector<16xf32>
      %mul3A_1943 = arith.mulf %mul3A_1942, %get3A_1697 : vector<16xf32>
      %add3A_1944 = arith.addf %add3A_1941, %mul3A_1943 : vector<16xf32>
      %mul3A_1945 = vector.broadcast %squeeze3A_209 : f32 to vector<16xf32>
      %mul3A_1946 = arith.mulf %mul3A_1945, %get3A_1701 : vector<16xf32>
      %add3A_1947 = arith.addf %add3A_1944, %mul3A_1946 : vector<16xf32>
      %mul3A_1948 = vector.broadcast %squeeze3A_241 : f32 to vector<16xf32>
      %mul3A_1949 = arith.mulf %mul3A_1948, %get3A_1705 : vector<16xf32>
      %add3A_1950 = arith.addf %add3A_1947, %mul3A_1949 : vector<16xf32>
      %max3A_1951 = arith.constant 0.000000e+00 : f32
      %max3A_1952 = vector.broadcast %max3A_1951 : f32 to vector<16xf32>
      %max3A_1953 = arith.maximumf %add3A_1950, %max3A_1952 : vector<16xf32>
      %mul3A_1954 = vector.broadcast %squeeze3A_305 : f32 to vector<16xf32>
      %mul3A_1955 = arith.mulf %mul3A_1954, %max3A_1953 : vector<16xf32>
      %add3A_1956 = arith.addf %add3A_1931, %mul3A_1955 : vector<16xf32>
      %mul3A_1957 = vector.broadcast %squeeze3A_83 : f32 to vector<16xf32>
      %mul3A_1958 = arith.mulf %mul3A_1957, %get3A_1685 : vector<16xf32>
      %add3A_1959 = vector.broadcast %squeeze3A_275 : f32 to vector<16xf32>
      %add3A_1960 = arith.addf %add3A_1959, %mul3A_1958 : vector<16xf32>
      %mul3A_1961 = vector.broadcast %squeeze3A_115 : f32 to vector<16xf32>
      %mul3A_1962 = arith.mulf %mul3A_1961, %get3A_1689 : vector<16xf32>
      %add3A_1963 = arith.addf %add3A_1960, %mul3A_1962 : vector<16xf32>
      %mul3A_1964 = vector.broadcast %squeeze3A_147 : f32 to vector<16xf32>
      %mul3A_1965 = arith.mulf %mul3A_1964, %get3A_1693 : vector<16xf32>
      %add3A_1966 = arith.addf %add3A_1963, %mul3A_1965 : vector<16xf32>
      %mul3A_1967 = vector.broadcast %squeeze3A_179 : f32 to vector<16xf32>
      %mul3A_1968 = arith.mulf %mul3A_1967, %get3A_1697 : vector<16xf32>
      %add3A_1969 = arith.addf %add3A_1966, %mul3A_1968 : vector<16xf32>
      %mul3A_1970 = vector.broadcast %squeeze3A_211 : f32 to vector<16xf32>
      %mul3A_1971 = arith.mulf %mul3A_1970, %get3A_1701 : vector<16xf32>
      %add3A_1972 = arith.addf %add3A_1969, %mul3A_1971 : vector<16xf32>
      %mul3A_1973 = vector.broadcast %squeeze3A_243 : f32 to vector<16xf32>
      %mul3A_1974 = arith.mulf %mul3A_1973, %get3A_1705 : vector<16xf32>
      %add3A_1975 = arith.addf %add3A_1972, %mul3A_1974 : vector<16xf32>
      %max3A_1976 = arith.constant 0.000000e+00 : f32
      %max3A_1977 = vector.broadcast %max3A_1976 : f32 to vector<16xf32>
      %max3A_1978 = arith.maximumf %add3A_1975, %max3A_1977 : vector<16xf32>
      %mul3A_1979 = vector.broadcast %squeeze3A_307 : f32 to vector<16xf32>
      %mul3A_1980 = arith.mulf %mul3A_1979, %max3A_1978 : vector<16xf32>
      %add3A_1981 = arith.addf %add3A_1956, %mul3A_1980 : vector<16xf32>
      %mul3A_1982 = vector.broadcast %squeeze3A_85 : f32 to vector<16xf32>
      %mul3A_1983 = arith.mulf %mul3A_1982, %get3A_1685 : vector<16xf32>
      %add3A_1984 = vector.broadcast %squeeze3A_277 : f32 to vector<16xf32>
      %add3A_1985 = arith.addf %add3A_1984, %mul3A_1983 : vector<16xf32>
      %mul3A_1986 = vector.broadcast %squeeze3A_117 : f32 to vector<16xf32>
      %mul3A_1987 = arith.mulf %mul3A_1986, %get3A_1689 : vector<16xf32>
      %add3A_1988 = arith.addf %add3A_1985, %mul3A_1987 : vector<16xf32>
      %mul3A_1989 = vector.broadcast %squeeze3A_149 : f32 to vector<16xf32>
      %mul3A_1990 = arith.mulf %mul3A_1989, %get3A_1693 : vector<16xf32>
      %add3A_1991 = arith.addf %add3A_1988, %mul3A_1990 : vector<16xf32>
      %mul3A_1992 = vector.broadcast %squeeze3A_181 : f32 to vector<16xf32>
      %mul3A_1993 = arith.mulf %mul3A_1992, %get3A_1697 : vector<16xf32>
      %add3A_1994 = arith.addf %add3A_1991, %mul3A_1993 : vector<16xf32>
      %mul3A_1995 = vector.broadcast %squeeze3A_213 : f32 to vector<16xf32>
      %mul3A_1996 = arith.mulf %mul3A_1995, %get3A_1701 : vector<16xf32>
      %add3A_1997 = arith.addf %add3A_1994, %mul3A_1996 : vector<16xf32>
      %mul3A_1998 = vector.broadcast %squeeze3A_245 : f32 to vector<16xf32>
      %mul3A_1999 = arith.mulf %mul3A_1998, %get3A_1705 : vector<16xf32>
      %add3A_2000 = arith.addf %add3A_1997, %mul3A_1999 : vector<16xf32>
      %max3A_2001 = arith.constant 0.000000e+00 : f32
      %max3A_2002 = vector.broadcast %max3A_2001 : f32 to vector<16xf32>
      %max3A_2003 = arith.maximumf %add3A_2000, %max3A_2002 : vector<16xf32>
      %mul3A_2004 = vector.broadcast %squeeze3A_309 : f32 to vector<16xf32>
      %mul3A_2005 = arith.mulf %mul3A_2004, %max3A_2003 : vector<16xf32>
      %add3A_2006 = arith.addf %add3A_1981, %mul3A_2005 : vector<16xf32>
      %mul3A_2007 = vector.broadcast %squeeze3A_87 : f32 to vector<16xf32>
      %mul3A_2008 = arith.mulf %mul3A_2007, %get3A_1685 : vector<16xf32>
      %add3A_2009 = vector.broadcast %squeeze3A_279 : f32 to vector<16xf32>
      %add3A_2010 = arith.addf %add3A_2009, %mul3A_2008 : vector<16xf32>
      %mul3A_2011 = vector.broadcast %squeeze3A_119 : f32 to vector<16xf32>
      %mul3A_2012 = arith.mulf %mul3A_2011, %get3A_1689 : vector<16xf32>
      %add3A_2013 = arith.addf %add3A_2010, %mul3A_2012 : vector<16xf32>
      %mul3A_2014 = vector.broadcast %squeeze3A_151 : f32 to vector<16xf32>
      %mul3A_2015 = arith.mulf %mul3A_2014, %get3A_1693 : vector<16xf32>
      %add3A_2016 = arith.addf %add3A_2013, %mul3A_2015 : vector<16xf32>
      %mul3A_2017 = vector.broadcast %squeeze3A_183 : f32 to vector<16xf32>
      %mul3A_2018 = arith.mulf %mul3A_2017, %get3A_1697 : vector<16xf32>
      %add3A_2019 = arith.addf %add3A_2016, %mul3A_2018 : vector<16xf32>
      %mul3A_2020 = vector.broadcast %squeeze3A_215 : f32 to vector<16xf32>
      %mul3A_2021 = arith.mulf %mul3A_2020, %get3A_1701 : vector<16xf32>
      %add3A_2022 = arith.addf %add3A_2019, %mul3A_2021 : vector<16xf32>
      %mul3A_2023 = vector.broadcast %squeeze3A_247 : f32 to vector<16xf32>
      %mul3A_2024 = arith.mulf %mul3A_2023, %get3A_1705 : vector<16xf32>
      %add3A_2025 = arith.addf %add3A_2022, %mul3A_2024 : vector<16xf32>
      %max3A_2026 = arith.constant 0.000000e+00 : f32
      %max3A_2027 = vector.broadcast %max3A_2026 : f32 to vector<16xf32>
      %max3A_2028 = arith.maximumf %add3A_2025, %max3A_2027 : vector<16xf32>
      %mul3A_2029 = vector.broadcast %squeeze3A_311 : f32 to vector<16xf32>
      %mul3A_2030 = arith.mulf %mul3A_2029, %max3A_2028 : vector<16xf32>
      %add3A_2031 = arith.addf %add3A_2006, %mul3A_2030 : vector<16xf32>
      %mul3A_2032 = vector.broadcast %squeeze3A_89 : f32 to vector<16xf32>
      %mul3A_2033 = arith.mulf %mul3A_2032, %get3A_1685 : vector<16xf32>
      %add3A_2034 = vector.broadcast %squeeze3A_281 : f32 to vector<16xf32>
      %add3A_2035 = arith.addf %add3A_2034, %mul3A_2033 : vector<16xf32>
      %mul3A_2036 = vector.broadcast %squeeze3A_121 : f32 to vector<16xf32>
      %mul3A_2037 = arith.mulf %mul3A_2036, %get3A_1689 : vector<16xf32>
      %add3A_2038 = arith.addf %add3A_2035, %mul3A_2037 : vector<16xf32>
      %mul3A_2039 = vector.broadcast %squeeze3A_153 : f32 to vector<16xf32>
      %mul3A_2040 = arith.mulf %mul3A_2039, %get3A_1693 : vector<16xf32>
      %add3A_2041 = arith.addf %add3A_2038, %mul3A_2040 : vector<16xf32>
      %mul3A_2042 = vector.broadcast %squeeze3A_185 : f32 to vector<16xf32>
      %mul3A_2043 = arith.mulf %mul3A_2042, %get3A_1697 : vector<16xf32>
      %add3A_2044 = arith.addf %add3A_2041, %mul3A_2043 : vector<16xf32>
      %mul3A_2045 = vector.broadcast %squeeze3A_217 : f32 to vector<16xf32>
      %mul3A_2046 = arith.mulf %mul3A_2045, %get3A_1701 : vector<16xf32>
      %add3A_2047 = arith.addf %add3A_2044, %mul3A_2046 : vector<16xf32>
      %mul3A_2048 = vector.broadcast %squeeze3A_249 : f32 to vector<16xf32>
      %mul3A_2049 = arith.mulf %mul3A_2048, %get3A_1705 : vector<16xf32>
      %add3A_2050 = arith.addf %add3A_2047, %mul3A_2049 : vector<16xf32>
      %max3A_2051 = arith.constant 0.000000e+00 : f32
      %max3A_2052 = vector.broadcast %max3A_2051 : f32 to vector<16xf32>
      %max3A_2053 = arith.maximumf %add3A_2050, %max3A_2052 : vector<16xf32>
      %mul3A_2054 = vector.broadcast %squeeze3A_313 : f32 to vector<16xf32>
      %mul3A_2055 = arith.mulf %mul3A_2054, %max3A_2053 : vector<16xf32>
      %add3A_2056 = arith.addf %add3A_2031, %mul3A_2055 : vector<16xf32>
      %mul3A_2057 = vector.broadcast %squeeze3A_91 : f32 to vector<16xf32>
      %mul3A_2058 = arith.mulf %mul3A_2057, %get3A_1685 : vector<16xf32>
      %add3A_2059 = vector.broadcast %squeeze3A_283 : f32 to vector<16xf32>
      %add3A_2060 = arith.addf %add3A_2059, %mul3A_2058 : vector<16xf32>
      %mul3A_2061 = vector.broadcast %squeeze3A_123 : f32 to vector<16xf32>
      %mul3A_2062 = arith.mulf %mul3A_2061, %get3A_1689 : vector<16xf32>
      %add3A_2063 = arith.addf %add3A_2060, %mul3A_2062 : vector<16xf32>
      %mul3A_2064 = vector.broadcast %squeeze3A_155 : f32 to vector<16xf32>
      %mul3A_2065 = arith.mulf %mul3A_2064, %get3A_1693 : vector<16xf32>
      %add3A_2066 = arith.addf %add3A_2063, %mul3A_2065 : vector<16xf32>
      %mul3A_2067 = vector.broadcast %squeeze3A_187 : f32 to vector<16xf32>
      %mul3A_2068 = arith.mulf %mul3A_2067, %get3A_1697 : vector<16xf32>
      %add3A_2069 = arith.addf %add3A_2066, %mul3A_2068 : vector<16xf32>
      %mul3A_2070 = vector.broadcast %squeeze3A_219 : f32 to vector<16xf32>
      %mul3A_2071 = arith.mulf %mul3A_2070, %get3A_1701 : vector<16xf32>
      %add3A_2072 = arith.addf %add3A_2069, %mul3A_2071 : vector<16xf32>
      %mul3A_2073 = vector.broadcast %squeeze3A_251 : f32 to vector<16xf32>
      %mul3A_2074 = arith.mulf %mul3A_2073, %get3A_1705 : vector<16xf32>
      %add3A_2075 = arith.addf %add3A_2072, %mul3A_2074 : vector<16xf32>
      %max3A_2076 = arith.constant 0.000000e+00 : f32
      %max3A_2077 = vector.broadcast %max3A_2076 : f32 to vector<16xf32>
      %max3A_2078 = arith.maximumf %add3A_2075, %max3A_2077 : vector<16xf32>
      %mul3A_2079 = vector.broadcast %squeeze3A_315 : f32 to vector<16xf32>
      %mul3A_2080 = arith.mulf %mul3A_2079, %max3A_2078 : vector<16xf32>
      %add3A_2081 = arith.addf %add3A_2056, %mul3A_2080 : vector<16xf32>
      %mul3A_2082 = vector.broadcast %squeeze3A_93 : f32 to vector<16xf32>
      %mul3A_2083 = arith.mulf %mul3A_2082, %get3A_1685 : vector<16xf32>
      %add3A_2084 = vector.broadcast %squeeze3A_285 : f32 to vector<16xf32>
      %add3A_2085 = arith.addf %add3A_2084, %mul3A_2083 : vector<16xf32>
      %mul3A_2086 = vector.broadcast %squeeze3A_125 : f32 to vector<16xf32>
      %mul3A_2087 = arith.mulf %mul3A_2086, %get3A_1689 : vector<16xf32>
      %add3A_2088 = arith.addf %add3A_2085, %mul3A_2087 : vector<16xf32>
      %mul3A_2089 = vector.broadcast %squeeze3A_157 : f32 to vector<16xf32>
      %mul3A_2090 = arith.mulf %mul3A_2089, %get3A_1693 : vector<16xf32>
      %add3A_2091 = arith.addf %add3A_2088, %mul3A_2090 : vector<16xf32>
      %mul3A_2092 = vector.broadcast %squeeze3A_189 : f32 to vector<16xf32>
      %mul3A_2093 = arith.mulf %mul3A_2092, %get3A_1697 : vector<16xf32>
      %add3A_2094 = arith.addf %add3A_2091, %mul3A_2093 : vector<16xf32>
      %mul3A_2095 = vector.broadcast %squeeze3A_221 : f32 to vector<16xf32>
      %mul3A_2096 = arith.mulf %mul3A_2095, %get3A_1701 : vector<16xf32>
      %add3A_2097 = arith.addf %add3A_2094, %mul3A_2096 : vector<16xf32>
      %mul3A_2098 = vector.broadcast %squeeze3A_253 : f32 to vector<16xf32>
      %mul3A_2099 = arith.mulf %mul3A_2098, %get3A_1705 : vector<16xf32>
      %add3A_2100 = arith.addf %add3A_2097, %mul3A_2099 : vector<16xf32>
      %max3A_2101 = arith.constant 0.000000e+00 : f32
      %max3A_2102 = vector.broadcast %max3A_2101 : f32 to vector<16xf32>
      %max3A_2103 = arith.maximumf %add3A_2100, %max3A_2102 : vector<16xf32>
      %mul3A_2104 = vector.broadcast %squeeze3A_317 : f32 to vector<16xf32>
      %mul3A_2105 = arith.mulf %mul3A_2104, %max3A_2103 : vector<16xf32>
      %add3A_2106 = arith.addf %add3A_2081, %mul3A_2105 : vector<16xf32>
      %mul3A_2107 = arith.constant 128 : i32
      %mul3A_2108 = arith.muli %scan3A_389, %mul3A_2107 : i32
      %add3A_2109 = arith.constant 64 : i32
      %add3A_2110 = arith.addi %mul3A_2108, %add3A_2109 : i32
      %add3A_2111 = arith.constant 0 : i32
      %add3A_2112 = arith.addi %add3A_2111, %add3A_2110 : i32
      %get3A_2113 = arith.index_cast %add3A_2112 : i32 to index
      %get3A_2114 = tpu.vector_load %arg5[%get3A_2113] {strides = array<i32>} : memref<6144xf32, #tpu.memory_space<vmem>>, vector<16xf32>,
      %add3A_2115 = arith.constant 1024 : i32
      %add3A_2116 = arith.addi %add3A_2115, %add3A_2110 : i32
      %get3A_2117 = arith.index_cast %add3A_2116 : i32 to index
      %get3A_2118 = tpu.vector_load %arg5[%get3A_2117] {strides = array<i32>} : memref<6144xf32, #tpu.memory_space<vmem>>, vector<16xf32>,
      %add3A_2119 = arith.constant 2048 : i32
      %add3A_2120 = arith.addi %add3A_2119, %add3A_2110 : i32
      %get3A_2121 = arith.index_cast %add3A_2120 : i32 to index
      %get3A_2122 = tpu.vector_load %arg5[%get3A_2121] {strides = array<i32>} : memref<6144xf32, #tpu.memory_space<vmem>>, vector<16xf32>,
      %add3A_2123 = arith.constant 3072 : i32
      %add3A_2124 = arith.addi %add3A_2123, %add3A_2110 : i32
      %get3A_2125 = arith.index_cast %add3A_2124 : i32 to index
      %get3A_2126 = tpu.vector_load %arg5[%get3A_2125] {strides = array<i32>} : memref<6144xf32, #tpu.memory_space<vmem>>, vector<16xf32>,
      %add3A_2127 = arith.constant 4096 : i32
      %add3A_2128 = arith.addi %add3A_2127, %add3A_2110 : i32
      %get3A_2129 = arith.index_cast %add3A_2128 : i32 to index
      %get3A_2130 = tpu.vector_load %arg5[%get3A_2129] {strides = array<i32>} : memref<6144xf32, #tpu.memory_space<vmem>>, vector<16xf32>,
      %add3A_2131 = arith.constant 5120 : i32
      %add3A_2132 = arith.addi %add3A_2131, %add3A_2110 : i32
      %get3A_2133 = arith.index_cast %add3A_2132 : i32 to index
      %get3A_2134 = tpu.vector_load %arg5[%get3A_2133] {strides = array<i32>} : memref<6144xf32, #tpu.memory_space<vmem>>, vector<16xf32>,
      %broadcast_in_dim3A_2135 = vector.broadcast %squeeze3A_321 : f32 to vector<16xf32>
      %mul3A_2136 = vector.broadcast %squeeze3A : f32 to vector<16xf32>
      %mul3A_2137 = arith.mulf %mul3A_2136, %get3A_2114 : vector<16xf32>
      %add3A_2138 = vector.broadcast %squeeze3A_255 : f32 to vector<16xf32>
      %add3A_2139 = arith.addf %add3A_2138, %mul3A_2137 : vector<16xf32>
      %mul3A_2140 = vector.broadcast %squeeze3A_95 : f32 to vector<16xf32>
      %mul3A_2141 = arith.mulf %mul3A_2140, %get3A_2118 : vector<16xf32>
      %add3A_2142 = arith.addf %add3A_2139, %mul3A_2141 : vector<16xf32>
      %mul3A_2143 = vector.broadcast %squeeze3A_127 : f32 to vector<16xf32>
      %mul3A_2144 = arith.mulf %mul3A_2143, %get3A_2122 : vector<16xf32>
      %add3A_2145 = arith.addf %add3A_2142, %mul3A_2144 : vector<16xf32>
      %mul3A_2146 = vector.broadcast %squeeze3A_159 : f32 to vector<16xf32>
      %mul3A_2147 = arith.mulf %mul3A_2146, %get3A_2126 : vector<16xf32>
      %add3A_2148 = arith.addf %add3A_2145, %mul3A_2147 : vector<16xf32>
      %mul3A_2149 = vector.broadcast %squeeze3A_191 : f32 to vector<16xf32>
      %mul3A_2150 = arith.mulf %mul3A_2149, %get3A_2130 : vector<16xf32>
      %add3A_2151 = arith.addf %add3A_2148, %mul3A_2150 : vector<16xf32>
      %mul3A_2152 = vector.broadcast %squeeze3A_223 : f32 to vector<16xf32>
      %mul3A_2153 = arith.mulf %mul3A_2152, %get3A_2134 : vector<16xf32>
      %add3A_2154 = arith.addf %add3A_2151, %mul3A_2153 : vector<16xf32>
      %max3A_2155 = arith.constant 0.000000e+00 : f32
      %max3A_2156 = vector.broadcast %max3A_2155 : f32 to vector<16xf32>
      %max3A_2157 = arith.maximumf %add3A_2154, %max3A_2156 : vector<16xf32>
      %mul3A_2158 = vector.broadcast %squeeze3A_287 : f32 to vector<16xf32>
      %mul3A_2159 = arith.mulf %mul3A_2158, %max3A_2157 : vector<16xf32>
      %add3A_2160 = arith.addf %broadcast_in_dim3A_2135, %mul3A_2159 : vector<16xf32>
      %mul3A_2161 = vector.broadcast %squeeze3A_65 : f32 to vector<16xf32>
      %mul3A_2162 = arith.mulf %mul3A_2161, %get3A_2114 : vector<16xf32>
      %add3A_2163 = vector.broadcast %squeeze3A_257 : f32 to vector<16xf32>
      %add3A_2164 = arith.addf %add3A_2163, %mul3A_2162 : vector<16xf32>
      %mul3A_2165 = vector.broadcast %squeeze3A_97 : f32 to vector<16xf32>
      %mul3A_2166 = arith.mulf %mul3A_2165, %get3A_2118 : vector<16xf32>
      %add3A_2167 = arith.addf %add3A_2164, %mul3A_2166 : vector<16xf32>
      %mul3A_2168 = vector.broadcast %squeeze3A_129 : f32 to vector<16xf32>
      %mul3A_2169 = arith.mulf %mul3A_2168, %get3A_2122 : vector<16xf32>
      %add3A_2170 = arith.addf %add3A_2167, %mul3A_2169 : vector<16xf32>
      %mul3A_2171 = vector.broadcast %squeeze3A_161 : f32 to vector<16xf32>
      %mul3A_2172 = arith.mulf %mul3A_2171, %get3A_2126 : vector<16xf32>
      %add3A_2173 = arith.addf %add3A_2170, %mul3A_2172 : vector<16xf32>
      %mul3A_2174 = vector.broadcast %squeeze3A_193 : f32 to vector<16xf32>
      %mul3A_2175 = arith.mulf %mul3A_2174, %get3A_2130 : vector<16xf32>
      %add3A_2176 = arith.addf %add3A_2173, %mul3A_2175 : vector<16xf32>
      %mul3A_2177 = vector.broadcast %squeeze3A_225 : f32 to vector<16xf32>
      %mul3A_2178 = arith.mulf %mul3A_2177, %get3A_2134 : vector<16xf32>
      %add3A_2179 = arith.addf %add3A_2176, %mul3A_2178 : vector<16xf32>
      %max3A_2180 = arith.constant 0.000000e+00 : f32
      %max3A_2181 = vector.broadcast %max3A_2180 : f32 to vector<16xf32>
      %max3A_2182 = arith.maximumf %add3A_2179, %max3A_2181 : vector<16xf32>
      %mul3A_2183 = vector.broadcast %squeeze3A_289 : f32 to vector<16xf32>
      %mul3A_2184 = arith.mulf %mul3A_2183, %max3A_2182 : vector<16xf32>
      %add3A_2185 = arith.addf %add3A_2160, %mul3A_2184 : vector<16xf32>
      %mul3A_2186 = vector.broadcast %squeeze3A_67 : f32 to vector<16xf32>
      %mul3A_2187 = arith.mulf %mul3A_2186, %get3A_2114 : vector<16xf32>
      %add3A_2188 = vector.broadcast %squeeze3A_259 : f32 to vector<16xf32>
      %add3A_2189 = arith.addf %add3A_2188, %mul3A_2187 : vector<16xf32>
      %mul3A_2190 = vector.broadcast %squeeze3A_99 : f32 to vector<16xf32>
      %mul3A_2191 = arith.mulf %mul3A_2190, %get3A_2118 : vector<16xf32>
      %add3A_2192 = arith.addf %add3A_2189, %mul3A_2191 : vector<16xf32>
      %mul3A_2193 = vector.broadcast %squeeze3A_131 : f32 to vector<16xf32>
      %mul3A_2194 = arith.mulf %mul3A_2193, %get3A_2122 : vector<16xf32>
      %add3A_2195 = arith.addf %add3A_2192, %mul3A_2194 : vector<16xf32>
      %mul3A_2196 = vector.broadcast %squeeze3A_163 : f32 to vector<16xf32>
      %mul3A_2197 = arith.mulf %mul3A_2196, %get3A_2126 : vector<16xf32>
      %add3A_2198 = arith.addf %add3A_2195, %mul3A_2197 : vector<16xf32>
      %mul3A_2199 = vector.broadcast %squeeze3A_195 : f32 to vector<16xf32>
      %mul3A_2200 = arith.mulf %mul3A_2199, %get3A_2130 : vector<16xf32>
      %add3A_2201 = arith.addf %add3A_2198, %mul3A_2200 : vector<16xf32>
      %mul3A_2202 = vector.broadcast %squeeze3A_227 : f32 to vector<16xf32>
      %mul3A_2203 = arith.mulf %mul3A_2202, %get3A_2134 : vector<16xf32>
      %add3A_2204 = arith.addf %add3A_2201, %mul3A_2203 : vector<16xf32>
      %max3A_2205 = arith.constant 0.000000e+00 : f32
      %max3A_2206 = vector.broadcast %max3A_2205 : f32 to vector<16xf32>
      %max3A_2207 = arith.maximumf %add3A_2204, %max3A_2206 : vector<16xf32>
      %mul3A_2208 = vector.broadcast %squeeze3A_291 : f32 to vector<16xf32>
      %mul3A_2209 = arith.mulf %mul3A_2208, %max3A_2207 : vector<16xf32>
      %add3A_2210 = arith.addf %add3A_2185, %mul3A_2209 : vector<16xf32>
      %mul3A_2211 = vector.broadcast %squeeze3A_69 : f32 to vector<16xf32>
      %mul3A_2212 = arith.mulf %mul3A_2211, %get3A_2114 : vector<16xf32>
      %add3A_2213 = vector.broadcast %squeeze3A_261 : f32 to vector<16xf32>
      %add3A_2214 = arith.addf %add3A_2213, %mul3A_2212 : vector<16xf32>
      %mul3A_2215 = vector.broadcast %squeeze3A_101 : f32 to vector<16xf32>
      %mul3A_2216 = arith.mulf %mul3A_2215, %get3A_2118 : vector<16xf32>
      %add3A_2217 = arith.addf %add3A_2214, %mul3A_2216 : vector<16xf32>
      %mul3A_2218 = vector.broadcast %squeeze3A_133 : f32 to vector<16xf32>
      %mul3A_2219 = arith.mulf %mul3A_2218, %get3A_2122 : vector<16xf32>
      %add3A_2220 = arith.addf %add3A_2217, %mul3A_2219 : vector<16xf32>
      %mul3A_2221 = vector.broadcast %squeeze3A_165 : f32 to vector<16xf32>
      %mul3A_2222 = arith.mulf %mul3A_2221, %get3A_2126 : vector<16xf32>
      %add3A_2223 = arith.addf %add3A_2220, %mul3A_2222 : vector<16xf32>
      %mul3A_2224 = vector.broadcast %squeeze3A_197 : f32 to vector<16xf32>
      %mul3A_2225 = arith.mulf %mul3A_2224, %get3A_2130 : vector<16xf32>
      %add3A_2226 = arith.addf %add3A_2223, %mul3A_2225 : vector<16xf32>
      %mul3A_2227 = vector.broadcast %squeeze3A_229 : f32 to vector<16xf32>
      %mul3A_2228 = arith.mulf %mul3A_2227, %get3A_2134 : vector<16xf32>
      %add3A_2229 = arith.addf %add3A_2226, %mul3A_2228 : vector<16xf32>
      %max3A_2230 = arith.constant 0.000000e+00 : f32
      %max3A_2231 = vector.broadcast %max3A_2230 : f32 to vector<16xf32>
      %max3A_2232 = arith.maximumf %add3A_2229, %max3A_2231 : vector<16xf32>
      %mul3A_2233 = vector.broadcast %squeeze3A_293 : f32 to vector<16xf32>
      %mul3A_2234 = arith.mulf %mul3A_2233, %max3A_2232 : vector<16xf32>
      %add3A_2235 = arith.addf %add3A_2210, %mul3A_2234 : vector<16xf32>
      %mul3A_2236 = vector.broadcast %squeeze3A_71 : f32 to vector<16xf32>
      %mul3A_2237 = arith.mulf %mul3A_2236, %get3A_2114 : vector<16xf32>
      %add3A_2238 = vector.broadcast %squeeze3A_263 : f32 to vector<16xf32>
      %add3A_2239 = arith.addf %add3A_2238, %mul3A_2237 : vector<16xf32>
      %mul3A_2240 = vector.broadcast %squeeze3A_103 : f32 to vector<16xf32>
      %mul3A_2241 = arith.mulf %mul3A_2240, %get3A_2118 : vector<16xf32>
      %add3A_2242 = arith.addf %add3A_2239, %mul3A_2241 : vector<16xf32>
      %mul3A_2243 = vector.broadcast %squeeze3A_135 : f32 to vector<16xf32>
      %mul3A_2244 = arith.mulf %mul3A_2243, %get3A_2122 : vector<16xf32>
      %add3A_2245 = arith.addf %add3A_2242, %mul3A_2244 : vector<16xf32>
      %mul3A_2246 = vector.broadcast %squeeze3A_167 : f32 to vector<16xf32>
      %mul3A_2247 = arith.mulf %mul3A_2246, %get3A_2126 : vector<16xf32>
      %add3A_2248 = arith.addf %add3A_2245, %mul3A_2247 : vector<16xf32>
      %mul3A_2249 = vector.broadcast %squeeze3A_199 : f32 to vector<16xf32>
      %mul3A_2250 = arith.mulf %mul3A_2249, %get3A_2130 : vector<16xf32>
      %add3A_2251 = arith.addf %add3A_2248, %mul3A_2250 : vector<16xf32>
      %mul3A_2252 = vector.broadcast %squeeze3A_231 : f32 to vector<16xf32>
      %mul3A_2253 = arith.mulf %mul3A_2252, %get3A_2134 : vector<16xf32>
      %add3A_2254 = arith.addf %add3A_2251, %mul3A_2253 : vector<16xf32>
      %max3A_2255 = arith.constant 0.000000e+00 : f32
      %max3A_2256 = vector.broadcast %max3A_2255 : f32 to vector<16xf32>
      %max3A_2257 = arith.maximumf %add3A_2254, %max3A_2256 : vector<16xf32>
      %mul3A_2258 = vector.broadcast %squeeze3A_295 : f32 to vector<16xf32>
      %mul3A_2259 = arith.mulf %mul3A_2258, %max3A_2257 : vector<16xf32>
      %add3A_2260 = arith.addf %add3A_2235, %mul3A_2259 : vector<16xf32>
      %mul3A_2261 = vector.broadcast %squeeze3A_73 : f32 to vector<16xf32>
      %mul3A_2262 = arith.mulf %mul3A_2261, %get3A_2114 : vector<16xf32>
      %add3A_2263 = vector.broadcast %squeeze3A_265 : f32 to vector<16xf32>
      %add3A_2264 = arith.addf %add3A_2263, %mul3A_2262 : vector<16xf32>
      %mul3A_2265 = vector.broadcast %squeeze3A_105 : f32 to vector<16xf32>
      %mul3A_2266 = arith.mulf %mul3A_2265, %get3A_2118 : vector<16xf32>
      %add3A_2267 = arith.addf %add3A_2264, %mul3A_2266 : vector<16xf32>
      %mul3A_2268 = vector.broadcast %squeeze3A_137 : f32 to vector<16xf32>
      %mul3A_2269 = arith.mulf %mul3A_2268, %get3A_2122 : vector<16xf32>
      %add3A_2270 = arith.addf %add3A_2267, %mul3A_2269 : vector<16xf32>
      %mul3A_2271 = vector.broadcast %squeeze3A_169 : f32 to vector<16xf32>
      %mul3A_2272 = arith.mulf %mul3A_2271, %get3A_2126 : vector<16xf32>
      %add3A_2273 = arith.addf %add3A_2270, %mul3A_2272 : vector<16xf32>
      %mul3A_2274 = vector.broadcast %squeeze3A_201 : f32 to vector<16xf32>
      %mul3A_2275 = arith.mulf %mul3A_2274, %get3A_2130 : vector<16xf32>
      %add3A_2276 = arith.addf %add3A_2273, %mul3A_2275 : vector<16xf32>
      %mul3A_2277 = vector.broadcast %squeeze3A_233 : f32 to vector<16xf32>
      %mul3A_2278 = arith.mulf %mul3A_2277, %get3A_2134 : vector<16xf32>
      %add3A_2279 = arith.addf %add3A_2276, %mul3A_2278 : vector<16xf32>
      %max3A_2280 = arith.constant 0.000000e+00 : f32
      %max3A_2281 = vector.broadcast %max3A_2280 : f32 to vector<16xf32>
      %max3A_2282 = arith.maximumf %add3A_2279, %max3A_2281 : vector<16xf32>
      %mul3A_2283 = vector.broadcast %squeeze3A_297 : f32 to vector<16xf32>
      %mul3A_2284 = arith.mulf %mul3A_2283, %max3A_2282 : vector<16xf32>
      %add3A_2285 = arith.addf %add3A_2260, %mul3A_2284 : vector<16xf32>
      %mul3A_2286 = vector.broadcast %squeeze3A_75 : f32 to vector<16xf32>
      %mul3A_2287 = arith.mulf %mul3A_2286, %get3A_2114 : vector<16xf32>
      %add3A_2288 = vector.broadcast %squeeze3A_267 : f32 to vector<16xf32>
      %add3A_2289 = arith.addf %add3A_2288, %mul3A_2287 : vector<16xf32>
      %mul3A_2290 = vector.broadcast %squeeze3A_107 : f32 to vector<16xf32>
      %mul3A_2291 = arith.mulf %mul3A_2290, %get3A_2118 : vector<16xf32>
      %add3A_2292 = arith.addf %add3A_2289, %mul3A_2291 : vector<16xf32>
      %mul3A_2293 = vector.broadcast %squeeze3A_139 : f32 to vector<16xf32>
      %mul3A_2294 = arith.mulf %mul3A_2293, %get3A_2122 : vector<16xf32>
      %add3A_2295 = arith.addf %add3A_2292, %mul3A_2294 : vector<16xf32>
      %mul3A_2296 = vector.broadcast %squeeze3A_171 : f32 to vector<16xf32>
      %mul3A_2297 = arith.mulf %mul3A_2296, %get3A_2126 : vector<16xf32>
      %add3A_2298 = arith.addf %add3A_2295, %mul3A_2297 : vector<16xf32>
      %mul3A_2299 = vector.broadcast %squeeze3A_203 : f32 to vector<16xf32>
      %mul3A_2300 = arith.mulf %mul3A_2299, %get3A_2130 : vector<16xf32>
      %add3A_2301 = arith.addf %add3A_2298, %mul3A_2300 : vector<16xf32>
      %mul3A_2302 = vector.broadcast %squeeze3A_235 : f32 to vector<16xf32>
      %mul3A_2303 = arith.mulf %mul3A_2302, %get3A_2134 : vector<16xf32>
      %add3A_2304 = arith.addf %add3A_2301, %mul3A_2303 : vector<16xf32>
      %max3A_2305 = arith.constant 0.000000e+00 : f32
      %max3A_2306 = vector.broadcast %max3A_2305 : f32 to vector<16xf32>
      %max3A_2307 = arith.maximumf %add3A_2304, %max3A_2306 : vector<16xf32>
      %mul3A_2308 = vector.broadcast %squeeze3A_299 : f32 to vector<16xf32>
      %mul3A_2309 = arith.mulf %mul3A_2308, %max3A_2307 : vector<16xf32>
      %add3A_2310 = arith.addf %add3A_2285, %mul3A_2309 : vector<16xf32>
      %mul3A_2311 = vector.broadcast %squeeze3A_77 : f32 to vector<16xf32>
      %mul3A_2312 = arith.mulf %mul3A_2311, %get3A_2114 : vector<16xf32>
      %add3A_2313 = vector.broadcast %squeeze3A_269 : f32 to vector<16xf32>
      %add3A_2314 = arith.addf %add3A_2313, %mul3A_2312 : vector<16xf32>
      %mul3A_2315 = vector.broadcast %squeeze3A_109 : f32 to vector<16xf32>
      %mul3A_2316 = arith.mulf %mul3A_2315, %get3A_2118 : vector<16xf32>
      %add3A_2317 = arith.addf %add3A_2314, %mul3A_2316 : vector<16xf32>
      %mul3A_2318 = vector.broadcast %squeeze3A_141 : f32 to vector<16xf32>
      %mul3A_2319 = arith.mulf %mul3A_2318, %get3A_2122 : vector<16xf32>
      %add3A_2320 = arith.addf %add3A_2317, %mul3A_2319 : vector<16xf32>
      %mul3A_2321 = vector.broadcast %squeeze3A_173 : f32 to vector<16xf32>
      %mul3A_2322 = arith.mulf %mul3A_2321, %get3A_2126 : vector<16xf32>
      %add3A_2323 = arith.addf %add3A_2320, %mul3A_2322 : vector<16xf32>
      %mul3A_2324 = vector.broadcast %squeeze3A_205 : f32 to vector<16xf32>
      %mul3A_2325 = arith.mulf %mul3A_2324, %get3A_2130 : vector<16xf32>
      %add3A_2326 = arith.addf %add3A_2323, %mul3A_2325 : vector<16xf32>
      %mul3A_2327 = vector.broadcast %squeeze3A_237 : f32 to vector<16xf32>
      %mul3A_2328 = arith.mulf %mul3A_2327, %get3A_2134 : vector<16xf32>
      %add3A_2329 = arith.addf %add3A_2326, %mul3A_2328 : vector<16xf32>
      %max3A_2330 = arith.constant 0.000000e+00 : f32
      %max3A_2331 = vector.broadcast %max3A_2330 : f32 to vector<16xf32>
      %max3A_2332 = arith.maximumf %add3A_2329, %max3A_2331 : vector<16xf32>
      %mul3A_2333 = vector.broadcast %squeeze3A_301 : f32 to vector<16xf32>
      %mul3A_2334 = arith.mulf %mul3A_2333, %max3A_2332 : vector<16xf32>
      %add3A_2335 = arith.addf %add3A_2310, %mul3A_2334 : vector<16xf32>
      %mul3A_2336 = vector.broadcast %squeeze3A_79 : f32 to vector<16xf32>
      %mul3A_2337 = arith.mulf %mul3A_2336, %get3A_2114 : vector<16xf32>
      %add3A_2338 = vector.broadcast %squeeze3A_271 : f32 to vector<16xf32>
      %add3A_2339 = arith.addf %add3A_2338, %mul3A_2337 : vector<16xf32>
      %mul3A_2340 = vector.broadcast %squeeze3A_111 : f32 to vector<16xf32>
      %mul3A_2341 = arith.mulf %mul3A_2340, %get3A_2118 : vector<16xf32>
      %add3A_2342 = arith.addf %add3A_2339, %mul3A_2341 : vector<16xf32>
      %mul3A_2343 = vector.broadcast %squeeze3A_143 : f32 to vector<16xf32>
      %mul3A_2344 = arith.mulf %mul3A_2343, %get3A_2122 : vector<16xf32>
      %add3A_2345 = arith.addf %add3A_2342, %mul3A_2344 : vector<16xf32>
      %mul3A_2346 = vector.broadcast %squeeze3A_175 : f32 to vector<16xf32>
      %mul3A_2347 = arith.mulf %mul3A_2346, %get3A_2126 : vector<16xf32>
      %add3A_2348 = arith.addf %add3A_2345, %mul3A_2347 : vector<16xf32>
      %mul3A_2349 = vector.broadcast %squeeze3A_207 : f32 to vector<16xf32>
      %mul3A_2350 = arith.mulf %mul3A_2349, %get3A_2130 : vector<16xf32>
      %add3A_2351 = arith.addf %add3A_2348, %mul3A_2350 : vector<16xf32>
      %mul3A_2352 = vector.broadcast %squeeze3A_239 : f32 to vector<16xf32>
      %mul3A_2353 = arith.mulf %mul3A_2352, %get3A_2134 : vector<16xf32>
      %add3A_2354 = arith.addf %add3A_2351, %mul3A_2353 : vector<16xf32>
      %max3A_2355 = arith.constant 0.000000e+00 : f32
      %max3A_2356 = vector.broadcast %max3A_2355 : f32 to vector<16xf32>
      %max3A_2357 = arith.maximumf %add3A_2354, %max3A_2356 : vector<16xf32>
      %mul3A_2358 = vector.broadcast %squeeze3A_303 : f32 to vector<16xf32>
      %mul3A_2359 = arith.mulf %mul3A_2358, %max3A_2357 : vector<16xf32>
      %add3A_2360 = arith.addf %add3A_2335, %mul3A_2359 : vector<16xf32>
      %mul3A_2361 = vector.broadcast %squeeze3A_81 : f32 to vector<16xf32>
      %mul3A_2362 = arith.mulf %mul3A_2361, %get3A_2114 : vector<16xf32>
      %add3A_2363 = vector.broadcast %squeeze3A_273 : f32 to vector<16xf32>
      %add3A_2364 = arith.addf %add3A_2363, %mul3A_2362 : vector<16xf32>
      %mul3A_2365 = vector.broadcast %squeeze3A_113 : f32 to vector<16xf32>
      %mul3A_2366 = arith.mulf %mul3A_2365, %get3A_2118 : vector<16xf32>
      %add3A_2367 = arith.addf %add3A_2364, %mul3A_2366 : vector<16xf32>
      %mul3A_2368 = vector.broadcast %squeeze3A_145 : f32 to vector<16xf32>
      %mul3A_2369 = arith.mulf %mul3A_2368, %get3A_2122 : vector<16xf32>
      %add3A_2370 = arith.addf %add3A_2367, %mul3A_2369 : vector<16xf32>
      %mul3A_2371 = vector.broadcast %squeeze3A_177 : f32 to vector<16xf32>
      %mul3A_2372 = arith.mulf %mul3A_2371, %get3A_2126 : vector<16xf32>
      %add3A_2373 = arith.addf %add3A_2370, %mul3A_2372 : vector<16xf32>
      %mul3A_2374 = vector.broadcast %squeeze3A_209 : f32 to vector<16xf32>
      %mul3A_2375 = arith.mulf %mul3A_2374, %get3A_2130 : vector<16xf32>
      %add3A_2376 = arith.addf %add3A_2373, %mul3A_2375 : vector<16xf32>
      %mul3A_2377 = vector.broadcast %squeeze3A_241 : f32 to vector<16xf32>
      %mul3A_2378 = arith.mulf %mul3A_2377, %get3A_2134 : vector<16xf32>
      %add3A_2379 = arith.addf %add3A_2376, %mul3A_2378 : vector<16xf32>
      %max3A_2380 = arith.constant 0.000000e+00 : f32
      %max3A_2381 = vector.broadcast %max3A_2380 : f32 to vector<16xf32>
      %max3A_2382 = arith.maximumf %add3A_2379, %max3A_2381 : vector<16xf32>
      %mul3A_2383 = vector.broadcast %squeeze3A_305 : f32 to vector<16xf32>
      %mul3A_2384 = arith.mulf %mul3A_2383, %max3A_2382 : vector<16xf32>
      %add3A_2385 = arith.addf %add3A_2360, %mul3A_2384 : vector<16xf32>
      %mul3A_2386 = vector.broadcast %squeeze3A_83 : f32 to vector<16xf32>
      %mul3A_2387 = arith.mulf %mul3A_2386, %get3A_2114 : vector<16xf32>
      %add3A_2388 = vector.broadcast %squeeze3A_275 : f32 to vector<16xf32>
      %add3A_2389 = arith.addf %add3A_2388, %mul3A_2387 : vector<16xf32>
      %mul3A_2390 = vector.broadcast %squeeze3A_115 : f32 to vector<16xf32>
      %mul3A_2391 = arith.mulf %mul3A_2390, %get3A_2118 : vector<16xf32>
      %add3A_2392 = arith.addf %add3A_2389, %mul3A_2391 : vector<16xf32>
      %mul3A_2393 = vector.broadcast %squeeze3A_147 : f32 to vector<16xf32>
      %mul3A_2394 = arith.mulf %mul3A_2393, %get3A_2122 : vector<16xf32>
      %add3A_2395 = arith.addf %add3A_2392, %mul3A_2394 : vector<16xf32>
      %mul3A_2396 = vector.broadcast %squeeze3A_179 : f32 to vector<16xf32>
      %mul3A_2397 = arith.mulf %mul3A_2396, %get3A_2126 : vector<16xf32>
      %add3A_2398 = arith.addf %add3A_2395, %mul3A_2397 : vector<16xf32>
      %mul3A_2399 = vector.broadcast %squeeze3A_211 : f32 to vector<16xf32>
      %mul3A_2400 = arith.mulf %mul3A_2399, %get3A_2130 : vector<16xf32>
      %add3A_2401 = arith.addf %add3A_2398, %mul3A_2400 : vector<16xf32>
      %mul3A_2402 = vector.broadcast %squeeze3A_243 : f32 to vector<16xf32>
      %mul3A_2403 = arith.mulf %mul3A_2402, %get3A_2134 : vector<16xf32>
      %add3A_2404 = arith.addf %add3A_2401, %mul3A_2403 : vector<16xf32>
      %max3A_2405 = arith.constant 0.000000e+00 : f32
      %max3A_2406 = vector.broadcast %max3A_2405 : f32 to vector<16xf32>
      %max3A_2407 = arith.maximumf %add3A_2404, %max3A_2406 : vector<16xf32>
      %mul3A_2408 = vector.broadcast %squeeze3A_307 : f32 to vector<16xf32>
      %mul3A_2409 = arith.mulf %mul3A_2408, %max3A_2407 : vector<16xf32>
      %add3A_2410 = arith.addf %add3A_2385, %mul3A_2409 : vector<16xf32>
      %mul3A_2411 = vector.broadcast %squeeze3A_85 : f32 to vector<16xf32>
      %mul3A_2412 = arith.mulf %mul3A_2411, %get3A_2114 : vector<16xf32>
      %add3A_2413 = vector.broadcast %squeeze3A_277 : f32 to vector<16xf32>
      %add3A_2414 = arith.addf %add3A_2413, %mul3A_2412 : vector<16xf32>
      %mul3A_2415 = vector.broadcast %squeeze3A_117 : f32 to vector<16xf32>
      %mul3A_2416 = arith.mulf %mul3A_2415, %get3A_2118 : vector<16xf32>
      %add3A_2417 = arith.addf %add3A_2414, %mul3A_2416 : vector<16xf32>
      %mul3A_2418 = vector.broadcast %squeeze3A_149 : f32 to vector<16xf32>
      %mul3A_2419 = arith.mulf %mul3A_2418, %get3A_2122 : vector<16xf32>
      %add3A_2420 = arith.addf %add3A_2417, %mul3A_2419 : vector<16xf32>
      %mul3A_2421 = vector.broadcast %squeeze3A_181 : f32 to vector<16xf32>
      %mul3A_2422 = arith.mulf %mul3A_2421, %get3A_2126 : vector<16xf32>
      %add3A_2423 = arith.addf %add3A_2420, %mul3A_2422 : vector<16xf32>
      %mul3A_2424 = vector.broadcast %squeeze3A_213 : f32 to vector<16xf32>
      %mul3A_2425 = arith.mulf %mul3A_2424, %get3A_2130 : vector<16xf32>
      %add3A_2426 = arith.addf %add3A_2423, %mul3A_2425 : vector<16xf32>
      %mul3A_2427 = vector.broadcast %squeeze3A_245 : f32 to vector<16xf32>
      %mul3A_2428 = arith.mulf %mul3A_2427, %get3A_2134 : vector<16xf32>
      %add3A_2429 = arith.addf %add3A_2426, %mul3A_2428 : vector<16xf32>
      %max3A_2430 = arith.constant 0.000000e+00 : f32
      %max3A_2431 = vector.broadcast %max3A_2430 : f32 to vector<16xf32>
      %max3A_2432 = arith.maximumf %add3A_2429, %max3A_2431 : vector<16xf32>
      %mul3A_2433 = vector.broadcast %squeeze3A_309 : f32 to vector<16xf32>
      %mul3A_2434 = arith.mulf %mul3A_2433, %max3A_2432 : vector<16xf32>
      %add3A_2435 = arith.addf %add3A_2410, %mul3A_2434 : vector<16xf32>
      %mul3A_2436 = vector.broadcast %squeeze3A_87 : f32 to vector<16xf32>
      %mul3A_2437 = arith.mulf %mul3A_2436, %get3A_2114 : vector<16xf32>
      %add3A_2438 = vector.broadcast %squeeze3A_279 : f32 to vector<16xf32>
      %add3A_2439 = arith.addf %add3A_2438, %mul3A_2437 : vector<16xf32>
      %mul3A_2440 = vector.broadcast %squeeze3A_119 : f32 to vector<16xf32>
      %mul3A_2441 = arith.mulf %mul3A_2440, %get3A_2118 : vector<16xf32>
      %add3A_2442 = arith.addf %add3A_2439, %mul3A_2441 : vector<16xf32>
      %mul3A_2443 = vector.broadcast %squeeze3A_151 : f32 to vector<16xf32>
      %mul3A_2444 = arith.mulf %mul3A_2443, %get3A_2122 : vector<16xf32>
      %add3A_2445 = arith.addf %add3A_2442, %mul3A_2444 : vector<16xf32>
      %mul3A_2446 = vector.broadcast %squeeze3A_183 : f32 to vector<16xf32>
      %mul3A_2447 = arith.mulf %mul3A_2446, %get3A_2126 : vector<16xf32>
      %add3A_2448 = arith.addf %add3A_2445, %mul3A_2447 : vector<16xf32>
      %mul3A_2449 = vector.broadcast %squeeze3A_215 : f32 to vector<16xf32>
      %mul3A_2450 = arith.mulf %mul3A_2449, %get3A_2130 : vector<16xf32>
      %add3A_2451 = arith.addf %add3A_2448, %mul3A_2450 : vector<16xf32>
      %mul3A_2452 = vector.broadcast %squeeze3A_247 : f32 to vector<16xf32>
      %mul3A_2453 = arith.mulf %mul3A_2452, %get3A_2134 : vector<16xf32>
      %add3A_2454 = arith.addf %add3A_2451, %mul3A_2453 : vector<16xf32>
      %max3A_2455 = arith.constant 0.000000e+00 : f32
      %max3A_2456 = vector.broadcast %max3A_2455 : f32 to vector<16xf32>
      %max3A_2457 = arith.maximumf %add3A_2454, %max3A_2456 : vector<16xf32>
      %mul3A_2458 = vector.broadcast %squeeze3A_311 : f32 to vector<16xf32>
      %mul3A_2459 = arith.mulf %mul3A_2458, %max3A_2457 : vector<16xf32>
      %add3A_2460 = arith.addf %add3A_2435, %mul3A_2459 : vector<16xf32>
      %mul3A_2461 = vector.broadcast %squeeze3A_89 : f32 to vector<16xf32>
      %mul3A_2462 = arith.mulf %mul3A_2461, %get3A_2114 : vector<16xf32>
      %add3A_2463 = vector.broadcast %squeeze3A_281 : f32 to vector<16xf32>
      %add3A_2464 = arith.addf %add3A_2463, %mul3A_2462 : vector<16xf32>
      %mul3A_2465 = vector.broadcast %squeeze3A_121 : f32 to vector<16xf32>
      %mul3A_2466 = arith.mulf %mul3A_2465, %get3A_2118 : vector<16xf32>
      %add3A_2467 = arith.addf %add3A_2464, %mul3A_2466 : vector<16xf32>
      %mul3A_2468 = vector.broadcast %squeeze3A_153 : f32 to vector<16xf32>
      %mul3A_2469 = arith.mulf %mul3A_2468, %get3A_2122 : vector<16xf32>
      %add3A_2470 = arith.addf %add3A_2467, %mul3A_2469 : vector<16xf32>
      %mul3A_2471 = vector.broadcast %squeeze3A_185 : f32 to vector<16xf32>
      %mul3A_2472 = arith.mulf %mul3A_2471, %get3A_2126 : vector<16xf32>
      %add3A_2473 = arith.addf %add3A_2470, %mul3A_2472 : vector<16xf32>
      %mul3A_2474 = vector.broadcast %squeeze3A_217 : f32 to vector<16xf32>
      %mul3A_2475 = arith.mulf %mul3A_2474, %get3A_2130 : vector<16xf32>
      %add3A_2476 = arith.addf %add3A_2473, %mul3A_2475 : vector<16xf32>
      %mul3A_2477 = vector.broadcast %squeeze3A_249 : f32 to vector<16xf32>
      %mul3A_2478 = arith.mulf %mul3A_2477, %get3A_2134 : vector<16xf32>
      %add3A_2479 = arith.addf %add3A_2476, %mul3A_2478 : vector<16xf32>
      %max3A_2480 = arith.constant 0.000000e+00 : f32
      %max3A_2481 = vector.broadcast %max3A_2480 : f32 to vector<16xf32>
      %max3A_2482 = arith.maximumf %add3A_2479, %max3A_2481 : vector<16xf32>
      %mul3A_2483 = vector.broadcast %squeeze3A_313 : f32 to vector<16xf32>
      %mul3A_2484 = arith.mulf %mul3A_2483, %max3A_2482 : vector<16xf32>
      %add3A_2485 = arith.addf %add3A_2460, %mul3A_2484 : vector<16xf32>
      %mul3A_2486 = vector.broadcast %squeeze3A_91 : f32 to vector<16xf32>
      %mul3A_2487 = arith.mulf %mul3A_2486, %get3A_2114 : vector<16xf32>
      %add3A_2488 = vector.broadcast %squeeze3A_283 : f32 to vector<16xf32>
      %add3A_2489 = arith.addf %add3A_2488, %mul3A_2487 : vector<16xf32>
      %mul3A_2490 = vector.broadcast %squeeze3A_123 : f32 to vector<16xf32>
      %mul3A_2491 = arith.mulf %mul3A_2490, %get3A_2118 : vector<16xf32>
      %add3A_2492 = arith.addf %add3A_2489, %mul3A_2491 : vector<16xf32>
      %mul3A_2493 = vector.broadcast %squeeze3A_155 : f32 to vector<16xf32>
      %mul3A_2494 = arith.mulf %mul3A_2493, %get3A_2122 : vector<16xf32>
      %add3A_2495 = arith.addf %add3A_2492, %mul3A_2494 : vector<16xf32>
      %mul3A_2496 = vector.broadcast %squeeze3A_187 : f32 to vector<16xf32>
      %mul3A_2497 = arith.mulf %mul3A_2496, %get3A_2126 : vector<16xf32>
      %add3A_2498 = arith.addf %add3A_2495, %mul3A_2497 : vector<16xf32>
      %mul3A_2499 = vector.broadcast %squeeze3A_219 : f32 to vector<16xf32>
      %mul3A_2500 = arith.mulf %mul3A_2499, %get3A_2130 : vector<16xf32>
      %add3A_2501 = arith.addf %add3A_2498, %mul3A_2500 : vector<16xf32>
      %mul3A_2502 = vector.broadcast %squeeze3A_251 : f32 to vector<16xf32>
      %mul3A_2503 = arith.mulf %mul3A_2502, %get3A_2134 : vector<16xf32>
      %add3A_2504 = arith.addf %add3A_2501, %mul3A_2503 : vector<16xf32>
      %max3A_2505 = arith.constant 0.000000e+00 : f32
      %max3A_2506 = vector.broadcast %max3A_2505 : f32 to vector<16xf32>
      %max3A_2507 = arith.maximumf %add3A_2504, %max3A_2506 : vector<16xf32>
      %mul3A_2508 = vector.broadcast %squeeze3A_315 : f32 to vector<16xf32>
      %mul3A_2509 = arith.mulf %mul3A_2508, %max3A_2507 : vector<16xf32>
      %add3A_2510 = arith.addf %add3A_2485, %mul3A_2509 : vector<16xf32>
      %mul3A_2511 = vector.broadcast %squeeze3A_93 : f32 to vector<16xf32>
      %mul3A_2512 = arith.mulf %mul3A_2511, %get3A_2114 : vector<16xf32>
      %add3A_2513 = vector.broadcast %squeeze3A_285 : f32 to vector<16xf32>
      %add3A_2514 = arith.addf %add3A_2513, %mul3A_2512 : vector<16xf32>
      %mul3A_2515 = vector.broadcast %squeeze3A_125 : f32 to vector<16xf32>
      %mul3A_2516 = arith.mulf %mul3A_2515, %get3A_2118 : vector<16xf32>
      %add3A_2517 = arith.addf %add3A_2514, %mul3A_2516 : vector<16xf32>
      %mul3A_2518 = vector.broadcast %squeeze3A_157 : f32 to vector<16xf32>
      %mul3A_2519 = arith.mulf %mul3A_2518, %get3A_2122 : vector<16xf32>
      %add3A_2520 = arith.addf %add3A_2517, %mul3A_2519 : vector<16xf32>
      %mul3A_2521 = vector.broadcast %squeeze3A_189 : f32 to vector<16xf32>
      %mul3A_2522 = arith.mulf %mul3A_2521, %get3A_2126 : vector<16xf32>
      %add3A_2523 = arith.addf %add3A_2520, %mul3A_2522 : vector<16xf32>
      %mul3A_2524 = vector.broadcast %squeeze3A_221 : f32 to vector<16xf32>
      %mul3A_2525 = arith.mulf %mul3A_2524, %get3A_2130 : vector<16xf32>
      %add3A_2526 = arith.addf %add3A_2523, %mul3A_2525 : vector<16xf32>
      %mul3A_2527 = vector.broadcast %squeeze3A_253 : f32 to vector<16xf32>
      %mul3A_2528 = arith.mulf %mul3A_2527, %get3A_2134 : vector<16xf32>
      %add3A_2529 = arith.addf %add3A_2526, %mul3A_2528 : vector<16xf32>
      %max3A_2530 = arith.constant 0.000000e+00 : f32
      %max3A_2531 = vector.broadcast %max3A_2530 : f32 to vector<16xf32>
      %max3A_2532 = arith.maximumf %add3A_2529, %max3A_2531 : vector<16xf32>
      %mul3A_2533 = vector.broadcast %squeeze3A_317 : f32 to vector<16xf32>
      %mul3A_2534 = arith.mulf %mul3A_2533, %max3A_2532 : vector<16xf32>
      %add3A_2535 = arith.addf %add3A_2510, %mul3A_2534 : vector<16xf32>
      %mul3A_2536 = arith.constant 128 : i32
      %mul3A_2537 = arith.muli %scan3A_389, %mul3A_2536 : i32
      %add3A_2538 = arith.constant 80 : i32
      %add3A_2539 = arith.addi %mul3A_2537, %add3A_2538 : i32
      %add3A_2540 = arith.constant 0 : i32
      %add3A_2541 = arith.addi %add3A_2540, %add3A_2539 : i32
      %get3A_2542 = arith.index_cast %add3A_2541 : i32 to index
      %get3A_2543 = tpu.vector_load %arg5[%get3A_2542] {strides = array<i32>} : memref<6144xf32, #tpu.memory_space<vmem>>, vector<16xf32>,
      %add3A_2544 = arith.constant 1024 : i32
      %add3A_2545 = arith.addi %add3A_2544, %add3A_2539 : i32
      %get3A_2546 = arith.index_cast %add3A_2545 : i32 to index
      %get3A_2547 = tpu.vector_load %arg5[%get3A_2546] {strides = array<i32>} : memref<6144xf32, #tpu.memory_space<vmem>>, vector<16xf32>,
      %add3A_2548 = arith.constant 2048 : i32
      %add3A_2549 = arith.addi %add3A_2548, %add3A_2539 : i32
      %get3A_2550 = arith.index_cast %add3A_2549 : i32 to index
      %get3A_2551 = tpu.vector_load %arg5[%get3A_2550] {strides = array<i32>} : memref<6144xf32, #tpu.memory_space<vmem>>, vector<16xf32>,
      %add3A_2552 = arith.constant 3072 : i32
      %add3A_2553 = arith.addi %add3A_2552, %add3A_2539 : i32
      %get3A_2554 = arith.index_cast %add3A_2553 : i32 to index
      %get3A_2555 = tpu.vector_load %arg5[%get3A_2554] {strides = array<i32>} : memref<6144xf32, #tpu.memory_space<vmem>>, vector<16xf32>,
      %add3A_2556 = arith.constant 4096 : i32
      %add3A_2557 = arith.addi %add3A_2556, %add3A_2539 : i32
      %get3A_2558 = arith.index_cast %add3A_2557 : i32 to index
      %get3A_2559 = tpu.vector_load %arg5[%get3A_2558] {strides = array<i32>} : memref<6144xf32, #tpu.memory_space<vmem>>, vector<16xf32>,
      %add3A_2560 = arith.constant 5120 : i32
      %add3A_2561 = arith.addi %add3A_2560, %add3A_2539 : i32
      %get3A_2562 = arith.index_cast %add3A_2561 : i32 to index
      %get3A_2563 = tpu.vector_load %arg5[%get3A_2562] {strides = array<i32>} : memref<6144xf32, #tpu.memory_space<vmem>>, vector<16xf32>,
      %broadcast_in_dim3A_2564 = vector.broadcast %squeeze3A_321 : f32 to vector<16xf32>
      %mul3A_2565 = vector.broadcast %squeeze3A : f32 to vector<16xf32>
      %mul3A_2566 = arith.mulf %mul3A_2565, %get3A_2543 : vector<16xf32>
      %add3A_2567 = vector.broadcast %squeeze3A_255 : f32 to vector<16xf32>
      %add3A_2568 = arith.addf %add3A_2567, %mul3A_2566 : vector<16xf32>
      %mul3A_2569 = vector.broadcast %squeeze3A_95 : f32 to vector<16xf32>
      %mul3A_2570 = arith.mulf %mul3A_2569, %get3A_2547 : vector<16xf32>
      %add3A_2571 = arith.addf %add3A_2568, %mul3A_2570 : vector<16xf32>
      %mul3A_2572 = vector.broadcast %squeeze3A_127 : f32 to vector<16xf32>
      %mul3A_2573 = arith.mulf %mul3A_2572, %get3A_2551 : vector<16xf32>
      %add3A_2574 = arith.addf %add3A_2571, %mul3A_2573 : vector<16xf32>
      %mul3A_2575 = vector.broadcast %squeeze3A_159 : f32 to vector<16xf32>
      %mul3A_2576 = arith.mulf %mul3A_2575, %get3A_2555 : vector<16xf32>
      %add3A_2577 = arith.addf %add3A_2574, %mul3A_2576 : vector<16xf32>
      %mul3A_2578 = vector.broadcast %squeeze3A_191 : f32 to vector<16xf32>
      %mul3A_2579 = arith.mulf %mul3A_2578, %get3A_2559 : vector<16xf32>
      %add3A_2580 = arith.addf %add3A_2577, %mul3A_2579 : vector<16xf32>
      %mul3A_2581 = vector.broadcast %squeeze3A_223 : f32 to vector<16xf32>
      %mul3A_2582 = arith.mulf %mul3A_2581, %get3A_2563 : vector<16xf32>
      %add3A_2583 = arith.addf %add3A_2580, %mul3A_2582 : vector<16xf32>
      %max3A_2584 = arith.constant 0.000000e+00 : f32
      %max3A_2585 = vector.broadcast %max3A_2584 : f32 to vector<16xf32>
      %max3A_2586 = arith.maximumf %add3A_2583, %max3A_2585 : vector<16xf32>
      %mul3A_2587 = vector.broadcast %squeeze3A_287 : f32 to vector<16xf32>
      %mul3A_2588 = arith.mulf %mul3A_2587, %max3A_2586 : vector<16xf32>
      %add3A_2589 = arith.addf %broadcast_in_dim3A_2564, %mul3A_2588 : vector<16xf32>
      %mul3A_2590 = vector.broadcast %squeeze3A_65 : f32 to vector<16xf32>
      %mul3A_2591 = arith.mulf %mul3A_2590, %get3A_2543 : vector<16xf32>
      %add3A_2592 = vector.broadcast %squeeze3A_257 : f32 to vector<16xf32>
      %add3A_2593 = arith.addf %add3A_2592, %mul3A_2591 : vector<16xf32>
      %mul3A_2594 = vector.broadcast %squeeze3A_97 : f32 to vector<16xf32>
      %mul3A_2595 = arith.mulf %mul3A_2594, %get3A_2547 : vector<16xf32>
      %add3A_2596 = arith.addf %add3A_2593, %mul3A_2595 : vector<16xf32>
      %mul3A_2597 = vector.broadcast %squeeze3A_129 : f32 to vector<16xf32>
      %mul3A_2598 = arith.mulf %mul3A_2597, %get3A_2551 : vector<16xf32>
      %add3A_2599 = arith.addf %add3A_2596, %mul3A_2598 : vector<16xf32>
      %mul3A_2600 = vector.broadcast %squeeze3A_161 : f32 to vector<16xf32>
      %mul3A_2601 = arith.mulf %mul3A_2600, %get3A_2555 : vector<16xf32>
      %add3A_2602 = arith.addf %add3A_2599, %mul3A_2601 : vector<16xf32>
      %mul3A_2603 = vector.broadcast %squeeze3A_193 : f32 to vector<16xf32>
      %mul3A_2604 = arith.mulf %mul3A_2603, %get3A_2559 : vector<16xf32>
      %add3A_2605 = arith.addf %add3A_2602, %mul3A_2604 : vector<16xf32>
      %mul3A_2606 = vector.broadcast %squeeze3A_225 : f32 to vector<16xf32>
      %mul3A_2607 = arith.mulf %mul3A_2606, %get3A_2563 : vector<16xf32>
      %add3A_2608 = arith.addf %add3A_2605, %mul3A_2607 : vector<16xf32>
      %max3A_2609 = arith.constant 0.000000e+00 : f32
      %max3A_2610 = vector.broadcast %max3A_2609 : f32 to vector<16xf32>
      %max3A_2611 = arith.maximumf %add3A_2608, %max3A_2610 : vector<16xf32>
      %mul3A_2612 = vector.broadcast %squeeze3A_289 : f32 to vector<16xf32>
      %mul3A_2613 = arith.mulf %mul3A_2612, %max3A_2611 : vector<16xf32>
      %add3A_2614 = arith.addf %add3A_2589, %mul3A_2613 : vector<16xf32>
      %mul3A_2615 = vector.broadcast %squeeze3A_67 : f32 to vector<16xf32>
      %mul3A_2616 = arith.mulf %mul3A_2615, %get3A_2543 : vector<16xf32>
      %add3A_2617 = vector.broadcast %squeeze3A_259 : f32 to vector<16xf32>
      %add3A_2618 = arith.addf %add3A_2617, %mul3A_2616 : vector<16xf32>
      %mul3A_2619 = vector.broadcast %squeeze3A_99 : f32 to vector<16xf32>
      %mul3A_2620 = arith.mulf %mul3A_2619, %get3A_2547 : vector<16xf32>
      %add3A_2621 = arith.addf %add3A_2618, %mul3A_2620 : vector<16xf32>
      %mul3A_2622 = vector.broadcast %squeeze3A_131 : f32 to vector<16xf32>
      %mul3A_2623 = arith.mulf %mul3A_2622, %get3A_2551 : vector<16xf32>
      %add3A_2624 = arith.addf %add3A_2621, %mul3A_2623 : vector<16xf32>
      %mul3A_2625 = vector.broadcast %squeeze3A_163 : f32 to vector<16xf32>
      %mul3A_2626 = arith.mulf %mul3A_2625, %get3A_2555 : vector<16xf32>
      %add3A_2627 = arith.addf %add3A_2624, %mul3A_2626 : vector<16xf32>
      %mul3A_2628 = vector.broadcast %squeeze3A_195 : f32 to vector<16xf32>
      %mul3A_2629 = arith.mulf %mul3A_2628, %get3A_2559 : vector<16xf32>
      %add3A_2630 = arith.addf %add3A_2627, %mul3A_2629 : vector<16xf32>
      %mul3A_2631 = vector.broadcast %squeeze3A_227 : f32 to vector<16xf32>
      %mul3A_2632 = arith.mulf %mul3A_2631, %get3A_2563 : vector<16xf32>
      %add3A_2633 = arith.addf %add3A_2630, %mul3A_2632 : vector<16xf32>
      %max3A_2634 = arith.constant 0.000000e+00 : f32
      %max3A_2635 = vector.broadcast %max3A_2634 : f32 to vector<16xf32>
      %max3A_2636 = arith.maximumf %add3A_2633, %max3A_2635 : vector<16xf32>
      %mul3A_2637 = vector.broadcast %squeeze3A_291 : f32 to vector<16xf32>
      %mul3A_2638 = arith.mulf %mul3A_2637, %max3A_2636 : vector<16xf32>
      %add3A_2639 = arith.addf %add3A_2614, %mul3A_2638 : vector<16xf32>
      %mul3A_2640 = vector.broadcast %squeeze3A_69 : f32 to vector<16xf32>
      %mul3A_2641 = arith.mulf %mul3A_2640, %get3A_2543 : vector<16xf32>
      %add3A_2642 = vector.broadcast %squeeze3A_261 : f32 to vector<16xf32>
      %add3A_2643 = arith.addf %add3A_2642, %mul3A_2641 : vector<16xf32>
      %mul3A_2644 = vector.broadcast %squeeze3A_101 : f32 to vector<16xf32>
      %mul3A_2645 = arith.mulf %mul3A_2644, %get3A_2547 : vector<16xf32>
      %add3A_2646 = arith.addf %add3A_2643, %mul3A_2645 : vector<16xf32>
      %mul3A_2647 = vector.broadcast %squeeze3A_133 : f32 to vector<16xf32>
      %mul3A_2648 = arith.mulf %mul3A_2647, %get3A_2551 : vector<16xf32>
      %add3A_2649 = arith.addf %add3A_2646, %mul3A_2648 : vector<16xf32>
      %mul3A_2650 = vector.broadcast %squeeze3A_165 : f32 to vector<16xf32>
      %mul3A_2651 = arith.mulf %mul3A_2650, %get3A_2555 : vector<16xf32>
      %add3A_2652 = arith.addf %add3A_2649, %mul3A_2651 : vector<16xf32>
      %mul3A_2653 = vector.broadcast %squeeze3A_197 : f32 to vector<16xf32>
      %mul3A_2654 = arith.mulf %mul3A_2653, %get3A_2559 : vector<16xf32>
      %add3A_2655 = arith.addf %add3A_2652, %mul3A_2654 : vector<16xf32>
      %mul3A_2656 = vector.broadcast %squeeze3A_229 : f32 to vector<16xf32>
      %mul3A_2657 = arith.mulf %mul3A_2656, %get3A_2563 : vector<16xf32>
      %add3A_2658 = arith.addf %add3A_2655, %mul3A_2657 : vector<16xf32>
      %max3A_2659 = arith.constant 0.000000e+00 : f32
      %max3A_2660 = vector.broadcast %max3A_2659 : f32 to vector<16xf32>
      %max3A_2661 = arith.maximumf %add3A_2658, %max3A_2660 : vector<16xf32>
      %mul3A_2662 = vector.broadcast %squeeze3A_293 : f32 to vector<16xf32>
      %mul3A_2663 = arith.mulf %mul3A_2662, %max3A_2661 : vector<16xf32>
      %add3A_2664 = arith.addf %add3A_2639, %mul3A_2663 : vector<16xf32>
      %mul3A_2665 = vector.broadcast %squeeze3A_71 : f32 to vector<16xf32>
      %mul3A_2666 = arith.mulf %mul3A_2665, %get3A_2543 : vector<16xf32>
      %add3A_2667 = vector.broadcast %squeeze3A_263 : f32 to vector<16xf32>
      %add3A_2668 = arith.addf %add3A_2667, %mul3A_2666 : vector<16xf32>
      %mul3A_2669 = vector.broadcast %squeeze3A_103 : f32 to vector<16xf32>
      %mul3A_2670 = arith.mulf %mul3A_2669, %get3A_2547 : vector<16xf32>
      %add3A_2671 = arith.addf %add3A_2668, %mul3A_2670 : vector<16xf32>
      %mul3A_2672 = vector.broadcast %squeeze3A_135 : f32 to vector<16xf32>
      %mul3A_2673 = arith.mulf %mul3A_2672, %get3A_2551 : vector<16xf32>
      %add3A_2674 = arith.addf %add3A_2671, %mul3A_2673 : vector<16xf32>
      %mul3A_2675 = vector.broadcast %squeeze3A_167 : f32 to vector<16xf32>
      %mul3A_2676 = arith.mulf %mul3A_2675, %get3A_2555 : vector<16xf32>
      %add3A_2677 = arith.addf %add3A_2674, %mul3A_2676 : vector<16xf32>
      %mul3A_2678 = vector.broadcast %squeeze3A_199 : f32 to vector<16xf32>
      %mul3A_2679 = arith.mulf %mul3A_2678, %get3A_2559 : vector<16xf32>
      %add3A_2680 = arith.addf %add3A_2677, %mul3A_2679 : vector<16xf32>
      %mul3A_2681 = vector.broadcast %squeeze3A_231 : f32 to vector<16xf32>
      %mul3A_2682 = arith.mulf %mul3A_2681, %get3A_2563 : vector<16xf32>
      %add3A_2683 = arith.addf %add3A_2680, %mul3A_2682 : vector<16xf32>
      %max3A_2684 = arith.constant 0.000000e+00 : f32
      %max3A_2685 = vector.broadcast %max3A_2684 : f32 to vector<16xf32>
      %max3A_2686 = arith.maximumf %add3A_2683, %max3A_2685 : vector<16xf32>
      %mul3A_2687 = vector.broadcast %squeeze3A_295 : f32 to vector<16xf32>
      %mul3A_2688 = arith.mulf %mul3A_2687, %max3A_2686 : vector<16xf32>
      %add3A_2689 = arith.addf %add3A_2664, %mul3A_2688 : vector<16xf32>
      %mul3A_2690 = vector.broadcast %squeeze3A_73 : f32 to vector<16xf32>
      %mul3A_2691 = arith.mulf %mul3A_2690, %get3A_2543 : vector<16xf32>
      %add3A_2692 = vector.broadcast %squeeze3A_265 : f32 to vector<16xf32>
      %add3A_2693 = arith.addf %add3A_2692, %mul3A_2691 : vector<16xf32>
      %mul3A_2694 = vector.broadcast %squeeze3A_105 : f32 to vector<16xf32>
      %mul3A_2695 = arith.mulf %mul3A_2694, %get3A_2547 : vector<16xf32>
      %add3A_2696 = arith.addf %add3A_2693, %mul3A_2695 : vector<16xf32>
      %mul3A_2697 = vector.broadcast %squeeze3A_137 : f32 to vector<16xf32>
      %mul3A_2698 = arith.mulf %mul3A_2697, %get3A_2551 : vector<16xf32>
      %add3A_2699 = arith.addf %add3A_2696, %mul3A_2698 : vector<16xf32>
      %mul3A_2700 = vector.broadcast %squeeze3A_169 : f32 to vector<16xf32>
      %mul3A_2701 = arith.mulf %mul3A_2700, %get3A_2555 : vector<16xf32>
      %add3A_2702 = arith.addf %add3A_2699, %mul3A_2701 : vector<16xf32>
      %mul3A_2703 = vector.broadcast %squeeze3A_201 : f32 to vector<16xf32>
      %mul3A_2704 = arith.mulf %mul3A_2703, %get3A_2559 : vector<16xf32>
      %add3A_2705 = arith.addf %add3A_2702, %mul3A_2704 : vector<16xf32>
      %mul3A_2706 = vector.broadcast %squeeze3A_233 : f32 to vector<16xf32>
      %mul3A_2707 = arith.mulf %mul3A_2706, %get3A_2563 : vector<16xf32>
      %add3A_2708 = arith.addf %add3A_2705, %mul3A_2707 : vector<16xf32>
      %max3A_2709 = arith.constant 0.000000e+00 : f32
      %max3A_2710 = vector.broadcast %max3A_2709 : f32 to vector<16xf32>
      %max3A_2711 = arith.maximumf %add3A_2708, %max3A_2710 : vector<16xf32>
      %mul3A_2712 = vector.broadcast %squeeze3A_297 : f32 to vector<16xf32>
      %mul3A_2713 = arith.mulf %mul3A_2712, %max3A_2711 : vector<16xf32>
      %add3A_2714 = arith.addf %add3A_2689, %mul3A_2713 : vector<16xf32>
      %mul3A_2715 = vector.broadcast %squeeze3A_75 : f32 to vector<16xf32>
      %mul3A_2716 = arith.mulf %mul3A_2715, %get3A_2543 : vector<16xf32>
      %add3A_2717 = vector.broadcast %squeeze3A_267 : f32 to vector<16xf32>
      %add3A_2718 = arith.addf %add3A_2717, %mul3A_2716 : vector<16xf32>
      %mul3A_2719 = vector.broadcast %squeeze3A_107 : f32 to vector<16xf32>
      %mul3A_2720 = arith.mulf %mul3A_2719, %get3A_2547 : vector<16xf32>
      %add3A_2721 = arith.addf %add3A_2718, %mul3A_2720 : vector<16xf32>
      %mul3A_2722 = vector.broadcast %squeeze3A_139 : f32 to vector<16xf32>
      %mul3A_2723 = arith.mulf %mul3A_2722, %get3A_2551 : vector<16xf32>
      %add3A_2724 = arith.addf %add3A_2721, %mul3A_2723 : vector<16xf32>
      %mul3A_2725 = vector.broadcast %squeeze3A_171 : f32 to vector<16xf32>
      %mul3A_2726 = arith.mulf %mul3A_2725, %get3A_2555 : vector<16xf32>
      %add3A_2727 = arith.addf %add3A_2724, %mul3A_2726 : vector<16xf32>
      %mul3A_2728 = vector.broadcast %squeeze3A_203 : f32 to vector<16xf32>
      %mul3A_2729 = arith.mulf %mul3A_2728, %get3A_2559 : vector<16xf32>
      %add3A_2730 = arith.addf %add3A_2727, %mul3A_2729 : vector<16xf32>
      %mul3A_2731 = vector.broadcast %squeeze3A_235 : f32 to vector<16xf32>
      %mul3A_2732 = arith.mulf %mul3A_2731, %get3A_2563 : vector<16xf32>
      %add3A_2733 = arith.addf %add3A_2730, %mul3A_2732 : vector<16xf32>
      %max3A_2734 = arith.constant 0.000000e+00 : f32
      %max3A_2735 = vector.broadcast %max3A_2734 : f32 to vector<16xf32>
      %max3A_2736 = arith.maximumf %add3A_2733, %max3A_2735 : vector<16xf32>
      %mul3A_2737 = vector.broadcast %squeeze3A_299 : f32 to vector<16xf32>
      %mul3A_2738 = arith.mulf %mul3A_2737, %max3A_2736 : vector<16xf32>
      %add3A_2739 = arith.addf %add3A_2714, %mul3A_2738 : vector<16xf32>
      %mul3A_2740 = vector.broadcast %squeeze3A_77 : f32 to vector<16xf32>
      %mul3A_2741 = arith.mulf %mul3A_2740, %get3A_2543 : vector<16xf32>
      %add3A_2742 = vector.broadcast %squeeze3A_269 : f32 to vector<16xf32>
      %add3A_2743 = arith.addf %add3A_2742, %mul3A_2741 : vector<16xf32>
      %mul3A_2744 = vector.broadcast %squeeze3A_109 : f32 to vector<16xf32>
      %mul3A_2745 = arith.mulf %mul3A_2744, %get3A_2547 : vector<16xf32>
      %add3A_2746 = arith.addf %add3A_2743, %mul3A_2745 : vector<16xf32>
      %mul3A_2747 = vector.broadcast %squeeze3A_141 : f32 to vector<16xf32>
      %mul3A_2748 = arith.mulf %mul3A_2747, %get3A_2551 : vector<16xf32>
      %add3A_2749 = arith.addf %add3A_2746, %mul3A_2748 : vector<16xf32>
      %mul3A_2750 = vector.broadcast %squeeze3A_173 : f32 to vector<16xf32>
      %mul3A_2751 = arith.mulf %mul3A_2750, %get3A_2555 : vector<16xf32>
      %add3A_2752 = arith.addf %add3A_2749, %mul3A_2751 : vector<16xf32>
      %mul3A_2753 = vector.broadcast %squeeze3A_205 : f32 to vector<16xf32>
      %mul3A_2754 = arith.mulf %mul3A_2753, %get3A_2559 : vector<16xf32>
      %add3A_2755 = arith.addf %add3A_2752, %mul3A_2754 : vector<16xf32>
      %mul3A_2756 = vector.broadcast %squeeze3A_237 : f32 to vector<16xf32>
      %mul3A_2757 = arith.mulf %mul3A_2756, %get3A_2563 : vector<16xf32>
      %add3A_2758 = arith.addf %add3A_2755, %mul3A_2757 : vector<16xf32>
      %max3A_2759 = arith.constant 0.000000e+00 : f32
      %max3A_2760 = vector.broadcast %max3A_2759 : f32 to vector<16xf32>
      %max3A_2761 = arith.maximumf %add3A_2758, %max3A_2760 : vector<16xf32>
      %mul3A_2762 = vector.broadcast %squeeze3A_301 : f32 to vector<16xf32>
      %mul3A_2763 = arith.mulf %mul3A_2762, %max3A_2761 : vector<16xf32>
      %add3A_2764 = arith.addf %add3A_2739, %mul3A_2763 : vector<16xf32>
      %mul3A_2765 = vector.broadcast %squeeze3A_79 : f32 to vector<16xf32>
      %mul3A_2766 = arith.mulf %mul3A_2765, %get3A_2543 : vector<16xf32>
      %add3A_2767 = vector.broadcast %squeeze3A_271 : f32 to vector<16xf32>
      %add3A_2768 = arith.addf %add3A_2767, %mul3A_2766 : vector<16xf32>
      %mul3A_2769 = vector.broadcast %squeeze3A_111 : f32 to vector<16xf32>
      %mul3A_2770 = arith.mulf %mul3A_2769, %get3A_2547 : vector<16xf32>
      %add3A_2771 = arith.addf %add3A_2768, %mul3A_2770 : vector<16xf32>
      %mul3A_2772 = vector.broadcast %squeeze3A_143 : f32 to vector<16xf32>
      %mul3A_2773 = arith.mulf %mul3A_2772, %get3A_2551 : vector<16xf32>
      %add3A_2774 = arith.addf %add3A_2771, %mul3A_2773 : vector<16xf32>
      %mul3A_2775 = vector.broadcast %squeeze3A_175 : f32 to vector<16xf32>
      %mul3A_2776 = arith.mulf %mul3A_2775, %get3A_2555 : vector<16xf32>
      %add3A_2777 = arith.addf %add3A_2774, %mul3A_2776 : vector<16xf32>
      %mul3A_2778 = vector.broadcast %squeeze3A_207 : f32 to vector<16xf32>
      %mul3A_2779 = arith.mulf %mul3A_2778, %get3A_2559 : vector<16xf32>
      %add3A_2780 = arith.addf %add3A_2777, %mul3A_2779 : vector<16xf32>
      %mul3A_2781 = vector.broadcast %squeeze3A_239 : f32 to vector<16xf32>
      %mul3A_2782 = arith.mulf %mul3A_2781, %get3A_2563 : vector<16xf32>
      %add3A_2783 = arith.addf %add3A_2780, %mul3A_2782 : vector<16xf32>
      %max3A_2784 = arith.constant 0.000000e+00 : f32
      %max3A_2785 = vector.broadcast %max3A_2784 : f32 to vector<16xf32>
      %max3A_2786 = arith.maximumf %add3A_2783, %max3A_2785 : vector<16xf32>
      %mul3A_2787 = vector.broadcast %squeeze3A_303 : f32 to vector<16xf32>
      %mul3A_2788 = arith.mulf %mul3A_2787, %max3A_2786 : vector<16xf32>
      %add3A_2789 = arith.addf %add3A_2764, %mul3A_2788 : vector<16xf32>
      %mul3A_2790 = vector.broadcast %squeeze3A_81 : f32 to vector<16xf32>
      %mul3A_2791 = arith.mulf %mul3A_2790, %get3A_2543 : vector<16xf32>
      %add3A_2792 = vector.broadcast %squeeze3A_273 : f32 to vector<16xf32>
      %add3A_2793 = arith.addf %add3A_2792, %mul3A_2791 : vector<16xf32>
      %mul3A_2794 = vector.broadcast %squeeze3A_113 : f32 to vector<16xf32>
      %mul3A_2795 = arith.mulf %mul3A_2794, %get3A_2547 : vector<16xf32>
      %add3A_2796 = arith.addf %add3A_2793, %mul3A_2795 : vector<16xf32>
      %mul3A_2797 = vector.broadcast %squeeze3A_145 : f32 to vector<16xf32>
      %mul3A_2798 = arith.mulf %mul3A_2797, %get3A_2551 : vector<16xf32>
      %add3A_2799 = arith.addf %add3A_2796, %mul3A_2798 : vector<16xf32>
      %mul3A_2800 = vector.broadcast %squeeze3A_177 : f32 to vector<16xf32>
      %mul3A_2801 = arith.mulf %mul3A_2800, %get3A_2555 : vector<16xf32>
      %add3A_2802 = arith.addf %add3A_2799, %mul3A_2801 : vector<16xf32>
      %mul3A_2803 = vector.broadcast %squeeze3A_209 : f32 to vector<16xf32>
      %mul3A_2804 = arith.mulf %mul3A_2803, %get3A_2559 : vector<16xf32>
      %add3A_2805 = arith.addf %add3A_2802, %mul3A_2804 : vector<16xf32>
      %mul3A_2806 = vector.broadcast %squeeze3A_241 : f32 to vector<16xf32>
      %mul3A_2807 = arith.mulf %mul3A_2806, %get3A_2563 : vector<16xf32>
      %add3A_2808 = arith.addf %add3A_2805, %mul3A_2807 : vector<16xf32>
      %max3A_2809 = arith.constant 0.000000e+00 : f32
      %max3A_2810 = vector.broadcast %max3A_2809 : f32 to vector<16xf32>
      %max3A_2811 = arith.maximumf %add3A_2808, %max3A_2810 : vector<16xf32>
      %mul3A_2812 = vector.broadcast %squeeze3A_305 : f32 to vector<16xf32>
      %mul3A_2813 = arith.mulf %mul3A_2812, %max3A_2811 : vector<16xf32>
      %add3A_2814 = arith.addf %add3A_2789, %mul3A_2813 : vector<16xf32>
      %mul3A_2815 = vector.broadcast %squeeze3A_83 : f32 to vector<16xf32>
      %mul3A_2816 = arith.mulf %mul3A_2815, %get3A_2543 : vector<16xf32>
      %add3A_2817 = vector.broadcast %squeeze3A_275 : f32 to vector<16xf32>
      %add3A_2818 = arith.addf %add3A_2817, %mul3A_2816 : vector<16xf32>
      %mul3A_2819 = vector.broadcast %squeeze3A_115 : f32 to vector<16xf32>
      %mul3A_2820 = arith.mulf %mul3A_2819, %get3A_2547 : vector<16xf32>
      %add3A_2821 = arith.addf %add3A_2818, %mul3A_2820 : vector<16xf32>
      %mul3A_2822 = vector.broadcast %squeeze3A_147 : f32 to vector<16xf32>
      %mul3A_2823 = arith.mulf %mul3A_2822, %get3A_2551 : vector<16xf32>
      %add3A_2824 = arith.addf %add3A_2821, %mul3A_2823 : vector<16xf32>
      %mul3A_2825 = vector.broadcast %squeeze3A_179 : f32 to vector<16xf32>
      %mul3A_2826 = arith.mulf %mul3A_2825, %get3A_2555 : vector<16xf32>
      %add3A_2827 = arith.addf %add3A_2824, %mul3A_2826 : vector<16xf32>
      %mul3A_2828 = vector.broadcast %squeeze3A_211 : f32 to vector<16xf32>
      %mul3A_2829 = arith.mulf %mul3A_2828, %get3A_2559 : vector<16xf32>
      %add3A_2830 = arith.addf %add3A_2827, %mul3A_2829 : vector<16xf32>
      %mul3A_2831 = vector.broadcast %squeeze3A_243 : f32 to vector<16xf32>
      %mul3A_2832 = arith.mulf %mul3A_2831, %get3A_2563 : vector<16xf32>
      %add3A_2833 = arith.addf %add3A_2830, %mul3A_2832 : vector<16xf32>
      %max3A_2834 = arith.constant 0.000000e+00 : f32
      %max3A_2835 = vector.broadcast %max3A_2834 : f32 to vector<16xf32>
      %max3A_2836 = arith.maximumf %add3A_2833, %max3A_2835 : vector<16xf32>
      %mul3A_2837 = vector.broadcast %squeeze3A_307 : f32 to vector<16xf32>
      %mul3A_2838 = arith.mulf %mul3A_2837, %max3A_2836 : vector<16xf32>
      %add3A_2839 = arith.addf %add3A_2814, %mul3A_2838 : vector<16xf32>
      %mul3A_2840 = vector.broadcast %squeeze3A_85 : f32 to vector<16xf32>
      %mul3A_2841 = arith.mulf %mul3A_2840, %get3A_2543 : vector<16xf32>
      %add3A_2842 = vector.broadcast %squeeze3A_277 : f32 to vector<16xf32>
      %add3A_2843 = arith.addf %add3A_2842, %mul3A_2841 : vector<16xf32>
      %mul3A_2844 = vector.broadcast %squeeze3A_117 : f32 to vector<16xf32>
      %mul3A_2845 = arith.mulf %mul3A_2844, %get3A_2547 : vector<16xf32>
      %add3A_2846 = arith.addf %add3A_2843, %mul3A_2845 : vector<16xf32>
      %mul3A_2847 = vector.broadcast %squeeze3A_149 : f32 to vector<16xf32>
      %mul3A_2848 = arith.mulf %mul3A_2847, %get3A_2551 : vector<16xf32>
      %add3A_2849 = arith.addf %add3A_2846, %mul3A_2848 : vector<16xf32>
      %mul3A_2850 = vector.broadcast %squeeze3A_181 : f32 to vector<16xf32>
      %mul3A_2851 = arith.mulf %mul3A_2850, %get3A_2555 : vector<16xf32>
      %add3A_2852 = arith.addf %add3A_2849, %mul3A_2851 : vector<16xf32>
      %mul3A_2853 = vector.broadcast %squeeze3A_213 : f32 to vector<16xf32>
      %mul3A_2854 = arith.mulf %mul3A_2853, %get3A_2559 : vector<16xf32>
      %add3A_2855 = arith.addf %add3A_2852, %mul3A_2854 : vector<16xf32>
      %mul3A_2856 = vector.broadcast %squeeze3A_245 : f32 to vector<16xf32>
      %mul3A_2857 = arith.mulf %mul3A_2856, %get3A_2563 : vector<16xf32>
      %add3A_2858 = arith.addf %add3A_2855, %mul3A_2857 : vector<16xf32>
      %max3A_2859 = arith.constant 0.000000e+00 : f32
      %max3A_2860 = vector.broadcast %max3A_2859 : f32 to vector<16xf32>
      %max3A_2861 = arith.maximumf %add3A_2858, %max3A_2860 : vector<16xf32>
      %mul3A_2862 = vector.broadcast %squeeze3A_309 : f32 to vector<16xf32>
      %mul3A_2863 = arith.mulf %mul3A_2862, %max3A_2861 : vector<16xf32>
      %add3A_2864 = arith.addf %add3A_2839, %mul3A_2863 : vector<16xf32>
      %mul3A_2865 = vector.broadcast %squeeze3A_87 : f32 to vector<16xf32>
      %mul3A_2866 = arith.mulf %mul3A_2865, %get3A_2543 : vector<16xf32>
      %add3A_2867 = vector.broadcast %squeeze3A_279 : f32 to vector<16xf32>
      %add3A_2868 = arith.addf %add3A_2867, %mul3A_2866 : vector<16xf32>
      %mul3A_2869 = vector.broadcast %squeeze3A_119 : f32 to vector<16xf32>
      %mul3A_2870 = arith.mulf %mul3A_2869, %get3A_2547 : vector<16xf32>
      %add3A_2871 = arith.addf %add3A_2868, %mul3A_2870 : vector<16xf32>
      %mul3A_2872 = vector.broadcast %squeeze3A_151 : f32 to vector<16xf32>
      %mul3A_2873 = arith.mulf %mul3A_2872, %get3A_2551 : vector<16xf32>
      %add3A_2874 = arith.addf %add3A_2871, %mul3A_2873 : vector<16xf32>
      %mul3A_2875 = vector.broadcast %squeeze3A_183 : f32 to vector<16xf32>
      %mul3A_2876 = arith.mulf %mul3A_2875, %get3A_2555 : vector<16xf32>
      %add3A_2877 = arith.addf %add3A_2874, %mul3A_2876 : vector<16xf32>
      %mul3A_2878 = vector.broadcast %squeeze3A_215 : f32 to vector<16xf32>
      %mul3A_2879 = arith.mulf %mul3A_2878, %get3A_2559 : vector<16xf32>
      %add3A_2880 = arith.addf %add3A_2877, %mul3A_2879 : vector<16xf32>
      %mul3A_2881 = vector.broadcast %squeeze3A_247 : f32 to vector<16xf32>
      %mul3A_2882 = arith.mulf %mul3A_2881, %get3A_2563 : vector<16xf32>
      %add3A_2883 = arith.addf %add3A_2880, %mul3A_2882 : vector<16xf32>
      %max3A_2884 = arith.constant 0.000000e+00 : f32
      %max3A_2885 = vector.broadcast %max3A_2884 : f32 to vector<16xf32>
      %max3A_2886 = arith.maximumf %add3A_2883, %max3A_2885 : vector<16xf32>
      %mul3A_2887 = vector.broadcast %squeeze3A_311 : f32 to vector<16xf32>
      %mul3A_2888 = arith.mulf %mul3A_2887, %max3A_2886 : vector<16xf32>
      %add3A_2889 = arith.addf %add3A_2864, %mul3A_2888 : vector<16xf32>
      %mul3A_2890 = vector.broadcast %squeeze3A_89 : f32 to vector<16xf32>
      %mul3A_2891 = arith.mulf %mul3A_2890, %get3A_2543 : vector<16xf32>
      %add3A_2892 = vector.broadcast %squeeze3A_281 : f32 to vector<16xf32>
      %add3A_2893 = arith.addf %add3A_2892, %mul3A_2891 : vector<16xf32>
      %mul3A_2894 = vector.broadcast %squeeze3A_121 : f32 to vector<16xf32>
      %mul3A_2895 = arith.mulf %mul3A_2894, %get3A_2547 : vector<16xf32>
      %add3A_2896 = arith.addf %add3A_2893, %mul3A_2895 : vector<16xf32>
      %mul3A_2897 = vector.broadcast %squeeze3A_153 : f32 to vector<16xf32>
      %mul3A_2898 = arith.mulf %mul3A_2897, %get3A_2551 : vector<16xf32>
      %add3A_2899 = arith.addf %add3A_2896, %mul3A_2898 : vector<16xf32>
      %mul3A_2900 = vector.broadcast %squeeze3A_185 : f32 to vector<16xf32>
      %mul3A_2901 = arith.mulf %mul3A_2900, %get3A_2555 : vector<16xf32>
      %add3A_2902 = arith.addf %add3A_2899, %mul3A_2901 : vector<16xf32>
      %mul3A_2903 = vector.broadcast %squeeze3A_217 : f32 to vector<16xf32>
      %mul3A_2904 = arith.mulf %mul3A_2903, %get3A_2559 : vector<16xf32>
      %add3A_2905 = arith.addf %add3A_2902, %mul3A_2904 : vector<16xf32>
      %mul3A_2906 = vector.broadcast %squeeze3A_249 : f32 to vector<16xf32>
      %mul3A_2907 = arith.mulf %mul3A_2906, %get3A_2563 : vector<16xf32>
      %add3A_2908 = arith.addf %add3A_2905, %mul3A_2907 : vector<16xf32>
      %max3A_2909 = arith.constant 0.000000e+00 : f32
      %max3A_2910 = vector.broadcast %max3A_2909 : f32 to vector<16xf32>
      %max3A_2911 = arith.maximumf %add3A_2908, %max3A_2910 : vector<16xf32>
      %mul3A_2912 = vector.broadcast %squeeze3A_313 : f32 to vector<16xf32>
      %mul3A_2913 = arith.mulf %mul3A_2912, %max3A_2911 : vector<16xf32>
      %add3A_2914 = arith.addf %add3A_2889, %mul3A_2913 : vector<16xf32>
      %mul3A_2915 = vector.broadcast %squeeze3A_91 : f32 to vector<16xf32>
      %mul3A_2916 = arith.mulf %mul3A_2915, %get3A_2543 : vector<16xf32>
      %add3A_2917 = vector.broadcast %squeeze3A_283 : f32 to vector<16xf32>
      %add3A_2918 = arith.addf %add3A_2917, %mul3A_2916 : vector<16xf32>
      %mul3A_2919 = vector.broadcast %squeeze3A_123 : f32 to vector<16xf32>
      %mul3A_2920 = arith.mulf %mul3A_2919, %get3A_2547 : vector<16xf32>
      %add3A_2921 = arith.addf %add3A_2918, %mul3A_2920 : vector<16xf32>
      %mul3A_2922 = vector.broadcast %squeeze3A_155 : f32 to vector<16xf32>
      %mul3A_2923 = arith.mulf %mul3A_2922, %get3A_2551 : vector<16xf32>
      %add3A_2924 = arith.addf %add3A_2921, %mul3A_2923 : vector<16xf32>
      %mul3A_2925 = vector.broadcast %squeeze3A_187 : f32 to vector<16xf32>
      %mul3A_2926 = arith.mulf %mul3A_2925, %get3A_2555 : vector<16xf32>
      %add3A_2927 = arith.addf %add3A_2924, %mul3A_2926 : vector<16xf32>
      %mul3A_2928 = vector.broadcast %squeeze3A_219 : f32 to vector<16xf32>
      %mul3A_2929 = arith.mulf %mul3A_2928, %get3A_2559 : vector<16xf32>
      %add3A_2930 = arith.addf %add3A_2927, %mul3A_2929 : vector<16xf32>
      %mul3A_2931 = vector.broadcast %squeeze3A_251 : f32 to vector<16xf32>
      %mul3A_2932 = arith.mulf %mul3A_2931, %get3A_2563 : vector<16xf32>
      %add3A_2933 = arith.addf %add3A_2930, %mul3A_2932 : vector<16xf32>
      %max3A_2934 = arith.constant 0.000000e+00 : f32
      %max3A_2935 = vector.broadcast %max3A_2934 : f32 to vector<16xf32>
      %max3A_2936 = arith.maximumf %add3A_2933, %max3A_2935 : vector<16xf32>
      %mul3A_2937 = vector.broadcast %squeeze3A_315 : f32 to vector<16xf32>
      %mul3A_2938 = arith.mulf %mul3A_2937, %max3A_2936 : vector<16xf32>
      %add3A_2939 = arith.addf %add3A_2914, %mul3A_2938 : vector<16xf32>
      %mul3A_2940 = vector.broadcast %squeeze3A_93 : f32 to vector<16xf32>
      %mul3A_2941 = arith.mulf %mul3A_2940, %get3A_2543 : vector<16xf32>
      %add3A_2942 = vector.broadcast %squeeze3A_285 : f32 to vector<16xf32>
      %add3A_2943 = arith.addf %add3A_2942, %mul3A_2941 : vector<16xf32>
      %mul3A_2944 = vector.broadcast %squeeze3A_125 : f32 to vector<16xf32>
      %mul3A_2945 = arith.mulf %mul3A_2944, %get3A_2547 : vector<16xf32>
      %add3A_2946 = arith.addf %add3A_2943, %mul3A_2945 : vector<16xf32>
      %mul3A_2947 = vector.broadcast %squeeze3A_157 : f32 to vector<16xf32>
      %mul3A_2948 = arith.mulf %mul3A_2947, %get3A_2551 : vector<16xf32>
      %add3A_2949 = arith.addf %add3A_2946, %mul3A_2948 : vector<16xf32>
      %mul3A_2950 = vector.broadcast %squeeze3A_189 : f32 to vector<16xf32>
      %mul3A_2951 = arith.mulf %mul3A_2950, %get3A_2555 : vector<16xf32>
      %add3A_2952 = arith.addf %add3A_2949, %mul3A_2951 : vector<16xf32>
      %mul3A_2953 = vector.broadcast %squeeze3A_221 : f32 to vector<16xf32>
      %mul3A_2954 = arith.mulf %mul3A_2953, %get3A_2559 : vector<16xf32>
      %add3A_2955 = arith.addf %add3A_2952, %mul3A_2954 : vector<16xf32>
      %mul3A_2956 = vector.broadcast %squeeze3A_253 : f32 to vector<16xf32>
      %mul3A_2957 = arith.mulf %mul3A_2956, %get3A_2563 : vector<16xf32>
      %add3A_2958 = arith.addf %add3A_2955, %mul3A_2957 : vector<16xf32>
      %max3A_2959 = arith.constant 0.000000e+00 : f32
      %max3A_2960 = vector.broadcast %max3A_2959 : f32 to vector<16xf32>
      %max3A_2961 = arith.maximumf %add3A_2958, %max3A_2960 : vector<16xf32>
      %mul3A_2962 = vector.broadcast %squeeze3A_317 : f32 to vector<16xf32>
      %mul3A_2963 = arith.mulf %mul3A_2962, %max3A_2961 : vector<16xf32>
      %add3A_2964 = arith.addf %add3A_2939, %mul3A_2963 : vector<16xf32>
      %mul3A_2965 = arith.constant 128 : i32
      %mul3A_2966 = arith.muli %scan3A_389, %mul3A_2965 : i32
      %add3A_2967 = arith.constant 96 : i32
      %add3A_2968 = arith.addi %mul3A_2966, %add3A_2967 : i32
      %add3A_2969 = arith.constant 0 : i32
      %add3A_2970 = arith.addi %add3A_2969, %add3A_2968 : i32
      %get3A_2971 = arith.index_cast %add3A_2970 : i32 to index
      %get3A_2972 = tpu.vector_load %arg5[%get3A_2971] {strides = array<i32>} : memref<6144xf32, #tpu.memory_space<vmem>>, vector<16xf32>,
      %add3A_2973 = arith.constant 1024 : i32
      %add3A_2974 = arith.addi %add3A_2973, %add3A_2968 : i32
      %get3A_2975 = arith.index_cast %add3A_2974 : i32 to index
      %get3A_2976 = tpu.vector_load %arg5[%get3A_2975] {strides = array<i32>} : memref<6144xf32, #tpu.memory_space<vmem>>, vector<16xf32>,
      %add3A_2977 = arith.constant 2048 : i32
      %add3A_2978 = arith.addi %add3A_2977, %add3A_2968 : i32
      %get3A_2979 = arith.index_cast %add3A_2978 : i32 to index
      %get3A_2980 = tpu.vector_load %arg5[%get3A_2979] {strides = array<i32>} : memref<6144xf32, #tpu.memory_space<vmem>>, vector<16xf32>,
      %add3A_2981 = arith.constant 3072 : i32
      %add3A_2982 = arith.addi %add3A_2981, %add3A_2968 : i32
      %get3A_2983 = arith.index_cast %add3A_2982 : i32 to index
      %get3A_2984 = tpu.vector_load %arg5[%get3A_2983] {strides = array<i32>} : memref<6144xf32, #tpu.memory_space<vmem>>, vector<16xf32>,
      %add3A_2985 = arith.constant 4096 : i32
      %add3A_2986 = arith.addi %add3A_2985, %add3A_2968 : i32
      %get3A_2987 = arith.index_cast %add3A_2986 : i32 to index
      %get3A_2988 = tpu.vector_load %arg5[%get3A_2987] {strides = array<i32>} : memref<6144xf32, #tpu.memory_space<vmem>>, vector<16xf32>,
      %add3A_2989 = arith.constant 5120 : i32
      %add3A_2990 = arith.addi %add3A_2989, %add3A_2968 : i32
      %get3A_2991 = arith.index_cast %add3A_2990 : i32 to index
      %get3A_2992 = tpu.vector_load %arg5[%get3A_2991] {strides = array<i32>} : memref<6144xf32, #tpu.memory_space<vmem>>, vector<16xf32>,
      %broadcast_in_dim3A_2993 = vector.broadcast %squeeze3A_321 : f32 to vector<16xf32>
      %mul3A_2994 = vector.broadcast %squeeze3A : f32 to vector<16xf32>
      %mul3A_2995 = arith.mulf %mul3A_2994, %get3A_2972 : vector<16xf32>
      %add3A_2996 = vector.broadcast %squeeze3A_255 : f32 to vector<16xf32>
      %add3A_2997 = arith.addf %add3A_2996, %mul3A_2995 : vector<16xf32>
      %mul3A_2998 = vector.broadcast %squeeze3A_95 : f32 to vector<16xf32>
      %mul3A_2999 = arith.mulf %mul3A_2998, %get3A_2976 : vector<16xf32>
      %add3A_3000 = arith.addf %add3A_2997, %mul3A_2999 : vector<16xf32>
      %mul3A_3001 = vector.broadcast %squeeze3A_127 : f32 to vector<16xf32>
      %mul3A_3002 = arith.mulf %mul3A_3001, %get3A_2980 : vector<16xf32>
      %add3A_3003 = arith.addf %add3A_3000, %mul3A_3002 : vector<16xf32>
      %mul3A_3004 = vector.broadcast %squeeze3A_159 : f32 to vector<16xf32>
      %mul3A_3005 = arith.mulf %mul3A_3004, %get3A_2984 : vector<16xf32>
      %add3A_3006 = arith.addf %add3A_3003, %mul3A_3005 : vector<16xf32>
      %mul3A_3007 = vector.broadcast %squeeze3A_191 : f32 to vector<16xf32>
      %mul3A_3008 = arith.mulf %mul3A_3007, %get3A_2988 : vector<16xf32>
      %add3A_3009 = arith.addf %add3A_3006, %mul3A_3008 : vector<16xf32>
      %mul3A_3010 = vector.broadcast %squeeze3A_223 : f32 to vector<16xf32>
      %mul3A_3011 = arith.mulf %mul3A_3010, %get3A_2992 : vector<16xf32>
      %add3A_3012 = arith.addf %add3A_3009, %mul3A_3011 : vector<16xf32>
      %max3A_3013 = arith.constant 0.000000e+00 : f32
      %max3A_3014 = vector.broadcast %max3A_3013 : f32 to vector<16xf32>
      %max3A_3015 = arith.maximumf %add3A_3012, %max3A_3014 : vector<16xf32>
      %mul3A_3016 = vector.broadcast %squeeze3A_287 : f32 to vector<16xf32>
      %mul3A_3017 = arith.mulf %mul3A_3016, %max3A_3015 : vector<16xf32>
      %add3A_3018 = arith.addf %broadcast_in_dim3A_2993, %mul3A_3017 : vector<16xf32>
      %mul3A_3019 = vector.broadcast %squeeze3A_65 : f32 to vector<16xf32>
      %mul3A_3020 = arith.mulf %mul3A_3019, %get3A_2972 : vector<16xf32>
      %add3A_3021 = vector.broadcast %squeeze3A_257 : f32 to vector<16xf32>
      %add3A_3022 = arith.addf %add3A_3021, %mul3A_3020 : vector<16xf32>
      %mul3A_3023 = vector.broadcast %squeeze3A_97 : f32 to vector<16xf32>
      %mul3A_3024 = arith.mulf %mul3A_3023, %get3A_2976 : vector<16xf32>
      %add3A_3025 = arith.addf %add3A_3022, %mul3A_3024 : vector<16xf32>
      %mul3A_3026 = vector.broadcast %squeeze3A_129 : f32 to vector<16xf32>
      %mul3A_3027 = arith.mulf %mul3A_3026, %get3A_2980 : vector<16xf32>
      %add3A_3028 = arith.addf %add3A_3025, %mul3A_3027 : vector<16xf32>
      %mul3A_3029 = vector.broadcast %squeeze3A_161 : f32 to vector<16xf32>
      %mul3A_3030 = arith.mulf %mul3A_3029, %get3A_2984 : vector<16xf32>
      %add3A_3031 = arith.addf %add3A_3028, %mul3A_3030 : vector<16xf32>
      %mul3A_3032 = vector.broadcast %squeeze3A_193 : f32 to vector<16xf32>
      %mul3A_3033 = arith.mulf %mul3A_3032, %get3A_2988 : vector<16xf32>
      %add3A_3034 = arith.addf %add3A_3031, %mul3A_3033 : vector<16xf32>
      %mul3A_3035 = vector.broadcast %squeeze3A_225 : f32 to vector<16xf32>
      %mul3A_3036 = arith.mulf %mul3A_3035, %get3A_2992 : vector<16xf32>
      %add3A_3037 = arith.addf %add3A_3034, %mul3A_3036 : vector<16xf32>
      %max3A_3038 = arith.constant 0.000000e+00 : f32
      %max3A_3039 = vector.broadcast %max3A_3038 : f32 to vector<16xf32>
      %max3A_3040 = arith.maximumf %add3A_3037, %max3A_3039 : vector<16xf32>
      %mul3A_3041 = vector.broadcast %squeeze3A_289 : f32 to vector<16xf32>
      %mul3A_3042 = arith.mulf %mul3A_3041, %max3A_3040 : vector<16xf32>
      %add3A_3043 = arith.addf %add3A_3018, %mul3A_3042 : vector<16xf32>
      %mul3A_3044 = vector.broadcast %squeeze3A_67 : f32 to vector<16xf32>
      %mul3A_3045 = arith.mulf %mul3A_3044, %get3A_2972 : vector<16xf32>
      %add3A_3046 = vector.broadcast %squeeze3A_259 : f32 to vector<16xf32>
      %add3A_3047 = arith.addf %add3A_3046, %mul3A_3045 : vector<16xf32>
      %mul3A_3048 = vector.broadcast %squeeze3A_99 : f32 to vector<16xf32>
      %mul3A_3049 = arith.mulf %mul3A_3048, %get3A_2976 : vector<16xf32>
      %add3A_3050 = arith.addf %add3A_3047, %mul3A_3049 : vector<16xf32>
      %mul3A_3051 = vector.broadcast %squeeze3A_131 : f32 to vector<16xf32>
      %mul3A_3052 = arith.mulf %mul3A_3051, %get3A_2980 : vector<16xf32>
      %add3A_3053 = arith.addf %add3A_3050, %mul3A_3052 : vector<16xf32>
      %mul3A_3054 = vector.broadcast %squeeze3A_163 : f32 to vector<16xf32>
      %mul3A_3055 = arith.mulf %mul3A_3054, %get3A_2984 : vector<16xf32>
      %add3A_3056 = arith.addf %add3A_3053, %mul3A_3055 : vector<16xf32>
      %mul3A_3057 = vector.broadcast %squeeze3A_195 : f32 to vector<16xf32>
      %mul3A_3058 = arith.mulf %mul3A_3057, %get3A_2988 : vector<16xf32>
      %add3A_3059 = arith.addf %add3A_3056, %mul3A_3058 : vector<16xf32>
      %mul3A_3060 = vector.broadcast %squeeze3A_227 : f32 to vector<16xf32>
      %mul3A_3061 = arith.mulf %mul3A_3060, %get3A_2992 : vector<16xf32>
      %add3A_3062 = arith.addf %add3A_3059, %mul3A_3061 : vector<16xf32>
      %max3A_3063 = arith.constant 0.000000e+00 : f32
      %max3A_3064 = vector.broadcast %max3A_3063 : f32 to vector<16xf32>
      %max3A_3065 = arith.maximumf %add3A_3062, %max3A_3064 : vector<16xf32>
      %mul3A_3066 = vector.broadcast %squeeze3A_291 : f32 to vector<16xf32>
      %mul3A_3067 = arith.mulf %mul3A_3066, %max3A_3065 : vector<16xf32>
      %add3A_3068 = arith.addf %add3A_3043, %mul3A_3067 : vector<16xf32>
      %mul3A_3069 = vector.broadcast %squeeze3A_69 : f32 to vector<16xf32>
      %mul3A_3070 = arith.mulf %mul3A_3069, %get3A_2972 : vector<16xf32>
      %add3A_3071 = vector.broadcast %squeeze3A_261 : f32 to vector<16xf32>
      %add3A_3072 = arith.addf %add3A_3071, %mul3A_3070 : vector<16xf32>
      %mul3A_3073 = vector.broadcast %squeeze3A_101 : f32 to vector<16xf32>
      %mul3A_3074 = arith.mulf %mul3A_3073, %get3A_2976 : vector<16xf32>
      %add3A_3075 = arith.addf %add3A_3072, %mul3A_3074 : vector<16xf32>
      %mul3A_3076 = vector.broadcast %squeeze3A_133 : f32 to vector<16xf32>
      %mul3A_3077 = arith.mulf %mul3A_3076, %get3A_2980 : vector<16xf32>
      %add3A_3078 = arith.addf %add3A_3075, %mul3A_3077 : vector<16xf32>
      %mul3A_3079 = vector.broadcast %squeeze3A_165 : f32 to vector<16xf32>
      %mul3A_3080 = arith.mulf %mul3A_3079, %get3A_2984 : vector<16xf32>
      %add3A_3081 = arith.addf %add3A_3078, %mul3A_3080 : vector<16xf32>
      %mul3A_3082 = vector.broadcast %squeeze3A_197 : f32 to vector<16xf32>
      %mul3A_3083 = arith.mulf %mul3A_3082, %get3A_2988 : vector<16xf32>
      %add3A_3084 = arith.addf %add3A_3081, %mul3A_3083 : vector<16xf32>
      %mul3A_3085 = vector.broadcast %squeeze3A_229 : f32 to vector<16xf32>
      %mul3A_3086 = arith.mulf %mul3A_3085, %get3A_2992 : vector<16xf32>
      %add3A_3087 = arith.addf %add3A_3084, %mul3A_3086 : vector<16xf32>
      %max3A_3088 = arith.constant 0.000000e+00 : f32
      %max3A_3089 = vector.broadcast %max3A_3088 : f32 to vector<16xf32>
      %max3A_3090 = arith.maximumf %add3A_3087, %max3A_3089 : vector<16xf32>
      %mul3A_3091 = vector.broadcast %squeeze3A_293 : f32 to vector<16xf32>
      %mul3A_3092 = arith.mulf %mul3A_3091, %max3A_3090 : vector<16xf32>
      %add3A_3093 = arith.addf %add3A_3068, %mul3A_3092 : vector<16xf32>
      %mul3A_3094 = vector.broadcast %squeeze3A_71 : f32 to vector<16xf32>
      %mul3A_3095 = arith.mulf %mul3A_3094, %get3A_2972 : vector<16xf32>
      %add3A_3096 = vector.broadcast %squeeze3A_263 : f32 to vector<16xf32>
      %add3A_3097 = arith.addf %add3A_3096, %mul3A_3095 : vector<16xf32>
      %mul3A_3098 = vector.broadcast %squeeze3A_103 : f32 to vector<16xf32>
      %mul3A_3099 = arith.mulf %mul3A_3098, %get3A_2976 : vector<16xf32>
      %add3A_3100 = arith.addf %add3A_3097, %mul3A_3099 : vector<16xf32>
      %mul3A_3101 = vector.broadcast %squeeze3A_135 : f32 to vector<16xf32>
      %mul3A_3102 = arith.mulf %mul3A_3101, %get3A_2980 : vector<16xf32>
      %add3A_3103 = arith.addf %add3A_3100, %mul3A_3102 : vector<16xf32>
      %mul3A_3104 = vector.broadcast %squeeze3A_167 : f32 to vector<16xf32>
      %mul3A_3105 = arith.mulf %mul3A_3104, %get3A_2984 : vector<16xf32>
      %add3A_3106 = arith.addf %add3A_3103, %mul3A_3105 : vector<16xf32>
      %mul3A_3107 = vector.broadcast %squeeze3A_199 : f32 to vector<16xf32>
      %mul3A_3108 = arith.mulf %mul3A_3107, %get3A_2988 : vector<16xf32>
      %add3A_3109 = arith.addf %add3A_3106, %mul3A_3108 : vector<16xf32>
      %mul3A_3110 = vector.broadcast %squeeze3A_231 : f32 to vector<16xf32>
      %mul3A_3111 = arith.mulf %mul3A_3110, %get3A_2992 : vector<16xf32>
      %add3A_3112 = arith.addf %add3A_3109, %mul3A_3111 : vector<16xf32>
      %max3A_3113 = arith.constant 0.000000e+00 : f32
      %max3A_3114 = vector.broadcast %max3A_3113 : f32 to vector<16xf32>
      %max3A_3115 = arith.maximumf %add3A_3112, %max3A_3114 : vector<16xf32>
      %mul3A_3116 = vector.broadcast %squeeze3A_295 : f32 to vector<16xf32>
      %mul3A_3117 = arith.mulf %mul3A_3116, %max3A_3115 : vector<16xf32>
      %add3A_3118 = arith.addf %add3A_3093, %mul3A_3117 : vector<16xf32>
      %mul3A_3119 = vector.broadcast %squeeze3A_73 : f32 to vector<16xf32>
      %mul3A_3120 = arith.mulf %mul3A_3119, %get3A_2972 : vector<16xf32>
      %add3A_3121 = vector.broadcast %squeeze3A_265 : f32 to vector<16xf32>
      %add3A_3122 = arith.addf %add3A_3121, %mul3A_3120 : vector<16xf32>
      %mul3A_3123 = vector.broadcast %squeeze3A_105 : f32 to vector<16xf32>
      %mul3A_3124 = arith.mulf %mul3A_3123, %get3A_2976 : vector<16xf32>
      %add3A_3125 = arith.addf %add3A_3122, %mul3A_3124 : vector<16xf32>
      %mul3A_3126 = vector.broadcast %squeeze3A_137 : f32 to vector<16xf32>
      %mul3A_3127 = arith.mulf %mul3A_3126, %get3A_2980 : vector<16xf32>
      %add3A_3128 = arith.addf %add3A_3125, %mul3A_3127 : vector<16xf32>
      %mul3A_3129 = vector.broadcast %squeeze3A_169 : f32 to vector<16xf32>
      %mul3A_3130 = arith.mulf %mul3A_3129, %get3A_2984 : vector<16xf32>
      %add3A_3131 = arith.addf %add3A_3128, %mul3A_3130 : vector<16xf32>
      %mul3A_3132 = vector.broadcast %squeeze3A_201 : f32 to vector<16xf32>
      %mul3A_3133 = arith.mulf %mul3A_3132, %get3A_2988 : vector<16xf32>
      %add3A_3134 = arith.addf %add3A_3131, %mul3A_3133 : vector<16xf32>
      %mul3A_3135 = vector.broadcast %squeeze3A_233 : f32 to vector<16xf32>
      %mul3A_3136 = arith.mulf %mul3A_3135, %get3A_2992 : vector<16xf32>
      %add3A_3137 = arith.addf %add3A_3134, %mul3A_3136 : vector<16xf32>
      %max3A_3138 = arith.constant 0.000000e+00 : f32
      %max3A_3139 = vector.broadcast %max3A_3138 : f32 to vector<16xf32>
      %max3A_3140 = arith.maximumf %add3A_3137, %max3A_3139 : vector<16xf32>
      %mul3A_3141 = vector.broadcast %squeeze3A_297 : f32 to vector<16xf32>
      %mul3A_3142 = arith.mulf %mul3A_3141, %max3A_3140 : vector<16xf32>
      %add3A_3143 = arith.addf %add3A_3118, %mul3A_3142 : vector<16xf32>
      %mul3A_3144 = vector.broadcast %squeeze3A_75 : f32 to vector<16xf32>
      %mul3A_3145 = arith.mulf %mul3A_3144, %get3A_2972 : vector<16xf32>
      %add3A_3146 = vector.broadcast %squeeze3A_267 : f32 to vector<16xf32>
      %add3A_3147 = arith.addf %add3A_3146, %mul3A_3145 : vector<16xf32>
      %mul3A_3148 = vector.broadcast %squeeze3A_107 : f32 to vector<16xf32>
      %mul3A_3149 = arith.mulf %mul3A_3148, %get3A_2976 : vector<16xf32>
      %add3A_3150 = arith.addf %add3A_3147, %mul3A_3149 : vector<16xf32>
      %mul3A_3151 = vector.broadcast %squeeze3A_139 : f32 to vector<16xf32>
      %mul3A_3152 = arith.mulf %mul3A_3151, %get3A_2980 : vector<16xf32>
      %add3A_3153 = arith.addf %add3A_3150, %mul3A_3152 : vector<16xf32>
      %mul3A_3154 = vector.broadcast %squeeze3A_171 : f32 to vector<16xf32>
      %mul3A_3155 = arith.mulf %mul3A_3154, %get3A_2984 : vector<16xf32>
      %add3A_3156 = arith.addf %add3A_3153, %mul3A_3155 : vector<16xf32>
      %mul3A_3157 = vector.broadcast %squeeze3A_203 : f32 to vector<16xf32>
      %mul3A_3158 = arith.mulf %mul3A_3157, %get3A_2988 : vector<16xf32>
      %add3A_3159 = arith.addf %add3A_3156, %mul3A_3158 : vector<16xf32>
      %mul3A_3160 = vector.broadcast %squeeze3A_235 : f32 to vector<16xf32>
      %mul3A_3161 = arith.mulf %mul3A_3160, %get3A_2992 : vector<16xf32>
      %add3A_3162 = arith.addf %add3A_3159, %mul3A_3161 : vector<16xf32>
      %max3A_3163 = arith.constant 0.000000e+00 : f32
      %max3A_3164 = vector.broadcast %max3A_3163 : f32 to vector<16xf32>
      %max3A_3165 = arith.maximumf %add3A_3162, %max3A_3164 : vector<16xf32>
      %mul3A_3166 = vector.broadcast %squeeze3A_299 : f32 to vector<16xf32>
      %mul3A_3167 = arith.mulf %mul3A_3166, %max3A_3165 : vector<16xf32>
      %add3A_3168 = arith.addf %add3A_3143, %mul3A_3167 : vector<16xf32>
      %mul3A_3169 = vector.broadcast %squeeze3A_77 : f32 to vector<16xf32>
      %mul3A_3170 = arith.mulf %mul3A_3169, %get3A_2972 : vector<16xf32>
      %add3A_3171 = vector.broadcast %squeeze3A_269 : f32 to vector<16xf32>
      %add3A_3172 = arith.addf %add3A_3171, %mul3A_3170 : vector<16xf32>
      %mul3A_3173 = vector.broadcast %squeeze3A_109 : f32 to vector<16xf32>
      %mul3A_3174 = arith.mulf %mul3A_3173, %get3A_2976 : vector<16xf32>
      %add3A_3175 = arith.addf %add3A_3172, %mul3A_3174 : vector<16xf32>
      %mul3A_3176 = vector.broadcast %squeeze3A_141 : f32 to vector<16xf32>
      %mul3A_3177 = arith.mulf %mul3A_3176, %get3A_2980 : vector<16xf32>
      %add3A_3178 = arith.addf %add3A_3175, %mul3A_3177 : vector<16xf32>
      %mul3A_3179 = vector.broadcast %squeeze3A_173 : f32 to vector<16xf32>
      %mul3A_3180 = arith.mulf %mul3A_3179, %get3A_2984 : vector<16xf32>
      %add3A_3181 = arith.addf %add3A_3178, %mul3A_3180 : vector<16xf32>
      %mul3A_3182 = vector.broadcast %squeeze3A_205 : f32 to vector<16xf32>
      %mul3A_3183 = arith.mulf %mul3A_3182, %get3A_2988 : vector<16xf32>
      %add3A_3184 = arith.addf %add3A_3181, %mul3A_3183 : vector<16xf32>
      %mul3A_3185 = vector.broadcast %squeeze3A_237 : f32 to vector<16xf32>
      %mul3A_3186 = arith.mulf %mul3A_3185, %get3A_2992 : vector<16xf32>
      %add3A_3187 = arith.addf %add3A_3184, %mul3A_3186 : vector<16xf32>
      %max3A_3188 = arith.constant 0.000000e+00 : f32
      %max3A_3189 = vector.broadcast %max3A_3188 : f32 to vector<16xf32>
      %max3A_3190 = arith.maximumf %add3A_3187, %max3A_3189 : vector<16xf32>
      %mul3A_3191 = vector.broadcast %squeeze3A_301 : f32 to vector<16xf32>
      %mul3A_3192 = arith.mulf %mul3A_3191, %max3A_3190 : vector<16xf32>
      %add3A_3193 = arith.addf %add3A_3168, %mul3A_3192 : vector<16xf32>
      %mul3A_3194 = vector.broadcast %squeeze3A_79 : f32 to vector<16xf32>
      %mul3A_3195 = arith.mulf %mul3A_3194, %get3A_2972 : vector<16xf32>
      %add3A_3196 = vector.broadcast %squeeze3A_271 : f32 to vector<16xf32>
      %add3A_3197 = arith.addf %add3A_3196, %mul3A_3195 : vector<16xf32>
      %mul3A_3198 = vector.broadcast %squeeze3A_111 : f32 to vector<16xf32>
      %mul3A_3199 = arith.mulf %mul3A_3198, %get3A_2976 : vector<16xf32>
      %add3A_3200 = arith.addf %add3A_3197, %mul3A_3199 : vector<16xf32>
      %mul3A_3201 = vector.broadcast %squeeze3A_143 : f32 to vector<16xf32>
      %mul3A_3202 = arith.mulf %mul3A_3201, %get3A_2980 : vector<16xf32>
      %add3A_3203 = arith.addf %add3A_3200, %mul3A_3202 : vector<16xf32>
      %mul3A_3204 = vector.broadcast %squeeze3A_175 : f32 to vector<16xf32>
      %mul3A_3205 = arith.mulf %mul3A_3204, %get3A_2984 : vector<16xf32>
      %add3A_3206 = arith.addf %add3A_3203, %mul3A_3205 : vector<16xf32>
      %mul3A_3207 = vector.broadcast %squeeze3A_207 : f32 to vector<16xf32>
      %mul3A_3208 = arith.mulf %mul3A_3207, %get3A_2988 : vector<16xf32>
      %add3A_3209 = arith.addf %add3A_3206, %mul3A_3208 : vector<16xf32>
      %mul3A_3210 = vector.broadcast %squeeze3A_239 : f32 to vector<16xf32>
      %mul3A_3211 = arith.mulf %mul3A_3210, %get3A_2992 : vector<16xf32>
      %add3A_3212 = arith.addf %add3A_3209, %mul3A_3211 : vector<16xf32>
      %max3A_3213 = arith.constant 0.000000e+00 : f32
      %max3A_3214 = vector.broadcast %max3A_3213 : f32 to vector<16xf32>
      %max3A_3215 = arith.maximumf %add3A_3212, %max3A_3214 : vector<16xf32>
      %mul3A_3216 = vector.broadcast %squeeze3A_303 : f32 to vector<16xf32>
      %mul3A_3217 = arith.mulf %mul3A_3216, %max3A_3215 : vector<16xf32>
      %add3A_3218 = arith.addf %add3A_3193, %mul3A_3217 : vector<16xf32>
      %mul3A_3219 = vector.broadcast %squeeze3A_81 : f32 to vector<16xf32>
      %mul3A_3220 = arith.mulf %mul3A_3219, %get3A_2972 : vector<16xf32>
      %add3A_3221 = vector.broadcast %squeeze3A_273 : f32 to vector<16xf32>
      %add3A_3222 = arith.addf %add3A_3221, %mul3A_3220 : vector<16xf32>
      %mul3A_3223 = vector.broadcast %squeeze3A_113 : f32 to vector<16xf32>
      %mul3A_3224 = arith.mulf %mul3A_3223, %get3A_2976 : vector<16xf32>
      %add3A_3225 = arith.addf %add3A_3222, %mul3A_3224 : vector<16xf32>
      %mul3A_3226 = vector.broadcast %squeeze3A_145 : f32 to vector<16xf32>
      %mul3A_3227 = arith.mulf %mul3A_3226, %get3A_2980 : vector<16xf32>
      %add3A_3228 = arith.addf %add3A_3225, %mul3A_3227 : vector<16xf32>
      %mul3A_3229 = vector.broadcast %squeeze3A_177 : f32 to vector<16xf32>
      %mul3A_3230 = arith.mulf %mul3A_3229, %get3A_2984 : vector<16xf32>
      %add3A_3231 = arith.addf %add3A_3228, %mul3A_3230 : vector<16xf32>
      %mul3A_3232 = vector.broadcast %squeeze3A_209 : f32 to vector<16xf32>
      %mul3A_3233 = arith.mulf %mul3A_3232, %get3A_2988 : vector<16xf32>
      %add3A_3234 = arith.addf %add3A_3231, %mul3A_3233 : vector<16xf32>
      %mul3A_3235 = vector.broadcast %squeeze3A_241 : f32 to vector<16xf32>
      %mul3A_3236 = arith.mulf %mul3A_3235, %get3A_2992 : vector<16xf32>
      %add3A_3237 = arith.addf %add3A_3234, %mul3A_3236 : vector<16xf32>
      %max3A_3238 = arith.constant 0.000000e+00 : f32
      %max3A_3239 = vector.broadcast %max3A_3238 : f32 to vector<16xf32>
      %max3A_3240 = arith.maximumf %add3A_3237, %max3A_3239 : vector<16xf32>
      %mul3A_3241 = vector.broadcast %squeeze3A_305 : f32 to vector<16xf32>
      %mul3A_3242 = arith.mulf %mul3A_3241, %max3A_3240 : vector<16xf32>
      %add3A_3243 = arith.addf %add3A_3218, %mul3A_3242 : vector<16xf32>
      %mul3A_3244 = vector.broadcast %squeeze3A_83 : f32 to vector<16xf32>
      %mul3A_3245 = arith.mulf %mul3A_3244, %get3A_2972 : vector<16xf32>
      %add3A_3246 = vector.broadcast %squeeze3A_275 : f32 to vector<16xf32>
      %add3A_3247 = arith.addf %add3A_3246, %mul3A_3245 : vector<16xf32>
      %mul3A_3248 = vector.broadcast %squeeze3A_115 : f32 to vector<16xf32>
      %mul3A_3249 = arith.mulf %mul3A_3248, %get3A_2976 : vector<16xf32>
      %add3A_3250 = arith.addf %add3A_3247, %mul3A_3249 : vector<16xf32>
      %mul3A_3251 = vector.broadcast %squeeze3A_147 : f32 to vector<16xf32>
      %mul3A_3252 = arith.mulf %mul3A_3251, %get3A_2980 : vector<16xf32>
      %add3A_3253 = arith.addf %add3A_3250, %mul3A_3252 : vector<16xf32>
      %mul3A_3254 = vector.broadcast %squeeze3A_179 : f32 to vector<16xf32>
      %mul3A_3255 = arith.mulf %mul3A_3254, %get3A_2984 : vector<16xf32>
      %add3A_3256 = arith.addf %add3A_3253, %mul3A_3255 : vector<16xf32>
      %mul3A_3257 = vector.broadcast %squeeze3A_211 : f32 to vector<16xf32>
      %mul3A_3258 = arith.mulf %mul3A_3257, %get3A_2988 : vector<16xf32>
      %add3A_3259 = arith.addf %add3A_3256, %mul3A_3258 : vector<16xf32>
      %mul3A_3260 = vector.broadcast %squeeze3A_243 : f32 to vector<16xf32>
      %mul3A_3261 = arith.mulf %mul3A_3260, %get3A_2992 : vector<16xf32>
      %add3A_3262 = arith.addf %add3A_3259, %mul3A_3261 : vector<16xf32>
      %max3A_3263 = arith.constant 0.000000e+00 : f32
      %max3A_3264 = vector.broadcast %max3A_3263 : f32 to vector<16xf32>
      %max3A_3265 = arith.maximumf %add3A_3262, %max3A_3264 : vector<16xf32>
      %mul3A_3266 = vector.broadcast %squeeze3A_307 : f32 to vector<16xf32>
      %mul3A_3267 = arith.mulf %mul3A_3266, %max3A_3265 : vector<16xf32>
      %add3A_3268 = arith.addf %add3A_3243, %mul3A_3267 : vector<16xf32>
      %mul3A_3269 = vector.broadcast %squeeze3A_85 : f32 to vector<16xf32>
      %mul3A_3270 = arith.mulf %mul3A_3269, %get3A_2972 : vector<16xf32>
      %add3A_3271 = vector.broadcast %squeeze3A_277 : f32 to vector<16xf32>
      %add3A_3272 = arith.addf %add3A_3271, %mul3A_3270 : vector<16xf32>
      %mul3A_3273 = vector.broadcast %squeeze3A_117 : f32 to vector<16xf32>
      %mul3A_3274 = arith.mulf %mul3A_3273, %get3A_2976 : vector<16xf32>
      %add3A_3275 = arith.addf %add3A_3272, %mul3A_3274 : vector<16xf32>
      %mul3A_3276 = vector.broadcast %squeeze3A_149 : f32 to vector<16xf32>
      %mul3A_3277 = arith.mulf %mul3A_3276, %get3A_2980 : vector<16xf32>
      %add3A_3278 = arith.addf %add3A_3275, %mul3A_3277 : vector<16xf32>
      %mul3A_3279 = vector.broadcast %squeeze3A_181 : f32 to vector<16xf32>
      %mul3A_3280 = arith.mulf %mul3A_3279, %get3A_2984 : vector<16xf32>
      %add3A_3281 = arith.addf %add3A_3278, %mul3A_3280 : vector<16xf32>
      %mul3A_3282 = vector.broadcast %squeeze3A_213 : f32 to vector<16xf32>
      %mul3A_3283 = arith.mulf %mul3A_3282, %get3A_2988 : vector<16xf32>
      %add3A_3284 = arith.addf %add3A_3281, %mul3A_3283 : vector<16xf32>
      %mul3A_3285 = vector.broadcast %squeeze3A_245 : f32 to vector<16xf32>
      %mul3A_3286 = arith.mulf %mul3A_3285, %get3A_2992 : vector<16xf32>
      %add3A_3287 = arith.addf %add3A_3284, %mul3A_3286 : vector<16xf32>
      %max3A_3288 = arith.constant 0.000000e+00 : f32
      %max3A_3289 = vector.broadcast %max3A_3288 : f32 to vector<16xf32>
      %max3A_3290 = arith.maximumf %add3A_3287, %max3A_3289 : vector<16xf32>
      %mul3A_3291 = vector.broadcast %squeeze3A_309 : f32 to vector<16xf32>
      %mul3A_3292 = arith.mulf %mul3A_3291, %max3A_3290 : vector<16xf32>
      %add3A_3293 = arith.addf %add3A_3268, %mul3A_3292 : vector<16xf32>
      %mul3A_3294 = vector.broadcast %squeeze3A_87 : f32 to vector<16xf32>
      %mul3A_3295 = arith.mulf %mul3A_3294, %get3A_2972 : vector<16xf32>
      %add3A_3296 = vector.broadcast %squeeze3A_279 : f32 to vector<16xf32>
      %add3A_3297 = arith.addf %add3A_3296, %mul3A_3295 : vector<16xf32>
      %mul3A_3298 = vector.broadcast %squeeze3A_119 : f32 to vector<16xf32>
      %mul3A_3299 = arith.mulf %mul3A_3298, %get3A_2976 : vector<16xf32>
      %add3A_3300 = arith.addf %add3A_3297, %mul3A_3299 : vector<16xf32>
      %mul3A_3301 = vector.broadcast %squeeze3A_151 : f32 to vector<16xf32>
      %mul3A_3302 = arith.mulf %mul3A_3301, %get3A_2980 : vector<16xf32>
      %add3A_3303 = arith.addf %add3A_3300, %mul3A_3302 : vector<16xf32>
      %mul3A_3304 = vector.broadcast %squeeze3A_183 : f32 to vector<16xf32>
      %mul3A_3305 = arith.mulf %mul3A_3304, %get3A_2984 : vector<16xf32>
      %add3A_3306 = arith.addf %add3A_3303, %mul3A_3305 : vector<16xf32>
      %mul3A_3307 = vector.broadcast %squeeze3A_215 : f32 to vector<16xf32>
      %mul3A_3308 = arith.mulf %mul3A_3307, %get3A_2988 : vector<16xf32>
      %add3A_3309 = arith.addf %add3A_3306, %mul3A_3308 : vector<16xf32>
      %mul3A_3310 = vector.broadcast %squeeze3A_247 : f32 to vector<16xf32>
      %mul3A_3311 = arith.mulf %mul3A_3310, %get3A_2992 : vector<16xf32>
      %add3A_3312 = arith.addf %add3A_3309, %mul3A_3311 : vector<16xf32>
      %max3A_3313 = arith.constant 0.000000e+00 : f32
      %max3A_3314 = vector.broadcast %max3A_3313 : f32 to vector<16xf32>
      %max3A_3315 = arith.maximumf %add3A_3312, %max3A_3314 : vector<16xf32>
      %mul3A_3316 = vector.broadcast %squeeze3A_311 : f32 to vector<16xf32>
      %mul3A_3317 = arith.mulf %mul3A_3316, %max3A_3315 : vector<16xf32>
      %add3A_3318 = arith.addf %add3A_3293, %mul3A_3317 : vector<16xf32>
      %mul3A_3319 = vector.broadcast %squeeze3A_89 : f32 to vector<16xf32>
      %mul3A_3320 = arith.mulf %mul3A_3319, %get3A_2972 : vector<16xf32>
      %add3A_3321 = vector.broadcast %squeeze3A_281 : f32 to vector<16xf32>
      %add3A_3322 = arith.addf %add3A_3321, %mul3A_3320 : vector<16xf32>
      %mul3A_3323 = vector.broadcast %squeeze3A_121 : f32 to vector<16xf32>
      %mul3A_3324 = arith.mulf %mul3A_3323, %get3A_2976 : vector<16xf32>
      %add3A_3325 = arith.addf %add3A_3322, %mul3A_3324 : vector<16xf32>
      %mul3A_3326 = vector.broadcast %squeeze3A_153 : f32 to vector<16xf32>
      %mul3A_3327 = arith.mulf %mul3A_3326, %get3A_2980 : vector<16xf32>
      %add3A_3328 = arith.addf %add3A_3325, %mul3A_3327 : vector<16xf32>
      %mul3A_3329 = vector.broadcast %squeeze3A_185 : f32 to vector<16xf32>
      %mul3A_3330 = arith.mulf %mul3A_3329, %get3A_2984 : vector<16xf32>
      %add3A_3331 = arith.addf %add3A_3328, %mul3A_3330 : vector<16xf32>
      %mul3A_3332 = vector.broadcast %squeeze3A_217 : f32 to vector<16xf32>
      %mul3A_3333 = arith.mulf %mul3A_3332, %get3A_2988 : vector<16xf32>
      %add3A_3334 = arith.addf %add3A_3331, %mul3A_3333 : vector<16xf32>
      %mul3A_3335 = vector.broadcast %squeeze3A_249 : f32 to vector<16xf32>
      %mul3A_3336 = arith.mulf %mul3A_3335, %get3A_2992 : vector<16xf32>
      %add3A_3337 = arith.addf %add3A_3334, %mul3A_3336 : vector<16xf32>
      %max3A_3338 = arith.constant 0.000000e+00 : f32
      %max3A_3339 = vector.broadcast %max3A_3338 : f32 to vector<16xf32>
      %max3A_3340 = arith.maximumf %add3A_3337, %max3A_3339 : vector<16xf32>
      %mul3A_3341 = vector.broadcast %squeeze3A_313 : f32 to vector<16xf32>
      %mul3A_3342 = arith.mulf %mul3A_3341, %max3A_3340 : vector<16xf32>
      %add3A_3343 = arith.addf %add3A_3318, %mul3A_3342 : vector<16xf32>
      %mul3A_3344 = vector.broadcast %squeeze3A_91 : f32 to vector<16xf32>
      %mul3A_3345 = arith.mulf %mul3A_3344, %get3A_2972 : vector<16xf32>
      %add3A_3346 = vector.broadcast %squeeze3A_283 : f32 to vector<16xf32>
      %add3A_3347 = arith.addf %add3A_3346, %mul3A_3345 : vector<16xf32>
      %mul3A_3348 = vector.broadcast %squeeze3A_123 : f32 to vector<16xf32>
      %mul3A_3349 = arith.mulf %mul3A_3348, %get3A_2976 : vector<16xf32>
      %add3A_3350 = arith.addf %add3A_3347, %mul3A_3349 : vector<16xf32>
      %mul3A_3351 = vector.broadcast %squeeze3A_155 : f32 to vector<16xf32>
      %mul3A_3352 = arith.mulf %mul3A_3351, %get3A_2980 : vector<16xf32>
      %add3A_3353 = arith.addf %add3A_3350, %mul3A_3352 : vector<16xf32>
      %mul3A_3354 = vector.broadcast %squeeze3A_187 : f32 to vector<16xf32>
      %mul3A_3355 = arith.mulf %mul3A_3354, %get3A_2984 : vector<16xf32>
      %add3A_3356 = arith.addf %add3A_3353, %mul3A_3355 : vector<16xf32>
      %mul3A_3357 = vector.broadcast %squeeze3A_219 : f32 to vector<16xf32>
      %mul3A_3358 = arith.mulf %mul3A_3357, %get3A_2988 : vector<16xf32>
      %add3A_3359 = arith.addf %add3A_3356, %mul3A_3358 : vector<16xf32>
      %mul3A_3360 = vector.broadcast %squeeze3A_251 : f32 to vector<16xf32>
      %mul3A_3361 = arith.mulf %mul3A_3360, %get3A_2992 : vector<16xf32>
      %add3A_3362 = arith.addf %add3A_3359, %mul3A_3361 : vector<16xf32>
      %max3A_3363 = arith.constant 0.000000e+00 : f32
      %max3A_3364 = vector.broadcast %max3A_3363 : f32 to vector<16xf32>
      %max3A_3365 = arith.maximumf %add3A_3362, %max3A_3364 : vector<16xf32>
      %mul3A_3366 = vector.broadcast %squeeze3A_315 : f32 to vector<16xf32>
      %mul3A_3367 = arith.mulf %mul3A_3366, %max3A_3365 : vector<16xf32>
      %add3A_3368 = arith.addf %add3A_3343, %mul3A_3367 : vector<16xf32>
      %mul3A_3369 = vector.broadcast %squeeze3A_93 : f32 to vector<16xf32>
      %mul3A_3370 = arith.mulf %mul3A_3369, %get3A_2972 : vector<16xf32>
      %add3A_3371 = vector.broadcast %squeeze3A_285 : f32 to vector<16xf32>
      %add3A_3372 = arith.addf %add3A_3371, %mul3A_3370 : vector<16xf32>
      %mul3A_3373 = vector.broadcast %squeeze3A_125 : f32 to vector<16xf32>
      %mul3A_3374 = arith.mulf %mul3A_3373, %get3A_2976 : vector<16xf32>
      %add3A_3375 = arith.addf %add3A_3372, %mul3A_3374 : vector<16xf32>
      %mul3A_3376 = vector.broadcast %squeeze3A_157 : f32 to vector<16xf32>
      %mul3A_3377 = arith.mulf %mul3A_3376, %get3A_2980 : vector<16xf32>
      %add3A_3378 = arith.addf %add3A_3375, %mul3A_3377 : vector<16xf32>
      %mul3A_3379 = vector.broadcast %squeeze3A_189 : f32 to vector<16xf32>
      %mul3A_3380 = arith.mulf %mul3A_3379, %get3A_2984 : vector<16xf32>
      %add3A_3381 = arith.addf %add3A_3378, %mul3A_3380 : vector<16xf32>
      %mul3A_3382 = vector.broadcast %squeeze3A_221 : f32 to vector<16xf32>
      %mul3A_3383 = arith.mulf %mul3A_3382, %get3A_2988 : vector<16xf32>
      %add3A_3384 = arith.addf %add3A_3381, %mul3A_3383 : vector<16xf32>
      %mul3A_3385 = vector.broadcast %squeeze3A_253 : f32 to vector<16xf32>
      %mul3A_3386 = arith.mulf %mul3A_3385, %get3A_2992 : vector<16xf32>
      %add3A_3387 = arith.addf %add3A_3384, %mul3A_3386 : vector<16xf32>
      %max3A_3388 = arith.constant 0.000000e+00 : f32
      %max3A_3389 = vector.broadcast %max3A_3388 : f32 to vector<16xf32>
      %max3A_3390 = arith.maximumf %add3A_3387, %max3A_3389 : vector<16xf32>
      %mul3A_3391 = vector.broadcast %squeeze3A_317 : f32 to vector<16xf32>
      %mul3A_3392 = arith.mulf %mul3A_3391, %max3A_3390 : vector<16xf32>
      %add3A_3393 = arith.addf %add3A_3368, %mul3A_3392 : vector<16xf32>
      %mul3A_3394 = arith.constant 128 : i32
      %mul3A_3395 = arith.muli %scan3A_389, %mul3A_3394 : i32
      %add3A_3396 = arith.constant 112 : i32
      %add3A_3397 = arith.addi %mul3A_3395, %add3A_3396 : i32
      %add3A_3398 = arith.constant 0 : i32
      %add3A_3399 = arith.addi %add3A_3398, %add3A_3397 : i32
      %get3A_3400 = arith.index_cast %add3A_3399 : i32 to index
      %get3A_3401 = tpu.vector_load %arg5[%get3A_3400] {strides = array<i32>} : memref<6144xf32, #tpu.memory_space<vmem>>, vector<16xf32>,
      %add3A_3402 = arith.constant 1024 : i32
      %add3A_3403 = arith.addi %add3A_3402, %add3A_3397 : i32
      %get3A_3404 = arith.index_cast %add3A_3403 : i32 to index
      %get3A_3405 = tpu.vector_load %arg5[%get3A_3404] {strides = array<i32>} : memref<6144xf32, #tpu.memory_space<vmem>>, vector<16xf32>,
      %add3A_3406 = arith.constant 2048 : i32
      %add3A_3407 = arith.addi %add3A_3406, %add3A_3397 : i32
      %get3A_3408 = arith.index_cast %add3A_3407 : i32 to index
      %get3A_3409 = tpu.vector_load %arg5[%get3A_3408] {strides = array<i32>} : memref<6144xf32, #tpu.memory_space<vmem>>, vector<16xf32>,
      %add3A_3410 = arith.constant 3072 : i32
      %add3A_3411 = arith.addi %add3A_3410, %add3A_3397 : i32
      %get3A_3412 = arith.index_cast %add3A_3411 : i32 to index
      %get3A_3413 = tpu.vector_load %arg5[%get3A_3412] {strides = array<i32>} : memref<6144xf32, #tpu.memory_space<vmem>>, vector<16xf32>,
      %add3A_3414 = arith.constant 4096 : i32
      %add3A_3415 = arith.addi %add3A_3414, %add3A_3397 : i32
      %get3A_3416 = arith.index_cast %add3A_3415 : i32 to index
      %get3A_3417 = tpu.vector_load %arg5[%get3A_3416] {strides = array<i32>} : memref<6144xf32, #tpu.memory_space<vmem>>, vector<16xf32>,
      %add3A_3418 = arith.constant 5120 : i32
      %add3A_3419 = arith.addi %add3A_3418, %add3A_3397 : i32
      %get3A_3420 = arith.index_cast %add3A_3419 : i32 to index
      %get3A_3421 = tpu.vector_load %arg5[%get3A_3420] {strides = array<i32>} : memref<6144xf32, #tpu.memory_space<vmem>>, vector<16xf32>,
      %broadcast_in_dim3A_3422 = vector.broadcast %squeeze3A_321 : f32 to vector<16xf32>
      %mul3A_3423 = vector.broadcast %squeeze3A : f32 to vector<16xf32>
      %mul3A_3424 = arith.mulf %mul3A_3423, %get3A_3401 : vector<16xf32>
      %add3A_3425 = vector.broadcast %squeeze3A_255 : f32 to vector<16xf32>
      %add3A_3426 = arith.addf %add3A_3425, %mul3A_3424 : vector<16xf32>
      %mul3A_3427 = vector.broadcast %squeeze3A_95 : f32 to vector<16xf32>
      %mul3A_3428 = arith.mulf %mul3A_3427, %get3A_3405 : vector<16xf32>
      %add3A_3429 = arith.addf %add3A_3426, %mul3A_3428 : vector<16xf32>
      %mul3A_3430 = vector.broadcast %squeeze3A_127 : f32 to vector<16xf32>
      %mul3A_3431 = arith.mulf %mul3A_3430, %get3A_3409 : vector<16xf32>
      %add3A_3432 = arith.addf %add3A_3429, %mul3A_3431 : vector<16xf32>
      %mul3A_3433 = vector.broadcast %squeeze3A_159 : f32 to vector<16xf32>
      %mul3A_3434 = arith.mulf %mul3A_3433, %get3A_3413 : vector<16xf32>
      %add3A_3435 = arith.addf %add3A_3432, %mul3A_3434 : vector<16xf32>
      %mul3A_3436 = vector.broadcast %squeeze3A_191 : f32 to vector<16xf32>
      %mul3A_3437 = arith.mulf %mul3A_3436, %get3A_3417 : vector<16xf32>
      %add3A_3438 = arith.addf %add3A_3435, %mul3A_3437 : vector<16xf32>
      %mul3A_3439 = vector.broadcast %squeeze3A_223 : f32 to vector<16xf32>
      %mul3A_3440 = arith.mulf %mul3A_3439, %get3A_3421 : vector<16xf32>
      %add3A_3441 = arith.addf %add3A_3438, %mul3A_3440 : vector<16xf32>
      %max3A_3442 = arith.constant 0.000000e+00 : f32
      %max3A_3443 = vector.broadcast %max3A_3442 : f32 to vector<16xf32>
      %max3A_3444 = arith.maximumf %add3A_3441, %max3A_3443 : vector<16xf32>
      %mul3A_3445 = vector.broadcast %squeeze3A_287 : f32 to vector<16xf32>
      %mul3A_3446 = arith.mulf %mul3A_3445, %max3A_3444 : vector<16xf32>
      %add3A_3447 = arith.addf %broadcast_in_dim3A_3422, %mul3A_3446 : vector<16xf32>
      %mul3A_3448 = vector.broadcast %squeeze3A_65 : f32 to vector<16xf32>
      %mul3A_3449 = arith.mulf %mul3A_3448, %get3A_3401 : vector<16xf32>
      %add3A_3450 = vector.broadcast %squeeze3A_257 : f32 to vector<16xf32>
      %add3A_3451 = arith.addf %add3A_3450, %mul3A_3449 : vector<16xf32>
      %mul3A_3452 = vector.broadcast %squeeze3A_97 : f32 to vector<16xf32>
      %mul3A_3453 = arith.mulf %mul3A_3452, %get3A_3405 : vector<16xf32>
      %add3A_3454 = arith.addf %add3A_3451, %mul3A_3453 : vector<16xf32>
      %mul3A_3455 = vector.broadcast %squeeze3A_129 : f32 to vector<16xf32>
      %mul3A_3456 = arith.mulf %mul3A_3455, %get3A_3409 : vector<16xf32>
      %add3A_3457 = arith.addf %add3A_3454, %mul3A_3456 : vector<16xf32>
      %mul3A_3458 = vector.broadcast %squeeze3A_161 : f32 to vector<16xf32>
      %mul3A_3459 = arith.mulf %mul3A_3458, %get3A_3413 : vector<16xf32>
      %add3A_3460 = arith.addf %add3A_3457, %mul3A_3459 : vector<16xf32>
      %mul3A_3461 = vector.broadcast %squeeze3A_193 : f32 to vector<16xf32>
      %mul3A_3462 = arith.mulf %mul3A_3461, %get3A_3417 : vector<16xf32>
      %add3A_3463 = arith.addf %add3A_3460, %mul3A_3462 : vector<16xf32>
      %mul3A_3464 = vector.broadcast %squeeze3A_225 : f32 to vector<16xf32>
      %mul3A_3465 = arith.mulf %mul3A_3464, %get3A_3421 : vector<16xf32>
      %add3A_3466 = arith.addf %add3A_3463, %mul3A_3465 : vector<16xf32>
      %max3A_3467 = arith.constant 0.000000e+00 : f32
      %max3A_3468 = vector.broadcast %max3A_3467 : f32 to vector<16xf32>
      %max3A_3469 = arith.maximumf %add3A_3466, %max3A_3468 : vector<16xf32>
      %mul3A_3470 = vector.broadcast %squeeze3A_289 : f32 to vector<16xf32>
      %mul3A_3471 = arith.mulf %mul3A_3470, %max3A_3469 : vector<16xf32>
      %add3A_3472 = arith.addf %add3A_3447, %mul3A_3471 : vector<16xf32>
      %mul3A_3473 = vector.broadcast %squeeze3A_67 : f32 to vector<16xf32>
      %mul3A_3474 = arith.mulf %mul3A_3473, %get3A_3401 : vector<16xf32>
      %add3A_3475 = vector.broadcast %squeeze3A_259 : f32 to vector<16xf32>
      %add3A_3476 = arith.addf %add3A_3475, %mul3A_3474 : vector<16xf32>
      %mul3A_3477 = vector.broadcast %squeeze3A_99 : f32 to vector<16xf32>
      %mul3A_3478 = arith.mulf %mul3A_3477, %get3A_3405 : vector<16xf32>
      %add3A_3479 = arith.addf %add3A_3476, %mul3A_3478 : vector<16xf32>
      %mul3A_3480 = vector.broadcast %squeeze3A_131 : f32 to vector<16xf32>
      %mul3A_3481 = arith.mulf %mul3A_3480, %get3A_3409 : vector<16xf32>
      %add3A_3482 = arith.addf %add3A_3479, %mul3A_3481 : vector<16xf32>
      %mul3A_3483 = vector.broadcast %squeeze3A_163 : f32 to vector<16xf32>
      %mul3A_3484 = arith.mulf %mul3A_3483, %get3A_3413 : vector<16xf32>
      %add3A_3485 = arith.addf %add3A_3482, %mul3A_3484 : vector<16xf32>
      %mul3A_3486 = vector.broadcast %squeeze3A_195 : f32 to vector<16xf32>
      %mul3A_3487 = arith.mulf %mul3A_3486, %get3A_3417 : vector<16xf32>
      %add3A_3488 = arith.addf %add3A_3485, %mul3A_3487 : vector<16xf32>
      %mul3A_3489 = vector.broadcast %squeeze3A_227 : f32 to vector<16xf32>
      %mul3A_3490 = arith.mulf %mul3A_3489, %get3A_3421 : vector<16xf32>
      %add3A_3491 = arith.addf %add3A_3488, %mul3A_3490 : vector<16xf32>
      %max3A_3492 = arith.constant 0.000000e+00 : f32
      %max3A_3493 = vector.broadcast %max3A_3492 : f32 to vector<16xf32>
      %max3A_3494 = arith.maximumf %add3A_3491, %max3A_3493 : vector<16xf32>
      %mul3A_3495 = vector.broadcast %squeeze3A_291 : f32 to vector<16xf32>
      %mul3A_3496 = arith.mulf %mul3A_3495, %max3A_3494 : vector<16xf32>
      %add3A_3497 = arith.addf %add3A_3472, %mul3A_3496 : vector<16xf32>
      %mul3A_3498 = vector.broadcast %squeeze3A_69 : f32 to vector<16xf32>
      %mul3A_3499 = arith.mulf %mul3A_3498, %get3A_3401 : vector<16xf32>
      %add3A_3500 = vector.broadcast %squeeze3A_261 : f32 to vector<16xf32>
      %add3A_3501 = arith.addf %add3A_3500, %mul3A_3499 : vector<16xf32>
      %mul3A_3502 = vector.broadcast %squeeze3A_101 : f32 to vector<16xf32>
      %mul3A_3503 = arith.mulf %mul3A_3502, %get3A_3405 : vector<16xf32>
      %add3A_3504 = arith.addf %add3A_3501, %mul3A_3503 : vector<16xf32>
      %mul3A_3505 = vector.broadcast %squeeze3A_133 : f32 to vector<16xf32>
      %mul3A_3506 = arith.mulf %mul3A_3505, %get3A_3409 : vector<16xf32>
      %add3A_3507 = arith.addf %add3A_3504, %mul3A_3506 : vector<16xf32>
      %mul3A_3508 = vector.broadcast %squeeze3A_165 : f32 to vector<16xf32>
      %mul3A_3509 = arith.mulf %mul3A_3508, %get3A_3413 : vector<16xf32>
      %add3A_3510 = arith.addf %add3A_3507, %mul3A_3509 : vector<16xf32>
      %mul3A_3511 = vector.broadcast %squeeze3A_197 : f32 to vector<16xf32>
      %mul3A_3512 = arith.mulf %mul3A_3511, %get3A_3417 : vector<16xf32>
      %add3A_3513 = arith.addf %add3A_3510, %mul3A_3512 : vector<16xf32>
      %mul3A_3514 = vector.broadcast %squeeze3A_229 : f32 to vector<16xf32>
      %mul3A_3515 = arith.mulf %mul3A_3514, %get3A_3421 : vector<16xf32>
      %add3A_3516 = arith.addf %add3A_3513, %mul3A_3515 : vector<16xf32>
      %max3A_3517 = arith.constant 0.000000e+00 : f32
      %max3A_3518 = vector.broadcast %max3A_3517 : f32 to vector<16xf32>
      %max3A_3519 = arith.maximumf %add3A_3516, %max3A_3518 : vector<16xf32>
      %mul3A_3520 = vector.broadcast %squeeze3A_293 : f32 to vector<16xf32>
      %mul3A_3521 = arith.mulf %mul3A_3520, %max3A_3519 : vector<16xf32>
      %add3A_3522 = arith.addf %add3A_3497, %mul3A_3521 : vector<16xf32>
      %mul3A_3523 = vector.broadcast %squeeze3A_71 : f32 to vector<16xf32>
      %mul3A_3524 = arith.mulf %mul3A_3523, %get3A_3401 : vector<16xf32>
      %add3A_3525 = vector.broadcast %squeeze3A_263 : f32 to vector<16xf32>
      %add3A_3526 = arith.addf %add3A_3525, %mul3A_3524 : vector<16xf32>
      %mul3A_3527 = vector.broadcast %squeeze3A_103 : f32 to vector<16xf32>
      %mul3A_3528 = arith.mulf %mul3A_3527, %get3A_3405 : vector<16xf32>
      %add3A_3529 = arith.addf %add3A_3526, %mul3A_3528 : vector<16xf32>
      %mul3A_3530 = vector.broadcast %squeeze3A_135 : f32 to vector<16xf32>
      %mul3A_3531 = arith.mulf %mul3A_3530, %get3A_3409 : vector<16xf32>
      %add3A_3532 = arith.addf %add3A_3529, %mul3A_3531 : vector<16xf32>
      %mul3A_3533 = vector.broadcast %squeeze3A_167 : f32 to vector<16xf32>
      %mul3A_3534 = arith.mulf %mul3A_3533, %get3A_3413 : vector<16xf32>
      %add3A_3535 = arith.addf %add3A_3532, %mul3A_3534 : vector<16xf32>
      %mul3A_3536 = vector.broadcast %squeeze3A_199 : f32 to vector<16xf32>
      %mul3A_3537 = arith.mulf %mul3A_3536, %get3A_3417 : vector<16xf32>
      %add3A_3538 = arith.addf %add3A_3535, %mul3A_3537 : vector<16xf32>
      %mul3A_3539 = vector.broadcast %squeeze3A_231 : f32 to vector<16xf32>
      %mul3A_3540 = arith.mulf %mul3A_3539, %get3A_3421 : vector<16xf32>
      %add3A_3541 = arith.addf %add3A_3538, %mul3A_3540 : vector<16xf32>
      %max3A_3542 = arith.constant 0.000000e+00 : f32
      %max3A_3543 = vector.broadcast %max3A_3542 : f32 to vector<16xf32>
      %max3A_3544 = arith.maximumf %add3A_3541, %max3A_3543 : vector<16xf32>
      %mul3A_3545 = vector.broadcast %squeeze3A_295 : f32 to vector<16xf32>
      %mul3A_3546 = arith.mulf %mul3A_3545, %max3A_3544 : vector<16xf32>
      %add3A_3547 = arith.addf %add3A_3522, %mul3A_3546 : vector<16xf32>
      %mul3A_3548 = vector.broadcast %squeeze3A_73 : f32 to vector<16xf32>
      %mul3A_3549 = arith.mulf %mul3A_3548, %get3A_3401 : vector<16xf32>
      %add3A_3550 = vector.broadcast %squeeze3A_265 : f32 to vector<16xf32>
      %add3A_3551 = arith.addf %add3A_3550, %mul3A_3549 : vector<16xf32>
      %mul3A_3552 = vector.broadcast %squeeze3A_105 : f32 to vector<16xf32>
      %mul3A_3553 = arith.mulf %mul3A_3552, %get3A_3405 : vector<16xf32>
      %add3A_3554 = arith.addf %add3A_3551, %mul3A_3553 : vector<16xf32>
      %mul3A_3555 = vector.broadcast %squeeze3A_137 : f32 to vector<16xf32>
      %mul3A_3556 = arith.mulf %mul3A_3555, %get3A_3409 : vector<16xf32>
      %add3A_3557 = arith.addf %add3A_3554, %mul3A_3556 : vector<16xf32>
      %mul3A_3558 = vector.broadcast %squeeze3A_169 : f32 to vector<16xf32>
      %mul3A_3559 = arith.mulf %mul3A_3558, %get3A_3413 : vector<16xf32>
      %add3A_3560 = arith.addf %add3A_3557, %mul3A_3559 : vector<16xf32>
      %mul3A_3561 = vector.broadcast %squeeze3A_201 : f32 to vector<16xf32>
      %mul3A_3562 = arith.mulf %mul3A_3561, %get3A_3417 : vector<16xf32>
      %add3A_3563 = arith.addf %add3A_3560, %mul3A_3562 : vector<16xf32>
      %mul3A_3564 = vector.broadcast %squeeze3A_233 : f32 to vector<16xf32>
      %mul3A_3565 = arith.mulf %mul3A_3564, %get3A_3421 : vector<16xf32>
      %add3A_3566 = arith.addf %add3A_3563, %mul3A_3565 : vector<16xf32>
      %max3A_3567 = arith.constant 0.000000e+00 : f32
      %max3A_3568 = vector.broadcast %max3A_3567 : f32 to vector<16xf32>
      %max3A_3569 = arith.maximumf %add3A_3566, %max3A_3568 : vector<16xf32>
      %mul3A_3570 = vector.broadcast %squeeze3A_297 : f32 to vector<16xf32>
      %mul3A_3571 = arith.mulf %mul3A_3570, %max3A_3569 : vector<16xf32>
      %add3A_3572 = arith.addf %add3A_3547, %mul3A_3571 : vector<16xf32>
      %mul3A_3573 = vector.broadcast %squeeze3A_75 : f32 to vector<16xf32>
      %mul3A_3574 = arith.mulf %mul3A_3573, %get3A_3401 : vector<16xf32>
      %add3A_3575 = vector.broadcast %squeeze3A_267 : f32 to vector<16xf32>
      %add3A_3576 = arith.addf %add3A_3575, %mul3A_3574 : vector<16xf32>
      %mul3A_3577 = vector.broadcast %squeeze3A_107 : f32 to vector<16xf32>
      %mul3A_3578 = arith.mulf %mul3A_3577, %get3A_3405 : vector<16xf32>
      %add3A_3579 = arith.addf %add3A_3576, %mul3A_3578 : vector<16xf32>
      %mul3A_3580 = vector.broadcast %squeeze3A_139 : f32 to vector<16xf32>
      %mul3A_3581 = arith.mulf %mul3A_3580, %get3A_3409 : vector<16xf32>
      %add3A_3582 = arith.addf %add3A_3579, %mul3A_3581 : vector<16xf32>
      %mul3A_3583 = vector.broadcast %squeeze3A_171 : f32 to vector<16xf32>
      %mul3A_3584 = arith.mulf %mul3A_3583, %get3A_3413 : vector<16xf32>
      %add3A_3585 = arith.addf %add3A_3582, %mul3A_3584 : vector<16xf32>
      %mul3A_3586 = vector.broadcast %squeeze3A_203 : f32 to vector<16xf32>
      %mul3A_3587 = arith.mulf %mul3A_3586, %get3A_3417 : vector<16xf32>
      %add3A_3588 = arith.addf %add3A_3585, %mul3A_3587 : vector<16xf32>
      %mul3A_3589 = vector.broadcast %squeeze3A_235 : f32 to vector<16xf32>
      %mul3A_3590 = arith.mulf %mul3A_3589, %get3A_3421 : vector<16xf32>
      %add3A_3591 = arith.addf %add3A_3588, %mul3A_3590 : vector<16xf32>
      %max3A_3592 = arith.constant 0.000000e+00 : f32
      %max3A_3593 = vector.broadcast %max3A_3592 : f32 to vector<16xf32>
      %max3A_3594 = arith.maximumf %add3A_3591, %max3A_3593 : vector<16xf32>
      %mul3A_3595 = vector.broadcast %squeeze3A_299 : f32 to vector<16xf32>
      %mul3A_3596 = arith.mulf %mul3A_3595, %max3A_3594 : vector<16xf32>
      %add3A_3597 = arith.addf %add3A_3572, %mul3A_3596 : vector<16xf32>
      %mul3A_3598 = vector.broadcast %squeeze3A_77 : f32 to vector<16xf32>
      %mul3A_3599 = arith.mulf %mul3A_3598, %get3A_3401 : vector<16xf32>
      %add3A_3600 = vector.broadcast %squeeze3A_269 : f32 to vector<16xf32>
      %add3A_3601 = arith.addf %add3A_3600, %mul3A_3599 : vector<16xf32>
      %mul3A_3602 = vector.broadcast %squeeze3A_109 : f32 to vector<16xf32>
      %mul3A_3603 = arith.mulf %mul3A_3602, %get3A_3405 : vector<16xf32>
      %add3A_3604 = arith.addf %add3A_3601, %mul3A_3603 : vector<16xf32>
      %mul3A_3605 = vector.broadcast %squeeze3A_141 : f32 to vector<16xf32>
      %mul3A_3606 = arith.mulf %mul3A_3605, %get3A_3409 : vector<16xf32>
      %add3A_3607 = arith.addf %add3A_3604, %mul3A_3606 : vector<16xf32>
      %mul3A_3608 = vector.broadcast %squeeze3A_173 : f32 to vector<16xf32>
      %mul3A_3609 = arith.mulf %mul3A_3608, %get3A_3413 : vector<16xf32>
      %add3A_3610 = arith.addf %add3A_3607, %mul3A_3609 : vector<16xf32>
      %mul3A_3611 = vector.broadcast %squeeze3A_205 : f32 to vector<16xf32>
      %mul3A_3612 = arith.mulf %mul3A_3611, %get3A_3417 : vector<16xf32>
      %add3A_3613 = arith.addf %add3A_3610, %mul3A_3612 : vector<16xf32>
      %mul3A_3614 = vector.broadcast %squeeze3A_237 : f32 to vector<16xf32>
      %mul3A_3615 = arith.mulf %mul3A_3614, %get3A_3421 : vector<16xf32>
      %add3A_3616 = arith.addf %add3A_3613, %mul3A_3615 : vector<16xf32>
      %max3A_3617 = arith.constant 0.000000e+00 : f32
      %max3A_3618 = vector.broadcast %max3A_3617 : f32 to vector<16xf32>
      %max3A_3619 = arith.maximumf %add3A_3616, %max3A_3618 : vector<16xf32>
      %mul3A_3620 = vector.broadcast %squeeze3A_301 : f32 to vector<16xf32>
      %mul3A_3621 = arith.mulf %mul3A_3620, %max3A_3619 : vector<16xf32>
      %add3A_3622 = arith.addf %add3A_3597, %mul3A_3621 : vector<16xf32>
      %mul3A_3623 = vector.broadcast %squeeze3A_79 : f32 to vector<16xf32>
      %mul3A_3624 = arith.mulf %mul3A_3623, %get3A_3401 : vector<16xf32>
      %add3A_3625 = vector.broadcast %squeeze3A_271 : f32 to vector<16xf32>
      %add3A_3626 = arith.addf %add3A_3625, %mul3A_3624 : vector<16xf32>
      %mul3A_3627 = vector.broadcast %squeeze3A_111 : f32 to vector<16xf32>
      %mul3A_3628 = arith.mulf %mul3A_3627, %get3A_3405 : vector<16xf32>
      %add3A_3629 = arith.addf %add3A_3626, %mul3A_3628 : vector<16xf32>
      %mul3A_3630 = vector.broadcast %squeeze3A_143 : f32 to vector<16xf32>
      %mul3A_3631 = arith.mulf %mul3A_3630, %get3A_3409 : vector<16xf32>
      %add3A_3632 = arith.addf %add3A_3629, %mul3A_3631 : vector<16xf32>
      %mul3A_3633 = vector.broadcast %squeeze3A_175 : f32 to vector<16xf32>
      %mul3A_3634 = arith.mulf %mul3A_3633, %get3A_3413 : vector<16xf32>
      %add3A_3635 = arith.addf %add3A_3632, %mul3A_3634 : vector<16xf32>
      %mul3A_3636 = vector.broadcast %squeeze3A_207 : f32 to vector<16xf32>
      %mul3A_3637 = arith.mulf %mul3A_3636, %get3A_3417 : vector<16xf32>
      %add3A_3638 = arith.addf %add3A_3635, %mul3A_3637 : vector<16xf32>
      %mul3A_3639 = vector.broadcast %squeeze3A_239 : f32 to vector<16xf32>
      %mul3A_3640 = arith.mulf %mul3A_3639, %get3A_3421 : vector<16xf32>
      %add3A_3641 = arith.addf %add3A_3638, %mul3A_3640 : vector<16xf32>
      %max3A_3642 = arith.constant 0.000000e+00 : f32
      %max3A_3643 = vector.broadcast %max3A_3642 : f32 to vector<16xf32>
      %max3A_3644 = arith.maximumf %add3A_3641, %max3A_3643 : vector<16xf32>
      %mul3A_3645 = vector.broadcast %squeeze3A_303 : f32 to vector<16xf32>
      %mul3A_3646 = arith.mulf %mul3A_3645, %max3A_3644 : vector<16xf32>
      %add3A_3647 = arith.addf %add3A_3622, %mul3A_3646 : vector<16xf32>
      %mul3A_3648 = vector.broadcast %squeeze3A_81 : f32 to vector<16xf32>
      %mul3A_3649 = arith.mulf %mul3A_3648, %get3A_3401 : vector<16xf32>
      %add3A_3650 = vector.broadcast %squeeze3A_273 : f32 to vector<16xf32>
      %add3A_3651 = arith.addf %add3A_3650, %mul3A_3649 : vector<16xf32>
      %mul3A_3652 = vector.broadcast %squeeze3A_113 : f32 to vector<16xf32>
      %mul3A_3653 = arith.mulf %mul3A_3652, %get3A_3405 : vector<16xf32>
      %add3A_3654 = arith.addf %add3A_3651, %mul3A_3653 : vector<16xf32>
      %mul3A_3655 = vector.broadcast %squeeze3A_145 : f32 to vector<16xf32>
      %mul3A_3656 = arith.mulf %mul3A_3655, %get3A_3409 : vector<16xf32>
      %add3A_3657 = arith.addf %add3A_3654, %mul3A_3656 : vector<16xf32>
      %mul3A_3658 = vector.broadcast %squeeze3A_177 : f32 to vector<16xf32>
      %mul3A_3659 = arith.mulf %mul3A_3658, %get3A_3413 : vector<16xf32>
      %add3A_3660 = arith.addf %add3A_3657, %mul3A_3659 : vector<16xf32>
      %mul3A_3661 = vector.broadcast %squeeze3A_209 : f32 to vector<16xf32>
      %mul3A_3662 = arith.mulf %mul3A_3661, %get3A_3417 : vector<16xf32>
      %add3A_3663 = arith.addf %add3A_3660, %mul3A_3662 : vector<16xf32>
      %mul3A_3664 = vector.broadcast %squeeze3A_241 : f32 to vector<16xf32>
      %mul3A_3665 = arith.mulf %mul3A_3664, %get3A_3421 : vector<16xf32>
      %add3A_3666 = arith.addf %add3A_3663, %mul3A_3665 : vector<16xf32>
      %max3A_3667 = arith.constant 0.000000e+00 : f32
      %max3A_3668 = vector.broadcast %max3A_3667 : f32 to vector<16xf32>
      %max3A_3669 = arith.maximumf %add3A_3666, %max3A_3668 : vector<16xf32>
      %mul3A_3670 = vector.broadcast %squeeze3A_305 : f32 to vector<16xf32>
      %mul3A_3671 = arith.mulf %mul3A_3670, %max3A_3669 : vector<16xf32>
      %add3A_3672 = arith.addf %add3A_3647, %mul3A_3671 : vector<16xf32>
      %mul3A_3673 = vector.broadcast %squeeze3A_83 : f32 to vector<16xf32>
      %mul3A_3674 = arith.mulf %mul3A_3673, %get3A_3401 : vector<16xf32>
      %add3A_3675 = vector.broadcast %squeeze3A_275 : f32 to vector<16xf32>
      %add3A_3676 = arith.addf %add3A_3675, %mul3A_3674 : vector<16xf32>
      %mul3A_3677 = vector.broadcast %squeeze3A_115 : f32 to vector<16xf32>
      %mul3A_3678 = arith.mulf %mul3A_3677, %get3A_3405 : vector<16xf32>
      %add3A_3679 = arith.addf %add3A_3676, %mul3A_3678 : vector<16xf32>
      %mul3A_3680 = vector.broadcast %squeeze3A_147 : f32 to vector<16xf32>
      %mul3A_3681 = arith.mulf %mul3A_3680, %get3A_3409 : vector<16xf32>
      %add3A_3682 = arith.addf %add3A_3679, %mul3A_3681 : vector<16xf32>
      %mul3A_3683 = vector.broadcast %squeeze3A_179 : f32 to vector<16xf32>
      %mul3A_3684 = arith.mulf %mul3A_3683, %get3A_3413 : vector<16xf32>
      %add3A_3685 = arith.addf %add3A_3682, %mul3A_3684 : vector<16xf32>
      %mul3A_3686 = vector.broadcast %squeeze3A_211 : f32 to vector<16xf32>
      %mul3A_3687 = arith.mulf %mul3A_3686, %get3A_3417 : vector<16xf32>
      %add3A_3688 = arith.addf %add3A_3685, %mul3A_3687 : vector<16xf32>
      %mul3A_3689 = vector.broadcast %squeeze3A_243 : f32 to vector<16xf32>
      %mul3A_3690 = arith.mulf %mul3A_3689, %get3A_3421 : vector<16xf32>
      %add3A_3691 = arith.addf %add3A_3688, %mul3A_3690 : vector<16xf32>
      %max3A_3692 = arith.constant 0.000000e+00 : f32
      %max3A_3693 = vector.broadcast %max3A_3692 : f32 to vector<16xf32>
      %max3A_3694 = arith.maximumf %add3A_3691, %max3A_3693 : vector<16xf32>
      %mul3A_3695 = vector.broadcast %squeeze3A_307 : f32 to vector<16xf32>
      %mul3A_3696 = arith.mulf %mul3A_3695, %max3A_3694 : vector<16xf32>
      %add3A_3697 = arith.addf %add3A_3672, %mul3A_3696 : vector<16xf32>
      %mul3A_3698 = vector.broadcast %squeeze3A_85 : f32 to vector<16xf32>
      %mul3A_3699 = arith.mulf %mul3A_3698, %get3A_3401 : vector<16xf32>
      %add3A_3700 = vector.broadcast %squeeze3A_277 : f32 to vector<16xf32>
      %add3A_3701 = arith.addf %add3A_3700, %mul3A_3699 : vector<16xf32>
      %mul3A_3702 = vector.broadcast %squeeze3A_117 : f32 to vector<16xf32>
      %mul3A_3703 = arith.mulf %mul3A_3702, %get3A_3405 : vector<16xf32>
      %add3A_3704 = arith.addf %add3A_3701, %mul3A_3703 : vector<16xf32>
      %mul3A_3705 = vector.broadcast %squeeze3A_149 : f32 to vector<16xf32>
      %mul3A_3706 = arith.mulf %mul3A_3705, %get3A_3409 : vector<16xf32>
      %add3A_3707 = arith.addf %add3A_3704, %mul3A_3706 : vector<16xf32>
      %mul3A_3708 = vector.broadcast %squeeze3A_181 : f32 to vector<16xf32>
      %mul3A_3709 = arith.mulf %mul3A_3708, %get3A_3413 : vector<16xf32>
      %add3A_3710 = arith.addf %add3A_3707, %mul3A_3709 : vector<16xf32>
      %mul3A_3711 = vector.broadcast %squeeze3A_213 : f32 to vector<16xf32>
      %mul3A_3712 = arith.mulf %mul3A_3711, %get3A_3417 : vector<16xf32>
      %add3A_3713 = arith.addf %add3A_3710, %mul3A_3712 : vector<16xf32>
      %mul3A_3714 = vector.broadcast %squeeze3A_245 : f32 to vector<16xf32>
      %mul3A_3715 = arith.mulf %mul3A_3714, %get3A_3421 : vector<16xf32>
      %add3A_3716 = arith.addf %add3A_3713, %mul3A_3715 : vector<16xf32>
      %max3A_3717 = arith.constant 0.000000e+00 : f32
      %max3A_3718 = vector.broadcast %max3A_3717 : f32 to vector<16xf32>
      %max3A_3719 = arith.maximumf %add3A_3716, %max3A_3718 : vector<16xf32>
      %mul3A_3720 = vector.broadcast %squeeze3A_309 : f32 to vector<16xf32>
      %mul3A_3721 = arith.mulf %mul3A_3720, %max3A_3719 : vector<16xf32>
      %add3A_3722 = arith.addf %add3A_3697, %mul3A_3721 : vector<16xf32>
      %mul3A_3723 = vector.broadcast %squeeze3A_87 : f32 to vector<16xf32>
      %mul3A_3724 = arith.mulf %mul3A_3723, %get3A_3401 : vector<16xf32>
      %add3A_3725 = vector.broadcast %squeeze3A_279 : f32 to vector<16xf32>
      %add3A_3726 = arith.addf %add3A_3725, %mul3A_3724 : vector<16xf32>
      %mul3A_3727 = vector.broadcast %squeeze3A_119 : f32 to vector<16xf32>
      %mul3A_3728 = arith.mulf %mul3A_3727, %get3A_3405 : vector<16xf32>
      %add3A_3729 = arith.addf %add3A_3726, %mul3A_3728 : vector<16xf32>
      %mul3A_3730 = vector.broadcast %squeeze3A_151 : f32 to vector<16xf32>
      %mul3A_3731 = arith.mulf %mul3A_3730, %get3A_3409 : vector<16xf32>
      %add3A_3732 = arith.addf %add3A_3729, %mul3A_3731 : vector<16xf32>
      %mul3A_3733 = vector.broadcast %squeeze3A_183 : f32 to vector<16xf32>
      %mul3A_3734 = arith.mulf %mul3A_3733, %get3A_3413 : vector<16xf32>
      %add3A_3735 = arith.addf %add3A_3732, %mul3A_3734 : vector<16xf32>
      %mul3A_3736 = vector.broadcast %squeeze3A_215 : f32 to vector<16xf32>
      %mul3A_3737 = arith.mulf %mul3A_3736, %get3A_3417 : vector<16xf32>
      %add3A_3738 = arith.addf %add3A_3735, %mul3A_3737 : vector<16xf32>
      %mul3A_3739 = vector.broadcast %squeeze3A_247 : f32 to vector<16xf32>
      %mul3A_3740 = arith.mulf %mul3A_3739, %get3A_3421 : vector<16xf32>
      %add3A_3741 = arith.addf %add3A_3738, %mul3A_3740 : vector<16xf32>
      %max3A_3742 = arith.constant 0.000000e+00 : f32
      %max3A_3743 = vector.broadcast %max3A_3742 : f32 to vector<16xf32>
      %max3A_3744 = arith.maximumf %add3A_3741, %max3A_3743 : vector<16xf32>
      %mul3A_3745 = vector.broadcast %squeeze3A_311 : f32 to vector<16xf32>
      %mul3A_3746 = arith.mulf %mul3A_3745, %max3A_3744 : vector<16xf32>
      %add3A_3747 = arith.addf %add3A_3722, %mul3A_3746 : vector<16xf32>
      %mul3A_3748 = vector.broadcast %squeeze3A_89 : f32 to vector<16xf32>
      %mul3A_3749 = arith.mulf %mul3A_3748, %get3A_3401 : vector<16xf32>
      %add3A_3750 = vector.broadcast %squeeze3A_281 : f32 to vector<16xf32>
      %add3A_3751 = arith.addf %add3A_3750, %mul3A_3749 : vector<16xf32>
      %mul3A_3752 = vector.broadcast %squeeze3A_121 : f32 to vector<16xf32>
      %mul3A_3753 = arith.mulf %mul3A_3752, %get3A_3405 : vector<16xf32>
      %add3A_3754 = arith.addf %add3A_3751, %mul3A_3753 : vector<16xf32>
      %mul3A_3755 = vector.broadcast %squeeze3A_153 : f32 to vector<16xf32>
      %mul3A_3756 = arith.mulf %mul3A_3755, %get3A_3409 : vector<16xf32>
      %add3A_3757 = arith.addf %add3A_3754, %mul3A_3756 : vector<16xf32>
      %mul3A_3758 = vector.broadcast %squeeze3A_185 : f32 to vector<16xf32>
      %mul3A_3759 = arith.mulf %mul3A_3758, %get3A_3413 : vector<16xf32>
      %add3A_3760 = arith.addf %add3A_3757, %mul3A_3759 : vector<16xf32>
      %mul3A_3761 = vector.broadcast %squeeze3A_217 : f32 to vector<16xf32>
      %mul3A_3762 = arith.mulf %mul3A_3761, %get3A_3417 : vector<16xf32>
      %add3A_3763 = arith.addf %add3A_3760, %mul3A_3762 : vector<16xf32>
      %mul3A_3764 = vector.broadcast %squeeze3A_249 : f32 to vector<16xf32>
      %mul3A_3765 = arith.mulf %mul3A_3764, %get3A_3421 : vector<16xf32>
      %add3A_3766 = arith.addf %add3A_3763, %mul3A_3765 : vector<16xf32>
      %max3A_3767 = arith.constant 0.000000e+00 : f32
      %max3A_3768 = vector.broadcast %max3A_3767 : f32 to vector<16xf32>
      %max3A_3769 = arith.maximumf %add3A_3766, %max3A_3768 : vector<16xf32>
      %mul3A_3770 = vector.broadcast %squeeze3A_313 : f32 to vector<16xf32>
      %mul3A_3771 = arith.mulf %mul3A_3770, %max3A_3769 : vector<16xf32>
      %add3A_3772 = arith.addf %add3A_3747, %mul3A_3771 : vector<16xf32>
      %mul3A_3773 = vector.broadcast %squeeze3A_91 : f32 to vector<16xf32>
      %mul3A_3774 = arith.mulf %mul3A_3773, %get3A_3401 : vector<16xf32>
      %add3A_3775 = vector.broadcast %squeeze3A_283 : f32 to vector<16xf32>
      %add3A_3776 = arith.addf %add3A_3775, %mul3A_3774 : vector<16xf32>
      %mul3A_3777 = vector.broadcast %squeeze3A_123 : f32 to vector<16xf32>
      %mul3A_3778 = arith.mulf %mul3A_3777, %get3A_3405 : vector<16xf32>
      %add3A_3779 = arith.addf %add3A_3776, %mul3A_3778 : vector<16xf32>
      %mul3A_3780 = vector.broadcast %squeeze3A_155 : f32 to vector<16xf32>
      %mul3A_3781 = arith.mulf %mul3A_3780, %get3A_3409 : vector<16xf32>
      %add3A_3782 = arith.addf %add3A_3779, %mul3A_3781 : vector<16xf32>
      %mul3A_3783 = vector.broadcast %squeeze3A_187 : f32 to vector<16xf32>
      %mul3A_3784 = arith.mulf %mul3A_3783, %get3A_3413 : vector<16xf32>
      %add3A_3785 = arith.addf %add3A_3782, %mul3A_3784 : vector<16xf32>
      %mul3A_3786 = vector.broadcast %squeeze3A_219 : f32 to vector<16xf32>
      %mul3A_3787 = arith.mulf %mul3A_3786, %get3A_3417 : vector<16xf32>
      %add3A_3788 = arith.addf %add3A_3785, %mul3A_3787 : vector<16xf32>
      %mul3A_3789 = vector.broadcast %squeeze3A_251 : f32 to vector<16xf32>
      %mul3A_3790 = arith.mulf %mul3A_3789, %get3A_3421 : vector<16xf32>
      %add3A_3791 = arith.addf %add3A_3788, %mul3A_3790 : vector<16xf32>
      %max3A_3792 = arith.constant 0.000000e+00 : f32
      %max3A_3793 = vector.broadcast %max3A_3792 : f32 to vector<16xf32>
      %max3A_3794 = arith.maximumf %add3A_3791, %max3A_3793 : vector<16xf32>
      %mul3A_3795 = vector.broadcast %squeeze3A_315 : f32 to vector<16xf32>
      %mul3A_3796 = arith.mulf %mul3A_3795, %max3A_3794 : vector<16xf32>
      %add3A_3797 = arith.addf %add3A_3772, %mul3A_3796 : vector<16xf32>
      %mul3A_3798 = vector.broadcast %squeeze3A_93 : f32 to vector<16xf32>
      %mul3A_3799 = arith.mulf %mul3A_3798, %get3A_3401 : vector<16xf32>
      %add3A_3800 = vector.broadcast %squeeze3A_285 : f32 to vector<16xf32>
      %add3A_3801 = arith.addf %add3A_3800, %mul3A_3799 : vector<16xf32>
      %mul3A_3802 = vector.broadcast %squeeze3A_125 : f32 to vector<16xf32>
      %mul3A_3803 = arith.mulf %mul3A_3802, %get3A_3405 : vector<16xf32>
      %add3A_3804 = arith.addf %add3A_3801, %mul3A_3803 : vector<16xf32>
      %mul3A_3805 = vector.broadcast %squeeze3A_157 : f32 to vector<16xf32>
      %mul3A_3806 = arith.mulf %mul3A_3805, %get3A_3409 : vector<16xf32>
      %add3A_3807 = arith.addf %add3A_3804, %mul3A_3806 : vector<16xf32>
      %mul3A_3808 = vector.broadcast %squeeze3A_189 : f32 to vector<16xf32>
      %mul3A_3809 = arith.mulf %mul3A_3808, %get3A_3413 : vector<16xf32>
      %add3A_3810 = arith.addf %add3A_3807, %mul3A_3809 : vector<16xf32>
      %mul3A_3811 = vector.broadcast %squeeze3A_221 : f32 to vector<16xf32>
      %mul3A_3812 = arith.mulf %mul3A_3811, %get3A_3417 : vector<16xf32>
      %add3A_3813 = arith.addf %add3A_3810, %mul3A_3812 : vector<16xf32>
      %mul3A_3814 = vector.broadcast %squeeze3A_253 : f32 to vector<16xf32>
      %mul3A_3815 = arith.mulf %mul3A_3814, %get3A_3421 : vector<16xf32>
      %add3A_3816 = arith.addf %add3A_3813, %mul3A_3815 : vector<16xf32>
      %max3A_3817 = arith.constant 0.000000e+00 : f32
      %max3A_3818 = vector.broadcast %max3A_3817 : f32 to vector<16xf32>
      %max3A_3819 = arith.maximumf %add3A_3816, %max3A_3818 : vector<16xf32>
      %mul3A_3820 = vector.broadcast %squeeze3A_317 : f32 to vector<16xf32>
      %mul3A_3821 = arith.mulf %mul3A_3820, %max3A_3819 : vector<16xf32>
      %add3A_3822 = arith.addf %add3A_3797, %mul3A_3821 : vector<16xf32>
      %lt3A = arith.constant -0.693147182 : f32
      %lt3A_3823 = vector.broadcast %lt3A : f32 to vector<16xf32>
      %lt3A_3824 = arith.cmpf olt, %add3A_819, %lt3A_3823 : vector<16xf32>
      %jit3A_3825 = arith.constant 1.000000e+00 : f32
      %jit3A_3826 = arith.constant 0.000000e+00 : f32
      %broadcast_in_dim3A_3827 = vector.broadcast %jit3A_3825 : f32 to vector<16xf32>
      %broadcast_in_dim3A_3828 = vector.broadcast %jit3A_3826 : f32 to vector<16xf32>
      %select_n3A_3829 = arith.select %lt3A_3824, %broadcast_in_dim3A_3827, %broadcast_in_dim3A_3828 : vector<16xi1>, vector<16xf32>
      %add3A_3830 = arith.addf %scan3A_390, %select_n3A_3829 : vector<16xf32>
      %lt3A_3831 = arith.constant 0.693147182 : f32
      %lt3A_3832 = vector.broadcast %lt3A_3831 : f32 to vector<16xf32>
      %lt3A_3833 = arith.cmpf olt, %add3A_819, %lt3A_3832 : vector<16xf32>
      %jit3A_3834 = arith.constant 1.000000e+00 : f32
      %jit3A_3835 = arith.constant 0.000000e+00 : f32
      %broadcast_in_dim3A_3836 = vector.broadcast %jit3A_3834 : f32 to vector<16xf32>
      %broadcast_in_dim3A_3837 = vector.broadcast %jit3A_3835 : f32 to vector<16xf32>
      %select_n3A_3838 = arith.select %lt3A_3833, %broadcast_in_dim3A_3836, %broadcast_in_dim3A_3837 : vector<16xi1>, vector<16xf32>
      %add3A_3839 = arith.addf %scan3A_391, %select_n3A_3838 : vector<16xf32>
      %lt3A_3840 = arith.constant -0.693147182 : f32
      %lt3A_3841 = vector.broadcast %lt3A_3840 : f32 to vector<16xf32>
      %lt3A_3842 = arith.cmpf olt, %add3A_1248, %lt3A_3841 : vector<16xf32>
      %jit3A_3843 = arith.constant 1.000000e+00 : f32
      %jit3A_3844 = arith.constant 0.000000e+00 : f32
      %broadcast_in_dim3A_3845 = vector.broadcast %jit3A_3843 : f32 to vector<16xf32>
      %broadcast_in_dim3A_3846 = vector.broadcast %jit3A_3844 : f32 to vector<16xf32>
      %select_n3A_3847 = arith.select %lt3A_3842, %broadcast_in_dim3A_3845, %broadcast_in_dim3A_3846 : vector<16xi1>, vector<16xf32>
      %add3A_3848 = arith.addf %add3A_3830, %select_n3A_3847 : vector<16xf32>
      %lt3A_3849 = arith.constant 0.693147182 : f32
      %lt3A_3850 = vector.broadcast %lt3A_3849 : f32 to vector<16xf32>
      %lt3A_3851 = arith.cmpf olt, %add3A_1248, %lt3A_3850 : vector<16xf32>
      %jit3A_3852 = arith.constant 1.000000e+00 : f32
      %jit3A_3853 = arith.constant 0.000000e+00 : f32
      %broadcast_in_dim3A_3854 = vector.broadcast %jit3A_3852 : f32 to vector<16xf32>
      %broadcast_in_dim3A_3855 = vector.broadcast %jit3A_3853 : f32 to vector<16xf32>
      %select_n3A_3856 = arith.select %lt3A_3851, %broadcast_in_dim3A_3854, %broadcast_in_dim3A_3855 : vector<16xi1>, vector<16xf32>
      %add3A_3857 = arith.addf %add3A_3839, %select_n3A_3856 : vector<16xf32>
      %lt3A_3858 = arith.constant -0.693147182 : f32
      %lt3A_3859 = vector.broadcast %lt3A_3858 : f32 to vector<16xf32>
      %lt3A_3860 = arith.cmpf olt, %add3A_1677, %lt3A_3859 : vector<16xf32>
      %jit3A_3861 = arith.constant 1.000000e+00 : f32
      %jit3A_3862 = arith.constant 0.000000e+00 : f32
      %broadcast_in_dim3A_3863 = vector.broadcast %jit3A_3861 : f32 to vector<16xf32>
      %broadcast_in_dim3A_3864 = vector.broadcast %jit3A_3862 : f32 to vector<16xf32>
      %select_n3A_3865 = arith.select %lt3A_3860, %broadcast_in_dim3A_3863, %broadcast_in_dim3A_3864 : vector<16xi1>, vector<16xf32>
      %add3A_3866 = arith.addf %add3A_3848, %select_n3A_3865 : vector<16xf32>
      %lt3A_3867 = arith.constant 0.693147182 : f32
      %lt3A_3868 = vector.broadcast %lt3A_3867 : f32 to vector<16xf32>
      %lt3A_3869 = arith.cmpf olt, %add3A_1677, %lt3A_3868 : vector<16xf32>
      %jit3A_3870 = arith.constant 1.000000e+00 : f32
      %jit3A_3871 = arith.constant 0.000000e+00 : f32
      %broadcast_in_dim3A_3872 = vector.broadcast %jit3A_3870 : f32 to vector<16xf32>
      %broadcast_in_dim3A_3873 = vector.broadcast %jit3A_3871 : f32 to vector<16xf32>
      %select_n3A_3874 = arith.select %lt3A_3869, %broadcast_in_dim3A_3872, %broadcast_in_dim3A_3873 : vector<16xi1>, vector<16xf32>
      %add3A_3875 = arith.addf %add3A_3857, %select_n3A_3874 : vector<16xf32>
      %lt3A_3876 = arith.constant -0.693147182 : f32
      %lt3A_3877 = vector.broadcast %lt3A_3876 : f32 to vector<16xf32>
      %lt3A_3878 = arith.cmpf olt, %add3A_2106, %lt3A_3877 : vector<16xf32>
      %jit3A_3879 = arith.constant 1.000000e+00 : f32
      %jit3A_3880 = arith.constant 0.000000e+00 : f32
      %broadcast_in_dim3A_3881 = vector.broadcast %jit3A_3879 : f32 to vector<16xf32>
      %broadcast_in_dim3A_3882 = vector.broadcast %jit3A_3880 : f32 to vector<16xf32>
      %select_n3A_3883 = arith.select %lt3A_3878, %broadcast_in_dim3A_3881, %broadcast_in_dim3A_3882 : vector<16xi1>, vector<16xf32>
      %add3A_3884 = arith.addf %add3A_3866, %select_n3A_3883 : vector<16xf32>
      %lt3A_3885 = arith.constant 0.693147182 : f32
      %lt3A_3886 = vector.broadcast %lt3A_3885 : f32 to vector<16xf32>
      %lt3A_3887 = arith.cmpf olt, %add3A_2106, %lt3A_3886 : vector<16xf32>
      %jit3A_3888 = arith.constant 1.000000e+00 : f32
      %jit3A_3889 = arith.constant 0.000000e+00 : f32
      %broadcast_in_dim3A_3890 = vector.broadcast %jit3A_3888 : f32 to vector<16xf32>
      %broadcast_in_dim3A_3891 = vector.broadcast %jit3A_3889 : f32 to vector<16xf32>
      %select_n3A_3892 = arith.select %lt3A_3887, %broadcast_in_dim3A_3890, %broadcast_in_dim3A_3891 : vector<16xi1>, vector<16xf32>
      %add3A_3893 = arith.addf %add3A_3875, %select_n3A_3892 : vector<16xf32>
      %lt3A_3894 = arith.constant -0.693147182 : f32
      %lt3A_3895 = vector.broadcast %lt3A_3894 : f32 to vector<16xf32>
      %lt3A_3896 = arith.cmpf olt, %add3A_2535, %lt3A_3895 : vector<16xf32>
      %jit3A_3897 = arith.constant 1.000000e+00 : f32
      %jit3A_3898 = arith.constant 0.000000e+00 : f32
      %broadcast_in_dim3A_3899 = vector.broadcast %jit3A_3897 : f32 to vector<16xf32>
      %broadcast_in_dim3A_3900 = vector.broadcast %jit3A_3898 : f32 to vector<16xf32>
      %select_n3A_3901 = arith.select %lt3A_3896, %broadcast_in_dim3A_3899, %broadcast_in_dim3A_3900 : vector<16xi1>, vector<16xf32>
      %add3A_3902 = arith.addf %add3A_3884, %select_n3A_3901 : vector<16xf32>
      %lt3A_3903 = arith.constant 0.693147182 : f32
      %lt3A_3904 = vector.broadcast %lt3A_3903 : f32 to vector<16xf32>
      %lt3A_3905 = arith.cmpf olt, %add3A_2535, %lt3A_3904 : vector<16xf32>
      %jit3A_3906 = arith.constant 1.000000e+00 : f32
      %jit3A_3907 = arith.constant 0.000000e+00 : f32
      %broadcast_in_dim3A_3908 = vector.broadcast %jit3A_3906 : f32 to vector<16xf32>
      %broadcast_in_dim3A_3909 = vector.broadcast %jit3A_3907 : f32 to vector<16xf32>
      %select_n3A_3910 = arith.select %lt3A_3905, %broadcast_in_dim3A_3908, %broadcast_in_dim3A_3909 : vector<16xi1>, vector<16xf32>
      %add3A_3911 = arith.addf %add3A_3893, %select_n3A_3910 : vector<16xf32>
      %lt3A_3912 = arith.constant -0.693147182 : f32
      %lt3A_3913 = vector.broadcast %lt3A_3912 : f32 to vector<16xf32>
      %lt3A_3914 = arith.cmpf olt, %add3A_2964, %lt3A_3913 : vector<16xf32>
      %jit3A_3915 = arith.constant 1.000000e+00 : f32
      %jit3A_3916 = arith.constant 0.000000e+00 : f32
      %broadcast_in_dim3A_3917 = vector.broadcast %jit3A_3915 : f32 to vector<16xf32>
      %broadcast_in_dim3A_3918 = vector.broadcast %jit3A_3916 : f32 to vector<16xf32>
      %select_n3A_3919 = arith.select %lt3A_3914, %broadcast_in_dim3A_3917, %broadcast_in_dim3A_3918 : vector<16xi1>, vector<16xf32>
      %add3A_3920 = arith.addf %add3A_3902, %select_n3A_3919 : vector<16xf32>
      %lt3A_3921 = arith.constant 0.693147182 : f32
      %lt3A_3922 = vector.broadcast %lt3A_3921 : f32 to vector<16xf32>
      %lt3A_3923 = arith.cmpf olt, %add3A_2964, %lt3A_3922 : vector<16xf32>
      %jit3A_3924 = arith.constant 1.000000e+00 : f32
      %jit3A_3925 = arith.constant 0.000000e+00 : f32
      %broadcast_in_dim3A_3926 = vector.broadcast %jit3A_3924 : f32 to vector<16xf32>
      %broadcast_in_dim3A_3927 = vector.broadcast %jit3A_3925 : f32 to vector<16xf32>
      %select_n3A_3928 = arith.select %lt3A_3923, %broadcast_in_dim3A_3926, %broadcast_in_dim3A_3927 : vector<16xi1>, vector<16xf32>
      %add3A_3929 = arith.addf %add3A_3911, %select_n3A_3928 : vector<16xf32>
      %lt3A_3930 = arith.constant -0.693147182 : f32
      %lt3A_3931 = vector.broadcast %lt3A_3930 : f32 to vector<16xf32>
      %lt3A_3932 = arith.cmpf olt, %add3A_3393, %lt3A_3931 : vector<16xf32>
      %jit3A_3933 = arith.constant 1.000000e+00 : f32
      %jit3A_3934 = arith.constant 0.000000e+00 : f32
      %broadcast_in_dim3A_3935 = vector.broadcast %jit3A_3933 : f32 to vector<16xf32>
      %broadcast_in_dim3A_3936 = vector.broadcast %jit3A_3934 : f32 to vector<16xf32>
      %select_n3A_3937 = arith.select %lt3A_3932, %broadcast_in_dim3A_3935, %broadcast_in_dim3A_3936 : vector<16xi1>, vector<16xf32>
      %add3A_3938 = arith.addf %add3A_3920, %select_n3A_3937 : vector<16xf32>
      %lt3A_3939 = arith.constant 0.693147182 : f32
      %lt3A_3940 = vector.broadcast %lt3A_3939 : f32 to vector<16xf32>
      %lt3A_3941 = arith.cmpf olt, %add3A_3393, %lt3A_3940 : vector<16xf32>
      %jit3A_3942 = arith.constant 1.000000e+00 : f32
      %jit3A_3943 = arith.constant 0.000000e+00 : f32
      %broadcast_in_dim3A_3944 = vector.broadcast %jit3A_3942 : f32 to vector<16xf32>
      %broadcast_in_dim3A_3945 = vector.broadcast %jit3A_3943 : f32 to vector<16xf32>
      %select_n3A_3946 = arith.select %lt3A_3941, %broadcast_in_dim3A_3944, %broadcast_in_dim3A_3945 : vector<16xi1>, vector<16xf32>
      %add3A_3947 = arith.addf %add3A_3929, %select_n3A_3946 : vector<16xf32>
      %lt3A_3948 = arith.constant -0.693147182 : f32
      %lt3A_3949 = vector.broadcast %lt3A_3948 : f32 to vector<16xf32>
      %lt3A_3950 = arith.cmpf olt, %add3A_3822, %lt3A_3949 : vector<16xf32>
      %jit3A_3951 = arith.constant 1.000000e+00 : f32
      %jit3A_3952 = arith.constant 0.000000e+00 : f32
      %broadcast_in_dim3A_3953 = vector.broadcast %jit3A_3951 : f32 to vector<16xf32>
      %broadcast_in_dim3A_3954 = vector.broadcast %jit3A_3952 : f32 to vector<16xf32>
      %select_n3A_3955 = arith.select %lt3A_3950, %broadcast_in_dim3A_3953, %broadcast_in_dim3A_3954 : vector<16xi1>, vector<16xf32>
      %add3A_3956 = arith.addf %add3A_3938, %select_n3A_3955 : vector<16xf32>
      %lt3A_3957 = arith.constant 0.693147182 : f32
      %lt3A_3958 = vector.broadcast %lt3A_3957 : f32 to vector<16xf32>
      %lt3A_3959 = arith.cmpf olt, %add3A_3822, %lt3A_3958 : vector<16xf32>
      %jit3A_3960 = arith.constant 1.000000e+00 : f32
      %jit3A_3961 = arith.constant 0.000000e+00 : f32
      %broadcast_in_dim3A_3962 = vector.broadcast %jit3A_3960 : f32 to vector<16xf32>
      %broadcast_in_dim3A_3963 = vector.broadcast %jit3A_3961 : f32 to vector<16xf32>
      %select_n3A_3964 = arith.select %lt3A_3959, %broadcast_in_dim3A_3962, %broadcast_in_dim3A_3963 : vector<16xi1>, vector<16xf32>
      %add3A_3965 = arith.addf %add3A_3947, %select_n3A_3964 : vector<16xf32>
      scf.yield %add3A_3956, %add3A_3965 : vector<16xf32>, vector<16xf32>
    }
    %scan3A_362 = arith.constant 8 : i32
    %reduce_sum3A = arith.constant true
    %reduce_sum3A_363 = vector.broadcast %reduce_sum3A : i1 to vector<16xi1>
    %reduce_sum3A_364 = tpu.scan <sum>, %scan3A_361#0 masked %reduce_sum3A_363 : vector<16xf32>, vector<16xi1> -> vector<16xf32>
    %reduce_sum3A_365 = vector.extract %reduce_sum3A_364[15] : f32 from vector<16xf32>
    %reduce_sum3A_366 = arith.constant true
    %reduce_sum3A_367 = vector.broadcast %reduce_sum3A_366 : i1 to vector<16xi1>
    %reduce_sum3A_368 = tpu.scan <sum>, %scan3A_361#1 masked %reduce_sum3A_367 : vector<16xf32>, vector<16xi1> -> vector<16xf32>
    %reduce_sum3A_369 = vector.extract %reduce_sum3A_368[15] : f32 from vector<16xf32>
    %iota3A = tpu.iota {dimensions = array<i32: 0>} : vector<16xi32>
    %eq3A_370 = arith.constant 0 : i32
    %eq3A_371 = vector.broadcast %eq3A_370 : i32 to vector<16xi32>
    %eq3A_372 = arith.cmpi eq, %iota3A, %eq3A_371 : vector<16xi32>
    %eq3A_373 = arith.constant 1 : i32
    %eq3A_374 = vector.broadcast %eq3A_373 : i32 to vector<16xi32>
    %eq3A_375 = arith.cmpi eq, %iota3A, %eq3A_374 : vector<16xi32>
    %jit3A = arith.constant 0.000000e+00 : f32
    %broadcast_in_dim3A_376 = vector.broadcast %reduce_sum3A_369 : f32 to vector<16xf32>
    %broadcast_in_dim3A_377 = vector.broadcast %jit3A : f32 to vector<16xf32>
    %select_n3A = arith.select %eq3A_375, %broadcast_in_dim3A_376, %broadcast_in_dim3A_377 : vector<16xi1>, vector<16xf32>
    %broadcast_in_dim3A_378 = vector.broadcast %reduce_sum3A_365 : f32 to vector<16xf32>
    %select_n3A_379 = arith.select %eq3A_372, %broadcast_in_dim3A_378, %select_n3A : vector<16xi1>, vector<16xf32>
    %swap3A = arith.constant 0 : index
    %swap3A_380 = tpu.vector_load %arg7[%swap3A] {strides = array<i32>} : memref<16xf32, #tpu.memory_space<vmem>>, vector<16xf32>,
    tpu.vector_store %arg7[%swap3A], %select_n3A_379 {strides = array<i32>} : memref<16xf32, #tpu.memory_space<vmem>>, vector<16xf32>,
    %mul3A_381 = arith.constant 16 : i32
    %mul3A_382 = arith.muli %arg1, %mul3A_381 : i32
    "tpu.region"() ({
      %run_scoped3A = tpu.sem_alloc : memref<!tpu.dma_semaphore, #tpu.memory_space<semaphore_mem>>
      %dma_start3A_389 = tpu.memref_slice %arg9[%mul3A_382] : memref<256xf32, #tpu.memory_space<vmem_shared>> -> memref<16xf32, #tpu.memory_space<vmem_shared>>
      %dma_start3A_390 = tpu.memref_slice %arg9[%mul3A_382] : memref<256xf32, #tpu.memory_space<vmem_shared>> -> memref<16xf32, #tpu.memory_space<vmem_shared>>
      tpu.enqueue_dma source(%arg7 : memref<16xf32, #tpu.memory_space<vmem>>) target(%dma_start3A_390 : memref<16xf32, #tpu.memory_space<vmem_shared>>) target_semaphore(%run_scoped3A : memref<!tpu.dma_semaphore, #tpu.memory_space<semaphore_mem>>)
      %dma_wait3A_391 = tpu.memref_slice %arg9[%mul3A_382] : memref<256xf32, #tpu.memory_space<vmem_shared>> -> memref<16xf32, #tpu.memory_space<vmem_shared>>
      %dma_wait3A_392 = tpu.memref_slice %arg9[%mul3A_382] : memref<256xf32, #tpu.memory_space<vmem_shared>> -> memref<16xf32, #tpu.memory_space<vmem_shared>>
      tpu.wait_dma2 semaphore(%run_scoped3A : memref<!tpu.dma_semaphore, #tpu.memory_space<semaphore_mem>>) src(%arg7 : memref<16xf32, #tpu.memory_space<vmem>>) dst(%dma_wait3A_392 : memref<16xf32, #tpu.memory_space<vmem_shared>>)
      tpu.yield
    }) : () -> ()
    %barrier3A_383 = arith.constant 0 : index
    tpu.barrier barrier_id(%barrier3A_383)
    %eq3A_384 = arith.constant 0 : i32
    %eq3A_385 = arith.cmpi eq, %arg1, %eq3A_384 : i32
    %convert_element_type3A_386 = arith.extui %eq3A_385 : i1 to i32
    %cond3A_387 = arith.constant 0 : i32
    %cond3A_388 = arith.cmpi ne, %convert_element_type3A_386, %cond3A_387 : i32
    scf.if %cond3A_388 {
      "tpu.region"() ({
        %run_scoped3A = tpu.sem_alloc : memref<!tpu.dma_semaphore, #tpu.memory_space<semaphore_mem>>
        tpu.enqueue_dma source(%arg9 : memref<256xf32, #tpu.memory_space<vmem_shared>>) target(%arg8 : memref<256xf32, #tpu.memory_space<vmem>>) target_semaphore(%run_scoped3A : memref<!tpu.dma_semaphore, #tpu.memory_space<semaphore_mem>>)
        tpu.wait_dma2 semaphore(%run_scoped3A : memref<!tpu.dma_semaphore, #tpu.memory_space<semaphore_mem>>) src(%arg9 : memref<256xf32, #tpu.memory_space<vmem_shared>>) dst(%arg8 : memref<256xf32, #tpu.memory_space<vmem>>)
        tpu.yield
      }) : () -> ()
      %get3A_389 = arith.constant 0 : index
      %get3A_390 = tpu.vector_load %arg8[%get3A_389] {strides = array<i32>} : memref<256xf32, #tpu.memory_space<vmem>>, vector<16xf32>,
      %get3A_391 = arith.constant 16 : index
      %get3A_392 = tpu.vector_load %arg8[%get3A_391] {strides = array<i32>} : memref<256xf32, #tpu.memory_space<vmem>>, vector<16xf32>,
      %add3A_393 = arith.addf %get3A_390, %get3A_392 : vector<16xf32>
      %get3A_394 = arith.constant 32 : index
      %get3A_395 = tpu.vector_load %arg8[%get3A_394] {strides = array<i32>} : memref<256xf32, #tpu.memory_space<vmem>>, vector<16xf32>,
      %add3A_396 = arith.addf %add3A_393, %get3A_395 : vector<16xf32>
      %get3A_397 = arith.constant 48 : index
      %get3A_398 = tpu.vector_load %arg8[%get3A_397] {strides = array<i32>} : memref<256xf32, #tpu.memory_space<vmem>>, vector<16xf32>,
      %add3A_399 = arith.addf %add3A_396, %get3A_398 : vector<16xf32>
      %get3A_400 = arith.constant 64 : index
      %get3A_401 = tpu.vector_load %arg8[%get3A_400] {strides = array<i32>} : memref<256xf32, #tpu.memory_space<vmem>>, vector<16xf32>,
      %add3A_402 = arith.addf %add3A_399, %get3A_401 : vector<16xf32>
      %get3A_403 = arith.constant 80 : index
      %get3A_404 = tpu.vector_load %arg8[%get3A_403] {strides = array<i32>} : memref<256xf32, #tpu.memory_space<vmem>>, vector<16xf32>,
      %add3A_405 = arith.addf %add3A_402, %get3A_404 : vector<16xf32>
      %get3A_406 = arith.constant 96 : index
      %get3A_407 = tpu.vector_load %arg8[%get3A_406] {strides = array<i32>} : memref<256xf32, #tpu.memory_space<vmem>>, vector<16xf32>,
      %add3A_408 = arith.addf %add3A_405, %get3A_407 : vector<16xf32>
      %get3A_409 = arith.constant 112 : index
      %get3A_410 = tpu.vector_load %arg8[%get3A_409] {strides = array<i32>} : memref<256xf32, #tpu.memory_space<vmem>>, vector<16xf32>,
      %add3A_411 = arith.addf %add3A_408, %get3A_410 : vector<16xf32>
      %get3A_412 = arith.constant 128 : index
      %get3A_413 = tpu.vector_load %arg8[%get3A_412] {strides = array<i32>} : memref<256xf32, #tpu.memory_space<vmem>>, vector<16xf32>,
      %add3A_414 = arith.addf %add3A_411, %get3A_413 : vector<16xf32>
      %get3A_415 = arith.constant 144 : index
      %get3A_416 = tpu.vector_load %arg8[%get3A_415] {strides = array<i32>} : memref<256xf32, #tpu.memory_space<vmem>>, vector<16xf32>,
      %add3A_417 = arith.addf %add3A_414, %get3A_416 : vector<16xf32>
      %get3A_418 = arith.constant 160 : index
      %get3A_419 = tpu.vector_load %arg8[%get3A_418] {strides = array<i32>} : memref<256xf32, #tpu.memory_space<vmem>>, vector<16xf32>,
      %add3A_420 = arith.addf %add3A_417, %get3A_419 : vector<16xf32>
      %get3A_421 = arith.constant 176 : index
      %get3A_422 = tpu.vector_load %arg8[%get3A_421] {strides = array<i32>} : memref<256xf32, #tpu.memory_space<vmem>>, vector<16xf32>,
      %add3A_423 = arith.addf %add3A_420, %get3A_422 : vector<16xf32>
      %get3A_424 = arith.constant 192 : index
      %get3A_425 = tpu.vector_load %arg8[%get3A_424] {strides = array<i32>} : memref<256xf32, #tpu.memory_space<vmem>>, vector<16xf32>,
      %add3A_426 = arith.addf %add3A_423, %get3A_425 : vector<16xf32>
      %get3A_427 = arith.constant 208 : index
      %get3A_428 = tpu.vector_load %arg8[%get3A_427] {strides = array<i32>} : memref<256xf32, #tpu.memory_space<vmem>>, vector<16xf32>,
      %add3A_429 = arith.addf %add3A_426, %get3A_428 : vector<16xf32>
      %get3A_430 = arith.constant 224 : index
      %get3A_431 = tpu.vector_load %arg8[%get3A_430] {strides = array<i32>} : memref<256xf32, #tpu.memory_space<vmem>>, vector<16xf32>,
      %add3A_432 = arith.addf %add3A_429, %get3A_431 : vector<16xf32>
      %get3A_433 = arith.constant 240 : index
      %get3A_434 = tpu.vector_load %arg8[%get3A_433] {strides = array<i32>} : memref<256xf32, #tpu.memory_space<vmem>>, vector<16xf32>,
      %add3A_435 = arith.addf %add3A_432, %get3A_434 : vector<16xf32>
      %eq3A_436 = arith.constant 0 : i32
      %eq3A_437 = vector.broadcast %eq3A_436 : i32 to vector<16xi32>
      %eq3A_438 = arith.cmpi eq, %iota3A, %eq3A_437 : vector<16xi32>
      %jit3A_439 = arith.constant 0.000000e+00 : f32
      %broadcast_in_dim3A_440 = vector.broadcast %jit3A_439 : f32 to vector<16xf32>
      %select_n3A_441 = arith.select %eq3A_438, %add3A_435, %broadcast_in_dim3A_440 : vector<16xi1>, vector<16xf32>
      %reduce_sum3A_442 = arith.constant true
      %reduce_sum3A_443 = vector.broadcast %reduce_sum3A_442 : i1 to vector<16xi1>
      %reduce_sum3A_444 = tpu.scan <sum>, %select_n3A_441 masked %reduce_sum3A_443 : vector<16xf32>, vector<16xi1> -> vector<16xf32>
      %reduce_sum3A_445 = vector.extract %reduce_sum3A_444[15] : f32 from vector<16xf32>
      %eq3A_446 = arith.constant 1 : i32
      %eq3A_447 = vector.broadcast %eq3A_446 : i32 to vector<16xi32>
      %eq3A_448 = arith.cmpi eq, %iota3A, %eq3A_447 : vector<16xi32>
      %jit3A_449 = arith.constant 0.000000e+00 : f32
      %broadcast_in_dim3A_450 = vector.broadcast %jit3A_449 : f32 to vector<16xf32>
      %select_n3A_451 = arith.select %eq3A_448, %add3A_435, %broadcast_in_dim3A_450 : vector<16xi1>, vector<16xf32>
      %reduce_sum3A_452 = arith.constant true
      %reduce_sum3A_453 = vector.broadcast %reduce_sum3A_452 : i1 to vector<16xi1>
      %reduce_sum3A_454 = tpu.scan <sum>, %select_n3A_451 masked %reduce_sum3A_453 : vector<16xf32>, vector<16xi1> -> vector<16xf32>
      %reduce_sum3A_455 = vector.extract %reduce_sum3A_454[15] : f32 from vector<16xf32>
      %lt3A = arith.constant 8.192000e+03 : f32
      %lt3A_456 = arith.cmpf olt, %reduce_sum3A_445, %lt3A : f32
      %jit3A_457 = arith.constant 1.000000e+00 : f32
      %jit3A_458 = arith.constant 0.000000e+00 : f32
      %select_n3A_459 = arith.select %lt3A_456, %jit3A_457, %jit3A_458 : f32
      %add3A_460 = arith.constant 1.000000e+00 : f32
      %add3A_461 = arith.addf %add3A_460, %select_n3A_459 : f32
      %lt3A_462 = arith.constant 8.192000e+03 : f32
      %lt3A_463 = arith.cmpf olt, %reduce_sum3A_455, %lt3A_462 : f32
      %jit3A_464 = arith.constant 1.000000e+00 : f32
      %jit3A_465 = arith.constant 0.000000e+00 : f32
      %select_n3A_466 = arith.select %lt3A_463, %jit3A_464, %jit3A_465 : f32
      %add3A_467 = arith.addf %add3A_461, %select_n3A_466 : f32
      %broadcast_in_dim3A_468 = vector.broadcast %add3A_467 : f32 to vector<16xf32>
      %swap3A_469 = arith.constant 0 : index
      %swap3A_470 = tpu.vector_load %arg7[%swap3A_469] {strides = array<i32>} : memref<16xf32, #tpu.memory_space<vmem>>, vector<16xf32>,
      tpu.vector_store %arg7[%swap3A_469], %broadcast_in_dim3A_468 {strides = array<i32>} : memref<16xf32, #tpu.memory_space<vmem>>, vector<16xf32>,
      "tpu.region"() ({
        %run_scoped3A = tpu.sem_alloc : memref<!tpu.dma_semaphore, #tpu.memory_space<semaphore_mem>>
        tpu.enqueue_dma source(%arg7 : memref<16xf32, #tpu.memory_space<vmem>>) target(%arg4 : memref<16xf32, #tpu.memory_space<hbm>>) target_semaphore(%run_scoped3A : memref<!tpu.dma_semaphore, #tpu.memory_space<semaphore_mem>>)
        tpu.wait_dma2 semaphore(%run_scoped3A : memref<!tpu.dma_semaphore, #tpu.memory_space<semaphore_mem>>) src(%arg7 : memref<16xf32, #tpu.memory_space<vmem>>) dst(%arg4 : memref<16xf32, #tpu.memory_space<hbm>>)
        tpu.yield
      }) : () -> ()
    } else {
    }
    return
  }
}

</mosaic_0001>

<sc_bundles>
// kernel: kernel.3.cloned.1.call-start
scs
__scs_entry_jumppad:
0x0: {  	(pc) =	sbr.rel $0x88, $3  }
0x1: {  	(tag) =	ssettag $0x0;
	lr =	simm.s32 $0x1  }
0x2: {  	[smem:$0x3F97] =	sst lr;
	_ =	strace $0xD0000000  }
0x3: {  	_ = 	snop  }
0x4: {  	_ = 	snop  }
0x5: {  	_ = 	snop  }
0x6: {  	_ = 	snop  }
0x7: {  	_ = 	snop  }
__scs_overlays_trampoline_lowered:
0x8: {  	[smem:$0x3FA6] =	sst s0  }
0x9: {  	[smem:$0x3FA7] =	sst s1  }
0xa: {  	[smem:$0x3FA8] =	sst s2  }
0xb: {  	[smem:$0x3FA9] =	sst s3  }
0xc: {  	[smem:$0x3FAA] =	sst s4  }
0xd: {  	[smem:$0x3FAB] =	sst s5  }
0xe: {  	[smem:$0x3FAC] =	sst s6  }
0xf: {  	[smem:$0x3FAD] =	sst s7  }
0x10: {  	[smem:$0x3FAE] =	sst s8  }
0x11: {  	[smem:$0x3FAF] =	sst s9;
	s0 =	simm.s32 @!p0 $0x0  }
0x12: {  	s1 =	sld [smem:$0x3F95];
	s0 =	simm.s32 @p0 $0x1  }
0x13: {  	[smem:$0x3FB0] =	sst s0;
	s0 =	simm.s32 @!p1 $0x0  }
0x14: {  	s2 =	sld [smem:$0x3F94];
	s0 =	simm.s32 @p1 $0x1  }
0x15: {  	[smem:$0x3FB1] =	sst s0;
	s0 =	simm.s32 @!p2 $0x0  }
0x16: {  	s3 =	sld [smem:$0x3FDB];
	s0 =	simm.s32 @p2 $0x1  }
0x17: {  	s4 =	simm.s32 $0x1BF5;
	[smem:$0x3FB3] =	sst s0  }
0x18: {  	s0 =	sld [smem:$0x3F96];
	_ =	swait.ge [sflag:s4], $0x0  }
0x19: {  	s7 =	sld [smem:$0x3F97]  }
0x1a: {  	s8 =	sadd.s32 $0xFFFFE003, lr  }
0x1b: {  	s9 =	sadd.s32 $0xFFFFFEF7, lr;
	s5 =	simm.s32 $0xFFFFFFFF;
	p2 =	slt.u32 s8, $0xFFFFF086  }
0x1c: {  	p1 =	slt.u32 s9, $0xF7A;
	s5 =	simm.s32 @!p2 $0x0  }
0x1d: {  	s5 =	simm.s32 @p1 $0x1;
	p0 =	seq.s32 s7, s2  }
0x1e: {  	s7 =	smul.u32 @!p0 $0xF7A, s2;
	p2 =	seq.s32 @!p0 s5, $0x0  }
0x1f: {  	s9 =	smul.u32 $0xF7A, s1;
	s8 =	simm.s32 @!p0 $0x1BF5;
	p2 =	por !p2, p0  }
0x20: {  	[sflag:s8] =	ssyncset.s32 @!p0 $0xFFFFF086;
	s6 =	sadd.s32 @!p0 s3, s7;
	s7 =	simm.s32 @!p0 $0x108  }
0x21: {  	s3 =	sadd.s32 s3, s9;
	s6 =	sadd.s32 @!p0 $0x88, s6;
	s7 =	simm.s32 @p2 $0x1082  }
0x22: {  	[simem:s7], [sflag:s8] =	dma.local @!p0 [hbm:s6], $0xF7A  }
0x23: {  	s9 =	sor.u32 $0xD0000000, s2;
	s6 =	simm.s32 $0x108;
	_ =	swait.ge @!p0 [sflag:s8], $0x0  }
0x24: {  	s3 =	sadd.s32 $0x88, s3;
	s6 =	simm.s32 @!p1 $0x1082;
	[sflag:s4] =	ssyncset.s32 $0xFFFFF086  }
0x25: {  	[simem:s6], [sflag:s4] =	dma.local [hbm:s3], $0xF7A  }
0x26: {  	[smem:$0x3F97] =	sst s1;
	(tag) =	ssettag s2;
	_ =	strace s9  }
0x27: {  	s1 =	sld [smem:$0x3FA7]  }
0x28: {  	s2 =	sld [smem:$0x3FA8]  }
0x29: {  	s4 =	sld [smem:$0x3FAA]  }
0x2a: {  	p0 =	seq.s32 s5, $0x0;
	s5 =	sld [smem:$0x3FAB]  }
0x2b: {  	s6 =	sld [smem:$0x3FAC]  }
0x2c: {  	s7 =	sld [smem:$0x3FAD]  }
0x2d: {  	s3 =	simm.s32 $0x108;
	s8 =	sld [smem:$0x3FAE]  }
0x2e: {  	s3 =	simm.s32 @!p0 $0x1082;
	s9 =	sld [smem:$0x3FAF]  }
0x2f: {  	lr =	sadd.s32 s0, s3;
	s0 =	sld [smem:$0x3FA6]  }
0x30: {  	s3 =	sld [smem:$0x3FA9]  }
0x31: {  	[smem:$0x3FB2] =	sst s10  }
0x32: {  	s10 =	sld [smem:$0x3FB0];
	_ =	sdelay $0x3  }
0x33: {  	p0 =	seq.s32 s10, $0x1;
	s10 =	sld [smem:$0x3FB2];
	_ =	sdelay $0x3  }
0x34: {  	[smem:$0x3FB2] =	sst s10  }
0x35: {  	s10 =	sld [smem:$0x3FB1];
	_ =	sdelay $0x3  }
0x36: {  	p1 =	seq.s32 s10, $0x1;
	s10 =	sld [smem:$0x3FB2];
	_ =	sdelay $0x3  }
0x37: {  	[smem:$0x3FB2] =	sst s10  }
0x38: {  	s10 =	sld [smem:$0x3FB3]  }
0x39: {  	_ = 	snop;
	(pc) =	sbr.ind lr, $3  }
0x3a: {  	_ = 	snop  }
0x3b: {  	_ = 	snop  }
0x3c: {  	p2 =	seq.s32 s10, $0x1;
	s10 =	sld [smem:$0x3FB2]  }
0x3d: {  	_ =	shalt  }
0x3e: {  	_ =	shalt  }
0x3f: {  	_ =	shalt  }
0x40: {  	_ =	shalt  }
0x41: {  	_ =	shalt  }
0x42: {  	_ =	shalt  }
0x43: {  	_ =	shalt  }
0x44: {  	_ =	shalt  }
0x45: {  	_ =	shalt  }
0x46: {  	_ =	shalt  }
0x47: {  	_ =	shalt  }
0x48: {  	_ =	shalt  }
0x49: {  	_ =	shalt  }
0x4a: {  	_ =	shalt  }
0x4b: {  	_ =	shalt  }
0x4c: {  	_ =	shalt  }
0x4d: {  	_ =	shalt  }
0x4e: {  	_ =	shalt  }
0x4f: {  	_ =	shalt  }
0x50: {  	_ =	shalt  }
0x51: {  	_ =	shalt  }
0x52: {  	_ =	shalt  }
0x53: {  	_ =	shalt  }
0x54: {  	_ =	shalt  }
0x55: {  	_ =	shalt  }
0x56: {  	_ =	shalt  }
0x57: {  	_ =	shalt  }
0x58: {  	_ =	shalt  }
0x59: {  	_ =	shalt  }
0x5a: {  	_ =	shalt  }
0x5b: {  	_ =	shalt  }
0x5c: {  	_ =	shalt  }
0x5d: {  	_ =	shalt  }
0x5e: {  	_ =	shalt  }
0x5f: {  	_ =	shalt  }
0x60: {  	_ =	shalt  }
0x61: {  	_ =	shalt  }
0x62: {  	_ =	shalt  }
0x63: {  	_ =	shalt  }
0x64: {  	_ =	shalt  }
0x65: {  	_ =	shalt  }
0x66: {  	_ =	shalt  }
0x67: {  	_ =	shalt  }
0x68: {  	_ =	shalt  }
0x69: {  	_ =	shalt  }
0x6a: {  	_ =	shalt  }
0x6b: {  	_ =	shalt  }
0x6c: {  	_ =	shalt  }
0x6d: {  	_ =	shalt  }
0x6e: {  	_ =	shalt  }
0x6f: {  	_ =	shalt  }
0x70: {  	_ =	shalt  }
0x71: {  	_ =	shalt  }
0x72: {  	_ =	shalt  }
0x73: {  	_ =	shalt  }
0x74: {  	_ =	shalt  }
0x75: {  	_ =	shalt  }
0x76: {  	_ =	shalt  }
0x77: {  	_ =	shalt  }
0x78: {  	_ =	shalt  }
0x79: {  	_ =	shalt  }
0x7a: {  	_ =	shalt  }
0x7b: {  	_ =	shalt  }
0x7c: {  	_ =	shalt  }
0x7d: {  	_ =	shalt  }
0x7e: {  	_ =	shalt  }
0x7f: {  	_ =	shalt  }
0x80: {  	_ =	shalt  }
0x81: {  	_ =	shalt  }
0x82: {  	_ =	shalt  }
0x83: {  	_ =	shalt  }
0x84: {  	_ =	shalt  }
0x85: {  	_ =	shalt  }
0x86: {  	_ =	shalt  }
0x87: {  	_ =	shalt  }
.Lfunc_end0:
.L_simem_size_0:
called_computation_lowered:
.L_overlay_start_0:
0x88: {  	s0 =	sld [smem:$0x3FD9]  }
0x89: {  	s1 =	sld [smem:$0x3FFE];
	_ =	sdelay $0x3  }
0x8a: {  	s0 =	sadd.s32 s1, s0  }
0x8b: {  	[smem:$0x3FBE] =	sst s0  }
0x8c: {  	_ = 	snop  }
0x8d: {  	s0 =	sld [smem:$0x3FD0];
	(tm) =	ssettm $0x1  }
0x8e: {  	s16 =	sld [smem:$0x3FFB];
	_ =	sdelay $0x3  }
0x8f: {  	_ =	strace s16  }
0x90: {  	s1 =	sld [smem:$0x3FFC];
	_ =	sdelay $0x3  }
0x91: {  	_ =	strace s1  }
0x92: {  	s1 =	sld [smem:$0x3FFD];
	_ =	sdelay $0x3  }
0x93: {  	_ =	strace s1  }
0x94: {  	_ =	strace $0x8FFFFFFF  }
0x95: {  	s17 =	sld [smem:$0x3FDB];
	_ =	sdelay $0x1  }
0x96: {  	s2 =	simm.s32 $_scs_section_size  }
0x97: {  	s3 =	simm.s32 $_size__tile_overlayer_lowered;
	s4 =	simm.s32 $_tile_overlayer_lowered  }
0x98: {  	s20 =	simm.s32 $0x1BFF;
	s19 =	sshll.u32 s4, $0x1;
	s1 =	sadd.s32 s2, s17  }
0x99: {  	s5 =	simm.s32 $0x0;
	s18 =	sshll.u32 s3, $0x1;
	s3 =	sadd.s32 s19, s1  }
0x9a: {  	[timem:s5], [sflag:s20] =	dma.local [hbm:s3], s18  }
0x9b: {  	_ =	swait.ge [sflag:s20], s18  }
0x9c: {  	s2 =	ssub.s32 $0x0, s18;
	[sflag:s20] =	ssyncset.done $0x0  }
0x9d: {  	[sflag:s20] =	ssyncadd.s32 s2;
	_ =	sdelay $0x1  }
0x9e: {  	s21 =	simm.s32 $0x1B8B  }
0x9f: {  	_ =	swait.ge [sflag:s21], $0x1  }
0xa0: {  	[sflag:s21] =	ssyncset.done $0x0  }
0xa1: {  	s23 =	simm.s32 $0x1B8E;
	s22 =	sld [smem:$0x3FFE];
	[sflag:s21] =	ssyncadd.s32 $0xFFFFFFFF  }
0xa2: {  	s24 =	simm.s32 $execute0_lowered;
	[smem:$0x3FD2] =	sst s23  }
0xa3: {  	s3 =	sshll.u32 s24, $0x1;
	_ =	strace $0x80000046;
	[dreg:$0x1] =	wrdreg $0xFFFFFFFF  }
0xa4: {  	s25 =	simm.s32 $_size_execute0_lowered;
	s1 =	sadd.s32 s1, s3;
	[dreg:$0x0] =	wrdreg $0x0  }
0xa5: {  	s3 =	sshll.u32 s25, $0x1;
	[dreg:$0x2] =	wrdreg s1  }
0xa6: {  	[dreg:$0x3] =	wrdreg s3  }
0xa7: {  	[dreg:$0x4] =	wrdreg $0xC0  }
0xa8: {  	_ =	task [dreg:s5], $0x5FFFF  }
0xa9: {  	[dreg:$0x1] =	wrdreg $0xFFFFFFFF  }
0xaa: {  	[dreg:$0x0] =	wrdreg $0x60  }
0xab: {  	[dreg:$0x2] =	wrdreg s22  }
0xac: {  	[dreg:$0x3] =	wrdreg s0  }
0xad: {  	[dreg:$0x4] =	wrdreg $0x1A900  }
0xae: {  	[dreg:$0x5] =	wrdreg $0x1A800  }
0xaf: {  	[dreg:$0x6] =	wrdreg $0x9  }
0xb0: {  	_ =	task.clear_ibuf [dreg:s5], $0x7FFFF;
	_ =	strace $0x90000046  }
0xb1: {  	s26 =	simm.s32 $0x9;
	_ =	strace $0x80000048  }
0xb2: {  	_ =	swait.ge [sflag:s26], $0x1  }
0xb3: {  	[sflag:s26] =	ssyncadd.s32 $0xFFFFFFFF  }
0xb4: {  	_ =	strace $0x90000048  }
0xb5: {  	_ =	sfence  }
0xb6: {  	s28 =	sld [smem:$0x0];
	_ =	sdelay $0x1  }
0xb7: {  	s29 =	srdreg.scid  }
0xb8: {  	s30 =	sshll.u32 s29, $0xD;
	s31 =	sshrl.u32 s29, $0x2  }
0xb9: {  	s2 =	sand.u32 $0x4000, s30;
	s1 =	sand.u32 $0x1, s29;
	s0 =	sadd.s32 s31, s28  }
0xba: {  	s1 =	sor.u32 s2, s1;
	s0 =	sshll.u32 s0, $0x11  }
0xbb: {  	s0 =	sor.u32 s0, s1  }
0xbc: {  	s0 =	sadd.s32 $0x8F2B, s0  }
0xbd: {  	[sflag:s0] =	ssyncadd.remote.s32 $0x1  }
0xbe: {  	_ =	sfence.sel $0xFFFF  }
0xbf: {  	[dreg:$0x0] =	wrdreg $0xFFFFFFFF;
	(pc) =	sbr.abs _section_cstart, $3  }
0xc0: {  	[dreg:$0x1] =	wrdreg $0xFFFFFFFF  }
0xc1: {  	_ =	task.clear_ibuf [dreg:s5], $0x2FFFF;
	_ =	strace $0x9FFFFFFF  }
0xc2: {  	(tm) =	ssettm $0x7FFFFFFF  }
0xc3: {  	_ =	shalt  }
tec
execute0_lowered:
.L_overlay_start_1:
0x0: {  	(tag) =	ssettag $0x1  }
0x1: {  	s4 =	rddreg [dreg:$0x0]  }
0x2: {  	s1 =	rddreg [dreg:$0x1]  }
0x3: {  	s5 =	rddreg [dreg:$0x2];
	s3 =	stileid.u32  }
0x4: {  	s2 =	rddreg [dreg:$0x3];
	s6 =	simm.s32 $0x0;
	s7 =	sshll.u32 s3, $0x7  }
0x5: {  	[smem:$0x7FF] =	sst s6;
	s7 =	sadd.s32 s7, s4  }
0x6: {  	s0 =	rddreg [dreg:$0x4];
	_ =	strace $0x80000047;
	s8 =	sadd.s32 $0x1600, s7  }
0x7: {  	[tilespmem:s6], [sflag:$0x1] =	stream.linear.gather [hbm4b:s8+s6], $0x400, $0x38;
	[tilespmem:$0x1AA0] =	vst v63  }
0x8: {  	s9 =	simm.s32 $0x400;
	s20 =	sadd.s32 $0x1E00, s7  }
0x9: {  	[tilespmem:s9], [sflag:$0x1] =	stream.linear.gather [hbm4b:s20+s6], $0x400, $0x38;
	[tilespmem:$0x1AA0] =	vst v63  }
0xa: {  	s22 =	simm.s32 $0x800;
	s21 =	sadd.s32 $0x2600, s7  }
0xb: {  	[tilespmem:s22], [sflag:$0x1] =	stream.linear.gather [hbm4b:s21+s6], $0x400, $0x38;
	[tilespmem:$0x1AA0] =	vst v63  }
0xc: {  	s24 =	simm.s32 $0xC00;
	s23 =	sadd.s32 $0x2E00, s7  }
0xd: {  	[tilespmem:s24], [sflag:$0x1] =	stream.linear.gather [hbm4b:s23+s6], $0x400, $0x38;
	[tilespmem:$0x1AA0] =	vst v63  }
0xe: {  	s26 =	simm.s32 $0x1000;
	s25 =	sadd.s32 $0x3600, s7  }
0xf: {  	[tilespmem:s26], [sflag:$0x1] =	stream.linear.gather [hbm4b:s25+s6], $0x400, $0x38;
	[tilespmem:$0x1AA0] =	vst v63  }
0x10: {  	s28 =	simm.s32 $0x1400;
	p0 =	sne.s32 s3, $0x0;
	s7 =	sadd.s32 $0x3E00, s7  }
0x11: {  	[tilespmem:s28], [sflag:$0x1] =	stream.linear.gather [hbm4b:s7+s6], $0x400, $0x38;
	[tilespmem:$0x1AA0] =	vst v63  }
0x12: {  	s4 =	sadd.s32 $0x4600, s4;
	s6 =	sshrl.u32 @!p0 s5, $0x3;
	s7 =	simm.s32 @!p0 $0x1C02  }
0x13: {  	[spmem:s6], [sflag:s7] =	dma.local @!p0 [hbm:s4], $0x20  }
0x14: {  	s4 =	simm.s32 @!p0 $0x2  }
0x15: {  	_ =	swait.ge @!p0 [sflag:s4], $0x20  }
0x16: {  	[sflag:s4] =	ssyncset.done @!p0 $0x0  }
0x17: {  	[sflag:s4] =	ssyncadd.s32 @!p0 $0xFFFFFFE0  }
0x18: {  	s29 =	simm.s32 $0x1800;
	s30 =	simm.s32 $0x2;
	[bflag:$0x0] =	sbarrier.arrive $0xFFFF  }
0x19: {  	[tilespmem:s29], [sflag:$0x2] =	stream.linear.gather [spmem:s5], $0x100, $0x38;
	[tilespmem:$0x1AA0] =	vst v63  }
0x1a: {  	_ =	swait.ge [sflag:s30], $0x100  }
0x1b: {  	[sflag:s30] =	ssyncset.done $0x0  }
0x1c: {  	[sflag:s30] =	ssyncadd.s32 $0xFFFFFF00  }
0x1d: {  	v0 =	vld [tilespmem:$0x1800]  }
0x1e: {  	v2 =	vld [tilespmem:$0x1860]  }
0x1f: {  	v1 =	vld [tilespmem:$0x1810]  }
0x20: {  	v3 =	vld [tilespmem:$0x1820];
	_ =	sdelay $0x1  }
0x21: {  	v4 =	vbroadcast v0, $0x0  }
0x22: {  	v62 =	vbroadcast v2, $0x0  }
0x23: {  	v63 =	vbroadcast v1, $0x0;
	[tilespmem:$0x1F7F0] =	vst v4  }
0x24: {  	v8 =	vbroadcast v3, $0x0;
	[tilespmem:$0x1F800] =	vst v62  }
0x25: {  	v9 =	vbroadcast v0, $0x1;
	[tilespmem:$0x1F810] =	vst v63  }
0x26: {  	v10 =	vbroadcast v2, $0x1;
	[tilespmem:$0x1F820] =	vst v8  }
0x27: {  	v11 =	vbroadcast v1, $0x1;
	[tilespmem:$0x1F830] =	vst v9  }
0x28: {  	v12 =	vbroadcast v3, $0x1;
	[tilespmem:$0x1F840] =	vst v10  }
0x29: {  	v13 =	vbroadcast v0, $0x2;
	[tilespmem:$0x1F850] =	vst v11  }
0x2a: {  	v14 =	vbroadcast v2, $0x2;
	[tilespmem:$0x1F860] =	vst v12  }
0x2b: {  	v15 =	vbroadcast v1, $0x2;
	[tilespmem:$0x1F870] =	vst v13  }
0x2c: {  	v16 =	vbroadcast v3, $0x2;
	[tilespmem:$0x1F880] =	vst v14  }
0x2d: {  	v17 =	vbroadcast v0, $0x3;
	[tilespmem:$0x1F890] =	vst v15  }
0x2e: {  	v18 =	vbroadcast v2, $0x3;
	[tilespmem:$0x1F8A0] =	vst v16  }
0x2f: {  	v19 =	vbroadcast v1, $0x3;
	[tilespmem:$0x1F8B0] =	vst v17  }
0x30: {  	v20 =	vbroadcast v3, $0x3;
	[tilespmem:$0x1F8C0] =	vst v18  }
0x31: {  	v21 =	vbroadcast v0, $0x4;
	[tilespmem:$0x1F8D0] =	vst v19  }
0x32: {  	v22 =	vbroadcast v2, $0x4;
	[tilespmem:$0x1F8E0] =	vst v20  }
0x33: {  	v23 =	vbroadcast v1, $0x4;
	[tilespmem:$0x1F8F0] =	vst v21  }
0x34: {  	v24 =	vbroadcast v3, $0x4;
	[tilespmem:$0x1F900] =	vst v22  }
0x35: {  	v25 =	vbroadcast v0, $0x5;
	[tilespmem:$0x1F910] =	vst v23  }
0x36: {  	v26 =	vbroadcast v2, $0x5;
	[tilespmem:$0x1F920] =	vst v24  }
0x37: {  	v27 =	vbroadcast v1, $0x5;
	[tilespmem:$0x1F930] =	vst v25  }
0x38: {  	v28 =	vbroadcast v3, $0x5;
	[tilespmem:$0x1F940] =	vst v26  }
0x39: {  	v29 =	vbroadcast v0, $0x6;
	[tilespmem:$0x1F950] =	vst v27  }
0x3a: {  	v30 =	vbroadcast v2, $0x6;
	[tilespmem:$0x1F960] =	vst v28  }
0x3b: {  	v31 =	vbroadcast v1, $0x6;
	[tilespmem:$0x1F970] =	vst v29  }
0x3c: {  	v32 =	vbroadcast v3, $0x6;
	[tilespmem:$0x1F980] =	vst v30  }
0x3d: {  	v33 =	vbroadcast v0, $0x7;
	[tilespmem:$0x1F990] =	vst v31  }
0x3e: {  	v34 =	vbroadcast v2, $0x7;
	[tilespmem:$0x1F9A0] =	vst v32  }
0x3f: {  	v35 =	vbroadcast v1, $0x7;
	[tilespmem:$0x1F9B0] =	vst v33  }
0x40: {  	v36 =	vbroadcast v3, $0x7;
	[tilespmem:$0x1F9C0] =	vst v34  }
0x41: {  	v37 =	vbroadcast v0, $0x8;
	[tilespmem:$0x1F9D0] =	vst v35  }
0x42: {  	v38 =	vbroadcast v2, $0x8;
	[tilespmem:$0x1F9E0] =	vst v36  }
0x43: {  	v39 =	vbroadcast v1, $0x8;
	[tilespmem:$0x1F9F0] =	vst v37  }
0x44: {  	v40 =	vbroadcast v3, $0x8;
	[tilespmem:$0x1FA00] =	vst v38  }
0x45: {  	v41 =	vbroadcast v0, $0x9;
	[tilespmem:$0x1FA10] =	vst v39  }
0x46: {  	v42 =	vbroadcast v2, $0x9;
	[tilespmem:$0x1FA20] =	vst v40  }
0x47: {  	v43 =	vbroadcast v1, $0x9;
	[tilespmem:$0x1FA30] =	vst v41  }
0x48: {  	v44 =	vbroadcast v3, $0x9;
	[tilespmem:$0x1FA40] =	vst v42  }
0x49: {  	v45 =	vbroadcast v0, $0xA;
	[tilespmem:$0x1FA50] =	vst v43  }
0x4a: {  	v46 =	vbroadcast v2, $0xA;
	[tilespmem:$0x1FA60] =	vst v44  }
0x4b: {  	v47 =	vbroadcast v1, $0xA;
	[tilespmem:$0x1FA70] =	vst v45  }
0x4c: {  	v48 =	vbroadcast v3, $0xA;
	[tilespmem:$0x1FA80] =	vst v46  }
0x4d: {  	v49 =	vbroadcast v0, $0xB;
	[tilespmem:$0x1FA90] =	vst v47  }
0x4e: {  	v50 =	vbroadcast v2, $0xB;
	[tilespmem:$0x1FAA0] =	vst v48  }
0x4f: {  	v51 =	vbroadcast v1, $0xB;
	[tilespmem:$0x1FAB0] =	vst v49  }
0x50: {  	v52 =	vbroadcast v3, $0xB;
	[tilespmem:$0x1FAC0] =	vst v50  }
0x51: {  	v53 =	vbroadcast v0, $0xC;
	[tilespmem:$0x1FAD0] =	vst v51  }
0x52: {  	v54 =	vbroadcast v2, $0xC;
	[tilespmem:$0x1FAE0] =	vst v52  }
0x53: {  	v55 =	vbroadcast v1, $0xC;
	[tilespmem:$0x1FAF0] =	vst v53  }
0x54: {  	v56 =	vbroadcast v3, $0xC;
	[tilespmem:$0x1FB00] =	vst v54  }
0x55: {  	v57 =	vbroadcast v0, $0xD;
	[tilespmem:$0x1FB10] =	vst v55  }
0x56: {  	v61 =	vbroadcast v0, $0xE;
	v0 =	vbroadcast v0, $0xF;
	[tilespmem:$0x1FB20] =	vst v56  }
0x57: {  	v58 =	vbroadcast v2, $0xD;
	[tilespmem:$0x1FB30] =	vst v57  }
0x58: {  	v59 =	vld [tilespmem:$0x1830];
	[tilespmem:$0x1FBA0] =	vst v0;
	v0 =	vbroadcast v2, $0xF  }
0x59: {  	v5 =	vbroadcast v1, $0xD;
	[tilespmem:$0x1FB40] =	vst v58  }
0x5a: {  	[tilespmem:$0x1FBB0] =	vst v0;
	v0 =	vbroadcast v1, $0xF  }
0x5b: {  	v60 =	vbroadcast v3, $0xD;
	[tilespmem:$0x1FB50] =	vst v5  }
0x5c: {  	[tilespmem:$0x1FBC0] =	vst v0;
	v0 =	vbroadcast v3, $0xE  }
0x5d: {  	[tilespmem:$0x1FB60] =	vst v60;
	v63 =	vbroadcast v1, $0xE;
	v1 =	vbroadcast v59, $0x6  }
0x5e: {  	[tilespmem:$0x1FBD0] =	vst v0;
	v0 =	vbroadcast v3, $0xF  }
0x5f: {  	[tilespmem:$0x1FC50] =	vst v1;
	v1 =	vbroadcast v59, $0x7  }
0x60: {  	[tilespmem:$0x1FBE0] =	vst v0;
	v0 =	vbroadcast v59, $0x0  }
0x61: {  	[tilespmem:$0x1FC60] =	vst v1;
	v1 =	vbroadcast v59, $0x8  }
0x62: {  	[tilespmem:$0x1FBF0] =	vst v0;
	v0 =	vbroadcast v59, $0x1  }
0x63: {  	[tilespmem:$0x1FC70] =	vst v1;
	v1 =	vbroadcast v59, $0x9  }
0x64: {  	[tilespmem:$0x1FC00] =	vst v0;
	v0 =	vbroadcast v59, $0x2  }
0x65: {  	[tilespmem:$0x1FC80] =	vst v1;
	v1 =	vbroadcast v59, $0xA  }
0x66: {  	[tilespmem:$0x1FC10] =	vst v0;
	v0 =	vbroadcast v59, $0x3  }
0x67: {  	[tilespmem:$0x1FC90] =	vst v1;
	v1 =	vbroadcast v59, $0xB  }
0x68: {  	[tilespmem:$0x1FC20] =	vst v0;
	v0 =	vbroadcast v59, $0x4  }
0x69: {  	[tilespmem:$0x1FCA0] =	vst v1;
	v1 =	vbroadcast v59, $0xC  }
0x6a: {  	[tilespmem:$0x1FC30] =	vst v0;
	v0 =	vbroadcast v59, $0x5  }
0x6b: {  	[tilespmem:$0x1FCB0] =	vst v1;
	v1 =	vbroadcast v59, $0xD  }
0x6c: {  	[tilespmem:$0x1FC40] =	vst v0;
	v0 =	vld [tilespmem:$0x1840]  }
0x6d: {  	[tilespmem:$0x1FCC0] =	vst v1;
	v1 =	vbroadcast v59, $0xE  }
0x6e: {  	[tilespmem:$0x1FB70] =	vst v61;
	v62 =	vbroadcast v2, $0xE  }
0x6f: {  	[tilespmem:$0x1FCD0] =	vst v1;
	v1 =	vbroadcast v59, $0xF  }
0x70: {  	[tilespmem:$0x1FB80] =	vst v62  }
0x71: {  	[tilespmem:$0x1FCE0] =	vst v1;
	v1 =	vbroadcast v0, $0x0  }
0x72: {  	[tilespmem:$0x1FB90] =	vst v63;
	v2 =	vbroadcast v0, $0x6  }
0x73: {  	v3 =	vbroadcast v0, $0xA;
	[tilespmem:$0x1FCF0] =	vst v1  }
0x74: {  	v1 =	vbroadcast v0, $0x1;
	[tilespmem:$0x1FD50] =	vst v2  }
0x75: {  	[tilespmem:$0x1FD90] =	vst v3;
	v3 =	vbroadcast v0, $0xB  }
0x76: {  	[tilespmem:$0x1FD00] =	vst v1;
	v1 =	vbroadcast v0, $0x2  }
0x77: {  	v2 =	vbroadcast v0, $0x7;
	[tilespmem:$0x1FDA0] =	vst v3  }
0x78: {  	v3 =	vld.msk [tilespmem:$0x1880 ss:$0x0], $0xffff;
	[tilespmem:$0x1FD10] =	vst v1;
	v1 =	vbroadcast v0, $0x3  }
0x79: {  	[tilespmem:$0x1FD60] =	vst v2;
	v2 =	vbroadcast v0, $0x8  }
0x7a: {  	[tilespmem:$0x1FD20] =	vst v1;
	v1 =	vbroadcast v0, $0x4  }
0x7b: {  	[tilespmem:$0x1FD70] =	vst v2  }
0x7c: {  	[tilespmem:$0x1FD30] =	vst v1;
	v1 =	vbroadcast v0, $0x5  }
0x7d: {  	[tilespmem:$0x1FDB0] =	vst v3;
	v3 =	vbroadcast v0, $0xC  }
0x7e: {  	v2 =	vbroadcast v0, $0x9;
	[tilespmem:$0x1FD40] =	vst v1;
	v1 =	vld [tilespmem:$0x1850]  }
0x7f: {  	[tilespmem:$0x1FDC0] =	vst v3;
	v3 =	vbroadcast v0, $0xD  }
0x80: {  	[tilespmem:$0x1FD80] =	vst v2  }
0x81: {  	s31 =	simm.s32 $0x1;
	[tilespmem:$0x1FDD0] =	vst v3;
	v3 =	vbroadcast v0, $0xE;
	v0 =	vbroadcast v0, $0xF  }
0x82: {  	v2 =	vld [tilespmem:$0x1870];
	_ =	swait.ge [sflag:s31], $0x400  }
0x83: {  	[tilespmem:$0x1FDF0] =	vst v0;
	v0 =	vbroadcast v1, $0x0;
	_ =	sdelay $0x1  }
0x84: {  	[tilespmem:$0x1FE00] =	vst v0;
	v0 =	vbroadcast v1, $0x1;
	_ =	sdelay $0x1  }
0x85: {  	[tilespmem:$0x1FE10] =	vst v0;
	v0 =	vbroadcast v1, $0x2;
	_ =	sdelay $0x1  }
0x86: {  	[tilespmem:$0x1FE20] =	vst v0;
	v0 =	vbroadcast v1, $0x3  }
0x87: {  	[tilespmem:$0x1FDE0] =	vst v3;
	[sflag:s31] =	ssyncset.done $0x0  }
0x88: {  	[sflag:s31] =	ssyncadd.s32 $0xFFFFFC00;
	[tilespmem:$0x1FE30] =	vst v0;
	v0 =	vbroadcast v1, $0x4  }
0x89: {  	_ =	swait.ge [sflag:s31], $0x400  }
0x8a: {  	[tilespmem:$0x1FE40] =	vst v0;
	v0 =	vbroadcast v1, $0x5;
	_ =	sdelay $0x1  }
0x8b: {  	[tilespmem:$0x1FE50] =	vst v0;
	v0 =	vbroadcast v1, $0x6;
	_ =	sdelay $0x1  }
0x8c: {  	[tilespmem:$0x1FE60] =	vst v0;
	v0 =	vbroadcast v1, $0x7;
	_ =	sdelay $0x1  }
0x8d: {  	[tilespmem:$0x1FE70] =	vst v0;
	v0 =	vbroadcast v1, $0x8;
	_ =	sdelay $0x1  }
0x8e: {  	[tilespmem:$0x1FE80] =	vst v0;
	v0 =	vbroadcast v1, $0x9  }
0x8f: {  	[sflag:s31] =	ssyncset.done $0x0  }
0x90: {  	[sflag:s31] =	ssyncadd.s32 $0xFFFFFC00;
	[tilespmem:$0x1FE90] =	vst v0;
	v0 =	vbroadcast v1, $0xA  }
0x91: {  	_ =	swait.ge [sflag:s31], $0x400  }
0x92: {  	[tilespmem:$0x1FEA0] =	vst v0;
	v0 =	vbroadcast v1, $0xB;
	_ =	sdelay $0x1  }
0x93: {  	[tilespmem:$0x1FEB0] =	vst v0;
	v0 =	vbroadcast v1, $0xC;
	_ =	sdelay $0x1  }
0x94: {  	[tilespmem:$0x1FEC0] =	vst v0;
	v0 =	vbroadcast v1, $0xD;
	_ =	sdelay $0x1  }
0x95: {  	[tilespmem:$0x1FED0] =	vst v0;
	v0 =	vbroadcast v1, $0xE;
	_ =	sdelay $0x1  }
0x96: {  	[tilespmem:$0x1FEE0] =	vst v0;
	v0 =	vbroadcast v1, $0xF  }
0x97: {  	[sflag:s31] =	ssyncset.done $0x0  }
0x98: {  	[sflag:s31] =	ssyncadd.s32 $0xFFFFFC00;
	[tilespmem:$0x1FEF0] =	vst v0;
	v0 =	vbroadcast v2, $0x0  }
0x99: {  	_ =	swait.ge [sflag:s31], $0x400  }
0x9a: {  	[tilespmem:$0x1FF00] =	vst v0;
	v0 =	vbroadcast v2, $0x1;
	_ =	sdelay $0x1  }
0x9b: {  	[tilespmem:$0x1FF10] =	vst v0;
	v0 =	vbroadcast v2, $0x2;
	_ =	sdelay $0x1  }
0x9c: {  	[tilespmem:$0x1FF20] =	vst v0;
	v0 =	vbroadcast v2, $0x3;
	_ =	sdelay $0x1  }
0x9d: {  	[tilespmem:$0x1FF30] =	vst v0;
	v0 =	vbroadcast v2, $0x4;
	_ =	sdelay $0x1  }
0x9e: {  	[tilespmem:$0x1FF40] =	vst v0;
	v0 =	vbroadcast v2, $0x5  }
0x9f: {  	[sflag:s31] =	ssyncset.done $0x0  }
0xa0: {  	[sflag:s31] =	ssyncadd.s32 $0xFFFFFC00;
	[tilespmem:$0x1FF50] =	vst v0;
	v0 =	vbroadcast v2, $0x6  }
0xa1: {  	_ =	swait.ge [sflag:s31], $0x400  }
0xa2: {  	[tilespmem:$0x1FF60] =	vst v0;
	v0 =	vbroadcast v2, $0x7;
	_ =	sdelay $0x1  }
0xa3: {  	[tilespmem:$0x1FF70] =	vst v0;
	v0 =	vbroadcast v2, $0x8;
	_ =	sdelay $0x1  }
0xa4: {  	[tilespmem:$0x1FF80] =	vst v0;
	v0 =	vbroadcast v2, $0x9;
	_ =	sdelay $0x1  }
0xa5: {  	[tilespmem:$0x1FF90] =	vst v0;
	v0 =	vbroadcast v2, $0xA;
	_ =	sdelay $0x1  }
0xa6: {  	[tilespmem:$0x1FFA0] =	vst v0;
	v0 =	vbroadcast v2, $0xB  }
0xa7: {  	[sflag:s31] =	ssyncset.done $0x0  }
0xa8: {  	[sflag:s31] =	ssyncadd.s32 $0xFFFFFC00;
	[tilespmem:$0x1FFB0] =	vst v0;
	v0 =	vbroadcast v2, $0xC  }
0xa9: {  	_ =	swait.ge [sflag:s31], $0x400  }
0xaa: {  	[tilespmem:$0x1FFC0] =	vst v0;
	v0 =	vbroadcast v2, $0xD;
	_ =	sdelay $0x1  }
0xab: {  	[tilespmem:$0x1FFD0] =	vst v0;
	v0 =	vbroadcast v2, $0xE;
	_ =	sdelay $0x1  }
0xac: {  	[tilespmem:$0x1FFE0] =	vst v0;
	v0 =	vbroadcast v2, $0xF  }
0xad: {  	s3 =	sshll.u32 s3, $0x4;
	[sflag:s31] =	ssyncset.done $0x0  }
0xae: {  	s3 =	sadd.s32 s3, s2;
	s4 =	simm.s32 $0xFFFFF000;
	v1 =	vimm.f32 $0.0e+00;
	[sflag:s31] =	ssyncadd.s32 $0xFFFFFC00;
	[tilespmem:$0x1FFF0] =	vst v0;
	v0 =	vimm.f32 $0.0e+00  }
.LBB2_1:
0xaf: {  	s5 =	sshra.s32 s4, $0x2;
	v28 =	vld [tilespmem:$0x1F7F0]  }
0xb0: {  	v7 =	vld [tilespmem:s5+$0x400];
	_ =	sdelay $0x1  }
0xb1: {  	v55 =	vld [tilespmem:$0x1F800];
	_ =	sdelay $0x2  }
0xb2: {  	v4 =	vmul.f32 v7, v28  }
0xb3: {  	[tilespmem:$0x1F7C0] =	vst v0;
	v0 =	vld [tilespmem:$0x1FCF0]  }
0xb4: {  	v6 =	vadd.f32 v4, v55;
	v4 =	vld [tilespmem:s5+$0x1400];
	_ =	sdelay $0x3  }
0xb5: {  	v2 =	vld [tilespmem:s5+$0x800]  }
0xb6: {  	v25 =	vmul.f32 v4, v0;
	v0 =	vld [tilespmem:$0x1F890];
	_ =	sdelay $0x3  }
0xb7: {  	v27 =	vld [tilespmem:$0x1F810]  }
0xb8: {  	v34 =	vmul.f32 v2, v0;
	v0 =	vld [tilespmem:$0x1FD00]  }
0xb9: {  	v48 =	vld [tilespmem:$0x1F820]  }
0xba: {  	v33 =	vld [tilespmem:$0x1FBF0]  }
0xbb: {  	v56 =	vld [tilespmem:$0x1F8B0]  }
0xbc: {  	v3 =	vld [tilespmem:s5+$0xC00]  }
0xbd: {  	v38 =	vmul.f32 v4, v0;
	v0 =	vld [tilespmem:$0x1F8C0]  }
0xbe: {  	v5 =	vld [tilespmem:s5+$0x1000]  }
0xbf: {  	v8 =	vmul.f32 v2, v27  }
0xc0: {  	v63 =	vld [tilespmem:$0x1FE00];
	v13 =	vmul.f32 v7, v56  }
0xc1: {  	v9 =	vmul.f32 v3, v48;
	v8 =	vadd.f32 v8, v6;
	v6 =	vld [tilespmem:s5+$0x1800]  }
0xc2: {  	v13 =	vadd.f32 v13, v0;
	v0 =	vld [tilespmem:$0x1F8D0]  }
0xc3: {  	v24 =	vmul.f32 v5, v33;
	v8 =	vadd.f32 v9, v8;
	_ =	sdelay $0x1  }
0xc4: {  	v8 =	vadd.f32 v24, v8;
	_ =	sdelay $0x1  }
0xc5: {  	v26 =	vmul.f32 v6, v63;
	v8 =	vadd.f32 v25, v8;
	v14 =	vmul.f32 v2, v0;
	v0 =	vld [tilespmem:$0x1FF00];
	_ =	sdelay $0x1  }
0xc6: {  	v8 =	vadd.f32 v26, v8;
	_ =	sdelay $0x1  }
0xc7: {  	v8 =	vmax.f32 v8, $0.0e+00  }
0xc8: {  	v8 =	vmul.f32 v8, v0;
	v0 =	vld [tilespmem:$0x1F8E0];
	_ =	sdelay $0x4  }
0xc9: {  	v43 =	vmul.f32 v3, v0;
	v0 =	vld [tilespmem:$0x1FE10];
	_ =	sdelay $0x4  }
0xca: {  	v44 =	vmul.f32 v6, v0;
	v0 =	vld [tilespmem:$0x1FDB0];
	_ =	sdelay $0x4  }
0xcb: {  	v8 =	vadd.f32 v8, v0;
	v0 =	vld [tilespmem:$0x1F8F0];
	_ =	sdelay $0x3  }
0xcc: {  	v47 =	vld [tilespmem:$0x1F830]  }
0xcd: {  	v49 =	vmul.f32 v7, v0;
	v0 =	vld [tilespmem:$0x1FD20]  }
0xce: {  	v58 =	vld [tilespmem:$0x1F840]  }
0xcf: {  	v50 =	vld [tilespmem:$0x1F850];
	_ =	sdelay $0x1  }
0xd0: {  	v59 =	vld [tilespmem:$0x1F860]  }
0xd1: {  	v10 =	vmul.f32 v7, v47;
	v52 =	vmul.f32 v4, v0;
	v0 =	vld [tilespmem:$0x1F900]  }
0xd2: {  	v61 =	vld [tilespmem:$0x1FC00]  }
0xd3: {  	v11 =	vmul.f32 v2, v50;
	v10 =	vadd.f32 v10, v58;
	_ =	sdelay $0x1  }
0xd4: {  	v29 =	vmul.f32 v3, v59;
	v10 =	vadd.f32 v11, v10  }
0xd5: {  	v11 =	vadd.f32 v49, v0;
	v0 =	vld [tilespmem:$0x1F910]  }
0xd6: {  	v31 =	vmul.f32 v5, v61;
	v30 =	vadd.f32 v29, v10;
	_ =	sdelay $0x1  }
0xd7: {  	v9 =	vadd.f32 v31, v30  }
0xd8: {  	v42 =	vld [tilespmem:$0x1F870]  }
0xd9: {  	v9 =	vadd.f32 v38, v9;
	v15 =	vmul.f32 v2, v0;
	v0 =	vld [tilespmem:$0x1FF10]  }
0xda: {  	v40 =	vld [tilespmem:$0x1F880]  }
0xdb: {  	[tilespmem:$0x1F7A0] =	vst v1;
	v1 =	vld [tilespmem:$0x1FC20];
	v9 =	vadd.f32 v44, v9;
	_ =	sdelay $0x1  }
0xdc: {  	v37 =	vld [tilespmem:$0x1F8A0];
	v9 =	vmax.f32 v9, $0.0e+00  }
0xdd: {  	v12 =	vmul.f32 v7, v42;
	v9 =	vmul.f32 v9, v0;
	v0 =	vld [tilespmem:$0x1FE30]  }
0xde: {  	v21 =	vld [tilespmem:$0x1FC10]  }
0xdf: {  	v46 =	vmul.f32 v5, v1;
	v1 =	vld [tilespmem:$0x1F970];
	v32 =	vadd.f32 v12, v40;
	v41 =	vadd.f32 v14, v13  }
0xe0: {  	v22 =	vld [tilespmem:$0x1FD10]  }
0xe1: {  	v20 =	vld [tilespmem:$0x1FE20];
	v36 =	vmul.f32 v3, v37;
	v35 =	vadd.f32 v34, v32;
	v12 =	vadd.f32 v43, v41  }
0xe2: {  	v53 =	vmul.f32 v6, v0;
	v0 =	vld [tilespmem:$0x1F920]  }
0xe3: {  	v39 =	vmul.f32 v5, v21;
	v10 =	vadd.f32 v36, v35;
	v12 =	vadd.f32 v46, v12  }
0xe4: {  	v26 =	vmul.f32 v7, v1;
	v1 =	vld [tilespmem:$0x1F980]  }
0xe5: {  	v45 =	vmul.f32 v4, v22;
	v10 =	vadd.f32 v39, v10;
	v12 =	vadd.f32 v52, v12  }
0xe6: {  	v51 =	vmul.f32 v6, v20  }
0xe7: {  	v10 =	vadd.f32 v45, v10;
	v12 =	vadd.f32 v53, v12;
	v54 =	vmul.f32 v3, v0;
	v0 =	vld [tilespmem:$0x1FF20];
	_ =	sdelay $0x1  }
0xe8: {  	v10 =	vadd.f32 v51, v10;
	v24 =	vmax.f32 v12, $0.0e+00;
	v12 =	vadd.f32 v26, v1;
	v1 =	vld [tilespmem:$0x1FF30];
	_ =	sdelay $0x1  }
0xe9: {  	v57 =	vmax.f32 v10, $0.0e+00  }
0xea: {  	v8 =	vadd.f32 v8, v9;
	v9 =	vmul.f32 v57, v0;
	_ =	sdelay $0x1  }
0xeb: {  	v8 =	vadd.f32 v8, v9;
	v9 =	vmul.f32 v24, v1;
	v1 =	vld [tilespmem:$0x1F9A0];
	_ =	sdelay $0x4  }
0xec: {  	v34 =	vmul.f32 v3, v1;
	v1 =	vld [tilespmem:$0x1FC50];
	_ =	sdelay $0x4  }
0xed: {  	v51 =	vmul.f32 v5, v1;
	v1 =	vld [tilespmem:$0x1F9B0];
	_ =	sdelay $0x4  }
0xee: {  	v52 =	vmul.f32 v7, v1;
	v1 =	vld [tilespmem:$0x1FE50];
	_ =	sdelay $0x4  }
0xef: {  	v53 =	vmul.f32 v6, v1;
	v1 =	vld [tilespmem:$0x1FD50];
	_ =	sdelay $0x2  }
0xf0: {  	v11 =	vadd.f32 v15, v11;
	_ =	sdelay $0x1  }
0xf1: {  	v11 =	vadd.f32 v54, v11;
	v54 =	vmul.f32 v4, v1;
	v1 =	vld [tilespmem:$0x1F9C0];
	_ =	sdelay $0x2  }
0xf2: {  	v25 =	vld [tilespmem:$0x1F930]  }
0xf3: {  	v19 =	vld [tilespmem:$0x1F940]  }
0xf4: {  	v13 =	vadd.f32 v52, v1;
	v1 =	vld [tilespmem:$0x1F9D0];
	_ =	sdelay $0x2  }
0xf5: {  	v60 =	vmul.f32 v7, v25  }
0xf6: {  	v0 =	vld [tilespmem:$0x1FC30]  }
0xf7: {  	v10 =	vadd.f32 v60, v19;
	v60 =	vmul.f32 v2, v1;
	v1 =	vld [tilespmem:$0x1FE60];
	_ =	sdelay $0x3  }
0xf8: {  	v62 =	vmul.f32 v5, v0;
	v0 =	vld [tilespmem:$0x1F950]  }
0xf9: {  	v17 =	vmul.f32 v6, v1;
	v1 =	vld [tilespmem:$0x1F9E0];
	_ =	sdelay $0x4  }
0xfa: {  	v23 =	vmul.f32 v2, v0;
	v18 =	vmul.f32 v3, v1;
	v1 =	vld [tilespmem:$0x1FC60]  }
0xfb: {  	v35 =	vld [tilespmem:$0x1FD30]  }
0xfc: {  	v10 =	vadd.f32 v23, v10;
	v23 =	vld [tilespmem:$0x1F960]  }
0xfd: {  	v39 =	vld [tilespmem:$0x1FE40]  }
0xfe: {  	v57 =	vld [tilespmem:$0x1FC40]  }
0xff: {  	v36 =	vmul.f32 v5, v1;
	v1 =	vld [tilespmem:$0x1FA30]  }
0x100: {  	v30 =	vmul.f32 v4, v35;
	v46 =	vld [tilespmem:$0x1FD40];
	v11 =	vadd.f32 v62, v11  }
0x101: {  	v29 =	vmul.f32 v3, v23  }
0x102: {  	v43 =	vmul.f32 v6, v39;
	v11 =	vadd.f32 v30, v11  }
0x103: {  	v32 =	vmul.f32 v5, v57;
	v10 =	vadd.f32 v29, v10  }
0x104: {  	v11 =	vadd.f32 v43, v11;
	v43 =	vmul.f32 v7, v1;
	v1 =	vld [tilespmem:$0x1FA20]  }
0x105: {  	v45 =	vmul.f32 v4, v46;
	v29 =	vld [tilespmem:$0x1FF40];
	v10 =	vadd.f32 v32, v10  }
0x106: {  	v62 =	vld [tilespmem:$0x1F990]  }
0x107: {  	v38 =	vld [tilespmem:$0x1FF50];
	v10 =	vadd.f32 v45, v10;
	_ =	sdelay $0x1  }
0x108: {  	v11 =	vmax.f32 v11, $0.0e+00;
	v10 =	vadd.f32 v53, v10;
	v44 =	vmul.f32 v3, v1;
	v1 =	vld [tilespmem:$0x1FA40]  }
0x109: {  	v8 =	vadd.f32 v8, v9;
	v11 =	vmul.f32 v11, v29  }
0x10a: {  	v31 =	vmul.f32 v2, v62;
	v10 =	vmax.f32 v10, $0.0e+00  }
0x10b: {  	v8 =	vadd.f32 v8, v11;
	v10 =	vmul.f32 v10, v38  }
0x10c: {  	v12 =	vadd.f32 v31, v12  }
0x10d: {  	v8 =	vadd.f32 v8, v10;
	v10 =	vadd.f32 v43, v1;
	v1 =	vld [tilespmem:$0x1FA50]  }
0x10e: {  	v49 =	vadd.f32 v34, v12;
	_ =	sdelay $0x1  }
0x10f: {  	v9 =	vadd.f32 v51, v49;
	_ =	sdelay $0x1  }
0x110: {  	v9 =	vadd.f32 v54, v9;
	v49 =	vmul.f32 v2, v1;
	v1 =	vld [tilespmem:$0x1FF60];
	_ =	sdelay $0x1  }
0x111: {  	v9 =	vadd.f32 v17, v9;
	_ =	sdelay $0x1  }
0x112: {  	v9 =	vmax.f32 v9, $0.0e+00  }
0x113: {  	v9 =	vmul.f32 v9, v1;
	v1 =	vld [tilespmem:$0x1FA60];
	_ =	sdelay $0x4  }
0x114: {  	v52 =	vmul.f32 v3, v1;
	v1 =	vld [tilespmem:$0x1FC80];
	_ =	sdelay $0x4  }
0x115: {  	v17 =	vmul.f32 v5, v1;
	v1 =	vld [tilespmem:$0x1FA70]  }
0x116: {  	v13 =	vadd.f32 v60, v13;
	_ =	sdelay $0x1  }
0x117: {  	v26 =	vadd.f32 v18, v13;
	_ =	sdelay $0x1  }
0x118: {  	v12 =	vadd.f32 v36, v26;
	v26 =	vmul.f32 v7, v1;
	v1 =	vld [tilespmem:$0x1FE80];
	_ =	sdelay $0x4  }
0x119: {  	v30 =	vmul.f32 v6, v1;
	v1 =	vld [tilespmem:$0x1FD80];
	_ =	sdelay $0x2  }
0x11a: {  	v60 =	vld [tilespmem:$0x1FD60]  }
0x11b: {  	v43 =	vld [tilespmem:$0x1FE70]  }
0x11c: {  	v31 =	vmul.f32 v4, v1;
	v1 =	vld [tilespmem:$0x1FA80];
	_ =	sdelay $0x2  }
0x11d: {  	v34 =	vld [tilespmem:$0x1F9F0];
	v45 =	vmul.f32 v4, v60  }
0x11e: {  	v32 =	vld [tilespmem:$0x1FA00]  }
0x11f: {  	v12 =	vadd.f32 v45, v12;
	v53 =	vmul.f32 v6, v43;
	v13 =	vadd.f32 v26, v1;
	v1 =	vld [tilespmem:$0x1FF70]  }
0x120: {  	v18 =	vld [tilespmem:$0x1FA10]  }
0x121: {  	v12 =	vadd.f32 v53, v12;
	_ =	sdelay $0x1  }
0x122: {  	v24 =	vmul.f32 v7, v34;
	v12 =	vmax.f32 v12, $0.0e+00  }
0x123: {  	v12 =	vmul.f32 v12, v1;
	v1 =	vld [tilespmem:$0x1FE90]  }
0x124: {  	v11 =	vadd.f32 v24, v32;
	v24 =	vld [tilespmem:$0x1FC70];
	v41 =	vmul.f32 v2, v18;
	_ =	sdelay $0x1  }
0x125: {  	v11 =	vadd.f32 v41, v11;
	v10 =	vadd.f32 v49, v10;
	v49 =	vld [tilespmem:$0x1FD70];
	_ =	sdelay $0x1  }
0x126: {  	v11 =	vadd.f32 v44, v11;
	v44 =	vmul.f32 v6, v1;
	v1 =	vld [tilespmem:$0x1FAA0]  }
0x127: {  	v51 =	vmul.f32 v5, v24;
	_ =	sdelay $0x1  }
0x128: {  	v11 =	vadd.f32 v51, v11;
	v54 =	vmul.f32 v4, v49;
	_ =	sdelay $0x1  }
0x129: {  	v11 =	vadd.f32 v54, v11;
	v45 =	vmul.f32 v3, v1;
	v1 =	vld [tilespmem:$0x1FF80];
	_ =	sdelay $0x1  }
0x12a: {  	v11 =	vadd.f32 v30, v11;
	_ =	sdelay $0x1  }
0x12b: {  	v11 =	vmax.f32 v11, $0.0e+00  }
0x12c: {  	v11 =	vmul.f32 v11, v1;
	v1 =	vld [tilespmem:$0x1FC90];
	_ =	sdelay $0x2  }
0x12d: {  	v26 =	vld [tilespmem:$0x1FAB0];
	_ =	sdelay $0x1  }
0x12e: {  	v53 =	vmul.f32 v5, v1;
	v1 =	vld [tilespmem:$0x1FAC0];
	_ =	sdelay $0x2  }
0x12f: {  	v8 =	vadd.f32 v8, v9;
	v51 =	vmul.f32 v7, v26;
	_ =	sdelay $0x1  }
0x130: {  	v8 =	vadd.f32 v8, v12;
	v12 =	vadd.f32 v51, v1;
	v1 =	vld [tilespmem:$0x1FAF0];
	_ =	sdelay $0x2  }
0x131: {  	v16 =	vadd.f32 v52, v10;
	_ =	sdelay $0x1  }
0x132: {  	v9 =	vadd.f32 v17, v16;
	v16 =	vmul.f32 v7, v1;
	v1 =	vld [tilespmem:$0x1FAE0];
	_ =	sdelay $0x4  }
0x133: {  	v30 =	vmul.f32 v3, v1;
	v1 =	vld [tilespmem:$0x1FD90];
	_ =	sdelay $0x4  }
0x134: {  	v9 =	vadd.f32 v31, v9;
	v31 =	vmul.f32 v4, v1;
	v1 =	vld [tilespmem:$0x1FB00];
	_ =	sdelay $0x2  }
0x135: {  	v36 =	vld [tilespmem:$0x1FA90];
	_ =	sdelay $0x1  }
0x136: {  	v8 =	vadd.f32 v8, v11;
	v11 =	vadd.f32 v16, v1;
	v1 =	vld [tilespmem:$0x1FB10];
	_ =	sdelay $0x2  }
0x137: {  	v41 =	vmul.f32 v2, v36;
	_ =	sdelay $0x1  }
0x138: {  	v13 =	vadd.f32 v41, v13;
	v41 =	vmul.f32 v2, v1;
	v1 =	vld [tilespmem:$0x1FF90];
	_ =	sdelay $0x1  }
0x139: {  	v9 =	vadd.f32 v44, v9;
	_ =	sdelay $0x1  }
0x13a: {  	v9 =	vmax.f32 v9, $0.0e+00  }
0x13b: {  	v9 =	vmul.f32 v9, v1;
	v1 =	vld [tilespmem:$0x1FB20];
	_ =	sdelay $0x4  }
0x13c: {  	v52 =	vadd.f32 v45, v13;
	v45 =	vmul.f32 v3, v1;
	v1 =	vld [tilespmem:$0x1FDA0]  }
0x13d: {  	v17 =	vld [tilespmem:$0x1FAD0];
	_ =	sdelay $0x3  }
0x13e: {  	v10 =	vadd.f32 v53, v52;
	v52 =	vmul.f32 v4, v1;
	v1 =	vld [tilespmem:$0x1FCB0]  }
0x13f: {  	v54 =	vmul.f32 v2, v17;
	_ =	sdelay $0x1  }
0x140: {  	v12 =	vadd.f32 v54, v12;
	_ =	sdelay $0x1  }
0x141: {  	v12 =	vadd.f32 v30, v12;
	v30 =	vmul.f32 v5, v1;
	v1 =	vld [tilespmem:$0x1FB30];
	_ =	sdelay $0x4  }
0x142: {  	v10 =	vadd.f32 v31, v10;
	v31 =	vmul.f32 v7, v1;
	v1 =	vld [tilespmem:$0x1FEB0];
	_ =	sdelay $0x2  }
0x143: {  	v54 =	vld [tilespmem:$0x1FCA0];
	_ =	sdelay $0x1  }
0x144: {  	v11 =	vadd.f32 v41, v11;
	v41 =	vmul.f32 v6, v1;
	v1 =	vld [tilespmem:$0x1FDC0];
	_ =	sdelay $0x2  }
0x145: {  	v44 =	vmul.f32 v5, v54;
	_ =	sdelay $0x1  }
0x146: {  	v12 =	vadd.f32 v44, v12;
	v44 =	vmul.f32 v4, v1;
	v1 =	vld [tilespmem:$0x1FB40];
	_ =	sdelay $0x4  }
0x147: {  	v13 =	vadd.f32 v31, v1;
	v1 =	vld [tilespmem:$0x1FB50];
	_ =	sdelay $0x2  }
0x148: {  	v53 =	vld [tilespmem:$0x1FEA0];
	_ =	sdelay $0x1  }
0x149: {  	v16 =	vadd.f32 v45, v11;
	v45 =	vmul.f32 v2, v1;
	v1 =	vld [tilespmem:$0x1FEC0];
	_ =	sdelay $0x2  }
0x14a: {  	v51 =	vmul.f32 v6, v53;
	_ =	sdelay $0x1  }
0x14b: {  	v10 =	vadd.f32 v51, v10;
	v51 =	vmul.f32 v6, v1;
	v1 =	vld [tilespmem:$0x1FB60];
	_ =	sdelay $0x4  }
0x14c: {  	v12 =	vadd.f32 v52, v12;
	v52 =	vmul.f32 v3, v1;
	v1 =	vld [tilespmem:$0x1FB70];
	_ =	sdelay $0x2  }
0x14d: {  	v8 =	vadd.f32 v8, v9;
	v9 =	vadd.f32 v30, v16;
	v30 =	vld [tilespmem:$0x1FFA0];
	_ =	sdelay $0x1  }
0x14e: {  	v31 =	vmul.f32 v7, v1;
	v1 =	vld [tilespmem:$0x1FFB0];
	_ =	sdelay $0x1  }
0x14f: {  	v10 =	vmax.f32 v10, $0.0e+00;
	v12 =	vadd.f32 v41, v12  }
0x150: {  	v10 =	vmul.f32 v10, v30  }
0x151: {  	v16 =	vmax.f32 v12, $0.0e+00  }
0x152: {  	v8 =	vadd.f32 v8, v10;
	v10 =	vmul.f32 v16, v1;
	v1 =	vld [tilespmem:$0x1FCC0];
	_ =	sdelay $0x4  }
0x153: {  	v9 =	vadd.f32 v44, v9;
	v44 =	vmul.f32 v5, v1;
	v1 =	vld [tilespmem:$0x1FB80];
	_ =	sdelay $0x4  }
0x154: {  	v12 =	vadd.f32 v31, v1;
	v1 =	vld [tilespmem:$0x1FBA0];
	_ =	sdelay $0x4  }
0x155: {  	v13 =	vadd.f32 v45, v13;
	v7 =	vmul.f32 v7, v1;
	v1 =	vld [tilespmem:$0x1FDD0];
	_ =	sdelay $0x1  }
0x156: {  	v41 =	vadd.f32 v52, v13  }
0x157: {  	v16 =	vld [tilespmem:$0x1FB90]  }
0x158: {  	v8 =	vadd.f32 v8, v10;
	v10 =	vadd.f32 v44, v41;
	v44 =	vld [tilespmem:$0x1FBD0]  }
0x159: {  	v31 =	vmul.f32 v4, v1;
	v1 =	vld [tilespmem:$0x1FBB0];
	_ =	sdelay $0x2  }
0x15a: {  	v45 =	vmul.f32 v2, v16  }
0x15b: {  	v9 =	vadd.f32 v51, v9  }
0x15c: {  	v51 =	vadd.f32 v45, v12;
	v52 =	vmul.f32 v3, v44;
	v7 =	vadd.f32 v7, v1;
	v1 =	vld [tilespmem:$0x1FBC0];
	_ =	sdelay $0x1  }
0x15d: {  	v11 =	vadd.f32 v52, v51;
	v51 =	vld [tilespmem:$0x1FBE0]  }
0x15e: {  	v52 =	vld [tilespmem:$0x1FCD0];
	_ =	sdelay $0x1  }
0x15f: {  	v41 =	vmul.f32 v2, v1  }
0x160: {  	v1 =	vld [tilespmem:$0x1FFC0]  }
0x161: {  	v10 =	vadd.f32 v31, v10;
	v31 =	vmul.f32 v3, v51;
	v7 =	vadd.f32 v41, v7  }
0x162: {  	v45 =	vmul.f32 v5, v52  }
0x163: {  	v7 =	vadd.f32 v31, v7;
	v31 =	vld [tilespmem:$0x1FCE0]  }
0x164: {  	v9 =	vmax.f32 v9, $0.0e+00;
	v11 =	vadd.f32 v45, v11;
	v45 =	vld [tilespmem:$0x1FDE0]  }
0x165: {  	v9 =	vmul.f32 v9, v1;
	v1 =	vld [tilespmem:$0x1FDF0]  }
0x166: {  	v2 =	vld [tilespmem:s5+$0x410]  }
0x167: {  	v3 =	vld [tilespmem:s5+$0x810]  }
0x168: {  	v41 =	vld [tilespmem:$0x1FED0];
	v8 =	vadd.f32 v8, v9;
	v9 =	vmul.f32 v5, v31  }
0x169: {  	v51 =	vmul.f32 v4, v45;
	v31 =	vld [tilespmem:$0x1FEE0]  }
0x16a: {  	v7 =	vadd.f32 v9, v7;
	v9 =	vmul.f32 v4, v1;
	v1 =	vld [tilespmem:$0x1FEF0]  }
0x16b: {  	v11 =	vadd.f32 v51, v11;
	v51 =	vmul.f32 v2, v28;
	_ =	sdelay $0x1  }
0x16c: {  	v14 =	vmul.f32 v6, v41;
	v12 =	vadd.f32 v51, v55;
	v51 =	vmul.f32 v3, v27;
	v27 =	vld [tilespmem:$0x1FFD0];
	_ =	sdelay $0x1  }
0x16d: {  	v10 =	vadd.f32 v14, v10;
	v13 =	vmul.f32 v6, v31;
	v6 =	vmul.f32 v6, v1;
	v1 =	vld [tilespmem:$0x1FFE0];
	_ =	sdelay $0x1  }
0x16e: {  	v5 =	vld [tilespmem:s5+$0xC10];
	v10 =	vmax.f32 v10, $0.0e+00;
	v11 =	vadd.f32 v13, v11  }
0x16f: {  	v4 =	vld [tilespmem:s5+$0x1010];
	v10 =	vmul.f32 v10, v27  }
0x170: {  	v9 =	vadd.f32 v9, v7;
	v7 =	vld [tilespmem:s5+$0x1410];
	v15 =	vmax.f32 v11, $0.0e+00  }
0x171: {  	v8 =	vadd.f32 v8, v10;
	v10 =	vmul.f32 v15, v1;
	v1 =	vld [tilespmem:$0x1FCF0];
	_ =	sdelay $0x1  }
0x172: {  	v28 =	vmul.f32 v2, v47;
	v12 =	vadd.f32 v51, v12;
	v51 =	vmul.f32 v5, v48  }
0x173: {  	v33 =	vmul.f32 v4, v33;
	v6 =	vadd.f32 v6, v9  }
0x174: {  	v9 =	vadd.f32 v51, v12;
	v11 =	vadd.f32 v28, v58;
	v28 =	vmul.f32 v2, v42;
	v51 =	vld [tilespmem:$0x1F890]  }
0x175: {  	v48 =	vmov v58;
	v58 =	vmul.f32 v3, v50;
	v42 =	vmul.f32 v7, v1;
	v1 =	vld [tilespmem:$0x1FFF0]  }
0x176: {  	v9 =	vadd.f32 v33, v9;
	v14 =	vadd.f32 v28, v40;
	v40 =	vmul.f32 v5, v37;
	v37 =	vld [tilespmem:$0x1FD00]  }
0x177: {  	v11 =	vadd.f32 v58, v11;
	v33 =	vmul.f32 v5, v59;
	v10 =	vadd.f32 v8, v10;
	v8 =	vld [tilespmem:s5+$0x1810]  }
0x178: {  	v6 =	vmax.f32 v6, $0.0e+00  }
0x179: {  	v28 =	vmul.f32 v4, v61;
	v11 =	vadd.f32 v33, v11;
	v58 =	vmul.f32 v3, v51  }
0x17a: {  	v6 =	vmul.f32 v6, v1;
	v1 =	vld [tilespmem:$0x1FE10]  }
0x17b: {  	v11 =	vadd.f32 v28, v11;
	v33 =	vadd.f32 v58, v14;
	v50 =	vmul.f32 v7, v37  }
0x17c: {  	v28 =	vld [tilespmem:$0x1F8C0];
	v9 =	vadd.f32 v42, v9;
	v42 =	vmul.f32 v8, v63  }
0x17d: {  	v58 =	vadd.f32 v40, v33;
	v11 =	vadd.f32 v50, v11;
	v50 =	vld [tilespmem:$0x1FF00];
	v63 =	vmul.f32 v4, v21  }
0x17e: {  	v21 =	vmul.f32 v2, v56;
	v9 =	vadd.f32 v42, v9;
	v42 =	vld [tilespmem:$0x1F8D0];
	v6 =	vadd.f32 v10, v6  }
0x17f: {  	v56 =	vmul.f32 v8, v20;
	v20 =	vld [tilespmem:$0x1F8F0];
	v33 =	vmul.f32 v8, v1  }
0x180: {  	v40 =	vmul.f32 v7, v22;
	[tilespmem:$0x1F790] =	vst v6;
	v6 =	vadd.f32 v63, v58;
	v63 =	vld [tilespmem:$0x1FDB0]  }
0x181: {  	v11 =	vadd.f32 v33, v11;
	v33 =	vld [tilespmem:$0x1F8E0]  }
0x182: {  	v6 =	vadd.f32 v40, v6;
	v40 =	vld [tilespmem:$0x1FF10]  }
0x183: {  	v12 =	vadd.f32 v21, v28;
	v21 =	vld [tilespmem:$0x1F900];
	v14 =	vmul.f32 v3, v42  }
0x184: {  	v9 =	vmax.f32 v9, $0.0e+00  }
0x185: {  	v9 =	vmul.f32 v9, v50;
	v50 =	vmul.f32 v2, v20;
	v12 =	vadd.f32 v14, v12  }
0x186: {  	v6 =	vadd.f32 v56, v6;
	v56 =	vld [tilespmem:$0x1FC20];
	v11 =	vmax.f32 v11, $0.0e+00;
	v58 =	vmul.f32 v5, v33  }
0x187: {  	v9 =	vadd.f32 v9, v63;
	v11 =	vmul.f32 v11, v40  }
0x188: {  	v22 =	vld [tilespmem:$0x1F910];
	v10 =	vadd.f32 v58, v12;
	v58 =	vadd.f32 v50, v21;
	v50 =	vmul.f32 v2, v25;
	_ =	sdelay $0x1  }
0x189: {  	v9 =	vadd.f32 v9, v11;
	v11 =	vadd.f32 v50, v19;
	v50 =	vmul.f32 v3, v0;
	v0 =	vld [tilespmem:$0x1FC30]  }
0x18a: {  	v12 =	vmul.f32 v4, v56;
	v56 =	vld [tilespmem:$0x1F920];
	_ =	sdelay $0x1  }
0x18b: {  	v42 =	vmul.f32 v3, v22;
	_ =	sdelay $0x1  }
0x18c: {  	v10 =	vadd.f32 v12, v10;
	v12 =	vadd.f32 v42, v58;
	v58 =	vmul.f32 v4, v0;
	v0 =	vld [tilespmem:$0x1F970]  }
0x18d: {  	v25 =	vmul.f32 v5, v56;
	_ =	sdelay $0x1  }
0x18e: {  	v12 =	vadd.f32 v25, v12;
	_ =	sdelay $0x1  }
0x18f: {  	v12 =	vadd.f32 v58, v12;
	v58 =	vmul.f32 v7, v35;
	v35 =	vmul.f32 v2, v0;
	v0 =	vld [tilespmem:$0x1F980]  }
0x190: {  	v42 =	vld [tilespmem:$0x1FD20];
	_ =	sdelay $0x2  }
0x191: {  	v19 =	vld [tilespmem:$0x1FE30]  }
0x192: {  	v13 =	vadd.f32 v35, v0;
	v0 =	vld [tilespmem:$0x1FE50]  }
0x193: {  	v14 =	vmul.f32 v7, v42;
	v42 =	vld [tilespmem:$0x1FF20];
	_ =	sdelay $0x1  }
0x194: {  	v6 =	vmax.f32 v6, $0.0e+00  }
0x195: {  	v11 =	vadd.f32 v50, v11;
	v25 =	vmul.f32 v5, v23;
	v50 =	vmul.f32 v8, v19  }
0x196: {  	v10 =	vadd.f32 v14, v10;
	v12 =	vadd.f32 v58, v12;
	v58 =	vmul.f32 v8, v0;
	v0 =	vld [tilespmem:$0x1FC50]  }
0x197: {  	v23 =	vadd.f32 v25, v11;
	v25 =	vmul.f32 v4, v57;
	v6 =	vmul.f32 v6, v42  }
0x198: {  	v10 =	vadd.f32 v50, v10;
	v50 =	vld [tilespmem:$0x1FF30]  }
0x199: {  	v57 =	vmul.f32 v3, v62;
	v6 =	vadd.f32 v9, v6;
	v9 =	vadd.f32 v25, v23;
	v23 =	vld [tilespmem:$0x1F9B0]  }
0x19a: {  	v25 =	vld [tilespmem:$0x1F9A0]  }
0x19b: {  	v13 =	vadd.f32 v57, v13;
	v57 =	vmul.f32 v4, v0;
	v0 =	vld [tilespmem:$0x1F9C0]  }
0x19c: {  	v39 =	vmul.f32 v8, v39  }
0x19d: {  	v46 =	vmul.f32 v7, v46  }
0x19e: {  	v10 =	vmax.f32 v10, $0.0e+00;
	v12 =	vadd.f32 v39, v12;
	v39 =	vmul.f32 v2, v23  }
0x19f: {  	v10 =	vmul.f32 v10, v50;
	v62 =	vmul.f32 v5, v25  }
0x1a0: {  	v9 =	vadd.f32 v46, v9;
	v35 =	vmax.f32 v12, $0.0e+00;
	v12 =	vadd.f32 v39, v0;
	v0 =	vld [tilespmem:$0x1F9D0]  }
0x1a1: {  	v6 =	vadd.f32 v6, v10;
	v10 =	vmul.f32 v35, v29;
	v29 =	vld [tilespmem:$0x1F9E0];
	v46 =	vadd.f32 v62, v13  }
0x1a2: {  	v35 =	vld [tilespmem:$0x1FD50]  }
0x1a3: {  	v11 =	vadd.f32 v57, v46;
	v57 =	vld [tilespmem:$0x1FA20]  }
0x1a4: {  	v62 =	vmul.f32 v2, v34;
	v39 =	vmul.f32 v3, v18;
	v18 =	vld [tilespmem:$0x1FC60]  }
0x1a5: {  	v9 =	vadd.f32 v58, v9;
	v58 =	vmul.f32 v3, v0  }
0x1a6: {  	v6 =	vadd.f32 v6, v10;
	v10 =	vadd.f32 v62, v32  }
0x1a7: {  	v34 =	vmul.f32 v5, v29;
	v12 =	vadd.f32 v58, v12  }
0x1a8: {  	v14 =	vmul.f32 v7, v35;
	v9 =	vmax.f32 v9, $0.0e+00;
	v10 =	vadd.f32 v39, v10  }
0x1a9: {  	v62 =	vmul.f32 v5, v57;
	v46 =	vmul.f32 v4, v18;
	v12 =	vadd.f32 v34, v12  }
0x1aa: {  	v29 =	vld [tilespmem:$0x1FE60];
	v32 =	vmul.f32 v7, v60;
	v9 =	vmul.f32 v9, v38  }
0x1ab: {  	v35 =	vmul.f32 v4, v24;
	v38 =	vld [tilespmem:$0x1FA30];
	v34 =	vadd.f32 v62, v10;
	v12 =	vadd.f32 v46, v12  }
0x1ac: {  	v6 =	vadd.f32 v6, v9;
	v46 =	vld [tilespmem:$0x1FA40]  }
0x1ad: {  	v39 =	vmul.f32 v8, v43;
	v9 =	vadd.f32 v35, v34;
	v34 =	vld [tilespmem:$0x1FA50];
	v12 =	vadd.f32 v32, v12;
	_ =	sdelay $0x1  }
0x1ae: {  	v12 =	vadd.f32 v39, v12;
	v39 =	vld [tilespmem:$0x1FA60]  }
0x1af: {  	v13 =	vmul.f32 v2, v38  }
0x1b0: {  	v24 =	vld [tilespmem:$0x1FF60];
	v15 =	vmul.f32 v8, v29;
	v11 =	vadd.f32 v14, v11  }
0x1b1: {  	v43 =	vmul.f32 v7, v49;
	v62 =	vld [tilespmem:$0x1FE80];
	v13 =	vadd.f32 v13, v46;
	v49 =	vmul.f32 v3, v34  }
0x1b2: {  	v11 =	vadd.f32 v15, v11;
	v35 =	vld [tilespmem:$0x1FA70]  }
0x1b3: {  	v9 =	vadd.f32 v43, v9;
	v43 =	vld [tilespmem:$0x1FF70];
	v13 =	vadd.f32 v49, v13;
	v60 =	vmul.f32 v5, v39  }
0x1b4: {  	v49 =	vld [tilespmem:$0x1FC80]  }
0x1b5: {  	v11 =	vmax.f32 v11, $0.0e+00;
	v46 =	vadd.f32 v60, v13;
	v60 =	vld [tilespmem:$0x1FA80]  }
0x1b6: {  	v11 =	vmul.f32 v11, v24  }
0x1b7: {  	v58 =	vmul.f32 v8, v62  }
0x1b8: {  	v6 =	vadd.f32 v6, v11;
	v32 =	vmul.f32 v2, v26;
	v26 =	vld [tilespmem:$0x1FC90];
	v38 =	vmul.f32 v2, v35  }
0x1b9: {  	v9 =	vadd.f32 v58, v9;
	v29 =	vmax.f32 v12, $0.0e+00;
	v58 =	vmul.f32 v4, v49;
	v49 =	vld [tilespmem:$0x1FAC0]  }
0x1ba: {  	v11 =	vmul.f32 v29, v43;
	v29 =	vmul.f32 v3, v36;
	v12 =	vadd.f32 v38, v60;
	v38 =	vld [tilespmem:$0x1FD80]  }
0x1bb: {  	v60 =	vld [tilespmem:$0x1FAA0]  }
0x1bc: {  	v12 =	vadd.f32 v29, v12;
	v29 =	vld [tilespmem:$0x1FAE0];
	_ =	sdelay $0x1  }
0x1bd: {  	v6 =	vadd.f32 v6, v11;
	v13 =	vmul.f32 v4, v26;
	v10 =	vadd.f32 v58, v46;
	v58 =	vld [tilespmem:$0x1FF80]  }
0x1be: {  	v26 =	vld [tilespmem:$0x1FD90];
	v46 =	vmul.f32 v3, v17;
	v11 =	vadd.f32 v32, v49;
	v14 =	vmul.f32 v7, v38  }
0x1bf: {  	v36 =	vmul.f32 v5, v60  }
0x1c0: {  	v11 =	vadd.f32 v46, v11;
	v10 =	vadd.f32 v14, v10;
	v14 =	vmul.f32 v5, v29;
	v29 =	vld [tilespmem:$0x1FE90]  }
0x1c1: {  	v9 =	vmax.f32 v9, $0.0e+00;
	v12 =	vadd.f32 v36, v12  }
0x1c2: {  	v17 =	vld [tilespmem:$0x1FDA0];
	v9 =	vmul.f32 v9, v58;
	v46 =	vmul.f32 v4, v54;
	v38 =	vadd.f32 v14, v11  }
0x1c3: {  	v54 =	vld [tilespmem:$0x1FAF0];
	v36 =	vmul.f32 v7, v26;
	v12 =	vadd.f32 v13, v12  }
0x1c4: {  	v6 =	vadd.f32 v6, v9;
	v9 =	vadd.f32 v46, v38;
	v46 =	vld [tilespmem:$0x1FEB0]  }
0x1c5: {  	v12 =	vadd.f32 v36, v12;
	v36 =	vld [tilespmem:$0x1FB10];
	v32 =	vmul.f32 v8, v29  }
0x1c6: {  	v38 =	vld [tilespmem:$0x1FF90]  }
0x1c7: {  	v11 =	vmul.f32 v7, v17;
	v10 =	vadd.f32 v32, v10;
	v32 =	vld [tilespmem:$0x1FB00];
	_ =	sdelay $0x1  }
0x1c8: {  	v9 =	vadd.f32 v11, v9;
	v11 =	vmul.f32 v8, v46;
	v46 =	vld [tilespmem:$0x1FB20]  }
0x1c9: {  	v13 =	vmul.f32 v2, v54;
	v10 =	vmax.f32 v10, $0.0e+00  }
0x1ca: {  	v58 =	vmul.f32 v8, v53;
	v10 =	vmul.f32 v10, v38;
	v38 =	vld [tilespmem:$0x1FCB0]  }
0x1cb: {  	v15 =	vmul.f32 v3, v36;
	v13 =	vadd.f32 v13, v32  }
0x1cc: {  	v12 =	vadd.f32 v58, v12  }
0x1cd: {  	v13 =	vadd.f32 v15, v13;
	v53 =	vmul.f32 v5, v46  }
0x1ce: {  	v54 =	vmax.f32 v12, $0.0e+00;
	v36 =	vld [tilespmem:$0x1FB50];
	v6 =	vadd.f32 v6, v10  }
0x1cf: {  	v10 =	vmul.f32 v54, v30;
	v54 =	vld [tilespmem:$0x1FB70];
	v32 =	vmul.f32 v4, v38;
	v30 =	vadd.f32 v53, v13  }
0x1d0: {  	v17 =	vld [tilespmem:$0x1FB30]  }
0x1d1: {  	v9 =	vadd.f32 v11, v9;
	v11 =	vadd.f32 v32, v30;
	v30 =	vld [tilespmem:$0x1FB80]  }
0x1d2: {  	v53 =	vld [tilespmem:$0x1FB40];
	_ =	sdelay $0x1  }
0x1d3: {  	v14 =	vmul.f32 v3, v36;
	v6 =	vadd.f32 v6, v10;
	v36 =	vld [tilespmem:$0x1FB60];
	v10 =	vmul.f32 v2, v54  }
0x1d4: {  	v58 =	vmul.f32 v2, v17  }
0x1d5: {  	v10 =	vadd.f32 v10, v30;
	v30 =	vld [tilespmem:$0x1FCC0]  }
0x1d6: {  	v12 =	vadd.f32 v58, v53;
	_ =	sdelay $0x1  }
0x1d7: {  	v54 =	vld [tilespmem:$0x1FFB0];
	v58 =	vmul.f32 v5, v36;
	v12 =	vadd.f32 v14, v12  }
0x1d8: {  	v32 =	vld [tilespmem:$0x1FDC0]  }
0x1d9: {  	v12 =	vadd.f32 v58, v12;
	v58 =	vmul.f32 v4, v30  }
0x1da: {  	v15 =	vmul.f32 v3, v16  }
0x1db: {  	v9 =	vmax.f32 v9, $0.0e+00;
	v16 =	vmul.f32 v4, v52;
	v12 =	vadd.f32 v58, v12;
	v58 =	vld [tilespmem:$0x1FDD0]  }
0x1dc: {  	v52 =	vld [tilespmem:$0x1FBA0];
	v9 =	vmul.f32 v9, v54;
	v54 =	vmul.f32 v5, v44;
	v10 =	vadd.f32 v15, v10  }
0x1dd: {  	v44 =	vld [tilespmem:$0x1FEC0];
	v14 =	vmul.f32 v7, v32  }
0x1de: {  	v54 =	vadd.f32 v54, v10  }
0x1df: {  	v6 =	vadd.f32 v6, v9;
	v11 =	vadd.f32 v14, v11;
	v14 =	vmul.f32 v8, v41;
	v41 =	vld [tilespmem:$0x1FBB0]  }
0x1e0: {  	v9 =	vadd.f32 v16, v54;
	v54 =	vmul.f32 v7, v45;
	v45 =	vld [tilespmem:$0x1FBC0];
	v13 =	vmul.f32 v7, v58;
	_ =	sdelay $0x1  }
0x1e1: {  	v15 =	vmul.f32 v8, v44;
	v12 =	vadd.f32 v13, v12;
	v13 =	vmul.f32 v2, v52;
	v52 =	vld [tilespmem:$0x1FFC0]  }
0x1e2: {  	v9 =	vadd.f32 v54, v9;
	v54 =	vmul.f32 v8, v31;
	v31 =	vld [tilespmem:$0x1F7F0]  }
0x1e3: {  	v11 =	vadd.f32 v15, v11;
	v2 =	vld [tilespmem:s5+$0x420]  }
0x1e4: {  	v9 =	vadd.f32 v54, v9;
	v54 =	vld [tilespmem:$0x1F850];
	v15 =	vmul.f32 v3, v45;
	v13 =	vadd.f32 v13, v41  }
0x1e5: {  	v11 =	vmax.f32 v11, $0.0e+00;
	v3 =	vld [tilespmem:s5+$0x820]  }
0x1e6: {  	v13 =	vadd.f32 v15, v13;
	v15 =	vld [tilespmem:$0x1FBE0];
	v16 =	vmul.f32 v11, v52  }
0x1e7: {  	v52 =	vld [tilespmem:$0x1F810]  }
0x1e8: {  	v12 =	vadd.f32 v14, v12;
	v41 =	vld [tilespmem:$0x1FCE0];
	v6 =	vadd.f32 v6, v16;
	v16 =	vmul.f32 v2, v31  }
0x1e9: {  	v11 =	vld [tilespmem:s5+$0xC20]  }
0x1ea: {  	v12 =	vmax.f32 v12, $0.0e+00;
	v45 =	vadd.f32 v16, v55;
	v55 =	vld [tilespmem:$0x1F820]  }
0x1eb: {  	v12 =	vmul.f32 v12, v27  }
0x1ec: {  	v5 =	vmul.f32 v5, v15;
	v27 =	vmul.f32 v3, v52  }
0x1ed: {  	v10 =	vld [tilespmem:s5+$0x1020];
	v4 =	vmul.f32 v4, v41;
	v41 =	vmul.f32 v2, v47  }
0x1ee: {  	v5 =	vadd.f32 v5, v13;
	v13 =	vadd.f32 v27, v45;
	v27 =	vld [tilespmem:$0x1FFE0]  }
0x1ef: {  	v47 =	vld [tilespmem:$0x1FDF0];
	v15 =	vadd.f32 v41, v48;
	v48 =	vmul.f32 v3, v54;
	v45 =	vmul.f32 v11, v55  }
0x1f0: {  	v41 =	vld [tilespmem:$0x1FBF0]  }
0x1f1: {  	v13 =	vadd.f32 v45, v13;
	v45 =	vadd.f32 v48, v15;
	v48 =	vld [tilespmem:$0x1FEF0]  }
0x1f2: {  	v9 =	vmax.f32 v9, $0.0e+00;
	v12 =	vadd.f32 v6, v12;
	v6 =	vld [tilespmem:s5+$0x1420]  }
0x1f3: {  	v9 =	vmul.f32 v9, v27;
	v27 =	vld [tilespmem:$0x1FCF0]  }
0x1f4: {  	v7 =	vmul.f32 v7, v47;
	v5 =	vadd.f32 v4, v5  }
0x1f5: {  	v14 =	vmul.f32 v10, v41;
	v41 =	vld [tilespmem:$0x1F870]  }
0x1f6: {  	v16 =	vmul.f32 v10, v61;
	v61 =	vld [tilespmem:$0x1FFF0];
	v5 =	vadd.f32 v7, v5;
	v8 =	vmul.f32 v8, v48  }
0x1f7: {  	v47 =	vmul.f32 v11, v59;
	v48 =	vld [tilespmem:$0x1F880]  }
0x1f8: {  	v4 =	vld [tilespmem:s5+$0x1820];
	v13 =	vadd.f32 v14, v13;
	v59 =	vmul.f32 v6, v27;
	v5 =	vadd.f32 v8, v5  }
0x1f9: {  	v7 =	vadd.f32 v47, v45;
	v45 =	vld [tilespmem:$0x1FE00]  }
0x1fa: {  	v8 =	vadd.f32 v59, v13;
	v13 =	vmul.f32 v2, v41;
	v5 =	vmax.f32 v5, $0.0e+00  }
0x1fb: {  	v9 =	vadd.f32 v12, v9;
	v41 =	vld [tilespmem:$0x1F8B0];
	v5 =	vmul.f32 v5, v61  }
0x1fc: {  	v59 =	vmul.f32 v3, v51;
	v13 =	vadd.f32 v13, v48;
	v61 =	vld [tilespmem:$0x1F8A0]  }
0x1fd: {  	v47 =	vmul.f32 v6, v37;
	v37 =	vmul.f32 v4, v1;
	v1 =	vadd.f32 v9, v5  }
0x1fe: {  	v14 =	vmul.f32 v4, v45;
	v13 =	vadd.f32 v59, v13;
	v59 =	vld [tilespmem:$0x1FC10]  }
0x1ff: {  	v7 =	vadd.f32 v16, v7;
	[tilespmem:$0x1F7B0] =	vst v1;
	v1 =	vld [tilespmem:$0x1FF00]  }
0x200: {  	v16 =	vld [tilespmem:$0x1F8D0];
	v8 =	vadd.f32 v14, v8;
	v48 =	vmul.f32 v2, v41  }
0x201: {  	v7 =	vadd.f32 v47, v7;
	v45 =	vmul.f32 v11, v61  }
0x202: {  	v47 =	vmax.f32 v8, $0.0e+00;
	v8 =	vadd.f32 v48, v28;
	v28 =	vmul.f32 v2, v20  }
0x203: {  	v20 =	vld [tilespmem:$0x1FD10];
	v51 =	vadd.f32 v45, v13;
	v12 =	vmul.f32 v10, v59  }
0x204: {  	v48 =	vld [tilespmem:$0x1FC20];
	v14 =	vadd.f32 v28, v21;
	v5 =	vmul.f32 v47, v1;
	v47 =	vmul.f32 v3, v22  }
0x205: {  	v7 =	vadd.f32 v37, v7;
	v13 =	vmul.f32 v3, v16  }
0x206: {  	v9 =	vadd.f32 v12, v51;
	v51 =	vadd.f32 v47, v14;
	v47 =	vld [tilespmem:$0x1FD20]  }
0x207: {  	v37 =	vmul.f32 v11, v33;
	v8 =	vadd.f32 v13, v8  }
0x208: {  	v7 =	vmax.f32 v7, $0.0e+00;
	v59 =	vmul.f32 v11, v56;
	v56 =	vld [tilespmem:$0x1FC30];
	v45 =	vmul.f32 v6, v20  }
0x209: {  	v7 =	vmul.f32 v7, v40;
	v40 =	vld [tilespmem:$0x1FD30];
	v12 =	vmul.f32 v10, v48;
	v8 =	vadd.f32 v37, v8  }
0x20a: {  	v9 =	vadd.f32 v45, v9;
	v45 =	vld [tilespmem:$0x1F930]  }
0x20b: {  	v5 =	vadd.f32 v5, v63;
	v63 =	vld [tilespmem:$0x1FE20];
	v8 =	vadd.f32 v12, v8;
	v16 =	vmul.f32 v6, v47  }
0x20c: {  	v21 =	vadd.f32 v59, v51;
	v51 =	vld [tilespmem:$0x1F940]  }
0x20d: {  	v22 =	vmul.f32 v10, v56;
	v8 =	vadd.f32 v16, v8;
	v16 =	vld [tilespmem:$0x1FE40];
	_ =	sdelay $0x1  }
0x20e: {  	v5 =	vadd.f32 v5, v7;
	v7 =	vadd.f32 v22, v21;
	v22 =	vld [tilespmem:$0x1FC40];
	v28 =	vmul.f32 v2, v45  }
0x20f: {  	v37 =	vmul.f32 v6, v40  }
0x210: {  	v33 =	vmul.f32 v4, v19;
	v15 =	vmul.f32 v4, v63;
	v12 =	vadd.f32 v28, v51;
	v28 =	vld [tilespmem:$0x1F970]  }
0x211: {  	v7 =	vadd.f32 v37, v7;
	v13 =	vmul.f32 v4, v16  }
0x212: {  	v9 =	vadd.f32 v15, v9;
	v8 =	vadd.f32 v33, v8;
	v33 =	vld [tilespmem:$0x1F980]  }
0x213: {  	v7 =	vadd.f32 v13, v7;
	v13 =	vmul.f32 v10, v22;
	v22 =	vmul.f32 v3, v0;
	v0 =	vld [tilespmem:$0x1F9E0]  }
0x214: {  	v9 =	vmax.f32 v9, $0.0e+00  }
0x215: {  	v9 =	vmul.f32 v9, v42;
	v21 =	vmul.f32 v2, v28  }
0x216: {  	v8 =	vmax.f32 v8, $0.0e+00  }
0x217: {  	v5 =	vadd.f32 v5, v9;
	v8 =	vmul.f32 v8, v50;
	v9 =	vadd.f32 v21, v33;
	v21 =	vld [tilespmem:$0x1F9C0]  }
0x218: {  	v50 =	vmul.f32 v11, v25;
	v25 =	vmul.f32 v11, v0;
	v0 =	vld [tilespmem:$0x1FE50]  }
0x219: {  	v37 =	vld [tilespmem:$0x1F990];
	_ =	sdelay $0x1  }
0x21a: {  	v42 =	vmul.f32 v2, v23;
	_ =	sdelay $0x1  }
0x21b: {  	v5 =	vadd.f32 v5, v8;
	v8 =	vadd.f32 v42, v21;
	v42 =	vmul.f32 v4, v0;
	v0 =	vld [tilespmem:$0x1FD50]  }
0x21c: {  	v14 =	vmul.f32 v3, v37;
	v37 =	vld [tilespmem:$0x1FC50]  }
0x21d: {  	v63 =	vld [tilespmem:$0x1F950]  }
0x21e: {  	v9 =	vadd.f32 v14, v9  }
0x21f: {  	v48 =	vld [tilespmem:$0x1F960]  }
0x220: {  	v9 =	vadd.f32 v50, v9;
	v50 =	vmul.f32 v6, v0;
	v0 =	vld [tilespmem:$0x1FE60]  }
0x221: {  	v23 =	vmul.f32 v10, v37  }
0x222: {  	v59 =	vmul.f32 v3, v63  }
0x223: {  	v33 =	vld [tilespmem:$0x1FD40];
	v9 =	vadd.f32 v23, v9  }
0x224: {  	v19 =	vmul.f32 v11, v48;
	v12 =	vadd.f32 v59, v12  }
0x225: {  	v9 =	vadd.f32 v50, v9;
	v50 =	vmul.f32 v4, v0;
	v0 =	vld [tilespmem:$0x1FD60]  }
0x226: {  	v12 =	vadd.f32 v19, v12;
	_ =	sdelay $0x1  }
0x227: {  	v12 =	vadd.f32 v13, v12;
	v19 =	vmul.f32 v6, v33;
	_ =	sdelay $0x1  }
0x228: {  	v12 =	vadd.f32 v19, v12;
	v19 =	vmul.f32 v10, v18;
	v18 =	vmul.f32 v6, v0;
	v0 =	vld [tilespmem:$0x1FE70];
	_ =	sdelay $0x4  }
0x229: {  	v23 =	vmul.f32 v4, v0;
	v0 =	vld [tilespmem:$0x1FA30]  }
0x22a: {  	v59 =	vld [tilespmem:$0x1FF40];
	_ =	sdelay $0x2  }
0x22b: {  	v7 =	vmax.f32 v7, $0.0e+00;
	v21 =	vld [tilespmem:$0x1F9F0];
	v8 =	vadd.f32 v22, v8  }
0x22c: {  	v9 =	vadd.f32 v50, v9;
	v50 =	vmul.f32 v11, v57;
	v57 =	vmul.f32 v2, v0;
	v0 =	vld [tilespmem:$0x1FC70]  }
0x22d: {  	v7 =	vmul.f32 v7, v59;
	v16 =	vadd.f32 v25, v8  }
0x22e: {  	v12 =	vadd.f32 v42, v12;
	v42 =	vld [tilespmem:$0x1FA00]  }
0x22f: {  	v5 =	vadd.f32 v5, v7;
	v22 =	vld [tilespmem:$0x1FF50];
	v7 =	vadd.f32 v19, v16;
	_ =	sdelay $0x1  }
0x230: {  	v25 =	vmul.f32 v2, v21;
	v7 =	vadd.f32 v18, v7;
	v18 =	vmul.f32 v10, v0;
	v0 =	vld [tilespmem:$0x1FA40];
	_ =	sdelay $0x1  }
0x231: {  	v12 =	vmax.f32 v12, $0.0e+00;
	v13 =	vadd.f32 v25, v42;
	v25 =	vld [tilespmem:$0x1FA10]  }
0x232: {  	v12 =	vmul.f32 v12, v22;
	_ =	sdelay $0x1  }
0x233: {  	v5 =	vadd.f32 v5, v12;
	v12 =	vadd.f32 v57, v0;
	v0 =	vld [tilespmem:$0x1FA90];
	_ =	sdelay $0x1  }
0x234: {  	v19 =	vmul.f32 v3, v25;
	_ =	sdelay $0x1  }
0x235: {  	v13 =	vadd.f32 v19, v13;
	v19 =	vmul.f32 v3, v34  }
0x236: {  	v34 =	vmul.f32 v11, v39;
	v39 =	vmul.f32 v3, v0;
	v0 =	vld [tilespmem:$0x1FC80]  }
0x237: {  	v9 =	vmax.f32 v9, $0.0e+00  }
0x238: {  	v9 =	vmul.f32 v9, v24;
	v24 =	vld [tilespmem:$0x1FD70];
	_ =	sdelay $0x1  }
0x239: {  	v57 =	vld [tilespmem:$0x1FA80]  }
0x23a: {  	v16 =	vadd.f32 v50, v13;
	v50 =	vmul.f32 v10, v0;
	v0 =	vld [tilespmem:$0x1FD80]  }
0x23b: {  	v7 =	vadd.f32 v23, v7  }
0x23c: {  	v23 =	vmul.f32 v2, v35;
	v35 =	vmul.f32 v6, v24;
	v8 =	vadd.f32 v18, v16  }
0x23d: {  	v5 =	vadd.f32 v5, v9  }
0x23e: {  	v8 =	vadd.f32 v35, v8;
	v12 =	vadd.f32 v19, v12  }
0x23f: {  	v19 =	vmul.f32 v4, v62;
	v9 =	vadd.f32 v23, v57;
	v23 =	vmul.f32 v6, v0;
	v0 =	vld [tilespmem:$0x1FF80];
	_ =	sdelay $0x1  }
0x240: {  	v8 =	vadd.f32 v19, v8;
	_ =	sdelay $0x1  }
0x241: {  	v8 =	vmax.f32 v8, $0.0e+00  }
0x242: {  	v8 =	vmul.f32 v8, v0;
	v0 =	vld [tilespmem:$0x1FAE0];
	_ =	sdelay $0x1  }
0x243: {  	v18 =	vmul.f32 v11, v60;
	v60 =	vld [tilespmem:$0x1FC90]  }
0x244: {  	v9 =	vadd.f32 v39, v9  }
0x245: {  	v12 =	vadd.f32 v34, v12  }
0x246: {  	v34 =	vadd.f32 v18, v9;
	v18 =	vmul.f32 v6, v26;
	v26 =	vmul.f32 v11, v0;
	v0 =	vld [tilespmem:$0x1FAF0]  }
0x247: {  	v7 =	vmax.f32 v7, $0.0e+00  }
0x248: {  	v7 =	vmul.f32 v7, v43;
	v35 =	vmul.f32 v10, v60  }
0x249: {  	v12 =	vadd.f32 v50, v12  }
0x24a: {  	v5 =	vadd.f32 v5, v7;
	v7 =	vadd.f32 v35, v34  }
0x24b: {  	v50 =	vmul.f32 v4, v29;
	v12 =	vadd.f32 v23, v12;
	v34 =	vmul.f32 v2, v0;
	v0 =	vld [tilespmem:$0x1FF90];
	_ =	sdelay $0x1  }
0x24c: {  	v12 =	vadd.f32 v50, v12;
	_ =	sdelay $0x1  }
0x24d: {  	v29 =	vmax.f32 v12, $0.0e+00  }
0x24e: {  	v5 =	vadd.f32 v5, v8;
	v8 =	vmul.f32 v29, v0;
	v0 =	vld [tilespmem:$0x1FB00];
	_ =	sdelay $0x4  }
0x24f: {  	v12 =	vadd.f32 v34, v0;
	v0 =	vld [tilespmem:$0x1FB10]  }
0x250: {  	v43 =	vld [tilespmem:$0x1FAB0];
	_ =	sdelay $0x1  }
0x251: {  	v62 =	vld [tilespmem:$0x1FAD0];
	_ =	sdelay $0x1  }
0x252: {  	v16 =	vmul.f32 v3, v0;
	v0 =	vld [tilespmem:$0x1FDA0]  }
0x253: {  	v39 =	vmul.f32 v2, v43;
	_ =	sdelay $0x1  }
0x254: {  	v19 =	vmul.f32 v3, v62;
	v13 =	vadd.f32 v39, v49;
	v49 =	vld [tilespmem:$0x1FEA0]  }
0x255: {  	v39 =	vld [tilespmem:$0x1FCA0]  }
0x256: {  	v13 =	vadd.f32 v19, v13;
	v19 =	vmul.f32 v6, v0;
	v0 =	vld [tilespmem:$0x1FB50];
	_ =	sdelay $0x2  }
0x257: {  	v7 =	vadd.f32 v18, v7;
	v23 =	vmul.f32 v4, v49  }
0x258: {  	v18 =	vmul.f32 v11, v46;
	v50 =	vmul.f32 v10, v39;
	v35 =	vadd.f32 v26, v13  }
0x259: {  	v7 =	vadd.f32 v23, v7;
	v12 =	vadd.f32 v16, v12;
	v23 =	vmul.f32 v3, v0;
	v0 =	vld [tilespmem:$0x1FEB0]  }
0x25a: {  	v9 =	vadd.f32 v50, v35  }
0x25b: {  	v26 =	vmul.f32 v10, v38;
	v12 =	vadd.f32 v18, v12  }
0x25c: {  	v9 =	vadd.f32 v19, v9;
	v19 =	vld [tilespmem:$0x1FB70]  }
0x25d: {  	v12 =	vadd.f32 v26, v12;
	v26 =	vld [tilespmem:$0x1FB80]  }
0x25e: {  	v34 =	vmul.f32 v4, v0;
	v0 =	vld [tilespmem:$0x1FED0];
	_ =	sdelay $0x1  }
0x25f: {  	v17 =	vmul.f32 v2, v17  }
0x260: {  	v35 =	vmul.f32 v2, v19  }
0x261: {  	v5 =	vadd.f32 v5, v8;
	v8 =	vadd.f32 v17, v53  }
0x262: {  	v13 =	vadd.f32 v35, v26;
	v35 =	vmul.f32 v4, v0;
	v0 =	vld [tilespmem:$0x1FCD0]  }
0x263: {  	v29 =	vmul.f32 v11, v36;
	v8 =	vadd.f32 v23, v8;
	_ =	sdelay $0x1  }
0x264: {  	v38 =	vmul.f32 v10, v30;
	v36 =	vmul.f32 v6, v32;
	v8 =	vadd.f32 v29, v8  }
0x265: {  	v58 =	vmul.f32 v6, v58;
	v29 =	vld [tilespmem:$0x1FB90]  }
0x266: {  	v12 =	vadd.f32 v36, v12;
	v8 =	vadd.f32 v38, v8;
	v36 =	vmul.f32 v10, v0;
	v0 =	vld [tilespmem:$0x1FFB0]  }
0x267: {  	v50 =	vld [tilespmem:$0x1FFA0];
	v9 =	vadd.f32 v34, v9  }
0x268: {  	v23 =	vld [tilespmem:$0x1FBD0];
	v8 =	vadd.f32 v58, v8  }
0x269: {  	v34 =	vmax.f32 v9, $0.0e+00;
	v9 =	vld [tilespmem:s5+$0x430]  }
0x26a: {  	v14 =	vadd.f32 v35, v8;
	v8 =	vld [tilespmem:s5+$0x830]  }
0x26b: {  	v46 =	vmul.f32 v3, v29;
	v38 =	vmul.f32 v34, v0;
	v0 =	vld [tilespmem:$0x1FDE0]  }
0x26c: {  	v7 =	vmax.f32 v7, $0.0e+00  }
0x26d: {  	v7 =	vmul.f32 v7, v50;
	v53 =	vmovc v32;
	v32 =	vmul.f32 v11, v23;
	v13 =	vadd.f32 v46, v13;
	v34 =	vld [tilespmem:$0x1FFD0];
	_ =	sdelay $0x1  }
0x26e: {  	v5 =	vadd.f32 v5, v7;
	v13 =	vadd.f32 v32, v13;
	v32 =	vld [tilespmem:$0x1FBA0]  }
0x26f: {  	v30 =	vmul.f32 v4, v44;
	v44 =	vmul.f32 v6, v0;
	v0 =	vld [tilespmem:$0x1FFC0]  }
0x270: {  	v14 =	vmax.f32 v14, $0.0e+00;
	v5 =	vadd.f32 v5, v38;
	v38 =	vld [tilespmem:$0x1FBB0]  }
0x271: {  	v12 =	vadd.f32 v30, v12;
	v14 =	vmul.f32 v14, v34;
	v34 =	vld [tilespmem:$0x1FBC0];
	_ =	sdelay $0x1  }
0x272: {  	v12 =	vmax.f32 v12, $0.0e+00;
	v7 =	vld [tilespmem:s5+$0xC30];
	v13 =	vadd.f32 v36, v13  }
0x273: {  	v35 =	vld [tilespmem:$0x1F800];
	v2 =	vmul.f32 v2, v32;
	v12 =	vmul.f32 v12, v0  }
0x274: {  	v13 =	vadd.f32 v44, v13;
	v0 =	vld [tilespmem:$0x1FEE0]  }
0x275: {  	v30 =	vld [tilespmem:$0x1FBF0];
	v2 =	vadd.f32 v2, v38;
	v44 =	vmul.f32 v3, v34;
	v12 =	vadd.f32 v5, v12  }
0x276: {  	v58 =	vmul.f32 v9, v31;
	v5 =	vld [tilespmem:s5+$0x1030]  }
0x277: {  	v12 =	vadd.f32 v12, v14;
	v14 =	vadd.f32 v44, v2;
	v2 =	vld [tilespmem:$0x1FBE0]  }
0x278: {  	v31 =	vld [tilespmem:$0x1F840];
	v15 =	vadd.f32 v58, v35;
	v36 =	vmul.f32 v8, v52  }
0x279: {  	v52 =	vld [tilespmem:$0x1F830];
	v46 =	vmul.f32 v4, v0  }
0x27a: {  	v15 =	vadd.f32 v36, v15;
	v3 =	vld [tilespmem:s5+$0x1430]  }
0x27b: {  	v13 =	vadd.f32 v46, v13;
	v46 =	vmul.f32 v7, v55;
	v16 =	vmul.f32 v5, v30;
	v30 =	vld [tilespmem:$0x1FE00]  }
0x27c: {  	v11 =	vmul.f32 v11, v2;
	v2 =	vld [tilespmem:s5+$0x1830]  }
0x27d: {  	v38 =	vld [tilespmem:$0x1FCE0];
	v15 =	vadd.f32 v46, v15;
	_ =	sdelay $0x1  }
0x27e: {  	v58 =	vmul.f32 v9, v52;
	v44 =	vmul.f32 v3, v27;
	v15 =	vadd.f32 v16, v15  }
0x27f: {  	v36 =	vmul.f32 v8, v54;
	v11 =	vadd.f32 v11, v14  }
0x280: {  	v35 =	vld [tilespmem:$0x1FFE0];
	v14 =	vadd.f32 v58, v31;
	v55 =	vadd.f32 v44, v15;
	v16 =	vmul.f32 v2, v30  }
0x281: {  	v18 =	vmul.f32 v10, v38;
	v38 =	vld [tilespmem:$0x1FDF0]  }
0x282: {  	v46 =	vadd.f32 v36, v14;
	v36 =	vld [tilespmem:$0x1F860];
	v14 =	vadd.f32 v16, v55  }
0x283: {  	v58 =	vld [tilespmem:$0x1F870]  }
0x284: {  	v31 =	vld [tilespmem:$0x1FC00];
	v14 =	vmax.f32 v14, $0.0e+00  }
0x285: {  	v14 =	vmul.f32 v14, v1;
	v1 =	vld [tilespmem:$0x1FEF0]  }
0x286: {  	v13 =	vmax.f32 v13, $0.0e+00;
	v55 =	vld [tilespmem:$0x1FD00]  }
0x287: {  	v13 =	vmul.f32 v13, v35;
	v44 =	vld [tilespmem:$0x1F890];
	v54 =	vmul.f32 v7, v36  }
0x288: {  	v30 =	vld [tilespmem:$0x1FE10]  }
0x289: {  	v10 =	vadd.f32 v12, v13;
	v13 =	vmul.f32 v5, v31;
	v12 =	vadd.f32 v54, v46;
	v46 =	vld [tilespmem:$0x1F880]  }
0x28a: {  	v4 =	vmul.f32 v4, v1;
	v1 =	vld [tilespmem:$0x1F8C0]  }
0x28b: {  	v54 =	vmul.f32 v3, v55;
	v12 =	vadd.f32 v13, v12  }
0x28c: {  	v6 =	vmul.f32 v6, v38;
	v27 =	vmul.f32 v9, v58  }
0x28d: {  	v38 =	vmul.f32 v9, v41;
	v13 =	vmul.f32 v2, v30;
	v12 =	vadd.f32 v54, v12;
	v54 =	vld [tilespmem:$0x1FC10]  }
0x28e: {  	v11 =	vadd.f32 v18, v11;
	v17 =	vmul.f32 v8, v44;
	v15 =	vadd.f32 v27, v46  }
0x28f: {  	v12 =	vadd.f32 v13, v12;
	v13 =	vadd.f32 v38, v1;
	v1 =	vld [tilespmem:$0x1F8F0]  }
0x290: {  	v27 =	vmul.f32 v7, v61;
	v18 =	vadd.f32 v17, v15  }
0x291: {  	v41 =	vld [tilespmem:$0x1FDB0];
	v6 =	vadd.f32 v6, v11  }
0x292: {  	v44 =	vmul.f32 v3, v20;
	v20 =	vld [tilespmem:$0x1F8D0];
	v11 =	vadd.f32 v27, v18;
	v31 =	vmul.f32 v5, v54  }
0x293: {  	v30 =	vld [tilespmem:$0x1FE20]  }
0x294: {  	v11 =	vadd.f32 v31, v11;
	v31 =	vmul.f32 v9, v1;
	v1 =	vld [tilespmem:$0x1F8E0];
	_ =	sdelay $0x3  }
0x295: {  	v14 =	vadd.f32 v14, v41;
	v61 =	vmul.f32 v8, v20  }
0x296: {  	v27 =	vmul.f32 v2, v30;
	v11 =	vadd.f32 v44, v11;
	v41 =	vmul.f32 v7, v1;
	v1 =	vld [tilespmem:$0x1FF20]  }
0x297: {  	v13 =	vadd.f32 v61, v13;
	v44 =	vld [tilespmem:$0x1F900]  }
0x298: {  	v11 =	vadd.f32 v27, v11  }
0x299: {  	v13 =	vadd.f32 v41, v13;
	v41 =	vld [tilespmem:$0x1FC20]  }
0x29a: {  	v61 =	vld [tilespmem:$0x1F910];
	v11 =	vmax.f32 v11, $0.0e+00  }
0x29b: {  	v11 =	vmul.f32 v11, v1;
	v1 =	vld [tilespmem:$0x1F980]  }
0x29c: {  	v15 =	vadd.f32 v31, v44;
	v31 =	vld [tilespmem:$0x1F920]  }
0x29d: {  	v38 =	vld [tilespmem:$0x1FF10]  }
0x29e: {  	v28 =	vmul.f32 v9, v28;
	v27 =	vmul.f32 v5, v41  }
0x29f: {  	v17 =	vmul.f32 v8, v61  }
0x2a0: {  	v13 =	vadd.f32 v27, v13;
	v27 =	vmul.f32 v3, v40;
	v40 =	vadd.f32 v28, v1;
	v1 =	vld [tilespmem:$0x1F990]  }
0x2a1: {  	v12 =	vmax.f32 v12, $0.0e+00;
	v15 =	vadd.f32 v17, v15;
	v16 =	vmul.f32 v7, v31  }
0x2a2: {  	v12 =	vmul.f32 v12, v38  }
0x2a3: {  	v38 =	vmul.f32 v3, v47;
	v47 =	vmul.f32 v5, v56;
	v44 =	vadd.f32 v16, v15;
	_ =	sdelay $0x1  }
0x2a4: {  	v4 =	vadd.f32 v4, v6;
	v6 =	vadd.f32 v47, v44;
	v44 =	vmul.f32 v8, v1;
	v1 =	vld [tilespmem:$0x1FE40];
	_ =	sdelay $0x3  }
0x2a5: {  	v47 =	vld [tilespmem:$0x1FE30]  }
0x2a6: {  	v61 =	vmul.f32 v9, v45;
	v45 =	vmul.f32 v2, v1;
	v1 =	vld [tilespmem:$0x1F9A0];
	_ =	sdelay $0x1  }
0x2a7: {  	v6 =	vadd.f32 v27, v6;
	v27 =	vld [tilespmem:$0x1FC40]  }
0x2a8: {  	v56 =	vadd.f32 v38, v13;
	v13 =	vadd.f32 v61, v51;
	v38 =	vmul.f32 v8, v63  }
0x2a9: {  	v48 =	vmul.f32 v7, v48;
	v12 =	vadd.f32 v14, v12  }
0x2aa: {  	v31 =	vmul.f32 v2, v47;
	v13 =	vadd.f32 v38, v13;
	v51 =	vmul.f32 v7, v1;
	v1 =	vld [tilespmem:$0x1FF30]  }
0x2ab: {  	v11 =	vadd.f32 v12, v11;
	v28 =	vld [tilespmem:$0x1FD50]  }
0x2ac: {  	v12 =	vadd.f32 v31, v56;
	v13 =	vadd.f32 v48, v13;
	v48 =	vld [tilespmem:$0x1F9B0];
	v56 =	vmul.f32 v5, v27  }
0x2ad: {  	v31 =	vld [tilespmem:$0x1FA20]  }
0x2ae: {  	v14 =	vadd.f32 v44, v40;
	v12 =	vmax.f32 v12, $0.0e+00;
	v13 =	vadd.f32 v56, v13;
	v56 =	vld [tilespmem:$0x1F9D0]  }
0x2af: {  	v63 =	vmul.f32 v3, v33;
	v12 =	vmul.f32 v12, v1;
	v1 =	vld [tilespmem:$0x1FE50]  }
0x2b0: {  	v6 =	vadd.f32 v45, v6;
	v14 =	vadd.f32 v51, v14;
	v51 =	vld [tilespmem:$0x1F9C0]  }
0x2b1: {  	v61 =	vmul.f32 v5, v37;
	v33 =	vmul.f32 v3, v28;
	v13 =	vadd.f32 v63, v13;
	v63 =	vld [tilespmem:$0x1FE60]  }
0x2b2: {  	v37 =	vmul.f32 v9, v48;
	v16 =	vmul.f32 v7, v31;
	v6 =	vmax.f32 v6, $0.0e+00  }
0x2b3: {  	v31 =	vld [tilespmem:$0x1FA70];
	v44 =	vmul.f32 v8, v56;
	v6 =	vmul.f32 v6, v59  }
0x2b4: {  	v59 =	vmul.f32 v9, v21;
	v14 =	vadd.f32 v61, v14;
	v38 =	vmul.f32 v2, v1;
	v1 =	vld [tilespmem:$0x1F9E0]  }
0x2b5: {  	v21 =	vmul.f32 v8, v25;
	v25 =	vld [tilespmem:$0x1FC60];
	v11 =	vadd.f32 v11, v12;
	v12 =	vadd.f32 v37, v51  }
0x2b6: {  	v40 =	vmul.f32 v2, v63;
	v14 =	vadd.f32 v33, v14;
	v37 =	vld [tilespmem:$0x1FF60]  }
0x2b7: {  	v12 =	vadd.f32 v44, v12;
	v44 =	vld [tilespmem:$0x1FD60];
	v45 =	vadd.f32 v38, v13  }
0x2b8: {  	v14 =	vadd.f32 v40, v14;
	v13 =	vadd.f32 v59, v42;
	v42 =	vld [tilespmem:$0x1FC70]  }
0x2b9: {  	v6 =	vadd.f32 v11, v6;
	v11 =	vmax.f32 v45, $0.0e+00;
	v45 =	vld [tilespmem:$0x1FA30];
	v61 =	vmul.f32 v7, v1  }
0x2ba: {  	v15 =	vmul.f32 v5, v25;
	v25 =	vld [tilespmem:$0x1FE70];
	v13 =	vadd.f32 v21, v13  }
0x2bb: {  	v40 =	vld [tilespmem:$0x1FA40];
	v14 =	vmax.f32 v14, $0.0e+00;
	v11 =	vmul.f32 v11, v22;
	v12 =	vadd.f32 v61, v12  }
0x2bc: {  	v33 =	vmul.f32 v14, v37;
	v13 =	vadd.f32 v16, v13;
	v16 =	vmul.f32 v3, v44;
	v44 =	vld [tilespmem:$0x1FA90]  }
0x2bd: {  	v6 =	vadd.f32 v6, v11;
	v61 =	vld [tilespmem:$0x1FA50];
	v12 =	vadd.f32 v15, v12;
	v15 =	vmul.f32 v5, v42  }
0x2be: {  	v38 =	vmul.f32 v9, v45;
	v42 =	vld [tilespmem:$0x1FA60]  }
0x2bf: {  	v22 =	vmul.f32 v3, v24;
	v6 =	vadd.f32 v6, v33;
	v33 =	vld [tilespmem:$0x1FE80];
	v21 =	vadd.f32 v15, v13  }
0x2c0: {  	v14 =	vadd.f32 v38, v40;
	v38 =	vld [tilespmem:$0x1FC80]  }
0x2c1: {  	v11 =	vadd.f32 v22, v21;
	v21 =	vld [tilespmem:$0x1FAA0]  }
0x2c2: {  	v12 =	vadd.f32 v16, v12;
	v16 =	vmul.f32 v2, v25;
	v13 =	vmul.f32 v9, v31;
	v22 =	vld [tilespmem:$0x1FF70]  }
0x2c3: {  	v25 =	vmul.f32 v5, v60;
	v59 =	vmul.f32 v8, v61  }
0x2c4: {  	v60 =	vld [tilespmem:$0x1FF80];
	v12 =	vadd.f32 v16, v12;
	v13 =	vadd.f32 v13, v57;
	v16 =	vmul.f32 v8, v44  }
0x2c5: {  	v14 =	vadd.f32 v59, v14;
	v24 =	vmul.f32 v7, v42;
	v17 =	vmul.f32 v2, v33;
	v59 =	vld [tilespmem:$0x1FD80]  }
0x2c6: {  	v12 =	vmax.f32 v12, $0.0e+00;
	v13 =	vadd.f32 v16, v13;
	v15 =	vmul.f32 v5, v38;
	v38 =	vld [tilespmem:$0x1FAC0]  }
0x2c7: {  	v11 =	vadd.f32 v17, v11;
	v16 =	vmul.f32 v7, v21;
	v12 =	vmul.f32 v12, v22;
	v22 =	vld [tilespmem:$0x1FD90]  }
0x2c8: {  	v18 =	vmul.f32 v5, v39;
	v31 =	vmul.f32 v9, v43;
	v21 =	vld [tilespmem:$0x1FE90]  }
0x2c9: {  	v14 =	vadd.f32 v24, v14;
	v11 =	vmax.f32 v11, $0.0e+00;
	v13 =	vadd.f32 v16, v13  }
0x2ca: {  	v43 =	vmul.f32 v8, v62;
	v11 =	vmul.f32 v11, v60;
	v6 =	vadd.f32 v6, v12  }
0x2cb: {  	v39 =	vld [tilespmem:$0x1FFF0];
	v14 =	vadd.f32 v15, v14;
	v57 =	vmul.f32 v3, v59;
	v13 =	vadd.f32 v25, v13  }
0x2cc: {  	v62 =	vld [tilespmem:$0x1FAE0];
	v6 =	vadd.f32 v6, v11;
	v11 =	vadd.f32 v31, v38;
	v33 =	vmul.f32 v3, v22  }
0x2cd: {  	v14 =	vadd.f32 v57, v14;
	v38 =	vld [tilespmem:$0x1FAF0];
	v24 =	vmul.f32 v2, v21  }
0x2ce: {  	v44 =	vmul.f32 v2, v49;
	v11 =	vadd.f32 v43, v11;
	v43 =	vld [tilespmem:$0x1FB00];
	v13 =	vadd.f32 v33, v13  }
0x2cf: {  	v14 =	vadd.f32 v24, v14;
	v24 =	vld [tilespmem:$0x1FF90]  }
0x2d0: {  	v13 =	vadd.f32 v44, v13;
	v44 =	vld [tilespmem:$0x1FB10];
	_ =	sdelay $0x1  }
0x2d1: {  	v4 =	vmax.f32 v4, $0.0e+00  }
0x2d2: {  	v4 =	vmul.f32 v4, v39;
	v57 =	vmul.f32 v9, v38  }
0x2d3: {  	v49 =	vmul.f32 v7, v62;
	v33 =	vld [tilespmem:$0x1FDA0];
	v14 =	vmax.f32 v14, $0.0e+00;
	v13 =	vmax.f32 v13, $0.0e+00  }
0x2d4: {  	v39 =	vld [tilespmem:$0x1FB20];
	v25 =	vadd.f32 v57, v43;
	v14 =	vmul.f32 v14, v24;
	v31 =	vmul.f32 v8, v44  }
0x2d5: {  	v11 =	vadd.f32 v49, v11;
	v13 =	vmul.f32 v13, v50;
	v50 =	vld [tilespmem:$0x1FB30]  }
0x2d6: {  	v6 =	vadd.f32 v6, v14;
	v14 =	vadd.f32 v31, v25;
	v31 =	vld [tilespmem:$0x1FCB0];
	_ =	sdelay $0x1  }
0x2d7: {  	v11 =	vadd.f32 v18, v11;
	v12 =	vmul.f32 v3, v33  }
0x2d8: {  	v49 =	vmul.f32 v7, v39  }
0x2d9: {  	v33 =	vmul.f32 v9, v19;
	v11 =	vadd.f32 v12, v11;
	v12 =	vmul.f32 v9, v50;
	v50 =	vld [tilespmem:$0x1FB50]  }
0x2da: {  	v6 =	vadd.f32 v6, v13;
	v13 =	vadd.f32 v49, v14;
	v49 =	vld [tilespmem:$0x1FB40];
	v57 =	vmul.f32 v5, v31;
	_ =	sdelay $0x1  }
0x2db: {  	v13 =	vadd.f32 v57, v13;
	v57 =	vadd.f32 v33, v26;
	v33 =	vld [tilespmem:$0x1FB60];
	_ =	sdelay $0x1  }
0x2dc: {  	v26 =	vmul.f32 v8, v29;
	v29 =	vmul.f32 v3, v53;
	v53 =	vld [tilespmem:$0x1FCC0]  }
0x2dd: {  	v17 =	vmul.f32 v8, v50;
	v12 =	vadd.f32 v12, v49  }
0x2de: {  	v14 =	vadd.f32 v26, v57;
	v57 =	vld [tilespmem:$0x1FEC0]  }
0x2df: {  	v12 =	vadd.f32 v17, v12;
	v17 =	vmul.f32 v7, v33;
	_ =	sdelay $0x1  }
0x2e0: {  	v50 =	vmul.f32 v5, v53;
	v12 =	vadd.f32 v17, v12  }
0x2e1: {  	v13 =	vadd.f32 v29, v13  }
0x2e2: {  	v17 =	vmul.f32 v2, v57;
	v12 =	vadd.f32 v50, v12;
	v50 =	vmul.f32 v2, v0;
	v0 =	vld [tilespmem:$0x1FFC0];
	_ =	sdelay $0x1  }
0x2e3: {  	v17 =	vadd.f32 v17, v13  }
0x2e4: {  	v25 =	vld [tilespmem:$0x1FEB0]  }
0x2e5: {  	v29 =	vld [tilespmem:$0x1FDE0];
	v17 =	vmax.f32 v17, $0.0e+00  }
0x2e6: {  	v49 =	vmul.f32 v7, v23;
	v23 =	vld [tilespmem:$0x1FCD0];
	v17 =	vmul.f32 v17, v0;
	v0 =	vadd.f32 v10, v4  }
0x2e7: {  	v26 =	vld [tilespmem:$0x1FDD0]  }
0x2e8: {  	[tilespmem:$0x1F7D0] =	vst v0;
	v0 =	vld [tilespmem:$0x1FBB0]  }
0x2e9: {  	v14 =	vadd.f32 v49, v14;
	v49 =	vld [tilespmem:$0x1FED0]  }
0x2ea: {  	v16 =	vmul.f32 v2, v25;
	v33 =	vmul.f32 v3, v29;
	v29 =	vld [tilespmem:$0x1F7F0]  }
0x2eb: {  	v9 =	vmul.f32 v9, v32;
	v13 =	vld [tilespmem:s5+$0x440]  }
0x2ec: {  	v11 =	vadd.f32 v16, v11;
	v16 =	vmul.f32 v3, v26;
	v57 =	vld [tilespmem:$0x1FFB0]  }
0x2ed: {  	v15 =	vmul.f32 v5, v23;
	v32 =	vadd.f32 v9, v0;
	v0 =	vld [tilespmem:$0x1F800]  }
0x2ee: {  	v12 =	vadd.f32 v16, v12;
	v16 =	vmul.f32 v2, v49  }
0x2ef: {  	v14 =	vadd.f32 v15, v14  }
0x2f0: {  	v11 =	vmax.f32 v11, $0.0e+00;
	v49 =	vld [tilespmem:$0x1FFD0];
	v12 =	vadd.f32 v16, v12;
	v23 =	vmul.f32 v13, v29  }
0x2f1: {  	v15 =	vadd.f32 v33, v14;
	v14 =	vld [tilespmem:s5+$0x840];
	v11 =	vmul.f32 v11, v57  }
0x2f2: {  	v19 =	vmax.f32 v12, $0.0e+00;
	v12 =	vadd.f32 v23, v0;
	v0 =	vld [tilespmem:$0x1F810]  }
0x2f3: {  	v6 =	vadd.f32 v6, v11;
	_ =	sdelay $0x1  }
0x2f4: {  	v6 =	vadd.f32 v6, v17;
	v26 =	vmul.f32 v19, v49;
	_ =	sdelay $0x1  }
0x2f5: {  	v18 =	vadd.f32 v50, v15;
	v50 =	vmul.f32 v14, v0;
	v0 =	vadd.f32 v6, v26  }
0x2f6: {  	v11 =	vld [tilespmem:s5+$0xC40]  }
0x2f7: {  	[tilespmem:$0x1F740] =	vst v0;
	v0 =	vld [tilespmem:$0x1F820];
	_ =	sdelay $0x4  }
0x2f8: {  	v26 =	vmul.f32 v11, v0;
	v0 =	vld [tilespmem:$0x1F840];
	_ =	sdelay $0x2  }
0x2f9: {  	v33 =	vmul.f32 v8, v34;
	v52 =	vmul.f32 v13, v52;
	_ =	sdelay $0x1  }
0x2fa: {  	v23 =	vadd.f32 v33, v32;
	v32 =	vadd.f32 v52, v0;
	v0 =	vld [tilespmem:$0x1F850];
	_ =	sdelay $0x3  }
0x2fb: {  	v6 =	vld [tilespmem:s5+$0x1440]  }
0x2fc: {  	v9 =	vmov v34;
	v34 =	vmul.f32 v14, v0;
	v0 =	vld [tilespmem:$0x1FCF0];
	_ =	sdelay $0x2  }
0x2fd: {  	v12 =	vadd.f32 v50, v12;
	v50 =	vmul.f32 v13, v58  }
0x2fe: {  	v10 =	vld [tilespmem:s5+$0x1040]  }
0x2ff: {  	v12 =	vadd.f32 v26, v12;
	v26 =	vadd.f32 v50, v46;
	v46 =	vmul.f32 v6, v0;
	v0 =	vld [tilespmem:$0x1FC00]  }
0x300: {  	v33 =	vld [tilespmem:$0x1FBE0];
	_ =	sdelay $0x3  }
0x301: {  	v50 =	vmul.f32 v10, v0;
	v0 =	vld [tilespmem:$0x1F8A0]  }
0x302: {  	v7 =	vmul.f32 v7, v33;
	_ =	sdelay $0x1  }
0x303: {  	v7 =	vadd.f32 v7, v23;
	v23 =	vmul.f32 v11, v36;
	v58 =	vadd.f32 v34, v32;
	_ =	sdelay $0x1  }
0x304: {  	v15 =	vadd.f32 v23, v58;
	v58 =	vmul.f32 v11, v0;
	v0 =	vld [tilespmem:$0x1F8B0]  }
0x305: {  	v52 =	vld [tilespmem:$0x1FBF0];
	_ =	sdelay $0x1  }
0x306: {  	v32 =	vld [tilespmem:$0x1F890];
	_ =	sdelay $0x1  }
0x307: {  	v4 =	vmax.f32 v18, $0.0e+00;
	v15 =	vadd.f32 v50, v15;
	v50 =	vmul.f32 v13, v0;
	v0 =	vld [tilespmem:$0x1FD10]  }
0x308: {  	v8 =	vmul.f32 v4, v35;
	v35 =	vmul.f32 v10, v52;
	_ =	sdelay $0x1  }
0x309: {  	v12 =	vadd.f32 v35, v12;
	v35 =	vmul.f32 v14, v32  }
0x30a: {  	v4 =	vld [tilespmem:s5+$0x1840]  }
0x30b: {  	v16 =	vadd.f32 v35, v26;
	v35 =	vmul.f32 v10, v54;
	v54 =	vmul.f32 v6, v0;
	v0 =	vld [tilespmem:$0x1FE10];
	_ =	sdelay $0x2  }
0x30c: {  	v34 =	vld [tilespmem:$0x1FE00];
	_ =	sdelay $0x1  }
0x30d: {  	v26 =	vmul.f32 v6, v55;
	v55 =	vmul.f32 v4, v0;
	v0 =	vld [tilespmem:$0x1F8C0]  }
0x30e: {  	v36 =	vld [tilespmem:$0x1FCE0];
	_ =	sdelay $0x1  }
0x30f: {  	v12 =	vadd.f32 v46, v12;
	v23 =	vmul.f32 v4, v34;
	_ =	sdelay $0x1  }
0x310: {  	v46 =	vadd.f32 v23, v12;
	v12 =	vadd.f32 v50, v0;
	v0 =	vld [tilespmem:$0x1F8E0]  }
0x311: {  	v5 =	vmul.f32 v5, v36;
	_ =	sdelay $0x1  }
0x312: {  	v5 =	vadd.f32 v5, v7;
	v7 =	vmax.f32 v46, $0.0e+00;
	v46 =	vld [tilespmem:$0x1FF00];
	_ =	sdelay $0x1  }
0x313: {  	v15 =	vadd.f32 v26, v15;
	v26 =	vmul.f32 v11, v0;
	v0 =	vld [tilespmem:$0x1FDB0];
	_ =	sdelay $0x2  }
0x314: {  	v7 =	vmul.f32 v7, v46;
	_ =	sdelay $0x1  }
0x315: {  	v7 =	vadd.f32 v7, v0;
	v0 =	vld [tilespmem:$0x1FF10];
	_ =	sdelay $0x1  }
0x316: {  	v15 =	vadd.f32 v55, v15;
	_ =	sdelay $0x1  }
0x317: {  	v15 =	vmax.f32 v15, $0.0e+00  }
0x318: {  	v15 =	vmul.f32 v15, v0;
	v0 =	vld [tilespmem:$0x1FD20];
	_ =	sdelay $0x2  }
0x319: {  	v16 =	vadd.f32 v58, v16;
	_ =	sdelay $0x1  }
0x31a: {  	v16 =	vadd.f32 v35, v16;
	v35 =	vmul.f32 v10, v41;
	v41 =	vmul.f32 v6, v0;
	v0 =	vld [tilespmem:$0x1F8F0];
	_ =	sdelay $0x4  }
0x31b: {  	v23 =	vmul.f32 v4, v30;
	v16 =	vadd.f32 v54, v16;
	v50 =	vmul.f32 v13, v0;
	v0 =	vld [tilespmem:$0x1FF20];
	_ =	sdelay $0x1  }
0x31c: {  	v16 =	vadd.f32 v23, v16  }
0x31d: {  	v58 =	vmul.f32 v14, v20  }
0x31e: {  	v16 =	vmax.f32 v16, $0.0e+00  }
0x31f: {  	v12 =	vadd.f32 v58, v12;
	v58 =	vmul.f32 v16, v0;
	v0 =	vld [tilespmem:$0x1F900];
	_ =	sdelay $0x4  }
0x320: {  	v12 =	vadd.f32 v26, v12;
	v26 =	vadd.f32 v50, v0;
	v0 =	vld [tilespmem:$0x1F910];
	_ =	sdelay $0x2  }
0x321: {  	v54 =	vld [tilespmem:$0x1F930];
	_ =	sdelay $0x1  }
0x322: {  	v12 =	vadd.f32 v35, v12;
	v35 =	vmul.f32 v14, v0;
	v0 =	vld [tilespmem:$0x1F940];
	_ =	sdelay $0x2  }
0x323: {  	v23 =	vmul.f32 v13, v54;
	_ =	sdelay $0x1  }
0x324: {  	v16 =	vadd.f32 v23, v0;
	v0 =	vld [tilespmem:$0x1F950];
	_ =	sdelay $0x4  }
0x325: {  	v12 =	vadd.f32 v41, v12;
	v41 =	vmul.f32 v4, v47;
	v47 =	vmul.f32 v14, v0;
	v0 =	vld [tilespmem:$0x1F920];
	_ =	sdelay $0x4  }
0x326: {  	v55 =	vmul.f32 v11, v0;
	v0 =	vld [tilespmem:$0x1F960];
	_ =	sdelay $0x2  }
0x327: {  	v7 =	vadd.f32 v7, v15;
	_ =	sdelay $0x1  }
0x328: {  	v7 =	vadd.f32 v7, v58;
	v58 =	vmul.f32 v11, v0;
	v0 =	vld [tilespmem:$0x1FC30];
	_ =	sdelay $0x4  }
0x329: {  	v23 =	vmul.f32 v10, v0;
	v0 =	vld [tilespmem:$0x1F970];
	_ =	sdelay $0x4  }
0x32a: {  	v50 =	vadd.f32 v35, v26;
	v26 =	vmul.f32 v13, v0;
	v0 =	vld [tilespmem:$0x1F980];
	_ =	sdelay $0x4  }
0x32b: {  	v35 =	vadd.f32 v26, v0;
	v0 =	vld [tilespmem:$0x1F990];
	_ =	sdelay $0x4  }
0x32c: {  	v12 =	vadd.f32 v41, v12;
	v41 =	vmul.f32 v14, v0;
	v0 =	vld [tilespmem:$0x1FD30];
	_ =	sdelay $0x4  }
0x32d: {  	v16 =	vadd.f32 v47, v16;
	v47 =	vmul.f32 v6, v0;
	v0 =	vld [tilespmem:$0x1FD40];
	_ =	sdelay $0x4  }
0x32e: {  	v15 =	vadd.f32 v55, v50;
	v50 =	vmul.f32 v6, v0;
	v0 =	vld [tilespmem:$0x1F9A0];
	_ =	sdelay $0x4  }
0x32f: {  	v55 =	vmul.f32 v11, v0;
	v0 =	vld [tilespmem:$0x1FE40];
	_ =	sdelay $0x4  }
0x330: {  	v16 =	vadd.f32 v58, v16;
	v58 =	vmul.f32 v4, v0;
	v0 =	vld [tilespmem:$0x1FE50];
	_ =	sdelay $0x4  }
0x331: {  	v15 =	vadd.f32 v23, v15;
	v23 =	vmul.f32 v4, v0;
	v0 =	vld [tilespmem:$0x1FC50]  }
0x332: {  	v27 =	vmul.f32 v10, v27;
	_ =	sdelay $0x1  }
0x333: {  	v16 =	vadd.f32 v27, v16;
	v27 =	vld [tilespmem:$0x1FF30];
	_ =	sdelay $0x1  }
0x334: {  	v26 =	vmul.f32 v10, v0;
	v0 =	vld [tilespmem:$0x1F9F0]  }
0x335: {  	v17 =	vadd.f32 v41, v35;
	v41 =	vmul.f32 v13, v48;
	v15 =	vadd.f32 v47, v15  }
0x336: {  	v12 =	vmax.f32 v12, $0.0e+00  }
0x337: {  	v12 =	vmul.f32 v12, v27;
	v35 =	vadd.f32 v58, v15;
	v15 =	vadd.f32 v41, v51;
	v51 =	vld [tilespmem:$0x1FF40];
	_ =	sdelay $0x1  }
0x338: {  	v7 =	vadd.f32 v7, v12;
	v12 =	vmax.f32 v35, $0.0e+00;
	v35 =	vmul.f32 v13, v0;
	v0 =	vld [tilespmem:$0x1FA00];
	_ =	sdelay $0x2  }
0x339: {  	v12 =	vmul.f32 v12, v51  }
0x33a: {  	v17 =	vadd.f32 v55, v17;
	v55 =	vmul.f32 v14, v56  }
0x33b: {  	v56 =	vmul.f32 v4, v63;
	v63 =	vadd.f32 v7, v12;
	v7 =	vadd.f32 v35, v0;
	v0 =	vld [tilespmem:$0x1FA10];
	_ =	sdelay $0x4  }
0x33c: {  	v16 =	vadd.f32 v50, v16;
	v50 =	vmul.f32 v14, v0;
	v0 =	vld [tilespmem:$0x1FA20]  }
0x33d: {  	v47 =	vmul.f32 v6, v28;
	v17 =	vadd.f32 v26, v17  }
0x33e: {  	v58 =	vmul.f32 v11, v1;
	v15 =	vadd.f32 v55, v15  }
0x33f: {  	v17 =	vadd.f32 v47, v17  }
0x340: {  	v15 =	vadd.f32 v58, v15;
	v58 =	vld [tilespmem:$0x1FC60]  }
0x341: {  	v16 =	vadd.f32 v23, v16;
	v23 =	vadd.f32 v56, v17;
	v56 =	vmul.f32 v11, v0;
	v0 =	vld [tilespmem:$0x1FC70];
	_ =	sdelay $0x3  }
0x342: {  	v41 =	vld [tilespmem:$0x1FF50];
	v28 =	vmul.f32 v10, v58;
	v12 =	vmax.f32 v23, $0.0e+00  }
0x343: {  	v12 =	vmul.f32 v12, v37;
	v37 =	vmul.f32 v10, v0;
	v0 =	vld [tilespmem:$0x1FC80];
	_ =	sdelay $0x1  }
0x344: {  	v15 =	vadd.f32 v28, v15;
	v28 =	vld [tilespmem:$0x1FD60]  }
0x345: {  	v47 =	vmul.f32 v13, v45;
	v35 =	vmul.f32 v11, v42;
	v42 =	vld [tilespmem:$0x1FA70]  }
0x346: {  	v16 =	vmax.f32 v16, $0.0e+00  }
0x347: {  	v20 =	vmul.f32 v16, v41;
	v16 =	vadd.f32 v47, v40;
	v47 =	vmul.f32 v10, v0;
	v0 =	vld [tilespmem:$0x1FA80];
	_ =	sdelay $0x2  }
0x348: {  	v48 =	vmul.f32 v6, v28;
	v45 =	vmul.f32 v13, v42;
	_ =	sdelay $0x1  }
0x349: {  	v15 =	vadd.f32 v48, v15;
	v48 =	vadd.f32 v45, v0;
	v0 =	vld [tilespmem:$0x1FA90];
	_ =	sdelay $0x4  }
0x34a: {  	v7 =	vadd.f32 v50, v7;
	v50 =	vmul.f32 v14, v0;
	v0 =	vld [tilespmem:$0x1FD70]  }
0x34b: {  	v30 =	vld [tilespmem:$0x1FDF0];
	_ =	sdelay $0x1  }
0x34c: {  	v55 =	vmul.f32 v14, v61;
	_ =	sdelay $0x1  }
0x34d: {  	v16 =	vadd.f32 v55, v16;
	v55 =	vmul.f32 v6, v0;
	v0 =	vld [tilespmem:$0x1FAA0]  }
0x34e: {  	v3 =	vmul.f32 v3, v30  }
0x34f: {  	v1 =	vld [tilespmem:$0x1FC90]  }
0x350: {  	v3 =	vadd.f32 v3, v5;
	v5 =	vadd.f32 v63, v20;
	v63 =	vld [tilespmem:$0x1FE70]  }
0x351: {  	v16 =	vadd.f32 v35, v16;
	v7 =	vadd.f32 v56, v7  }
0x352: {  	v56 =	vmul.f32 v6, v59;
	v17 =	vadd.f32 v50, v48;
	v59 =	vmul.f32 v11, v0;
	v0 =	vld [tilespmem:$0x1FE80]  }
0x353: {  	v26 =	vld [tilespmem:$0x1FEF0];
	v20 =	vmul.f32 v13, v38;
	v7 =	vadd.f32 v37, v7  }
0x354: {  	v37 =	vmul.f32 v10, v1;
	v1 =	vld [tilespmem:$0x1FAB0];
	v16 =	vadd.f32 v47, v16;
	v17 =	vadd.f32 v59, v17  }
0x355: {  	v61 =	vmul.f32 v4, v63;
	v35 =	vmul.f32 v4, v21;
	v7 =	vadd.f32 v55, v7;
	v55 =	vld [tilespmem:$0x1FF70]  }
0x356: {  	v16 =	vadd.f32 v56, v16;
	v56 =	vld [tilespmem:$0x1FEA0];
	v48 =	vmul.f32 v6, v22;
	v47 =	vadd.f32 v37, v17  }
0x357: {  	v23 =	vmul.f32 v14, v44;
	v15 =	vadd.f32 v61, v15;
	v59 =	vld [tilespmem:$0x1FAC0];
	v61 =	vmul.f32 v4, v0  }
0x358: {  	v21 =	vmul.f32 v11, v62;
	v45 =	vadd.f32 v35, v16;
	v16 =	vadd.f32 v48, v47;
	v47 =	vld [tilespmem:$0x1FAD0]  }
0x359: {  	v44 =	vld [tilespmem:$0x1FB50];
	v15 =	vmax.f32 v15, $0.0e+00;
	v35 =	vmul.f32 v11, v39;
	v7 =	vadd.f32 v61, v7  }
0x35a: {  	v38 =	vmovc v62;
	v5 =	vadd.f32 v5, v12;
	v62 =	vld [tilespmem:$0x1FFA0];
	v50 =	vmul.f32 v13, v1;
	v40 =	vmul.f32 v15, v55  }
0x35b: {  	v39 =	vld [tilespmem:$0x1FB30];
	v22 =	vadd.f32 v20, v43;
	v15 =	vmax.f32 v45, $0.0e+00;
	v7 =	vmax.f32 v7, $0.0e+00  }
0x35c: {  	v45 =	vld [tilespmem:$0x1FDC0];
	v5 =	vadd.f32 v5, v40;
	v17 =	vmul.f32 v4, v56;
	v7 =	vmul.f32 v7, v60  }
0x35d: {  	v56 =	vmul.f32 v4, v25;
	v25 =	vld [tilespmem:$0x1FB90];
	v12 =	vadd.f32 v50, v59;
	v60 =	vmul.f32 v14, v47  }
0x35e: {  	v50 =	vld [tilespmem:$0x1FCA0];
	v5 =	vadd.f32 v5, v7;
	v7 =	vadd.f32 v23, v22  }
0x35f: {  	v23 =	vld [tilespmem:$0x1FB70];
	v12 =	vadd.f32 v60, v12  }
0x360: {  	v2 =	vmul.f32 v2, v26;
	v16 =	vadd.f32 v17, v16;
	v7 =	vadd.f32 v35, v7;
	v35 =	vld [tilespmem:$0x1FEC0]  }
0x361: {  	v61 =	vmul.f32 v15, v24;
	v12 =	vadd.f32 v21, v12;
	v21 =	vld [tilespmem:$0x1FB80]  }
0x362: {  	v2 =	vadd.f32 v2, v3;
	v43 =	vld [tilespmem:$0x1FB40];
	v40 =	vmul.f32 v10, v31;
	v16 =	vmax.f32 v16, $0.0e+00  }
0x363: {  	v18 =	vmul.f32 v13, v39;
	v16 =	vmul.f32 v16, v62;
	v5 =	vadd.f32 v5, v61;
	v61 =	vld [tilespmem:$0x1FDA0]  }
0x364: {  	v15 =	vmul.f32 v6, v45;
	v59 =	vld [tilespmem:$0x1FB60];
	v7 =	vadd.f32 v40, v7;
	v48 =	vmul.f32 v13, v23  }
0x365: {  	v3 =	vld [tilespmem:$0x1FFC0];
	v31 =	vmul.f32 v14, v25;
	v24 =	vmul.f32 v10, v50;
	v5 =	vadd.f32 v5, v16  }
0x366: {  	v7 =	vadd.f32 v15, v7;
	v20 =	vmul.f32 v4, v35;
	v35 =	vld [tilespmem:$0x1FBD0];
	v60 =	vadd.f32 v48, v21  }
0x367: {  	v17 =	vmul.f32 v14, v44;
	v16 =	vadd.f32 v18, v43;
	v40 =	vld [tilespmem:$0x1FDD0];
	v12 =	vadd.f32 v24, v12  }
0x368: {  	v37 =	vmul.f32 v6, v61;
	v7 =	vadd.f32 v20, v7;
	v15 =	vadd.f32 v31, v60;
	v60 =	vld [tilespmem:$0x1FCD0]  }
0x369: {  	v19 =	vld [tilespmem:$0x1FDE0];
	v16 =	vadd.f32 v17, v16;
	v17 =	vmul.f32 v11, v59  }
0x36a: {  	v44 =	vld [tilespmem:$0x1FED0];
	v12 =	vadd.f32 v37, v12;
	v37 =	vmul.f32 v10, v53;
	v7 =	vmax.f32 v7, $0.0e+00  }
0x36b: {  	v16 =	vadd.f32 v17, v16;
	v39 =	vmul.f32 v11, v35;
	v7 =	vmul.f32 v7, v3;
	v3 =	vld [tilespmem:$0x1F740]  }
0x36c: {  	v17 =	vmul.f32 v6, v40;
	v20 =	vld [tilespmem:$0x1FEE0];
	v12 =	vadd.f32 v56, v12  }
0x36d: {  	v16 =	vadd.f32 v37, v16;
	v15 =	vadd.f32 v39, v15;
	v43 =	vmul.f32 v10, v60  }
0x36e: {  	v45 =	vmul.f32 v6, v19;
	v12 =	vmax.f32 v12, $0.0e+00  }
0x36f: {  	v24 =	vld [tilespmem:$0x1FFF0];
	v16 =	vadd.f32 v17, v16;
	v17 =	vmul.f32 v4, v44;
	v15 =	vadd.f32 v43, v15  }
0x370: {  	v12 =	vmul.f32 v12, v57;
	v53 =	vadd.f32 v3, v8;
	v3 =	vld [tilespmem:$0x1FBA0]  }
0x371: {  	v31 =	vld [tilespmem:$0x1FFE0];
	v48 =	vmul.f32 v4, v20;
	v16 =	vadd.f32 v17, v16;
	v15 =	vadd.f32 v45, v15  }
0x372: {  	v5 =	vadd.f32 v5, v12  }
0x373: {  	v2 =	vmax.f32 v2, $0.0e+00;
	v57 =	vmax.f32 v16, $0.0e+00;
	v59 =	vadd.f32 v48, v15  }
0x374: {  	v2 =	vmul.f32 v2, v24;
	v5 =	vadd.f32 v5, v7;
	v7 =	vmul.f32 v57, v49  }
0x375: {  	v56 =	vmul.f32 v13, v3;
	v13 =	vmax.f32 v59, $0.0e+00  }
0x376: {  	v2 =	vadd.f32 v53, v2;
	v5 =	vadd.f32 v5, v7;
	v7 =	vmul.f32 v13, v31;
	_ =	sdelay $0x1  }
0x377: {  	[tilespmem:$0x1F7E0] =	vst v2;
	v2 =	vadd.f32 v5, v7  }
0x378: {  	v12 =	vld [tilespmem:s5+$0x450]  }
0x379: {  	[tilespmem:$0x1F770] =	vst v2;
	v2 =	vld [tilespmem:$0x1F830];
	_ =	sdelay $0x3  }
0x37a: {  	v14 =	vmul.f32 v14, v9;
	v9 =	vld [tilespmem:s5+$0xC50]  }
0x37b: {  	v45 =	vmul.f32 v12, v2;
	v2 =	vld [tilespmem:$0x1F820];
	_ =	sdelay $0x2  }
0x37c: {  	v22 =	vld [tilespmem:$0x1FBB0]  }
0x37d: {  	v3 =	vld [tilespmem:s5+$0x850]  }
0x37e: {  	v49 =	vmul.f32 v9, v2;
	v2 =	vld [tilespmem:$0x1F850];
	_ =	sdelay $0x4  }
0x37f: {  	v8 =	vadd.f32 v56, v22;
	v56 =	vmul.f32 v3, v2;
	v2 =	vld [tilespmem:$0x1F870];
	_ =	sdelay $0x4  }
0x380: {  	v59 =	vmul.f32 v12, v2;
	v2 =	vld [tilespmem:$0x1F860];
	_ =	sdelay $0x2  }
0x381: {  	v40 =	vld [tilespmem:$0x1F800];
	_ =	sdelay $0x1  }
0x382: {  	v24 =	vmul.f32 v9, v2;
	v2 =	vld [tilespmem:$0x1F880]  }
0x383: {  	v29 =	vmul.f32 v12, v29;
	_ =	sdelay $0x1  }
0x384: {  	v43 =	vadd.f32 v29, v40;
	v29 =	vld [tilespmem:$0x1F810]  }
0x385: {  	v7 =	vld [tilespmem:s5+$0x1450]  }
0x386: {  	v31 =	vadd.f32 v59, v2;
	v2 =	vld [tilespmem:$0x1FCF0];
	_ =	sdelay $0x2  }
0x387: {  	v44 =	vmul.f32 v3, v29;
	_ =	sdelay $0x1  }
0x388: {  	v48 =	vadd.f32 v44, v43;
	v43 =	vmul.f32 v7, v2;
	v2 =	vld [tilespmem:$0x1FD00];
	_ =	sdelay $0x3  }
0x389: {  	v37 =	vadd.f32 v14, v8;
	v8 =	vld [tilespmem:s5+$0x1050]  }
0x38a: {  	v13 =	vadd.f32 v49, v48;
	v49 =	vmul.f32 v7, v2;
	v2 =	vld [tilespmem:$0x1FC10];
	_ =	sdelay $0x3  }
0x38b: {  	v11 =	vmul.f32 v11, v33  }
0x38c: {  	v57 =	vmul.f32 v8, v52;
	v52 =	vmul.f32 v8, v2;
	v2 =	vld [tilespmem:$0x1F8B0]  }
0x38d: {  	v11 =	vadd.f32 v11, v37;
	v37 =	vld [tilespmem:$0x1F840];
	_ =	sdelay $0x3  }
0x38e: {  	v59 =	vmul.f32 v12, v2;
	v2 =	vld [tilespmem:$0x1FD10]  }
0x38f: {  	v53 =	vadd.f32 v45, v37;
	_ =	sdelay $0x1  }
0x390: {  	v10 =	vmul.f32 v10, v36;
	v22 =	vadd.f32 v56, v53  }
0x391: {  	v5 =	vld [tilespmem:s5+$0x1850]  }
0x392: {  	v10 =	vadd.f32 v10, v11;
	v11 =	vadd.f32 v24, v22;
	v22 =	vmul.f32 v7, v2;
	v2 =	vld [tilespmem:$0x1FE10];
	_ =	sdelay $0x4  }
0x393: {  	v24 =	vmul.f32 v5, v2;
	v2 =	vld [tilespmem:$0x1FE20];
	_ =	sdelay $0x2  }
0x394: {  	v33 =	vmul.f32 v3, v32;
	_ =	sdelay $0x1  }
0x395: {  	v14 =	vadd.f32 v33, v31;
	v31 =	vmul.f32 v5, v2;
	v2 =	vld [tilespmem:$0x1FC20];
	_ =	sdelay $0x3  }
0x396: {  	v56 =	vld [tilespmem:$0x1F8A0]  }
0x397: {  	v33 =	vmul.f32 v8, v2;
	v2 =	vld [tilespmem:$0x1FD20];
	_ =	sdelay $0x3  }
0x398: {  	v45 =	vmul.f32 v9, v56  }
0x399: {  	v39 =	vmul.f32 v7, v2;
	v2 =	vld [tilespmem:$0x1F8F0]  }
0x39a: {  	v14 =	vadd.f32 v45, v14;
	_ =	sdelay $0x1  }
0x39b: {  	v36 =	vld [tilespmem:$0x1FC00];
	v13 =	vadd.f32 v57, v13;
	v14 =	vadd.f32 v52, v14  }
0x39c: {  	v52 =	vld [tilespmem:$0x1FF20]  }
0x39d: {  	v13 =	vadd.f32 v43, v13;
	v14 =	vadd.f32 v22, v14;
	v43 =	vmul.f32 v12, v2;
	v2 =	vld [tilespmem:$0x1F940];
	_ =	sdelay $0x1  }
0x39e: {  	v48 =	vmul.f32 v5, v34;
	v14 =	vadd.f32 v31, v14  }
0x39f: {  	v44 =	vmul.f32 v8, v36;
	v57 =	vld [tilespmem:$0x1F8D0];
	v45 =	vmul.f32 v12, v54  }
0x3a0: {  	v53 =	vadd.f32 v48, v13;
	v48 =	vld [tilespmem:$0x1F8C0];
	v14 =	vmax.f32 v14, $0.0e+00  }
0x3a1: {  	v11 =	vadd.f32 v44, v11;
	v44 =	vmul.f32 v14, v52;
	v14 =	vadd.f32 v45, v2;
	v2 =	vld [tilespmem:$0x1F950]  }
0x3a2: {  	v34 =	vld [tilespmem:$0x1F8E0];
	_ =	sdelay $0x2  }
0x3a3: {  	v6 =	vmul.f32 v6, v30;
	v30 =	vmul.f32 v3, v57;
	v13 =	vadd.f32 v59, v48  }
0x3a4: {  	v22 =	vmul.f32 v3, v2;
	v2 =	vld [tilespmem:$0x1F960]  }
0x3a5: {  	v32 =	vmul.f32 v9, v34;
	v13 =	vadd.f32 v30, v13;
	_ =	sdelay $0x1  }
0x3a6: {  	v13 =	vadd.f32 v32, v13;
	_ =	sdelay $0x1  }
0x3a7: {  	v13 =	vadd.f32 v33, v13;
	v33 =	vmul.f32 v9, v2;
	v2 =	vld [tilespmem:$0x1FC30];
	_ =	sdelay $0x2  }
0x3a8: {  	v6 =	vadd.f32 v6, v10;
	v10 =	vmax.f32 v53, $0.0e+00;
	v53 =	vld [tilespmem:$0x1F900]  }
0x3a9: {  	v30 =	vld [tilespmem:$0x1FDB0]  }
0x3aa: {  	v13 =	vadd.f32 v39, v13;
	v39 =	vmul.f32 v8, v2;
	v2 =	vld [tilespmem:$0x1F970]  }
0x3ab: {  	v11 =	vadd.f32 v49, v11;
	v31 =	vld [tilespmem:$0x1FF10];
	_ =	sdelay $0x1  }
0x3ac: {  	v11 =	vadd.f32 v24, v11  }
0x3ad: {  	v10 =	vmul.f32 v10, v46  }
0x3ae: {  	v11 =	vmax.f32 v11, $0.0e+00;
	v46 =	vadd.f32 v43, v53;
	v43 =	vmul.f32 v12, v2;
	v2 =	vld [tilespmem:$0x1FC40]  }
0x3af: {  	v10 =	vadd.f32 v10, v30;
	v11 =	vmul.f32 v11, v31;
	_ =	sdelay $0x1  }
0x3b0: {  	v59 =	vld [tilespmem:$0x1F910];
	v10 =	vadd.f32 v10, v11;
	_ =	sdelay $0x1  }
0x3b1: {  	v10 =	vadd.f32 v10, v44;
	v44 =	vmul.f32 v8, v2;
	v2 =	vld [tilespmem:$0x1F980];
	_ =	sdelay $0x2  }
0x3b2: {  	v49 =	vmul.f32 v3, v59;
	_ =	sdelay $0x1  }
0x3b3: {  	v24 =	vadd.f32 v49, v46;
	v46 =	vadd.f32 v43, v2;
	v2 =	vld [tilespmem:$0x1F990];
	_ =	sdelay $0x4  }
0x3b4: {  	v49 =	vmul.f32 v3, v2;
	v2 =	vld [tilespmem:$0x1FD40];
	_ =	sdelay $0x4  }
0x3b5: {  	v14 =	vadd.f32 v22, v14;
	v22 =	vmul.f32 v7, v2;
	v2 =	vld [tilespmem:$0x1FE50];
	_ =	sdelay $0x4  }
0x3b6: {  	v43 =	vmul.f32 v5, v2;
	v2 =	vld [tilespmem:$0x1FC50]  }
0x3b7: {  	v45 =	vld [tilespmem:$0x1F920];
	_ =	sdelay $0x1  }
0x3b8: {  	v14 =	vadd.f32 v33, v14;
	_ =	sdelay $0x1  }
0x3b9: {  	v14 =	vadd.f32 v44, v14;
	v44 =	vmul.f32 v8, v2;
	v2 =	vld [tilespmem:$0x1F9B0]  }
0x3ba: {  	v4 =	vmul.f32 v4, v26;
	v32 =	vld [tilespmem:$0x1FE30];
	v26 =	vmul.f32 v9, v45;
	_ =	sdelay $0x1  }
0x3bb: {  	v11 =	vadd.f32 v26, v24;
	v26 =	vld [tilespmem:$0x1FD30];
	_ =	sdelay $0x1  }
0x3bc: {  	v15 =	vadd.f32 v49, v46;
	v46 =	vmul.f32 v12, v2;
	v2 =	vld [tilespmem:$0x1FD50]  }
0x3bd: {  	v54 =	vmul.f32 v5, v32;
	_ =	sdelay $0x1  }
0x3be: {  	v13 =	vadd.f32 v54, v13;
	v54 =	vmul.f32 v7, v26;
	v11 =	vadd.f32 v39, v11;
	_ =	sdelay $0x1  }
0x3bf: {  	v11 =	vadd.f32 v54, v11;
	v54 =	vmul.f32 v7, v2;
	v2 =	vld [tilespmem:$0x1F9C0];
	_ =	sdelay $0x1  }
0x3c0: {  	v13 =	vmax.f32 v13, $0.0e+00  }
0x3c1: {  	v13 =	vmul.f32 v13, v27;
	_ =	sdelay $0x1  }
0x3c2: {  	v10 =	vadd.f32 v10, v13;
	v13 =	vadd.f32 v46, v2;
	v2 =	vld [tilespmem:$0x1F9D0];
	_ =	sdelay $0x4  }
0x3c3: {  	v14 =	vadd.f32 v22, v14;
	v22 =	vmul.f32 v3, v2;
	v2 =	vld [tilespmem:$0x1FE60];
	_ =	sdelay $0x2  }
0x3c4: {  	v27 =	vld [tilespmem:$0x1FE40]  }
0x3c5: {  	v49 =	vld [tilespmem:$0x1F9A0]  }
0x3c6: {  	v24 =	vmul.f32 v5, v2;
	v2 =	vld [tilespmem:$0x1F9F0];
	_ =	sdelay $0x1  }
0x3c7: {  	v14 =	vadd.f32 v43, v14  }
0x3c8: {  	v39 =	vmul.f32 v5, v27  }
0x3c9: {  	v33 =	vmul.f32 v9, v49;
	v14 =	vmax.f32 v14, $0.0e+00  }
0x3ca: {  	v11 =	vadd.f32 v39, v11;
	v39 =	vmul.f32 v14, v41;
	v41 =	vmul.f32 v12, v2;
	v2 =	vld [tilespmem:$0x1FA10]  }
0x3cb: {  	v15 =	vadd.f32 v33, v15  }
0x3cc: {  	v43 =	vld [tilespmem:$0x1F9E0]  }
0x3cd: {  	v15 =	vadd.f32 v44, v15  }
0x3ce: {  	v11 =	vmax.f32 v11, $0.0e+00  }
0x3cf: {  	v11 =	vmul.f32 v11, v51;
	v15 =	vadd.f32 v54, v15;
	v51 =	vmul.f32 v3, v2;
	v2 =	vld [tilespmem:$0x1FF60];
	_ =	sdelay $0x1  }
0x3d0: {  	v33 =	vmul.f32 v9, v43;
	v13 =	vadd.f32 v22, v13;
	v15 =	vadd.f32 v24, v15  }
0x3d1: {  	v44 =	vmul.f32 v8, v58;
	v58 =	vld [tilespmem:$0x1FA00]  }
0x3d2: {  	v13 =	vadd.f32 v33, v13;
	v33 =	vld [tilespmem:$0x1FA20];
	v15 =	vmax.f32 v15, $0.0e+00  }
0x3d3: {  	v15 =	vmul.f32 v15, v2;
	v2 =	vld [tilespmem:$0x1FA30];
	_ =	sdelay $0x1  }
0x3d4: {  	v10 =	vadd.f32 v10, v11  }
0x3d5: {  	v46 =	vadd.f32 v41, v58  }
0x3d6: {  	v10 =	vadd.f32 v10, v39;
	v39 =	vld [tilespmem:$0x1FA40];
	v54 =	vmul.f32 v7, v28  }
0x3d7: {  	v22 =	vmul.f32 v9, v33;
	v11 =	vadd.f32 v51, v46;
	v28 =	vmul.f32 v12, v2;
	v2 =	vld [tilespmem:$0x1FA60]  }
0x3d8: {  	v41 =	vld [tilespmem:$0x1FA50]  }
0x3d9: {  	v13 =	vadd.f32 v44, v13;
	v11 =	vadd.f32 v22, v11;
	v22 =	vld [tilespmem:$0x1FC70];
	_ =	sdelay $0x1  }
0x3da: {  	v13 =	vadd.f32 v54, v13;
	v54 =	vld [tilespmem:$0x1FD70]  }
0x3db: {  	v46 =	vadd.f32 v28, v39;
	v28 =	vmul.f32 v9, v2;
	v2 =	vld [tilespmem:$0x1FA80]  }
0x3dc: {  	v24 =	vmul.f32 v5, v63  }
0x3dd: {  	v51 =	vmul.f32 v3, v41;
	v44 =	vmul.f32 v8, v22  }
0x3de: {  	v13 =	vadd.f32 v24, v13;
	v24 =	vmul.f32 v12, v42;
	v10 =	vadd.f32 v10, v15  }
0x3df: {  	v63 =	vmul.f32 v7, v54;
	v11 =	vadd.f32 v44, v11;
	v15 =	vadd.f32 v51, v46;
	v51 =	vld [tilespmem:$0x1FC80]  }
0x3e0: {  	v44 =	vadd.f32 v24, v2;
	v2 =	vld [tilespmem:$0x1FA90]  }
0x3e1: {  	v13 =	vmax.f32 v13, $0.0e+00;
	v11 =	vadd.f32 v63, v11;
	v63 =	vmul.f32 v5, v0;
	v0 =	vld [tilespmem:$0x1FAA0]  }
0x3e2: {  	v13 =	vmul.f32 v13, v55;
	v55 =	vld [tilespmem:$0x1FD80];
	_ =	sdelay $0x2  }
0x3e3: {  	v15 =	vadd.f32 v28, v15;
	v24 =	vmul.f32 v8, v51;
	v46 =	vmul.f32 v3, v2  }
0x3e4: {  	v28 =	vmul.f32 v9, v0;
	v0 =	vld [tilespmem:$0x1FC90]  }
0x3e5: {  	v15 =	vadd.f32 v24, v15;
	v14 =	vadd.f32 v46, v44;
	v44 =	vmul.f32 v7, v55;
	_ =	sdelay $0x1  }
0x3e6: {  	v15 =	vadd.f32 v44, v15;
	v44 =	vld [tilespmem:$0x1FD90]  }
0x3e7: {  	v11 =	vadd.f32 v63, v11;
	v63 =	vld [tilespmem:$0x1FE90]  }
0x3e8: {  	v24 =	vmul.f32 v8, v0;
	v0 =	vld [tilespmem:$0x1FEA0]  }
0x3e9: {  	v46 =	vadd.f32 v28, v14;
	_ =	sdelay $0x1  }
0x3ea: {  	v10 =	vadd.f32 v10, v13;
	v13 =	vadd.f32 v24, v46;
	v28 =	vmul.f32 v7, v44  }
0x3eb: {  	v24 =	vld [tilespmem:$0x1FF80]  }
0x3ec: {  	v17 =	vmul.f32 v5, v63;
	v13 =	vadd.f32 v28, v13;
	v28 =	vmul.f32 v5, v0;
	v0 =	vld [tilespmem:$0x1FF90]  }
0x3ed: {  	v46 =	vld [tilespmem:$0x1FAC0]  }
0x3ee: {  	v15 =	vadd.f32 v17, v15  }
0x3ef: {  	v13 =	vadd.f32 v28, v13;
	v28 =	vld [tilespmem:$0x1FAF0]  }
0x3f0: {  	v16 =	vmul.f32 v12, v1;
	v11 =	vmax.f32 v11, $0.0e+00;
	v15 =	vmax.f32 v15, $0.0e+00  }
0x3f1: {  	v11 =	vmul.f32 v11, v24;
	v15 =	vmul.f32 v15, v0;
	v0 =	vld [tilespmem:$0x1FB00]  }
0x3f2: {  	v47 =	vmul.f32 v3, v47;
	v16 =	vadd.f32 v16, v46  }
0x3f3: {  	v10 =	vadd.f32 v10, v11  }
0x3f4: {  	v11 =	vadd.f32 v47, v16;
	v47 =	vmul.f32 v9, v38;
	v38 =	vmul.f32 v12, v28;
	_ =	sdelay $0x1  }
0x3f5: {  	v14 =	vadd.f32 v38, v0;
	v0 =	vld [tilespmem:$0x1FB10];
	_ =	sdelay $0x4  }
0x3f6: {  	v11 =	vadd.f32 v47, v11;
	v47 =	vmul.f32 v8, v50;
	v50 =	vmul.f32 v3, v0;
	v0 =	vld [tilespmem:$0x1FB20];
	_ =	sdelay $0x3  }
0x3f7: {  	v13 =	vmax.f32 v13, $0.0e+00  }
0x3f8: {  	v13 =	vmul.f32 v13, v62;
	v62 =	vmul.f32 v9, v0;
	v0 =	vadd.f32 v4, v6;
	_ =	sdelay $0x1  }
0x3f9: {  	[tilespmem:$0x1F750] =	vst v0;
	v0 =	vld [tilespmem:$0x1FB30];
	_ =	sdelay $0x4  }
0x3fa: {  	v38 =	vmul.f32 v12, v0;
	v0 =	vld [tilespmem:$0x1FCB0];
	_ =	sdelay $0x4  }
0x3fb: {  	v14 =	vadd.f32 v50, v14;
	v50 =	vmul.f32 v8, v0;
	v0 =	vld [tilespmem:$0x1FB40];
	_ =	sdelay $0x4  }
0x3fc: {  	v6 =	vadd.f32 v38, v0;
	v0 =	vld [tilespmem:$0x1FB50];
	_ =	sdelay $0x2  }
0x3fd: {  	v61 =	vmul.f32 v7, v61;
	v11 =	vadd.f32 v47, v11;
	v10 =	vadd.f32 v10, v15;
	_ =	sdelay $0x1  }
0x3fe: {  	v4 =	vadd.f32 v10, v13;
	v10 =	vadd.f32 v61, v11;
	v61 =	vmul.f32 v3, v0;
	v0 =	vld [tilespmem:$0x1FB60];
	_ =	sdelay $0x2  }
0x3ff: {  	v47 =	vmul.f32 v12, v23;
	v23 =	vld [tilespmem:$0x1FEB0];
	_ =	sdelay $0x1  }
0x400: {  	v13 =	vadd.f32 v47, v21;
	v47 =	vmul.f32 v9, v0;
	v0 =	vld [tilespmem:$0x1FCC0];
	_ =	sdelay $0x2  }
0x401: {  	v21 =	vmul.f32 v3, v25;
	v11 =	vadd.f32 v62, v14;
	v62 =	vmul.f32 v5, v23;
	v38 =	vmovc v25;
	v25 =	vld [tilespmem:$0x1FDC0];
	_ =	sdelay $0x1  }
0x402: {  	v10 =	vadd.f32 v62, v10;
	v62 =	vmul.f32 v8, v0;
	v0 =	vld [tilespmem:$0x1FDD0];
	_ =	sdelay $0x1  }
0x403: {  	v13 =	vadd.f32 v21, v13;
	v6 =	vadd.f32 v61, v6;
	v61 =	vmul.f32 v9, v35  }
0x404: {  	v1 =	vld [tilespmem:$0x1F7F0];
	v11 =	vadd.f32 v50, v11;
	v50 =	vmul.f32 v7, v25  }
0x405: {  	v21 =	vadd.f32 v61, v13;
	v13 =	vld [tilespmem:s5+$0x460]  }
0x406: {  	v11 =	vadd.f32 v50, v11;
	v50 =	vmul.f32 v7, v0;
	v0 =	vld [tilespmem:$0x1FED0]  }
0x407: {  	v6 =	vadd.f32 v47, v6  }
0x408: {  	v2 =	vld [tilespmem:$0x1FEC0];
	v35 =	vmul.f32 v8, v60  }
0x409: {  	v6 =	vadd.f32 v62, v6  }
0x40a: {  	v15 =	vadd.f32 v35, v21  }
0x40b: {  	v21 =	vmul.f32 v13, v1;
	v1 =	vld [tilespmem:$0x1FFD0];
	v6 =	vadd.f32 v50, v6;
	v61 =	vmul.f32 v5, v0;
	_ =	sdelay $0x1  }
0x40c: {  	v47 =	vmul.f32 v5, v2;
	v6 =	vadd.f32 v61, v6  }
0x40d: {  	v60 =	vmul.f32 v7, v19  }
0x40e: {  	v17 =	vadd.f32 v47, v11;
	v11 =	vld [tilespmem:s5+$0xC60];
	v6 =	vmax.f32 v6, $0.0e+00  }
0x40f: {  	v15 =	vadd.f32 v60, v15;
	v60 =	vmul.f32 v6, v1;
	v1 =	vld [tilespmem:$0x1F820];
	_ =	sdelay $0x4  }
0x410: {  	v61 =	vmul.f32 v11, v1;
	v1 =	vld [tilespmem:$0x1F830];
	_ =	sdelay $0x1  }
0x411: {  	v0 =	vld [tilespmem:$0x1FFB0]  }
0x412: {  	v47 =	vld [tilespmem:$0x1FBA0];
	v62 =	vmul.f32 v5, v20;
	_ =	sdelay $0x1  }
0x413: {  	v15 =	vadd.f32 v62, v15;
	v62 =	vmul.f32 v13, v1;
	v1 =	vld [tilespmem:$0x1FBB0]  }
0x414: {  	v10 =	vmax.f32 v10, $0.0e+00  }
0x415: {  	v14 =	vld [tilespmem:s5+$0x860];
	v10 =	vmul.f32 v10, v0  }
0x416: {  	v12 =	vmul.f32 v12, v47;
	v50 =	vld [tilespmem:$0x1FFC0]  }
0x417: {  	v4 =	vadd.f32 v4, v10;
	v10 =	vld [tilespmem:s5+$0x1060]  }
0x418: {  	v12 =	vadd.f32 v12, v1;
	v1 =	vld [tilespmem:$0x1FBF0];
	_ =	sdelay $0x2  }
0x419: {  	v17 =	vmax.f32 v17, $0.0e+00;
	v35 =	vadd.f32 v21, v40;
	v40 =	vmul.f32 v14, v29;
	v29 =	vld [tilespmem:$0x1FFE0]  }
0x41a: {  	v17 =	vmul.f32 v17, v50  }
0x41b: {  	v16 =	vadd.f32 v40, v35;
	v40 =	vmul.f32 v10, v1;
	v1 =	vld [tilespmem:$0x1F850]  }
0x41c: {  	v4 =	vadd.f32 v4, v17  }
0x41d: {  	v15 =	vmax.f32 v15, $0.0e+00  }
0x41e: {  	v15 =	vmul.f32 v15, v29;
	v17 =	vadd.f32 v4, v60;
	_ =	sdelay $0x1  }
0x41f: {  	v16 =	vadd.f32 v61, v16;
	v61 =	vmul.f32 v14, v1;
	v1 =	vadd.f32 v17, v15  }
0x420: {  	v6 =	vld [tilespmem:s5+$0x1460]  }
0x421: {  	[tilespmem:$0x1F780] =	vst v1;
	v1 =	vld [tilespmem:$0x1FCF0];
	_ =	sdelay $0x2  }
0x422: {  	v35 =	vld [tilespmem:$0x1FBC0];
	_ =	sdelay $0x1  }
0x423: {  	v19 =	vadd.f32 v62, v37;
	v37 =	vmul.f32 v6, v1;
	v1 =	vld [tilespmem:$0x1F860];
	_ =	sdelay $0x2  }
0x424: {  	v60 =	vmul.f32 v3, v35;
	_ =	sdelay $0x1  }
0x425: {  	v12 =	vadd.f32 v60, v12;
	v60 =	vadd.f32 v61, v19;
	v61 =	vmul.f32 v11, v1;
	v1 =	vld [tilespmem:$0x1F870];
	_ =	sdelay $0x2  }
0x426: {  	v62 =	vadd.f32 v40, v16  }
0x427: {  	v4 =	vld [tilespmem:s5+$0x1860]  }
0x428: {  	v15 =	vadd.f32 v37, v62;
	v62 =	vmul.f32 v13, v1;
	v1 =	vld [tilespmem:$0x1FE00];
	_ =	sdelay $0x4  }
0x429: {  	v21 =	vmul.f32 v4, v1;
	v1 =	vld [tilespmem:$0x1F880];
	_ =	sdelay $0x3  }
0x42a: {  	v40 =	vld [tilespmem:$0x1FBE0]  }
0x42b: {  	v17 =	vadd.f32 v61, v60;
	v60 =	vadd.f32 v62, v1;
	v1 =	vld [tilespmem:$0x1F890];
	_ =	sdelay $0x1  }
0x42c: {  	v3 =	vld [tilespmem:$0x1FE10];
	_ =	sdelay $0x2  }
0x42d: {  	v9 =	vmul.f32 v9, v40;
	v61 =	vmul.f32 v14, v1;
	_ =	sdelay $0x1  }
0x42e: {  	v9 =	vadd.f32 v9, v12;
	v12 =	vadd.f32 v61, v60;
	v60 =	vmul.f32 v4, v3;
	v3 =	vld [tilespmem:$0x1FF00];
	_ =	sdelay $0x1  }
0x42f: {  	v15 =	vadd.f32 v21, v15;
	_ =	sdelay $0x1  }
0x430: {  	v15 =	vmax.f32 v15, $0.0e+00;
	v1 =	vld [tilespmem:$0x1FD00]  }
0x431: {  	v15 =	vmul.f32 v15, v3;
	v3 =	vld [tilespmem:$0x1FD10];
	_ =	sdelay $0x1  }
0x432: {  	v37 =	vmul.f32 v10, v36;
	_ =	sdelay $0x1  }
0x433: {  	v36 =	vld [tilespmem:$0x1F8B0];
	v17 =	vadd.f32 v37, v17;
	v62 =	vmul.f32 v6, v1  }
0x434: {  	v37 =	vmul.f32 v6, v3;
	v3 =	vld [tilespmem:$0x1FE20]  }
0x435: {  	v17 =	vadd.f32 v62, v17  }
0x436: {  	v61 =	vld [tilespmem:$0x1FC10]  }
0x437: {  	v17 =	vadd.f32 v60, v17;
	v60 =	vld [tilespmem:$0x1F8F0]  }
0x438: {  	v21 =	vmul.f32 v11, v56;
	v56 =	vmul.f32 v13, v36  }
0x439: {  	v62 =	vmul.f32 v14, v57;
	v57 =	vmul.f32 v4, v3;
	v3 =	vld [tilespmem:$0x1F930];
	_ =	sdelay $0x1  }
0x43a: {  	v18 =	vadd.f32 v56, v48  }
0x43b: {  	v12 =	vadd.f32 v21, v12;
	v16 =	vmul.f32 v10, v61;
	v56 =	vmul.f32 v13, v60;
	_ =	sdelay $0x1  }
0x43c: {  	v12 =	vadd.f32 v16, v12;
	v16 =	vadd.f32 v56, v53;
	v56 =	vmul.f32 v13, v3;
	v3 =	vld [tilespmem:$0x1F940];
	_ =	sdelay $0x4  }
0x43d: {  	v21 =	vadd.f32 v56, v3;
	v3 =	vld [tilespmem:$0x1F950];
	_ =	sdelay $0x2  }
0x43e: {  	v17 =	vmax.f32 v17, $0.0e+00  }
0x43f: {  	v17 =	vmul.f32 v17, v31;
	v31 =	vmul.f32 v14, v59  }
0x440: {  	v59 =	vmul.f32 v6, v26;
	v26 =	vmul.f32 v14, v3;
	v3 =	vld [tilespmem:$0x1F960]  }
0x441: {  	v61 =	vld [tilespmem:$0x1FC30];
	v12 =	vadd.f32 v37, v12  }
0x442: {  	v18 =	vadd.f32 v62, v18;
	v62 =	vld [tilespmem:$0x1FC20]  }
0x443: {  	v12 =	vadd.f32 v57, v12  }
0x444: {  	v45 =	vmul.f32 v11, v45;
	v48 =	vmul.f32 v11, v34;
	v37 =	vld [tilespmem:$0x1FD20];
	v16 =	vadd.f32 v31, v16  }
0x445: {  	v15 =	vadd.f32 v15, v30;
	v12 =	vmax.f32 v12, $0.0e+00;
	v31 =	vmul.f32 v11, v3;
	v3 =	vld [tilespmem:$0x1FC40]  }
0x446: {  	v16 =	vadd.f32 v45, v16;
	v12 =	vmul.f32 v12, v52;
	v52 =	vmul.f32 v10, v61  }
0x447: {  	v18 =	vadd.f32 v48, v18;
	v30 =	vmul.f32 v10, v62  }
0x448: {  	v15 =	vadd.f32 v15, v17;
	v57 =	vadd.f32 v52, v16  }
0x449: {  	v27 =	vmul.f32 v4, v27;
	v1 =	vld [tilespmem:$0x1FCE0];
	v18 =	vadd.f32 v30, v18;
	v34 =	vmul.f32 v6, v37  }
0x44a: {  	v12 =	vadd.f32 v15, v12;
	v15 =	vadd.f32 v59, v57;
	v56 =	vmul.f32 v10, v3;
	v3 =	vld [tilespmem:$0x1FF40];
	_ =	sdelay $0x1  }
0x44b: {  	v48 =	vmul.f32 v4, v32;
	v18 =	vadd.f32 v34, v18;
	v15 =	vadd.f32 v27, v15;
	_ =	sdelay $0x1  }
0x44c: {  	v8 =	vmul.f32 v8, v1;
	v53 =	vadd.f32 v48, v18;
	v48 =	vld [tilespmem:$0x1F970];
	v15 =	vmax.f32 v15, $0.0e+00  }
0x44d: {  	v15 =	vmul.f32 v15, v3;
	v3 =	vld [tilespmem:$0x1FD40]  }
0x44e: {  	v8 =	vadd.f32 v8, v9;
	v9 =	vmax.f32 v53, $0.0e+00;
	v53 =	vld [tilespmem:$0x1F990]  }
0x44f: {  	v57 =	vld [tilespmem:$0x1F980];
	_ =	sdelay $0x2  }
0x450: {  	v30 =	vmul.f32 v13, v48;
	v17 =	vadd.f32 v26, v21;
	v21 =	vmul.f32 v6, v3;
	v3 =	vld [tilespmem:$0x1FDF0];
	_ =	sdelay $0x1  }
0x451: {  	v34 =	vmul.f32 v14, v53;
	v32 =	vadd.f32 v30, v57  }
0x452: {  	v45 =	vld [tilespmem:$0x1FF30]  }
0x453: {  	v59 =	vmul.f32 v11, v49;
	v49 =	vld [tilespmem:$0x1FC50];
	v16 =	vadd.f32 v34, v32  }
0x454: {  	v7 =	vmul.f32 v7, v3;
	v3 =	vld [tilespmem:$0x1F9F0]  }
0x455: {  	v16 =	vadd.f32 v59, v16;
	v59 =	vld [tilespmem:$0x1FD50];
	_ =	sdelay $0x1  }
0x456: {  	v9 =	vmul.f32 v9, v45;
	v52 =	vadd.f32 v31, v17  }
0x457: {  	v30 =	vld [tilespmem:$0x1F9B0];
	v26 =	vmul.f32 v10, v49  }
0x458: {  	v9 =	vadd.f32 v12, v9;
	v12 =	vadd.f32 v56, v52;
	v56 =	vmul.f32 v13, v3;
	v3 =	vld [tilespmem:$0x1FE50]  }
0x459: {  	v32 =	vld [tilespmem:$0x1F9C0];
	v16 =	vadd.f32 v26, v16;
	v52 =	vmul.f32 v6, v59;
	_ =	sdelay $0x1  }
0x45a: {  	v16 =	vadd.f32 v52, v16;
	v52 =	vadd.f32 v56, v58;
	v56 =	vld [tilespmem:$0x1FE60]  }
0x45b: {  	v27 =	vmul.f32 v13, v30  }
0x45c: {  	v19 =	vmul.f32 v4, v3;
	v3 =	vld [tilespmem:$0x1FA10]  }
0x45d: {  	v9 =	vadd.f32 v9, v15;
	v15 =	vadd.f32 v27, v32;
	v27 =	vld [tilespmem:$0x1F9D0];
	_ =	sdelay $0x1  }
0x45e: {  	v31 =	vmul.f32 v4, v56;
	_ =	sdelay $0x1  }
0x45f: {  	v16 =	vadd.f32 v31, v16;
	v31 =	vld [tilespmem:$0x1FC60];
	v26 =	vmul.f32 v14, v3  }
0x460: {  	v34 =	vmul.f32 v14, v27  }
0x461: {  	v17 =	vadd.f32 v26, v52;
	v26 =	vld [tilespmem:$0x1FD60]  }
0x462: {  	v15 =	vadd.f32 v34, v15;
	v34 =	vmul.f32 v11, v43  }
0x463: {  	v43 =	vmul.f32 v11, v33  }
0x464: {  	v33 =	vmul.f32 v6, v54;
	v54 =	vld [tilespmem:$0x1FF60];
	v15 =	vadd.f32 v34, v15;
	v52 =	vmul.f32 v10, v31  }
0x465: {  	v12 =	vadd.f32 v21, v12;
	v17 =	vadd.f32 v43, v17;
	v43 =	vld [tilespmem:$0x1FA30]  }
0x466: {  	v21 =	vmul.f32 v10, v22;
	v15 =	vadd.f32 v52, v15;
	v22 =	vmul.f32 v6, v26  }
0x467: {  	v58 =	vld [tilespmem:$0x1FF50]  }
0x468: {  	v15 =	vadd.f32 v22, v15;
	v22 =	vld [tilespmem:$0x1FE80]  }
0x469: {  	v12 =	vadd.f32 v19, v12;
	v16 =	vmax.f32 v16, $0.0e+00  }
0x46a: {  	v34 =	vmul.f32 v16, v54;
	v17 =	vadd.f32 v21, v17;
	v16 =	vmul.f32 v13, v43;
	v43 =	vld [tilespmem:$0x1FA60]  }
0x46b: {  	v12 =	vmax.f32 v12, $0.0e+00;
	v3 =	vld [tilespmem:$0x1FE70]  }
0x46c: {  	v12 =	vmul.f32 v12, v58;
	v17 =	vadd.f32 v33, v17  }
0x46d: {  	v16 =	vadd.f32 v16, v39;
	v39 =	vmul.f32 v13, v42;
	v42 =	vld [tilespmem:$0x1FA80];
	v18 =	vmul.f32 v4, v22;
	_ =	sdelay $0x1  }
0x46e: {  	v9 =	vadd.f32 v9, v12;
	v17 =	vadd.f32 v18, v17;
	v18 =	vmul.f32 v11, v43;
	v43 =	vld [tilespmem:$0x1FA90]  }
0x46f: {  	v52 =	vmul.f32 v4, v3;
	v33 =	vmul.f32 v14, v41;
	v41 =	vld [tilespmem:$0x1FC90]  }
0x470: {  	v9 =	vadd.f32 v9, v34;
	v22 =	vld [tilespmem:$0x1FAA0]  }
0x471: {  	v34 =	vadd.f32 v52, v15;
	v15 =	vadd.f32 v39, v42;
	v39 =	vld [tilespmem:$0x1FAB0]  }
0x472: {  	v16 =	vadd.f32 v33, v16;
	v33 =	vld [tilespmem:$0x1FF70]  }
0x473: {  	v52 =	vmul.f32 v14, v43  }
0x474: {  	v21 =	vmul.f32 v10, v51;
	v16 =	vadd.f32 v18, v16;
	v18 =	vmul.f32 v10, v41;
	v41 =	vld [tilespmem:$0x1FEA0]  }
0x475: {  	v17 =	vmax.f32 v17, $0.0e+00;
	v19 =	vmul.f32 v11, v22;
	v15 =	vadd.f32 v52, v15;
	v52 =	vld [tilespmem:$0x1FAD0]  }
0x476: {  	v12 =	vmax.f32 v34, $0.0e+00;
	v34 =	vmul.f32 v17, v24;
	v22 =	vld [tilespmem:$0x1FAE0];
	v17 =	vmul.f32 v13, v39  }
0x477: {  	v12 =	vmul.f32 v12, v33;
	v16 =	vadd.f32 v21, v16;
	v21 =	vmul.f32 v6, v44;
	v44 =	vld [tilespmem:$0x1FB00]  }
0x478: {  	v17 =	vadd.f32 v17, v46;
	v46 =	vld [tilespmem:$0x1FB10]  }
0x479: {  	v51 =	vmul.f32 v6, v55;
	v9 =	vadd.f32 v9, v12;
	v39 =	vld [tilespmem:$0x1FCA0]  }
0x47a: {  	v28 =	vmul.f32 v13, v28;
	v15 =	vadd.f32 v19, v15;
	v20 =	vmul.f32 v14, v52;
	v52 =	vld [tilespmem:$0x1FB20]  }
0x47b: {  	v24 =	vmul.f32 v4, v63;
	v9 =	vadd.f32 v9, v34;
	v16 =	vadd.f32 v51, v16;
	v51 =	vld [tilespmem:$0x1FDA0]  }
0x47c: {  	v63 =	vld [tilespmem:$0x1FCB0];
	v55 =	vadd.f32 v18, v15;
	v18 =	vmul.f32 v11, v22;
	v17 =	vadd.f32 v20, v17  }
0x47d: {  	v16 =	vadd.f32 v24, v16;
	v24 =	vld [tilespmem:$0x1FEF0];
	v15 =	vadd.f32 v28, v44;
	v19 =	vmul.f32 v14, v46  }
0x47e: {  	v34 =	vmul.f32 v4, v41;
	v46 =	vld [tilespmem:$0x1FB70];
	v17 =	vadd.f32 v18, v17;
	v18 =	vmul.f32 v10, v39  }
0x47f: {  	v12 =	vadd.f32 v21, v55;
	v15 =	vadd.f32 v19, v15;
	v39 =	vld [tilespmem:$0x1FF90];
	v19 =	vmul.f32 v11, v52  }
0x480: {  	v16 =	vmax.f32 v16, $0.0e+00;
	v28 =	vld [tilespmem:$0x1FFA0];
	v17 =	vadd.f32 v18, v17;
	v18 =	vmul.f32 v6, v51  }
0x481: {  	v44 =	vld [tilespmem:$0x1FB80];
	v12 =	vadd.f32 v34, v12;
	v15 =	vadd.f32 v19, v15;
	v19 =	vmul.f32 v10, v63  }
0x482: {  	v55 =	vmul.f32 v4, v23;
	v23 =	vmul.f32 v6, v25;
	v17 =	vadd.f32 v18, v17  }
0x483: {  	v5 =	vmul.f32 v5, v24;
	v34 =	vld [tilespmem:$0x1FB30];
	v12 =	vmax.f32 v12, $0.0e+00;
	v15 =	vadd.f32 v19, v15  }
0x484: {  	v24 =	vld [tilespmem:$0x1FB50];
	v51 =	vmul.f32 v13, v46;
	v16 =	vmul.f32 v16, v39;
	v22 =	vadd.f32 v55, v17  }
0x485: {  	v52 =	vmul.f32 v4, v2;
	v21 =	vmul.f32 v12, v28;
	v15 =	vadd.f32 v23, v15;
	v23 =	vld [tilespmem:$0x1FB40]  }
0x486: {  	v20 =	vadd.f32 v9, v16;
	v16 =	vadd.f32 v51, v44;
	v51 =	vld [tilespmem:$0x1FB60];
	v12 =	vmax.f32 v22, $0.0e+00  }
0x487: {  	v63 =	vmul.f32 v14, v38;
	v12 =	vmul.f32 v12, v0;
	v0 =	vld [tilespmem:$0x1FBD0]  }
0x488: {  	v8 =	vadd.f32 v7, v8;
	v25 =	vmul.f32 v13, v34;
	v7 =	vadd.f32 v20, v21  }
0x489: {  	v15 =	vadd.f32 v52, v15;
	v16 =	vadd.f32 v63, v16;
	v63 =	vld [tilespmem:$0x1FCC0]  }
0x48a: {  	v2 =	vld [tilespmem:$0x1F7F0];
	v55 =	vmul.f32 v14, v24;
	v9 =	vadd.f32 v25, v23  }
0x48b: {  	v52 =	vld [tilespmem:$0x1FDD0];
	v12 =	vadd.f32 v7, v12;
	v15 =	vmax.f32 v15, $0.0e+00;
	v21 =	vmul.f32 v11, v51  }
0x48c: {  	v7 =	vld [tilespmem:s5+$0x470];
	v9 =	vadd.f32 v55, v9;
	v22 =	vmul.f32 v11, v0;
	v0 =	vadd.f32 v5, v8  }
0x48d: {  	v15 =	vmul.f32 v15, v50;
	v50 =	vld [tilespmem:$0x1FCD0]  }
0x48e: {  	v25 =	vmul.f32 v10, v63;
	v17 =	vadd.f32 v21, v9;
	[tilespmem:$0x1F760] =	vst v0;
	v0 =	vld [tilespmem:$0x1F800];
	_ =	sdelay $0x1  }
0x48f: {  	v21 =	vmul.f32 v6, v52;
	v5 =	vadd.f32 v25, v17  }
0x490: {  	v9 =	vld [tilespmem:s5+$0x870];
	v25 =	vmul.f32 v7, v2  }
0x491: {  	v16 =	vadd.f32 v22, v16;
	v38 =	vmul.f32 v10, v50;
	v8 =	vadd.f32 v21, v5;
	v5 =	vld [tilespmem:$0x1FED0]  }
0x492: {  	v20 =	vmul.f32 v13, v47;
	v2 =	vmov v47;
	v47 =	vadd.f32 v25, v0;
	v0 =	vld [tilespmem:$0x1F810]  }
0x493: {  	v16 =	vadd.f32 v38, v16;
	v38 =	vld [tilespmem:$0x1FDE0];
	_ =	sdelay $0x1  }
0x494: {  	v55 =	vld [tilespmem:$0x1FEE0];
	_ =	sdelay $0x1  }
0x495: {  	v15 =	vadd.f32 v12, v15;
	v12 =	vld [tilespmem:s5+$0xC70];
	v17 =	vmul.f32 v4, v5;
	v25 =	vmul.f32 v9, v0  }
0x496: {  	v22 =	vmul.f32 v6, v38;
	v0 =	vld [tilespmem:$0x1FBB0]  }
0x497: {  	v8 =	vadd.f32 v17, v8;
	v17 =	vadd.f32 v25, v47;
	v25 =	vld [tilespmem:$0x1FFD0]  }
0x498: {  	v18 =	vmul.f32 v4, v55;
	v16 =	vadd.f32 v22, v16;
	v47 =	vld [tilespmem:$0x1F820];
	_ =	sdelay $0x1  }
0x499: {  	v16 =	vadd.f32 v18, v16  }
0x49a: {  	v13 =	vld [tilespmem:s5+$0x1070];
	v8 =	vmax.f32 v8, $0.0e+00  }
0x49b: {  	v10 =	vmul.f32 v10, v1;
	v21 =	vld [tilespmem:$0x1FBF0];
	v16 =	vmax.f32 v16, $0.0e+00;
	v8 =	vmul.f32 v8, v25  }
0x49c: {  	v18 =	vadd.f32 v20, v0;
	v20 =	vmul.f32 v14, v35;
	v14 =	vld [tilespmem:s5+$0x1470];
	v19 =	vmul.f32 v12, v47  }
0x49d: {  	v47 =	vmovc v29;
	v8 =	vadd.f32 v15, v8;
	v15 =	vmul.f32 v16, v29;
	v29 =	vmov v1;
	v1 =	vld [tilespmem:$0x1FCF0];
	_ =	sdelay $0x2  }
0x49e: {  	v22 =	vmul.f32 v13, v21;
	v21 =	vld [tilespmem:$0x1F830];
	_ =	sdelay $0x1  }
0x49f: {  	v17 =	vadd.f32 v19, v17;
	v19 =	vmul.f32 v14, v1;
	v1 =	vld [tilespmem:$0x1F840];
	_ =	sdelay $0x2  }
0x4a0: {  	v16 =	vmul.f32 v7, v21;
	_ =	sdelay $0x1  }
0x4a1: {  	v16 =	vadd.f32 v16, v1;
	v1 =	vld [tilespmem:$0x1F850];
	_ =	sdelay $0x2  }
0x4a2: {  	v18 =	vadd.f32 v20, v18;
	v20 =	vmul.f32 v11, v40;
	_ =	sdelay $0x1  }
0x4a3: {  	v18 =	vadd.f32 v20, v18;
	v20 =	vmul.f32 v9, v1;
	v1 =	vld [tilespmem:$0x1F870];
	_ =	sdelay $0x4  }
0x4a4: {  	v17 =	vadd.f32 v22, v17;
	v22 =	vmul.f32 v7, v1;
	v1 =	vld [tilespmem:$0x1F860];
	_ =	sdelay $0x3  }
0x4a5: {  	v11 =	vld [tilespmem:s5+$0x1870]  }
0x4a6: {  	v10 =	vadd.f32 v10, v18;
	v18 =	vmul.f32 v12, v1;
	v1 =	vld [tilespmem:$0x1FE00];
	_ =	sdelay $0x4  }
0x4a7: {  	v17 =	vadd.f32 v19, v17;
	v19 =	vmul.f32 v11, v1;
	v1 =	vld [tilespmem:$0x1F880];
	_ =	sdelay $0x4  }
0x4a8: {  	v8 =	vadd.f32 v8, v15;
	v15 =	vadd.f32 v22, v1;
	v1 =	vld [tilespmem:$0x1F890];
	_ =	sdelay $0x4  }
0x4a9: {  	v16 =	vadd.f32 v20, v16;
	v20 =	vmul.f32 v9, v1;
	v1 =	vld [tilespmem:$0x1FC00];
	_ =	sdelay $0x4  }
0x4aa: {  	v16 =	vadd.f32 v18, v16;
	v18 =	vmul.f32 v13, v1;
	v1 =	vld [tilespmem:$0x1F8A0];
	_ =	sdelay $0x4  }
0x4ab: {  	v17 =	vadd.f32 v19, v17;
	v19 =	vmul.f32 v12, v1;
	v1 =	vld [tilespmem:$0x1F8C0];
	_ =	sdelay $0x2  }
0x4ac: {  	v36 =	vmul.f32 v7, v36;
	_ =	sdelay $0x1  }
0x4ad: {  	v16 =	vadd.f32 v18, v16;
	v18 =	vadd.f32 v36, v1;
	v1 =	vld [tilespmem:$0x1F8D0];
	_ =	sdelay $0x4  }
0x4ae: {  	v36 =	vmul.f32 v9, v1;
	v1 =	vld [tilespmem:$0x1FD00];
	_ =	sdelay $0x4  }
0x4af: {  	v21 =	vmul.f32 v14, v1;
	v1 =	vld [tilespmem:$0x1FC10];
	_ =	sdelay $0x2  }
0x4b0: {  	v15 =	vadd.f32 v20, v15;
	_ =	sdelay $0x1  }
0x4b1: {  	v15 =	vadd.f32 v19, v15;
	v19 =	vmul.f32 v13, v1;
	v1 =	vld [tilespmem:$0x1F8E0];
	_ =	sdelay $0x4  }
0x4b2: {  	v18 =	vadd.f32 v36, v18;
	v36 =	vmul.f32 v12, v1;
	v1 =	vld [tilespmem:$0x1FE10];
	_ =	sdelay $0x4  }
0x4b3: {  	v16 =	vadd.f32 v21, v16;
	v21 =	vmul.f32 v11, v1;
	v1 =	vld [tilespmem:$0x1FD10];
	_ =	sdelay $0x4  }
0x4b4: {  	v15 =	vadd.f32 v19, v15;
	v19 =	vmul.f32 v14, v1;
	v1 =	vld [tilespmem:$0x1FF00];
	_ =	sdelay $0x3  }
0x4b5: {  	v17 =	vmax.f32 v17, $0.0e+00  }
0x4b6: {  	v17 =	vmul.f32 v17, v1;
	v1 =	vld [tilespmem:$0x1FE20];
	_ =	sdelay $0x2  }
0x4b7: {  	v18 =	vadd.f32 v36, v18;
	v36 =	vmul.f32 v13, v62;
	_ =	sdelay $0x1  }
0x4b8: {  	v18 =	vadd.f32 v36, v18;
	v36 =	vmul.f32 v14, v37;
	v37 =	vmul.f32 v11, v1;
	v1 =	vld [tilespmem:$0x1F900];
	_ =	sdelay $0x2  }
0x4b9: {  	v62 =	vmul.f32 v7, v60;
	_ =	sdelay $0x1  }
0x4ba: {  	v16 =	vadd.f32 v21, v16;
	v21 =	vadd.f32 v62, v1;
	v1 =	vld [tilespmem:$0x1F910];
	_ =	sdelay $0x4  }
0x4bb: {  	v60 =	vmul.f32 v9, v1;
	v1 =	vld [tilespmem:$0x1FE30];
	_ =	sdelay $0x4  }
0x4bc: {  	v62 =	vmul.f32 v11, v1;
	v1 =	vld [tilespmem:$0x1F920];
	_ =	sdelay $0x2  }
0x4bd: {  	v15 =	vadd.f32 v19, v15;
	_ =	sdelay $0x1  }
0x4be: {  	v15 =	vadd.f32 v37, v15;
	v37 =	vmul.f32 v12, v1;
	v1 =	vld [tilespmem:$0x1FDB0];
	_ =	sdelay $0x4  }
0x4bf: {  	v17 =	vadd.f32 v17, v1;
	v1 =	vld [tilespmem:$0x1FF10];
	_ =	sdelay $0x3  }
0x4c0: {  	v16 =	vmax.f32 v16, $0.0e+00  }
0x4c1: {  	v16 =	vmul.f32 v16, v1;
	v1 =	vld [tilespmem:$0x1FF20];
	_ =	sdelay $0x3  }
0x4c2: {  	v15 =	vmax.f32 v15, $0.0e+00  }
0x4c3: {  	v15 =	vmul.f32 v15, v1;
	v1 =	vld [tilespmem:$0x1FD30]  }
0x4c4: {  	v18 =	vadd.f32 v36, v18;
	v36 =	vadd.f32 v60, v21;
	_ =	sdelay $0x1  }
0x4c5: {  	v18 =	vadd.f32 v62, v18;
	v62 =	vmul.f32 v13, v61;
	v60 =	vadd.f32 v37, v36;
	_ =	sdelay $0x1  }
0x4c6: {  	v37 =	vadd.f32 v62, v60;
	v60 =	vmul.f32 v14, v1;
	v1 =	vld [tilespmem:$0x1F930];
	_ =	sdelay $0x4  }
0x4c7: {  	v61 =	vmul.f32 v7, v1;
	v1 =	vld [tilespmem:$0x1F940];
	_ =	sdelay $0x4  }
0x4c8: {  	v36 =	vmax.f32 v18, $0.0e+00;
	v18 =	vadd.f32 v60, v37;
	v37 =	vadd.f32 v61, v1;
	v1 =	vld [tilespmem:$0x1F950];
	_ =	sdelay $0x4  }
0x4c9: {  	v62 =	vmul.f32 v36, v45;
	v45 =	vmul.f32 v9, v1;
	v1 =	vld [tilespmem:$0x1FE40];
	_ =	sdelay $0x4  }
0x4ca: {  	v36 =	vmul.f32 v7, v48;
	v48 =	vmul.f32 v11, v1;
	v1 =	vld [tilespmem:$0x1F960];
	_ =	sdelay $0x4  }
0x4cb: {  	v61 =	vmul.f32 v12, v1;
	v1 =	vld [tilespmem:$0x1F9A0]  }
0x4cc: {  	v16 =	vadd.f32 v17, v16;
	_ =	sdelay $0x1  }
0x4cd: {  	v15 =	vadd.f32 v16, v15;
	_ =	sdelay $0x1  }
0x4ce: {  	v15 =	vadd.f32 v15, v62;
	v62 =	vmul.f32 v12, v1;
	v1 =	vld [tilespmem:$0x1FC40];
	_ =	sdelay $0x4  }
0x4cf: {  	v17 =	vadd.f32 v36, v57;
	v36 =	vmul.f32 v13, v1;
	v1 =	vld [tilespmem:$0x1FD40];
	_ =	sdelay $0x1  }
0x4d0: {  	v60 =	vadd.f32 v45, v37;
	v37 =	vmul.f32 v7, v30;
	_ =	sdelay $0x1  }
0x4d1: {  	v18 =	vadd.f32 v48, v18;
	v48 =	vadd.f32 v37, v32;
	v32 =	vmul.f32 v11, v3;
	v3 =	vld [tilespmem:$0x1FC70]  }
0x4d2: {  	v57 =	vmul.f32 v9, v53;
	v53 =	vmul.f32 v14, v1;
	v1 =	vld [tilespmem:$0x1FF40];
	_ =	sdelay $0x1  }
0x4d3: {  	v45 =	vmul.f32 v13, v49;
	v49 =	vmul.f32 v9, v27;
	_ =	sdelay $0x1  }
0x4d4: {  	v18 =	vmax.f32 v18, $0.0e+00;
	v19 =	vadd.f32 v49, v48;
	v48 =	vmul.f32 v13, v3;
	v3 =	vld [tilespmem:$0x1FA30]  }
0x4d5: {  	v16 =	vadd.f32 v61, v60;
	v18 =	vmul.f32 v18, v1;
	v1 =	vld [tilespmem:$0x1F9E0];
	_ =	sdelay $0x1  }
0x4d6: {  	v16 =	vadd.f32 v36, v16;
	_ =	sdelay $0x1  }
0x4d7: {  	v17 =	vadd.f32 v57, v17;
	v16 =	vadd.f32 v53, v16;
	v53 =	vmul.f32 v7, v3;
	v3 =	vld [tilespmem:$0x1FA70]  }
0x4d8: {  	v57 =	vmul.f32 v14, v59;
	v59 =	vmul.f32 v12, v1;
	v1 =	vld [tilespmem:$0x1FE50]  }
0x4d9: {  	v17 =	vadd.f32 v62, v17;
	_ =	sdelay $0x1  }
0x4da: {  	v17 =	vadd.f32 v45, v17;
	_ =	sdelay $0x1  }
0x4db: {  	v17 =	vadd.f32 v57, v17;
	v57 =	vmul.f32 v7, v3;
	v3 =	vld [tilespmem:$0x1FD70];
	v60 =	vmul.f32 v11, v1;
	_ =	sdelay $0x1  }
0x4dc: {  	v16 =	vadd.f32 v60, v16  }
0x4dd: {  	v61 =	vmul.f32 v11, v56  }
0x4de: {  	v16 =	vmax.f32 v16, $0.0e+00  }
0x4df: {  	v17 =	vadd.f32 v61, v17;
	v16 =	vmul.f32 v16, v58;
	v58 =	vmul.f32 v14, v3;
	v3 =	vld [tilespmem:$0x1FA40]  }
0x4e0: {  	v15 =	vadd.f32 v15, v18  }
0x4e1: {  	v17 =	vmax.f32 v17, $0.0e+00  }
0x4e2: {  	v37 =	vmul.f32 v17, v54;
	v15 =	vadd.f32 v15, v16;
	_ =	sdelay $0x1  }
0x4e3: {  	v49 =	vadd.f32 v15, v37;
	v15 =	vadd.f32 v53, v3;
	v3 =	vld [tilespmem:$0x1FA50];
	_ =	sdelay $0x4  }
0x4e4: {  	v19 =	vadd.f32 v59, v19;
	v59 =	vmul.f32 v9, v3;
	v3 =	vld [tilespmem:$0x1FA60];
	_ =	sdelay $0x4  }
0x4e5: {  	v61 =	vmul.f32 v12, v3;
	v3 =	vld [tilespmem:$0x1FE80];
	_ =	sdelay $0x2  }
0x4e6: {  	v62 =	vmul.f32 v13, v31  }
0x4e7: {  	v1 =	vld [tilespmem:$0x1F9F0]  }
0x4e8: {  	v19 =	vadd.f32 v62, v19;
	v62 =	vmul.f32 v11, v3;
	v3 =	vld [tilespmem:$0x1FAA0];
	_ =	sdelay $0x3  }
0x4e9: {  	v27 =	vmul.f32 v7, v1;
	v1 =	vld [tilespmem:$0x1FA00]  }
0x4ea: {  	v30 =	vmul.f32 v14, v26;
	v26 =	vmul.f32 v12, v3;
	v3 =	vld [tilespmem:$0x1FC80];
	_ =	sdelay $0x4  }
0x4eb: {  	v18 =	vadd.f32 v27, v1;
	v27 =	vmul.f32 v13, v3;
	v3 =	vld [tilespmem:$0x1FAB0];
	_ =	sdelay $0x2  }
0x4ec: {  	v1 =	vld [tilespmem:$0x1FA10];
	_ =	sdelay $0x1  }
0x4ed: {  	v19 =	vadd.f32 v30, v19;
	v30 =	vmul.f32 v7, v3;
	v3 =	vld [tilespmem:$0x1FC90];
	_ =	sdelay $0x2  }
0x4ee: {  	v31 =	vmul.f32 v9, v1;
	_ =	sdelay $0x1  }
0x4ef: {  	v18 =	vadd.f32 v31, v18;
	v31 =	vmul.f32 v13, v3;
	v3 =	vld [tilespmem:$0x1FAC0];
	_ =	sdelay $0x4  }
0x4f0: {  	v45 =	vadd.f32 v32, v19;
	v32 =	vadd.f32 v30, v3;
	v3 =	vld [tilespmem:$0x1FAD0];
	_ =	sdelay $0x2  }
0x4f1: {  	v1 =	vld [tilespmem:$0x1FA20]  }
0x4f2: {  	v54 =	vmax.f32 v45, $0.0e+00  }
0x4f3: {  	v16 =	vmul.f32 v54, v33;
	v33 =	vmul.f32 v9, v3;
	v3 =	vld [tilespmem:$0x1FD80];
	_ =	sdelay $0x2  }
0x4f4: {  	v36 =	vmul.f32 v12, v1;
	_ =	sdelay $0x1  }
0x4f5: {  	v18 =	vadd.f32 v36, v18;
	v36 =	vmul.f32 v14, v3;
	v3 =	vld [tilespmem:$0x1FD90];
	_ =	sdelay $0x4  }
0x4f6: {  	v37 =	vmul.f32 v14, v3;
	v3 =	vld [tilespmem:$0x1FAE0];
	_ =	sdelay $0x4  }
0x4f7: {  	v56 =	vadd.f32 v48, v18;
	v18 =	vadd.f32 v57, v42;
	v42 =	vmul.f32 v12, v3;
	v3 =	vld [tilespmem:$0x1FE90];
	_ =	sdelay $0x4  }
0x4f8: {  	v60 =	vmul.f32 v9, v43;
	v43 =	vmul.f32 v11, v3;
	v3 =	vld [tilespmem:$0x1FCA0];
	_ =	sdelay $0x2  }
0x4f9: {  	v1 =	vld [tilespmem:$0x1FDF0];
	_ =	sdelay $0x1  }
0x4fa: {  	v17 =	vadd.f32 v58, v56;
	v48 =	vmul.f32 v13, v3;
	v3 =	vld [tilespmem:$0x1FF80];
	_ =	sdelay $0x1  }
0x4fb: {  	v17 =	vadd.f32 v62, v17  }
0x4fc: {  	v6 =	vmul.f32 v6, v1  }
0x4fd: {  	v17 =	vmax.f32 v17, $0.0e+00  }
0x4fe: {  	v6 =	vadd.f32 v6, v10;
	v10 =	vadd.f32 v49, v16;
	v49 =	vmul.f32 v17, v3;
	v3 =	vld [tilespmem:$0x1FDA0];
	_ =	sdelay $0x4  }
0x4ff: {  	v56 =	vmul.f32 v14, v3;
	v3 =	vld [tilespmem:$0x1FAF0];
	_ =	sdelay $0x4  }
0x500: {  	v57 =	vmul.f32 v7, v3;
	v3 =	vld [tilespmem:$0x1FEB0];
	_ =	sdelay $0x4  }
0x501: {  	v58 =	vmul.f32 v11, v3;
	v3 =	vld [tilespmem:$0x1FB00];
	_ =	sdelay $0x4  }
0x502: {  	v16 =	vadd.f32 v57, v3;
	v3 =	vld [tilespmem:$0x1FB10];
	_ =	sdelay $0x4  }
0x503: {  	v15 =	vadd.f32 v59, v15;
	v59 =	vmul.f32 v9, v3;
	v3 =	vld [tilespmem:$0x1FB20];
	_ =	sdelay $0x1  }
0x504: {  	v18 =	vadd.f32 v60, v18;
	_ =	sdelay $0x1  }
0x505: {  	v18 =	vadd.f32 v26, v18;
	v19 =	vadd.f32 v33, v32  }
0x506: {  	v62 =	vmul.f32 v12, v3;
	v3 =	vld [tilespmem:$0x1FCB0]  }
0x507: {  	v18 =	vadd.f32 v31, v18;
	v19 =	vadd.f32 v42, v19  }
0x508: {  	v15 =	vadd.f32 v61, v15;
	v61 =	vmul.f32 v7, v34  }
0x509: {  	v45 =	vmul.f32 v11, v41;
	v18 =	vadd.f32 v37, v18;
	v54 =	vadd.f32 v48, v19  }
0x50a: {  	v21 =	vadd.f32 v61, v23  }
0x50b: {  	v53 =	vadd.f32 v45, v18;
	v18 =	vadd.f32 v56, v54;
	v23 =	vmul.f32 v13, v3;
	v3 =	vld [tilespmem:$0x1FFB0];
	_ =	sdelay $0x1  }
0x50c: {  	v18 =	vadd.f32 v58, v18;
	_ =	sdelay $0x1  }
0x50d: {  	v18 =	vmax.f32 v18, $0.0e+00  }
0x50e: {  	v18 =	vmul.f32 v18, v3;
	v3 =	vld [tilespmem:$0x1FDC0]  }
0x50f: {  	v16 =	vadd.f32 v59, v16  }
0x510: {  	v15 =	vadd.f32 v27, v15;
	v27 =	vmul.f32 v7, v46;
	v7 =	vmul.f32 v7, v2;
	v2 =	vld [tilespmem:$0x1FEC0]  }
0x511: {  	v16 =	vadd.f32 v62, v16;
	_ =	sdelay $0x1  }
0x512: {  	v16 =	vadd.f32 v23, v16;
	v26 =	vmul.f32 v14, v3;
	v3 =	vld [tilespmem:$0x1FB90]  }
0x513: {  	v15 =	vadd.f32 v36, v15  }
0x514: {  	v7 =	vadd.f32 v7, v0;
	v0 =	vld [tilespmem:$0x1FFC0];
	v33 =	vmul.f32 v11, v2;
	v16 =	vadd.f32 v26, v16  }
0x515: {  	v15 =	vadd.f32 v43, v15  }
0x516: {  	v22 =	vmul.f32 v9, v24;
	v16 =	vadd.f32 v33, v16  }
0x517: {  	v15 =	vmax.f32 v15, $0.0e+00;
	v31 =	vmul.f32 v9, v3;
	v9 =	vmul.f32 v9, v35  }
0x518: {  	v15 =	vmul.f32 v15, v39;
	v10 =	vadd.f32 v10, v49;
	v42 =	vmax.f32 v16, $0.0e+00  }
0x519: {  	v7 =	vadd.f32 v9, v7;
	v9 =	vmul.f32 v42, v0;
	v0 =	vld [tilespmem:$0x1FEF0]  }
0x51a: {  	v24 =	vmul.f32 v12, v51;
	v10 =	vadd.f32 v10, v15;
	v15 =	vadd.f32 v22, v21  }
0x51b: {  	v32 =	vmul.f32 v14, v52;
	v37 =	vmul.f32 v12, v40;
	v17 =	vmax.f32 v53, $0.0e+00  }
0x51c: {  	v60 =	vmul.f32 v17, v28;
	v28 =	vmul.f32 v13, v63;
	v15 =	vadd.f32 v24, v15  }
0x51d: {  	v43 =	vmul.f32 v11, v55;
	v2 =	vld [tilespmem:$0x1FBD0];
	v35 =	vmul.f32 v11, v5  }
0x51e: {  	v15 =	vadd.f32 v28, v15;
	v4 =	vmul.f32 v4, v0;
	v11 =	vmul.f32 v11, v0;
	v0 =	vld [tilespmem:$0x1F750]  }
0x51f: {  	v41 =	vmul.f32 v14, v38;
	v36 =	vmul.f32 v13, v50  }
0x520: {  	v15 =	vadd.f32 v32, v15;
	v13 =	vmul.f32 v13, v29;
	v7 =	vadd.f32 v37, v7  }
0x521: {  	v30 =	vadd.f32 v27, v44;
	v10 =	vadd.f32 v10, v60;
	v14 =	vmul.f32 v14, v1;
	v1 =	vld [tilespmem:$0x1F760]  }
0x522: {  	v39 =	vadd.f32 v35, v15;
	v7 =	vadd.f32 v13, v7  }
0x523: {  	v34 =	vmul.f32 v12, v2;
	v10 =	vadd.f32 v10, v18;
	v48 =	vmax.f32 v0, $0.0e+00;
	v0 =	vld [tilespmem:$0x1FFF0]  }
0x524: {  	v18 =	vadd.f32 v31, v30;
	v12 =	vmax.f32 v39, $0.0e+00;
	v7 =	vadd.f32 v14, v7  }
0x525: {  	v9 =	vadd.f32 v10, v9;
	v44 =	vmul.f32 v12, v25;
	v4 =	vadd.f32 v4, v6  }
0x526: {  	v50 =	vmax.f32 v1, $0.0e+00;
	v7 =	vadd.f32 v11, v7  }
0x527: {  	v18 =	vadd.f32 v34, v18;
	v46 =	vadd.f32 v9, v44;
	v4 =	vmax.f32 v4, $0.0e+00  }
0x528: {  	v7 =	vmax.f32 v7, $0.0e+00;
	v9 =	vmul.f32 v48, v0;
	v5 =	vmul.f32 v50, v0  }
0x529: {  	v40 =	vadd.f32 v36, v18;
	v4 =	vmul.f32 v4, v0;
	v7 =	vmul.f32 v7, v0;
	v0 =	vld [tilespmem:$0x1F780];
	_ =	sdelay $0x1  }
0x52a: {  	v1 =	vld [tilespmem:$0x1F770];
	v15 =	vadd.f32 v41, v40;
	_ =	sdelay $0x1  }
0x52b: {  	v45 =	vadd.f32 v43, v15  }
0x52c: {  	v3 =	vadd.f32 v0, v5;
	v0 =	vld [tilespmem:$0x1F790]  }
0x52d: {  	v49 =	vmax.f32 v45, $0.0e+00  }
0x52e: {  	v10 =	vmul.f32 v49, v47;
	v9 =	vadd.f32 v1, v9;
	v1 =	vld [tilespmem:$0x1F7A0];
	_ =	sdelay $0x1  }
0x52f: {  	v6 =	vadd.f32 v46, v10  }
0x530: {  	vm0 =	vlt.f32 v0, $-6.931471820e-01;
	vm1 =	vlt.f32 v0, $6.931471820e-01;
	v0 =	vimm.f32 $0.0e+00  }
0x531: {  	v52 =	vsel vm0, $0x3F800000, v0  }
0x532: {  	v51 =	vadd.f32 v6, v7;
	v6 =	vadd.f32 v52, v1;
	v1 =	vld [tilespmem:$0x1F7C0];
	_ =	sdelay $0x3  }
0x533: {  	v53 =	vsel vm1, $0x3F800000, v0  }
0x534: {  	v7 =	vadd.f32 v53, v1;
	v1 =	vld [tilespmem:$0x1F7D0]  }
0x535: {  	v2 =	vld [tilespmem:$0x1F7B0];
	_ =	sdelay $0x3  }
0x536: {  	vm4 =	vlt.f32 v1, $-6.931471820e-01;
	vm5 =	vlt.f32 v1, $6.931471820e-01;
	v1 =	vld [tilespmem:$0x1F7E0]  }
0x537: {  	vm14 =	vlt.f32 v2, $-6.931471820e-01  }
0x538: {  	vm15 =	vlt.f32 v2, $6.931471820e-01;
	v54 =	vsel vm14, $0x3F800000, v0  }
0x539: {  	v55 =	vsel vm15, $0x3F800000, v0;
	v6 =	vadd.f32 v54, v6  }
0x53a: {  	v4 =	vadd.f32 v8, v4;
	v7 =	vadd.f32 v55, v7;
	v56 =	vsel vm4, $0x3F800000, v0  }
0x53b: {  	v57 =	vsel vm5, $0x3F800000, v0;
	v6 =	vadd.f32 v56, v6;
	vm6 =	vlt.f32 v1, $-6.931471820e-01  }
0x53c: {  	v7 =	vadd.f32 v57, v7;
	vm7 =	vlt.f32 v1, $6.931471820e-01;
	v2 =	vsel vm6, $0x3F800000, v0  }
0x53d: {  	vm8 =	vlt.f32 v9, $-6.931471820e-01;
	v58 =	vsel vm7, $0x3F800000, v0;
	v2 =	vadd.f32 v2, v6  }
0x53e: {  	vm9 =	vlt.f32 v9, $6.931471820e-01;
	v59 =	vsel vm8, $0x3F800000, v0;
	v6 =	vadd.f32 v58, v7  }
0x53f: {  	vm10 =	vlt.f32 v3, $-6.931471820e-01;
	v60 =	vsel vm9, $0x3F800000, v0;
	v2 =	vadd.f32 v59, v2  }
0x540: {  	vm11 =	vlt.f32 v3, $6.931471820e-01;
	v3 =	vsel vm10, $0x3F800000, v0;
	v6 =	vadd.f32 v60, v6  }
0x541: {  	p1 =	sne.s32 s4, $0xFFFFFE00;
	v2 =	vadd.f32 v3, v2;
	v3 =	vsel vm11, $0x3F800000, v0  }
.Ltmp0:
0x542: {  	vm12 =	vlt.f32 v4, $-6.931471820e-01;
	vm13 =	vlt.f32 v4, $6.931471820e-01;
	v3 =	vadd.f32 v3, v6;
	(pc) =	sbr.rel @p1 .LBB2_1-.Ltmp0, $4  }
0x543: {  	v61 =	vsel vm12, $0x3F800000, v0;
	v62 =	vsel vm13, $0x3F800000, v0;
	vm14 =	vlt.f32 v51, $-6.931471820e-01  }
0x544: {  	vm15 =	vlt.f32 v51, $6.931471820e-01;
	v2 =	vadd.f32 v61, v2;
	v3 =	vadd.f32 v62, v3  }
0x545: {  	v63 =	vsel vm14, $0x3F800000, v0;
	v5 =	vsel vm15, $0x3F800000, v0  }
0x546: {  	s4 =	sadd.s32 $0x200, s4;
	v1 =	vadd.f32 v63, v2;
	v0 =	vadd.f32 v5, v3  }
0x547: {  	_ = 	snop  }
0x548: {  	(xrf2) =	vadd.scan.msk.f32 $0xffff, v1  }
0x549: {  	(xrf2) =	vadd.scan.msk.f32 $0xffff, v0;
	_ =	sdelay $0x8  }
0x54a: {  	v62, _, _ =	vpop (xrf2)  }
0x54b: {  	v63, _, _ =	vpop (xrf2)  }
0x54c: {  	v1 =	vbroadcast v63, $0xF  }
0x54d: {  	vm0 =	vcmask $0x704;
	v0 =	vbroadcast v62, $0xF  }
0x54e: {  	vm15 =	vcmask $0x3F04;
	v1 =	vnsel vm0, $0x0, v1  }
0x54f: {  	v0 =	vsel vm15, v1, v0  }
0x550: {  	s4 =	simm.s32 $0x1900;
	[tilespmem:$0x1900] =	vst v0  }
0x551: {  	[spmem:s3] =	stream.linear.scatter [tilespmem:s4], [sflag:$0x2], $0x10, $0x38;
	[tilespmem:$0x1AA0] =	vst v63  }
0x552: {  	s3 =	simm.s32 $0x2  }
0x553: {  	_ =	swait.ge [sflag:s3], $0x10  }
0x554: {  	[sflag:s3] =	ssyncset.done $0x0  }
0x555: {  	[sflag:s3] =	ssyncadd.s32 $0xFFFFFFF0  }
0x556: {  	[bflag:$0x0] =	sbarrier.arrive $0xFFFF  }
0x557: {  	_ =	sfence.sel @p0 $0x180000  }
0x558: {  	[bflag:$0x0] =	sbarrier.arrive @p0 $0xFFFF  }
0x559: {  	_ =	strace @p0 $0x90000047  }
0x55a: {  	[bflag:$0x2] =	sbarrier.arrive @p0 $0xFFFF  }
0x55b: {  	_ =	shalt @p0  }
.LBB2_3:
0x55c: {  	s5 =	simm.s32 $0x1980  }
0x55d: {  	[tilespmem:s5], [sflag:$0x2] =	stream.linear.gather [spmem:s2], $0x100, $0x38;
	[tilespmem:$0x1AA0] =	vst v63  }
0x55e: {  	_ =	swait.ge [sflag:s3], $0x100  }
0x55f: {  	[sflag:s3] =	ssyncset.done $0x0  }
0x560: {  	[sflag:s3] =	ssyncadd.s32 $0xFFFFFF00  }
0x561: {  	v0 =	vld [tilespmem:$0x1980]  }
0x562: {  	v1 =	vld [tilespmem:$0x1990];
	_ =	sdelay $0x1  }
0x563: {  	v2 =	vld [tilespmem:$0x19A0];
	_ =	sdelay $0x1  }
0x564: {  	v3 =	vld [tilespmem:$0x19B0]  }
0x565: {  	v0 =	vadd.f32 v1, v0  }
0x566: {  	v48 =	vld [tilespmem:$0x19C0]  }
0x567: {  	v0 =	vadd.f32 v2, v0  }
0x568: {  	v49 =	vld [tilespmem:$0x19D0]  }
0x569: {  	v0 =	vadd.f32 v3, v0  }
0x56a: {  	v50 =	vld [tilespmem:$0x19E0]  }
0x56b: {  	v0 =	vadd.f32 v48, v0  }
0x56c: {  	v51 =	vld [tilespmem:$0x19F0]  }
0x56d: {  	v0 =	vadd.f32 v49, v0  }
0x56e: {  	v52 =	vld [tilespmem:$0x1A00]  }
0x56f: {  	v0 =	vadd.f32 v50, v0  }
0x570: {  	v53 =	vld [tilespmem:$0x1A10]  }
0x571: {  	v0 =	vadd.f32 v51, v0  }
0x572: {  	v54 =	vld [tilespmem:$0x1A20]  }
0x573: {  	v0 =	vadd.f32 v52, v0  }
0x574: {  	v55 =	vld [tilespmem:$0x1A30]  }
0x575: {  	v0 =	vadd.f32 v53, v0  }
0x576: {  	v56 =	vld [tilespmem:$0x1A40]  }
0x577: {  	v0 =	vadd.f32 v54, v0  }
0x578: {  	v57 =	vld [tilespmem:$0x1A50]  }
0x579: {  	v0 =	vadd.f32 v55, v0  }
0x57a: {  	v58 =	vld [tilespmem:$0x1A60]  }
0x57b: {  	v0 =	vadd.f32 v56, v0  }
0x57c: {  	v59 =	vld [tilespmem:$0x1A70]  }
0x57d: {  	v0 =	vadd.f32 v57, v0;
	_ =	sdelay $0x1  }
0x57e: {  	v0 =	vadd.f32 v58, v0;
	_ =	sdelay $0x1  }
0x57f: {  	v0 =	vadd.f32 v59, v0  }
0x580: {  	vm0 =	vmmov $0x1  }
0x581: {  	vm15 =	vcmask $0x308;
	v60 =	vnsel vm0, $0x0, v0  }
0x582: {  	v0 =	vsel vm15, $0x0, v0;
	(xrf2) =	vadd.scan.msk.f32 $0xffff, v60  }
0x583: {  	(xrf2) =	vadd.scan.msk.f32 $0xffff, v0;
	_ =	sdelay $0x8  }
0x584: {  	v61, _, _ =	vpop (xrf2)  }
0x585: {  	(v2sf) =	vpush v61, $0xF;
	v62, _, _ =	vpop (xrf2)  }
0x586: {  	(v2sf) =	vpush v62, $0xF;
	_ =	sdelay $0xd  }
0x587: {  	s29 =	spop (v2sf)  }
0x588: {  	s30 =	spop (v2sf)  }
0x589: {  	p0 =	slt.f32 s29, $8.192000000e+03;
	p1 =	slt.f32 s30, $8.192000000e+03  }
0x58a: {  	s2 =	simm.f32 $2.000000000e+00;
	s5 =	simm.f32 $1.000000000e+00  }
0x58b: {  	s2 =	simm.s32 @!p0 $0x3F800000;
	s5 =	simm.s32 @!p1 $0x0  }
0x58c: {  	s2 =	sadd.f32 s5, s2;
	_ =	sdelay $0x1  }
0x58d: {  	v63 =	vmov s2  }
0x58e: {  	s31 =	simm.s32 $0x0;
	[tilespmem:$0x1900] =	vst v63  }
0x58f: {  	[hbm4b:s1+s31] =	stream.linear.scatter [tilespmem:s4], [sflag:$0x2], $0x80, $0x38;
	[tilespmem:$0x1AA0] =	vst v63  }
0x590: {  	_ =	swait.ge [sflag:s3], $0x80  }
0x591: {  	[sflag:s3] =	ssyncset.done $0x0  }
0x592: {  	[sflag:s3] =	ssyncadd.s32 $0xFFFFFF80  }
0x593: {  	_ =	sfence.sel $0x180000  }
0x594: {  	[bflag:$0x0] =	sbarrier.arrive $0xFFFF  }
0x595: {  	_ =	strace $0x90000047  }
0x596: {  	s0 =	sadd.s32 $0x100000, s0;
	[bflag:$0x2] =	sbarrier.arrive $0xFFFF  }
0x597: {  	[sflag:s0] =	ssyncadd.tile.s32 $0x1;
	_ =	shalt  }
.Lfunc_end2:
_tile_overlayer_lowered:
.L_overlay_start_2:
0x598: {  	(tag) =	ssettag $0x2  }
0x599: {  	s0 =	rddreg [dreg:$0x0];
	s2 =	stileid.u32  }
0x59a: {  	s1 =	rddreg [dreg:$0x1];
	p0 =	sne.s32 s2, $0x0  }
0x59b: {  	s3 =	rddreg [dreg:$0x2];
	[bflag:$0x3] =	sbarrier.arrive $0xFFFF;
	s2 =	simm.s32 @!p0 $0x1C02  }
0x59c: {  	[timem:s3], [sflag:s2] =	dma.local @!p0 [hbm:s0], s1  }
0x59d: {  	s0 =	simm.s32 @!p0 $0x2  }
0x59e: {  	_ =	swait.ge @!p0 [sflag:s0], s1  }
0x59f: {  	s1 =	ssub.s32 @!p0 $0x0, s1;
	[sflag:s0] =	ssyncset.done @!p0 $0x0  }
0x5a0: {  	[sflag:s0] =	ssyncadd.s32 @!p0 s1  }
0x5a1: {  	[bflag:$0x3] =	sbarrier.arrive $0xFFFF  }
0x5a2: {  	_ =	shalt  }

</sc_bundles>
